<compile_context>
chip_gen: v7x
topology: tpu7x:2x2x1
jax: 0.10.2.dev20260603
libtpu: 0.0.44.dev20260713+nightly
codegen_flags: <defaults>
</compile_context>

<pallas_src>
import functools

import jax
import jax.numpy as jnp
from jax import lax
from jax.experimental import pallas as pl
from jax.experimental.pallas import tpu as pltpu
from jax.experimental.pallas import tpu_sc as plsc

_B = 4096
_D = 2048
_C = 64
_OUT = 4096
_COUNT = 2048

_NC = 2
_NS = 16
_NW = _NC * _NS
_ROWS_PER_TILE = _B // _NW
_RCH = 8
_CHUNKS = _ROWS_PER_TILE // _RCH
_L = 16


def _coef_body(lg_ref, clg_ref, co_ref, dc_ref):
    w = 0.5 + 0.5 * jnp.sin(lg_ref[...])
    cw = 0.5 + 0.5 * jnp.sin(clg_ref[...])

    def poly(t):
        w00 = t[0:1, :]
        w01 = t[1:2, :]
        w10 = t[2:3, :]
        w11 = t[3:4, :]
        return jnp.concatenate(
            [w00, w10 - w00, w01 - w00, w11 - w10 - w01 + w00], axis=0)

    co = poly(w)
    cc = poly(cw)
    co_ref[...] = co
    dc_ref[...] = cc - co[:, :_COUNT]


def _coefs(logits, code_logits):
    return pl.pallas_call(
        _coef_body,
        out_shape=[
            jax.ShapeDtypeStruct((4, _OUT), jnp.float32),
            jax.ShapeDtypeStruct((4, _COUNT), jnp.float32),
        ],
    )(logits.T, code_logits.T)


_ROW = _D + _C


def _sc_body(x_hbm, lidx_hbm, ridx_hbm, cidx_hbm, co_hbm, dc_hbm, out_hbm,
             lidx_v, ridx_v, cidx_v, co_v, dc_v, xch0, xch1, ocha, ochb,
             isem0, isem1, osema, osemb):
    wid = lax.axis_index("s") * _NC + lax.axis_index("c")

    pltpu.sync_copy(lidx_hbm, lidx_v)
    pltpu.sync_copy(ridx_hbm, ridx_v)
    pltpu.sync_copy(cidx_hbm, cidx_v)
    pltpu.sync_copy(co_hbm, co_v)
    pltpu.sync_copy(dc_hbm, dc_v)

    row0 = wid * _ROWS_PER_TILE
    xchs = (xch0, xch1)
    isems = (isem0, isem1)

    def in_slice(ch):
        return x_hbm.at[pl.ds((row0 + ch * _RCH) * _ROW, _RCH * _ROW)]

    def outa_slice(ch):
        return out_hbm.at[pl.ds(row0 + ch * _RCH, _RCH), pl.ds(0, _COUNT)]

    def outb_slice(ch):
        return out_hbm.at[pl.ds(row0 + ch * _RCH, _RCH), pl.ds(_COUNT, _COUNT)]

    def compute_blended(xch, och, i0, ni):
        @plsc.parallel_loop(0, _COUNT // _L, unroll=1)
        def blended(jv):
            jo = jv * _L
            li = lidx_v[pl.ds(jo, _L)]
            ri = ridx_v[pl.ds(jo, _L)]
            ci = cidx_v[pl.ds(jo, _L)]
            a = co_v[pl.ds(jo, _L)]
            bl = co_v[pl.ds(_OUT + jo, _L)]
            br = co_v[pl.ds(2 * _OUT + jo, _L)]
            bb = co_v[pl.ds(3 * _OUT + jo, _L)]
            da = dc_v[pl.ds(jo, _L)]
            dbl = dc_v[pl.ds(_COUNT + jo, _L)]
            dbr = dc_v[pl.ds(2 * _COUNT + jo, _L)]
            dbb = dc_v[pl.ds(3 * _COUNT + jo, _L)]
            for i in range(i0, i0 + ni):
                l = plsc.load_gather(xch, [li + i * _ROW])
                r = plsc.load_gather(xch, [ri + i * _ROW])
                s = plsc.load_gather(xch, [ci + (i * _ROW + _D)])
                lr = l * r
                p = a + bl * l + br * r + bb * lr
                dp = da + dbl * l + dbr * r + dbb * lr
                och[i, pl.ds(jo, _L)] = p + s * dp

        del blended

    def compute_plain(xch, och, i0, ni):
        @plsc.parallel_loop(_COUNT // _L, _OUT // _L, unroll=1)
        def plain(jv):
            jo = jv * _L
            li = lidx_v[pl.ds(jo, _L)]
            ri = ridx_v[pl.ds(jo, _L)]
            a = co_v[pl.ds(jo, _L)]
            bl = co_v[pl.ds(_OUT + jo, _L)]
            br = co_v[pl.ds(2 * _OUT + jo, _L)]
            bb = co_v[pl.ds(3 * _OUT + jo, _L)]
            for i in range(i0, i0 + ni):
                l = plsc.load_gather(xch, [li + i * _ROW])
                r = plsc.load_gather(xch, [ri + i * _ROW])
                och[i, pl.ds(jo - _COUNT, _L)] = a + bl * l + br * r + bb * (l * r)

        del plain

    pltpu.async_copy(in_slice(0), xch0, isem0)

    def pair(p, carry):
        for b in range(2):
            ch = 2 * p + b

            @pl.when(ch + 1 < _CHUNKS)
            def _():
                pltpu.async_copy(in_slice(ch + 1), xchs[1 - b], isems[1 - b])

            pltpu.make_async_copy(in_slice(ch), xchs[b], isems[b]).wait()

            @pl.when(ch >= 1)
            def _():
                pltpu.make_async_copy(ocha, outa_slice(ch), osema).wait()

            compute_blended(xchs[b], ocha, 0, 4)
            compute_blended(xchs[b], ocha, 4, 4)
            pltpu.async_copy(ocha, outa_slice(ch), osema)

            @pl.when(ch >= 1)
            def _():
                pltpu.make_async_copy(ochb, outb_slice(ch), osemb).wait()

            compute_plain(xchs[b], ochb, 0, 4)
            compute_plain(xchs[b], ochb, 4, 4)
            pltpu.async_copy(ochb, outb_slice(ch), osemb)
        return carry

    lax.fori_loop(0, _CHUNKS // 2, pair, 0)

    pltpu.make_async_copy(ocha, outa_slice(_CHUNKS - 1), osema).wait()
    pltpu.make_async_copy(ochb, outb_slice(_CHUNKS - 1), osemb).wait()


_sc_call = functools.partial(
    pl.kernel,
    out_type=jax.ShapeDtypeStruct((_B, _OUT), jnp.float32),
    mesh=plsc.VectorSubcoreMesh(core_axis_name="c", subcore_axis_name="s"),
    compiler_params=pltpu.CompilerParams(needs_layout_passes=False),
    scratch_types=[
        pltpu.VMEM((_OUT,), jnp.int32),
        pltpu.VMEM((_OUT,), jnp.int32),
        pltpu.VMEM((_COUNT,), jnp.int32),
        pltpu.VMEM((4 * _OUT,), jnp.float32),
        pltpu.VMEM((4 * _COUNT,), jnp.float32),
        pltpu.VMEM((_RCH * _ROW,), jnp.float32),
        pltpu.VMEM((_RCH * _ROW,), jnp.float32),
        pltpu.VMEM((_RCH, _COUNT), jnp.float32),
        pltpu.VMEM((_RCH, _COUNT), jnp.float32),
        pltpu.SemaphoreType.DMA,
        pltpu.SemaphoreType.DMA,
        pltpu.SemaphoreType.DMA,
        pltpu.SemaphoreType.DMA,
    ],
)(_sc_body)


@jax.jit
def kernel(x, logits, code_logits, left_indices, right_indices, code_indices):
    co, dc = _coefs(logits, code_logits)
    return _sc_call(
        x.reshape(-1),
        left_indices.astype(jnp.int32),
        right_indices.astype(jnp.int32),
        code_indices.astype(jnp.int32),
        co.reshape(-1),
        dc.reshape(-1),
    )

# --- scband reference (transcript-rebuilt; emitter-appended) ---
"""Pipeline reference for scband-class-conditioned-input-wise-logic-layer-20091857010865 (READ-ONLY COPY).

The authoritative reference and input builder live on the scoring server;
editing this copy changes nothing except your own understanding.
"""

import jax, jax.numpy as jnp
import numpy as np

B = 4096
D = 2048
C = 64
OUT = 4096
COUNT = 2048  # ceil(OUT * 0.5)
MU, SIGMA = 1.2, 0.25  # sinusoidal heavy-tail params


def _truth_table(left, right, omega):
    w00 = omega[:, 0][None, :]
    w01 = omega[:, 1][None, :]
    w10 = omega[:, 2][None, :]
    w11 = omega[:, 3][None, :]
    return ((1.0 - left) * (1.0 - right) * w00
            + (1.0 - left) * right * w01
            + left * (1.0 - right) * w10
            + left * right * w11)


def setup_inputs(seed: int = 0) -> dict:
    key = jax.random.key(seed)
    k1, k2, k3, k4, k5, k6 = jax.random.split(key, 6)
    x = jax.random.uniform(k1, (B, D + C), dtype=jnp.float32)
    left = jax.random.randint(k2, (OUT,), 0, D)
    right = jax.random.randint(k3, (OUT,), 0, D)
    same = left == right
    right = jnp.where(same, (right + 1) % D, right)
    code_indices = jax.random.randint(k4, (COUNT,), 0, C)
    means = jnp.array([-MU, -MU, MU, MU], dtype=jnp.float32)
    logits = jax.random.normal(k5, (OUT, 4), dtype=jnp.float32) * SIGMA + means
    code_logits = jax.random.normal(k6, (COUNT, 4), dtype=jnp.float32) * SIGMA + means
    return {
        "x": x,
        "logits": logits,
        "code_logits": code_logits,
        "left_indices": left,
        "right_indices": right,
        "code_indices": code_indices,
    }


def reference(x, logits, code_logits, left_indices, right_indices, code_indices):
    data = x[:, :D]
    code = x[:, D:]
    left = jnp.take(data, left_indices, axis=1)
    right = jnp.take(data, right_indices, axis=1)
    omega = 0.5 + 0.5 * jnp.sin(logits)  # sinusoidal estimator, discrete=False
    values = _truth_table(left, right, omega)
    c_omega = 0.5 + 0.5 * jnp.sin(code_logits)
    conditioned = _truth_table(left[:, :COUNT], right[:, :COUNT], c_omega)
    selected_code = jnp.take(code, code_indices, axis=1)
    blended = (1.0 - selected_code) * values[:, :COUNT] + selected_code * conditioned
    values = jnp.concatenate([blended, values[:, COUNT:]], axis=1)
    return values

if __name__ == "__main__":
    import jax
    _d = setup_inputs()
    print(jax.jit(kernel)(*tuple(_d.values())))

</pallas_src>

<mosaic_0001>
#map = affine_map<(d0, d1) -> (0)>
#map1 = affine_map<(d0, d1) -> (0, 0)>
module attributes {stable_mosaic.version = 14 : i64} {
  func.func @_sc_body(%arg0: i32, %arg1: i32, %arg2: memref<8650752xf32, #tpu.memory_space<hbm>>, %arg3: memref<4096xi32, #tpu.memory_space<hbm>>, %arg4: memref<4096xi32, #tpu.memory_space<hbm>>, %arg5: memref<2048xi32, #tpu.memory_space<hbm>>, %arg6: memref<16384xf32, #tpu.memory_space<hbm>>, %arg7: memref<8192xf32, #tpu.memory_space<hbm>>, %arg8: memref<4096x4096xf32, #tpu.memory_space<hbm>>, %arg9: memref<4096xi32, #tpu.memory_space<vmem>>, %arg10: memref<4096xi32, #tpu.memory_space<vmem>>, %arg11: memref<2048xi32, #tpu.memory_space<vmem>>, %arg12: memref<16384xf32, #tpu.memory_space<vmem>>, %arg13: memref<8192xf32, #tpu.memory_space<vmem>>, %arg14: memref<16896xf32, #tpu.memory_space<vmem>>, %arg15: memref<16896xf32, #tpu.memory_space<vmem>>, %arg16: memref<8x2048xf32, #tpu.memory_space<vmem>>, %arg17: memref<8x2048xf32, #tpu.memory_space<vmem>>, %arg18: memref<!tpu.dma_semaphore, #tpu.memory_space<semaphore_mem>>, %arg19: memref<!tpu.dma_semaphore, #tpu.memory_space<semaphore_mem>>, %arg20: memref<!tpu.dma_semaphore, #tpu.memory_space<semaphore_mem>>, %arg21: memref<!tpu.dma_semaphore, #tpu.memory_space<semaphore_mem>>) attributes {dimension_semantics = [#tpu.dimension_semantics<core_parallel>, #tpu.dimension_semantics<subcore_parallel>], iteration_bounds = array<i64: 2, 16>, scalar_prefetch = 0 : i64, scratch_operands = 13 : i64, tpu.core_type = #tpu.core_type<sc_vector_subcore>, window_params = [{transform_indices = #map}, {transform_indices = #map}, {transform_indices = #map}, {transform_indices = #map}, {transform_indices = #map}, {transform_indices = #map}, {transform_indices = #map1}]} {
    %mul3A = arith.constant 2 : i32
    %mul3A_0 = arith.muli %arg1, %mul3A : i32
    %add3A = arith.addi %mul3A_0, %arg0 : i32
    "tpu.region"() ({
      %run_scoped3A = tpu.sem_alloc : memref<!tpu.dma_semaphore, #tpu.memory_space<semaphore_mem>>
      tpu.enqueue_dma source(%arg3 : memref<4096xi32, #tpu.memory_space<hbm>>) target(%arg9 : memref<4096xi32, #tpu.memory_space<vmem>>) target_semaphore(%run_scoped3A : memref<!tpu.dma_semaphore, #tpu.memory_space<semaphore_mem>>)
      tpu.wait_dma2 semaphore(%run_scoped3A : memref<!tpu.dma_semaphore, #tpu.memory_space<semaphore_mem>>) src(%arg3 : memref<4096xi32, #tpu.memory_space<hbm>>) dst(%arg9 : memref<4096xi32, #tpu.memory_space<vmem>>)
      tpu.yield
    }) : () -> ()
    "tpu.region"() ({
      %run_scoped3A = tpu.sem_alloc : memref<!tpu.dma_semaphore, #tpu.memory_space<semaphore_mem>>
      tpu.enqueue_dma source(%arg4 : memref<4096xi32, #tpu.memory_space<hbm>>) target(%arg10 : memref<4096xi32, #tpu.memory_space<vmem>>) target_semaphore(%run_scoped3A : memref<!tpu.dma_semaphore, #tpu.memory_space<semaphore_mem>>)
      tpu.wait_dma2 semaphore(%run_scoped3A : memref<!tpu.dma_semaphore, #tpu.memory_space<semaphore_mem>>) src(%arg4 : memref<4096xi32, #tpu.memory_space<hbm>>) dst(%arg10 : memref<4096xi32, #tpu.memory_space<vmem>>)
      tpu.yield
    }) : () -> ()
    "tpu.region"() ({
      %run_scoped3A = tpu.sem_alloc : memref<!tpu.dma_semaphore, #tpu.memory_space<semaphore_mem>>
      tpu.enqueue_dma source(%arg5 : memref<2048xi32, #tpu.memory_space<hbm>>) target(%arg11 : memref<2048xi32, #tpu.memory_space<vmem>>) target_semaphore(%run_scoped3A : memref<!tpu.dma_semaphore, #tpu.memory_space<semaphore_mem>>)
      tpu.wait_dma2 semaphore(%run_scoped3A : memref<!tpu.dma_semaphore, #tpu.memory_space<semaphore_mem>>) src(%arg5 : memref<2048xi32, #tpu.memory_space<hbm>>) dst(%arg11 : memref<2048xi32, #tpu.memory_space<vmem>>)
      tpu.yield
    }) : () -> ()
    "tpu.region"() ({
      %run_scoped3A = tpu.sem_alloc : memref<!tpu.dma_semaphore, #tpu.memory_space<semaphore_mem>>
      tpu.enqueue_dma source(%arg6 : memref<16384xf32, #tpu.memory_space<hbm>>) target(%arg12 : memref<16384xf32, #tpu.memory_space<vmem>>) target_semaphore(%run_scoped3A : memref<!tpu.dma_semaphore, #tpu.memory_space<semaphore_mem>>)
      tpu.wait_dma2 semaphore(%run_scoped3A : memref<!tpu.dma_semaphore, #tpu.memory_space<semaphore_mem>>) src(%arg6 : memref<16384xf32, #tpu.memory_space<hbm>>) dst(%arg12 : memref<16384xf32, #tpu.memory_space<vmem>>)
      tpu.yield
    }) : () -> ()
    "tpu.region"() ({
      %run_scoped3A = tpu.sem_alloc : memref<!tpu.dma_semaphore, #tpu.memory_space<semaphore_mem>>
      tpu.enqueue_dma source(%arg7 : memref<8192xf32, #tpu.memory_space<hbm>>) target(%arg13 : memref<8192xf32, #tpu.memory_space<vmem>>) target_semaphore(%run_scoped3A : memref<!tpu.dma_semaphore, #tpu.memory_space<semaphore_mem>>)
      tpu.wait_dma2 semaphore(%run_scoped3A : memref<!tpu.dma_semaphore, #tpu.memory_space<semaphore_mem>>) src(%arg7 : memref<8192xf32, #tpu.memory_space<hbm>>) dst(%arg13 : memref<8192xf32, #tpu.memory_space<vmem>>)
      tpu.yield
    }) : () -> ()
    %mul3A_1 = arith.constant 128 : i32
    %mul3A_2 = arith.muli %add3A, %mul3A_1 : i32
    %add3A_3 = arith.constant 0 : i32
    %add3A_4 = arith.addi %mul3A_2, %add3A_3 : i32
    %mul3A_5 = arith.constant 2112 : i32
    %mul3A_6 = arith.muli %add3A_4, %mul3A_5 : i32
    %dma_start3A = tpu.memref_slice %arg2[%mul3A_6] : memref<8650752xf32, #tpu.memory_space<hbm>> -> memref<16896xf32, #tpu.memory_space<hbm>>
    %dma_start3A_7 = tpu.memref_slice %arg2[%mul3A_6] : memref<8650752xf32, #tpu.memory_space<hbm>> -> memref<16896xf32, #tpu.memory_space<hbm>>
    tpu.enqueue_dma source(%dma_start3A_7 : memref<16896xf32, #tpu.memory_space<hbm>>) target(%arg14 : memref<16896xf32, #tpu.memory_space<vmem>>) target_semaphore(%arg18 : memref<!tpu.dma_semaphore, #tpu.memory_space<semaphore_mem>>)
    %scan3A = arith.constant 0 : i32
    %scan3A_8 = arith.constant 0 : i32
    %scan3A_9 = arith.constant 8 : i32
    %scan3A_10 = arith.addi %scan3A_8, %scan3A_9 : i32
    %scan3A_11 = arith.constant 1 : i32
    scf.for %scan3A_24 = %scan3A_8 to %scan3A_10 step %scan3A_11  : i32 {
      %mul3A_25 = arith.constant 2 : i32
      %mul3A_26 = arith.muli %mul3A_25, %scan3A_24 : i32
      %add3A_27 = arith.constant 0 : i32
      %add3A_28 = arith.addi %mul3A_26, %add3A_27 : i32
      %add3A_29 = arith.constant 1 : i32
      %add3A_30 = arith.addi %add3A_28, %add3A_29 : i32
      %lt3A = arith.constant 16 : i32
      %lt3A_31 = arith.cmpi slt, %add3A_30, %lt3A : i32
      %convert_element_type3A = arith.extui %lt3A_31 : i1 to i32
      %cond3A = arith.constant 0 : i32
      %cond3A_32 = arith.cmpi ne, %convert_element_type3A, %cond3A : i32
      scf.if %cond3A_32 {
        %add3A_128 = arith.constant 1 : i32
        %add3A_129 = arith.addi %add3A_28, %add3A_128 : i32
        %mul3A_130 = arith.constant 8 : i32
        %mul3A_131 = arith.muli %add3A_129, %mul3A_130 : i32
        %add3A_132 = arith.addi %mul3A_2, %mul3A_131 : i32
        %mul3A_133 = arith.constant 2112 : i32
        %mul3A_134 = arith.muli %add3A_132, %mul3A_133 : i32
        %dma_start3A_135 = tpu.memref_slice %arg2[%mul3A_134] : memref<8650752xf32, #tpu.memory_space<hbm>> -> memref<16896xf32, #tpu.memory_space<hbm>>
        %dma_start3A_136 = tpu.memref_slice %arg2[%mul3A_134] : memref<8650752xf32, #tpu.memory_space<hbm>> -> memref<16896xf32, #tpu.memory_space<hbm>>
        tpu.enqueue_dma source(%dma_start3A_136 : memref<16896xf32, #tpu.memory_space<hbm>>) target(%arg15 : memref<16896xf32, #tpu.memory_space<vmem>>) target_semaphore(%arg19 : memref<!tpu.dma_semaphore, #tpu.memory_space<semaphore_mem>>)
      } else {
      }
      %mul3A_33 = arith.constant 8 : i32
      %mul3A_34 = arith.muli %add3A_28, %mul3A_33 : i32
      %add3A_35 = arith.addi %mul3A_2, %mul3A_34 : i32
      %mul3A_36 = arith.constant 2112 : i32
      %mul3A_37 = arith.muli %add3A_35, %mul3A_36 : i32
      %dma_wait3A_38 = tpu.memref_slice %arg2[%mul3A_37] : memref<8650752xf32, #tpu.memory_space<hbm>> -> memref<16896xf32, #tpu.memory_space<hbm>>
      %dma_wait3A_39 = tpu.memref_slice %arg2[%mul3A_37] : memref<8650752xf32, #tpu.memory_space<hbm>> -> memref<16896xf32, #tpu.memory_space<hbm>>
      tpu.wait_dma2 semaphore(%arg18 : memref<!tpu.dma_semaphore, #tpu.memory_space<semaphore_mem>>) src(%dma_wait3A_39 : memref<16896xf32, #tpu.memory_space<hbm>>) dst(%arg14 : memref<16896xf32, #tpu.memory_space<vmem>>)
      %ge3A = arith.constant 1 : i32
      %ge3A_40 = arith.cmpi sge, %add3A_28, %ge3A : i32
      %convert_element_type3A_41 = arith.extui %ge3A_40 : i1 to i32
      %cond3A_42 = arith.constant 0 : i32
      %cond3A_43 = arith.cmpi ne, %convert_element_type3A_41, %cond3A_42 : i32
      scf.if %cond3A_43 {
        %mul3A_128 = arith.constant 8 : i32
        %mul3A_129 = arith.muli %add3A_28, %mul3A_128 : i32
        %add3A_130 = arith.addi %mul3A_2, %mul3A_129 : i32
        %dma_wait3A_131 = arith.constant 0 : i32
        %dma_wait3A_132 = tpu.memref_slice %arg8[%add3A_130, %dma_wait3A_131] : memref<4096x4096xf32, #tpu.memory_space<hbm>> -> memref<8x2048xf32, #tpu.memory_space<hbm>>
        %dma_wait3A_133 = arith.constant 0 : i32
        %dma_wait3A_134 = tpu.memref_slice %arg8[%add3A_130, %dma_wait3A_133] : memref<4096x4096xf32, #tpu.memory_space<hbm>> -> memref<8x2048xf32, #tpu.memory_space<hbm>>
        tpu.wait_dma2 semaphore(%arg20 : memref<!tpu.dma_semaphore, #tpu.memory_space<semaphore_mem>>) src(%arg16 : memref<8x2048xf32, #tpu.memory_space<vmem>>) dst(%dma_wait3A_134 : memref<8x2048xf32, #tpu.memory_space<hbm>>)
      } else {
      }
      %parallel_loop3A = arith.constant 0 : i32
      %parallel_loop3A_44 = arith.constant 128 : i32
      %parallel_loop3A_45 = arith.constant 1 : i32
      scf.for %parallel_loop3A_128 = %parallel_loop3A to %parallel_loop3A_44 step %parallel_loop3A_45  : i32 {
        %parallel_loop3A_129 = arith.constant 16 : i32
        %parallel_loop3A_130 = arith.muli %parallel_loop3A_128, %parallel_loop3A_129 : i32
        %parallel_loop3A_131 = arith.index_cast %parallel_loop3A_130 : i32 to index
        %parallel_loop3A_132 = tpu.vector_load %arg9[%parallel_loop3A_131] {strides = array<i32>} : memref<4096xi32, #tpu.memory_space<vmem>>, vector<16xi32>,
        %parallel_loop3A_133 = arith.index_cast %parallel_loop3A_130 : i32 to index
        %parallel_loop3A_134 = tpu.vector_load %arg10[%parallel_loop3A_133] {strides = array<i32>} : memref<4096xi32, #tpu.memory_space<vmem>>, vector<16xi32>,
        %parallel_loop3A_135 = arith.index_cast %parallel_loop3A_130 : i32 to index
        %parallel_loop3A_136 = tpu.vector_load %arg11[%parallel_loop3A_135] {strides = array<i32>} : memref<2048xi32, #tpu.memory_space<vmem>>, vector<16xi32>,
        %parallel_loop3A_137 = arith.index_cast %parallel_loop3A_130 : i32 to index
        %parallel_loop3A_138 = tpu.vector_load %arg12[%parallel_loop3A_137] {strides = array<i32>} : memref<16384xf32, #tpu.memory_space<vmem>>, vector<16xf32>,
        %parallel_loop3A_139 = arith.constant 4096 : i32
        %parallel_loop3A_140 = arith.addi %parallel_loop3A_139, %parallel_loop3A_130 : i32
        %parallel_loop3A_141 = arith.index_cast %parallel_loop3A_140 : i32 to index
        %parallel_loop3A_142 = tpu.vector_load %arg12[%parallel_loop3A_141] {strides = array<i32>} : memref<16384xf32, #tpu.memory_space<vmem>>, vector<16xf32>,
        %parallel_loop3A_143 = arith.constant 8192 : i32
        %parallel_loop3A_144 = arith.addi %parallel_loop3A_143, %parallel_loop3A_130 : i32
        %parallel_loop3A_145 = arith.index_cast %parallel_loop3A_144 : i32 to index
        %parallel_loop3A_146 = tpu.vector_load %arg12[%parallel_loop3A_145] {strides = array<i32>} : memref<16384xf32, #tpu.memory_space<vmem>>, vector<16xf32>,
        %parallel_loop3A_147 = arith.constant 12288 : i32
        %parallel_loop3A_148 = arith.addi %parallel_loop3A_147, %parallel_loop3A_130 : i32
        %parallel_loop3A_149 = arith.index_cast %parallel_loop3A_148 : i32 to index
        %parallel_loop3A_150 = tpu.vector_load %arg12[%parallel_loop3A_149] {strides = array<i32>} : memref<16384xf32, #tpu.memory_space<vmem>>, vector<16xf32>,
        %parallel_loop3A_151 = arith.index_cast %parallel_loop3A_130 : i32 to index
        %parallel_loop3A_152 = tpu.vector_load %arg13[%parallel_loop3A_151] {strides = array<i32>} : memref<8192xf32, #tpu.memory_space<vmem>>, vector<16xf32>,
        %parallel_loop3A_153 = arith.constant 2048 : i32
        %parallel_loop3A_154 = arith.addi %parallel_loop3A_153, %parallel_loop3A_130 : i32
        %parallel_loop3A_155 = arith.index_cast %parallel_loop3A_154 : i32 to index
        %parallel_loop3A_156 = tpu.vector_load %arg13[%parallel_loop3A_155] {strides = array<i32>} : memref<8192xf32, #tpu.memory_space<vmem>>, vector<16xf32>,
        %parallel_loop3A_157 = arith.constant 4096 : i32
        %parallel_loop3A_158 = arith.addi %parallel_loop3A_157, %parallel_loop3A_130 : i32
        %parallel_loop3A_159 = arith.index_cast %parallel_loop3A_158 : i32 to index
        %parallel_loop3A_160 = tpu.vector_load %arg13[%parallel_loop3A_159] {strides = array<i32>} : memref<8192xf32, #tpu.memory_space<vmem>>, vector<16xf32>,
        %parallel_loop3A_161 = arith.constant 6144 : i32
        %parallel_loop3A_162 = arith.addi %parallel_loop3A_161, %parallel_loop3A_130 : i32
        %parallel_loop3A_163 = arith.index_cast %parallel_loop3A_162 : i32 to index
        %parallel_loop3A_164 = tpu.vector_load %arg13[%parallel_loop3A_163] {strides = array<i32>} : memref<8192xf32, #tpu.memory_space<vmem>>, vector<16xf32>,
        %parallel_loop3A_165 = arith.constant 0 : i32
        %parallel_loop3A_166 = vector.broadcast %parallel_loop3A_165 : i32 to vector<16xi32>
        %parallel_loop3A_167 = arith.addi %parallel_loop3A_132, %parallel_loop3A_166 : vector<16xi32>
        %parallel_loop3A_168 = tpu.vector_load_idx %arg14[%parallel_loop3A_167] : memref<16896xf32, #tpu.memory_space<vmem>>[vector<16xi32>], vector<16xf32>,
        %parallel_loop3A_169 = arith.constant 0 : i32
        %parallel_loop3A_170 = vector.broadcast %parallel_loop3A_169 : i32 to vector<16xi32>
        %parallel_loop3A_171 = arith.addi %parallel_loop3A_134, %parallel_loop3A_170 : vector<16xi32>
        %parallel_loop3A_172 = tpu.vector_load_idx %arg14[%parallel_loop3A_171] : memref<16896xf32, #tpu.memory_space<vmem>>[vector<16xi32>], vector<16xf32>,
        %parallel_loop3A_173 = arith.constant 2048 : i32
        %parallel_loop3A_174 = vector.broadcast %parallel_loop3A_173 : i32 to vector<16xi32>
        %parallel_loop3A_175 = arith.addi %parallel_loop3A_136, %parallel_loop3A_174 : vector<16xi32>
        %parallel_loop3A_176 = tpu.vector_load_idx %arg14[%parallel_loop3A_175] : memref<16896xf32, #tpu.memory_space<vmem>>[vector<16xi32>], vector<16xf32>,
        %parallel_loop3A_177 = arith.mulf %parallel_loop3A_168, %parallel_loop3A_172 : vector<16xf32>
        %parallel_loop3A_178 = arith.mulf %parallel_loop3A_142, %parallel_loop3A_168 : vector<16xf32>
        %parallel_loop3A_179 = arith.addf %parallel_loop3A_138, %parallel_loop3A_178 : vector<16xf32>
        %parallel_loop3A_180 = arith.mulf %parallel_loop3A_146, %parallel_loop3A_172 : vector<16xf32>
        %parallel_loop3A_181 = arith.addf %parallel_loop3A_179, %parallel_loop3A_180 : vector<16xf32>
        %parallel_loop3A_182 = arith.mulf %parallel_loop3A_150, %parallel_loop3A_177 : vector<16xf32>
        %parallel_loop3A_183 = arith.addf %parallel_loop3A_181, %parallel_loop3A_182 : vector<16xf32>
        %parallel_loop3A_184 = arith.mulf %parallel_loop3A_156, %parallel_loop3A_168 : vector<16xf32>
        %parallel_loop3A_185 = arith.addf %parallel_loop3A_152, %parallel_loop3A_184 : vector<16xf32>
        %parallel_loop3A_186 = arith.mulf %parallel_loop3A_160, %parallel_loop3A_172 : vector<16xf32>
        %parallel_loop3A_187 = arith.addf %parallel_loop3A_185, %parallel_loop3A_186 : vector<16xf32>
        %parallel_loop3A_188 = arith.mulf %parallel_loop3A_164, %parallel_loop3A_177 : vector<16xf32>
        %parallel_loop3A_189 = arith.addf %parallel_loop3A_187, %parallel_loop3A_188 : vector<16xf32>
        %parallel_loop3A_190 = arith.mulf %parallel_loop3A_176, %parallel_loop3A_189 : vector<16xf32>
        %parallel_loop3A_191 = arith.addf %parallel_loop3A_183, %parallel_loop3A_190 : vector<16xf32>
        %parallel_loop3A_192 = arith.constant 0 : i32
        %parallel_loop3A_193 = arith.index_cast %parallel_loop3A_192 : i32 to index
        %parallel_loop3A_194 = arith.index_cast %parallel_loop3A_130 : i32 to index
        %parallel_loop3A_195 = tpu.vector_load %arg16[%parallel_loop3A_193, %parallel_loop3A_194] {strides = array<i32>} : memref<8x2048xf32, #tpu.memory_space<vmem>>, vector<16xf32>,
        tpu.vector_store %arg16[%parallel_loop3A_193, %parallel_loop3A_194], %parallel_loop3A_191 {strides = array<i32>} : memref<8x2048xf32, #tpu.memory_space<vmem>>, vector<16xf32>,
        %parallel_loop3A_196 = arith.constant 2112 : i32
        %parallel_loop3A_197 = vector.broadcast %parallel_loop3A_196 : i32 to vector<16xi32>
        %parallel_loop3A_198 = arith.addi %parallel_loop3A_132, %parallel_loop3A_197 : vector<16xi32>
        %parallel_loop3A_199 = tpu.vector_load_idx %arg14[%parallel_loop3A_198] : memref<16896xf32, #tpu.memory_space<vmem>>[vector<16xi32>], vector<16xf32>,
        %parallel_loop3A_200 = arith.constant 2112 : i32
        %parallel_loop3A_201 = vector.broadcast %parallel_loop3A_200 : i32 to vector<16xi32>
        %parallel_loop3A_202 = arith.addi %parallel_loop3A_134, %parallel_loop3A_201 : vector<16xi32>
        %parallel_loop3A_203 = tpu.vector_load_idx %arg14[%parallel_loop3A_202] : memref<16896xf32, #tpu.memory_space<vmem>>[vector<16xi32>], vector<16xf32>,
        %parallel_loop3A_204 = arith.constant 4160 : i32
        %parallel_loop3A_205 = vector.broadcast %parallel_loop3A_204 : i32 to vector<16xi32>
        %parallel_loop3A_206 = arith.addi %parallel_loop3A_136, %parallel_loop3A_205 : vector<16xi32>
        %parallel_loop3A_207 = tpu.vector_load_idx %arg14[%parallel_loop3A_206] : memref<16896xf32, #tpu.memory_space<vmem>>[vector<16xi32>], vector<16xf32>,
        %parallel_loop3A_208 = arith.mulf %parallel_loop3A_199, %parallel_loop3A_203 : vector<16xf32>
        %parallel_loop3A_209 = arith.mulf %parallel_loop3A_142, %parallel_loop3A_199 : vector<16xf32>
        %parallel_loop3A_210 = arith.addf %parallel_loop3A_138, %parallel_loop3A_209 : vector<16xf32>
        %parallel_loop3A_211 = arith.mulf %parallel_loop3A_146, %parallel_loop3A_203 : vector<16xf32>
        %parallel_loop3A_212 = arith.addf %parallel_loop3A_210, %parallel_loop3A_211 : vector<16xf32>
        %parallel_loop3A_213 = arith.mulf %parallel_loop3A_150, %parallel_loop3A_208 : vector<16xf32>
        %parallel_loop3A_214 = arith.addf %parallel_loop3A_212, %parallel_loop3A_213 : vector<16xf32>
        %parallel_loop3A_215 = arith.mulf %parallel_loop3A_156, %parallel_loop3A_199 : vector<16xf32>
        %parallel_loop3A_216 = arith.addf %parallel_loop3A_152, %parallel_loop3A_215 : vector<16xf32>
        %parallel_loop3A_217 = arith.mulf %parallel_loop3A_160, %parallel_loop3A_203 : vector<16xf32>
        %parallel_loop3A_218 = arith.addf %parallel_loop3A_216, %parallel_loop3A_217 : vector<16xf32>
        %parallel_loop3A_219 = arith.mulf %parallel_loop3A_164, %parallel_loop3A_208 : vector<16xf32>
        %parallel_loop3A_220 = arith.addf %parallel_loop3A_218, %parallel_loop3A_219 : vector<16xf32>
        %parallel_loop3A_221 = arith.mulf %parallel_loop3A_207, %parallel_loop3A_220 : vector<16xf32>
        %parallel_loop3A_222 = arith.addf %parallel_loop3A_214, %parallel_loop3A_221 : vector<16xf32>
        %parallel_loop3A_223 = arith.constant 1 : i32
        %parallel_loop3A_224 = arith.index_cast %parallel_loop3A_223 : i32 to index
        %parallel_loop3A_225 = arith.index_cast %parallel_loop3A_130 : i32 to index
        %parallel_loop3A_226 = tpu.vector_load %arg16[%parallel_loop3A_224, %parallel_loop3A_225] {strides = array<i32>} : memref<8x2048xf32, #tpu.memory_space<vmem>>, vector<16xf32>,
        tpu.vector_store %arg16[%parallel_loop3A_224, %parallel_loop3A_225], %parallel_loop3A_222 {strides = array<i32>} : memref<8x2048xf32, #tpu.memory_space<vmem>>, vector<16xf32>,
        %parallel_loop3A_227 = arith.constant 4224 : i32
        %parallel_loop3A_228 = vector.broadcast %parallel_loop3A_227 : i32 to vector<16xi32>
        %parallel_loop3A_229 = arith.addi %parallel_loop3A_132, %parallel_loop3A_228 : vector<16xi32>
        %parallel_loop3A_230 = tpu.vector_load_idx %arg14[%parallel_loop3A_229] : memref<16896xf32, #tpu.memory_space<vmem>>[vector<16xi32>], vector<16xf32>,
        %parallel_loop3A_231 = arith.constant 4224 : i32
        %parallel_loop3A_232 = vector.broadcast %parallel_loop3A_231 : i32 to vector<16xi32>
        %parallel_loop3A_233 = arith.addi %parallel_loop3A_134, %parallel_loop3A_232 : vector<16xi32>
        %parallel_loop3A_234 = tpu.vector_load_idx %arg14[%parallel_loop3A_233] : memref<16896xf32, #tpu.memory_space<vmem>>[vector<16xi32>], vector<16xf32>,
        %parallel_loop3A_235 = arith.constant 6272 : i32
        %parallel_loop3A_236 = vector.broadcast %parallel_loop3A_235 : i32 to vector<16xi32>
        %parallel_loop3A_237 = arith.addi %parallel_loop3A_136, %parallel_loop3A_236 : vector<16xi32>
        %parallel_loop3A_238 = tpu.vector_load_idx %arg14[%parallel_loop3A_237] : memref<16896xf32, #tpu.memory_space<vmem>>[vector<16xi32>], vector<16xf32>,
        %parallel_loop3A_239 = arith.mulf %parallel_loop3A_230, %parallel_loop3A_234 : vector<16xf32>
        %parallel_loop3A_240 = arith.mulf %parallel_loop3A_142, %parallel_loop3A_230 : vector<16xf32>
        %parallel_loop3A_241 = arith.addf %parallel_loop3A_138, %parallel_loop3A_240 : vector<16xf32>
        %parallel_loop3A_242 = arith.mulf %parallel_loop3A_146, %parallel_loop3A_234 : vector<16xf32>
        %parallel_loop3A_243 = arith.addf %parallel_loop3A_241, %parallel_loop3A_242 : vector<16xf32>
        %parallel_loop3A_244 = arith.mulf %parallel_loop3A_150, %parallel_loop3A_239 : vector<16xf32>
        %parallel_loop3A_245 = arith.addf %parallel_loop3A_243, %parallel_loop3A_244 : vector<16xf32>
        %parallel_loop3A_246 = arith.mulf %parallel_loop3A_156, %parallel_loop3A_230 : vector<16xf32>
        %parallel_loop3A_247 = arith.addf %parallel_loop3A_152, %parallel_loop3A_246 : vector<16xf32>
        %parallel_loop3A_248 = arith.mulf %parallel_loop3A_160, %parallel_loop3A_234 : vector<16xf32>
        %parallel_loop3A_249 = arith.addf %parallel_loop3A_247, %parallel_loop3A_248 : vector<16xf32>
        %parallel_loop3A_250 = arith.mulf %parallel_loop3A_164, %parallel_loop3A_239 : vector<16xf32>
        %parallel_loop3A_251 = arith.addf %parallel_loop3A_249, %parallel_loop3A_250 : vector<16xf32>
        %parallel_loop3A_252 = arith.mulf %parallel_loop3A_238, %parallel_loop3A_251 : vector<16xf32>
        %parallel_loop3A_253 = arith.addf %parallel_loop3A_245, %parallel_loop3A_252 : vector<16xf32>
        %parallel_loop3A_254 = arith.constant 2 : i32
        %parallel_loop3A_255 = arith.index_cast %parallel_loop3A_254 : i32 to index
        %parallel_loop3A_256 = arith.index_cast %parallel_loop3A_130 : i32 to index
        %parallel_loop3A_257 = tpu.vector_load %arg16[%parallel_loop3A_255, %parallel_loop3A_256] {strides = array<i32>} : memref<8x2048xf32, #tpu.memory_space<vmem>>, vector<16xf32>,
        tpu.vector_store %arg16[%parallel_loop3A_255, %parallel_loop3A_256], %parallel_loop3A_253 {strides = array<i32>} : memref<8x2048xf32, #tpu.memory_space<vmem>>, vector<16xf32>,
        %parallel_loop3A_258 = arith.constant 6336 : i32
        %parallel_loop3A_259 = vector.broadcast %parallel_loop3A_258 : i32 to vector<16xi32>
        %parallel_loop3A_260 = arith.addi %parallel_loop3A_132, %parallel_loop3A_259 : vector<16xi32>
        %parallel_loop3A_261 = tpu.vector_load_idx %arg14[%parallel_loop3A_260] : memref<16896xf32, #tpu.memory_space<vmem>>[vector<16xi32>], vector<16xf32>,
        %parallel_loop3A_262 = arith.constant 6336 : i32
        %parallel_loop3A_263 = vector.broadcast %parallel_loop3A_262 : i32 to vector<16xi32>
        %parallel_loop3A_264 = arith.addi %parallel_loop3A_134, %parallel_loop3A_263 : vector<16xi32>
        %parallel_loop3A_265 = tpu.vector_load_idx %arg14[%parallel_loop3A_264] : memref<16896xf32, #tpu.memory_space<vmem>>[vector<16xi32>], vector<16xf32>,
        %parallel_loop3A_266 = arith.constant 8384 : i32
        %parallel_loop3A_267 = vector.broadcast %parallel_loop3A_266 : i32 to vector<16xi32>
        %parallel_loop3A_268 = arith.addi %parallel_loop3A_136, %parallel_loop3A_267 : vector<16xi32>
        %parallel_loop3A_269 = tpu.vector_load_idx %arg14[%parallel_loop3A_268] : memref<16896xf32, #tpu.memory_space<vmem>>[vector<16xi32>], vector<16xf32>,
        %parallel_loop3A_270 = arith.mulf %parallel_loop3A_261, %parallel_loop3A_265 : vector<16xf32>
        %parallel_loop3A_271 = arith.mulf %parallel_loop3A_142, %parallel_loop3A_261 : vector<16xf32>
        %parallel_loop3A_272 = arith.addf %parallel_loop3A_138, %parallel_loop3A_271 : vector<16xf32>
        %parallel_loop3A_273 = arith.mulf %parallel_loop3A_146, %parallel_loop3A_265 : vector<16xf32>
        %parallel_loop3A_274 = arith.addf %parallel_loop3A_272, %parallel_loop3A_273 : vector<16xf32>
        %parallel_loop3A_275 = arith.mulf %parallel_loop3A_150, %parallel_loop3A_270 : vector<16xf32>
        %parallel_loop3A_276 = arith.addf %parallel_loop3A_274, %parallel_loop3A_275 : vector<16xf32>
        %parallel_loop3A_277 = arith.mulf %parallel_loop3A_156, %parallel_loop3A_261 : vector<16xf32>
        %parallel_loop3A_278 = arith.addf %parallel_loop3A_152, %parallel_loop3A_277 : vector<16xf32>
        %parallel_loop3A_279 = arith.mulf %parallel_loop3A_160, %parallel_loop3A_265 : vector<16xf32>
        %parallel_loop3A_280 = arith.addf %parallel_loop3A_278, %parallel_loop3A_279 : vector<16xf32>
        %parallel_loop3A_281 = arith.mulf %parallel_loop3A_164, %parallel_loop3A_270 : vector<16xf32>
        %parallel_loop3A_282 = arith.addf %parallel_loop3A_280, %parallel_loop3A_281 : vector<16xf32>
        %parallel_loop3A_283 = arith.mulf %parallel_loop3A_269, %parallel_loop3A_282 : vector<16xf32>
        %parallel_loop3A_284 = arith.addf %parallel_loop3A_276, %parallel_loop3A_283 : vector<16xf32>
        %parallel_loop3A_285 = arith.constant 3 : i32
        %parallel_loop3A_286 = arith.index_cast %parallel_loop3A_285 : i32 to index
        %parallel_loop3A_287 = arith.index_cast %parallel_loop3A_130 : i32 to index
        %parallel_loop3A_288 = tpu.vector_load %arg16[%parallel_loop3A_286, %parallel_loop3A_287] {strides = array<i32>} : memref<8x2048xf32, #tpu.memory_space<vmem>>, vector<16xf32>,
        tpu.vector_store %arg16[%parallel_loop3A_286, %parallel_loop3A_287], %parallel_loop3A_284 {strides = array<i32>} : memref<8x2048xf32, #tpu.memory_space<vmem>>, vector<16xf32>,
      } {sc.loop_unroll_factor = 1 : i64, sc.parallel_access}
      %parallel_loop3A_46 = arith.constant 0 : i32
      %parallel_loop3A_47 = arith.constant 128 : i32
      %parallel_loop3A_48 = arith.constant 1 : i32
      scf.for %parallel_loop3A_128 = %parallel_loop3A_46 to %parallel_loop3A_47 step %parallel_loop3A_48  : i32 {
        %parallel_loop3A_129 = arith.constant 16 : i32
        %parallel_loop3A_130 = arith.muli %parallel_loop3A_128, %parallel_loop3A_129 : i32
        %parallel_loop3A_131 = arith.index_cast %parallel_loop3A_130 : i32 to index
        %parallel_loop3A_132 = tpu.vector_load %arg9[%parallel_loop3A_131] {strides = array<i32>} : memref<4096xi32, #tpu.memory_space<vmem>>, vector<16xi32>,
        %parallel_loop3A_133 = arith.index_cast %parallel_loop3A_130 : i32 to index
        %parallel_loop3A_134 = tpu.vector_load %arg10[%parallel_loop3A_133] {strides = array<i32>} : memref<4096xi32, #tpu.memory_space<vmem>>, vector<16xi32>,
        %parallel_loop3A_135 = arith.index_cast %parallel_loop3A_130 : i32 to index
        %parallel_loop3A_136 = tpu.vector_load %arg11[%parallel_loop3A_135] {strides = array<i32>} : memref<2048xi32, #tpu.memory_space<vmem>>, vector<16xi32>,
        %parallel_loop3A_137 = arith.index_cast %parallel_loop3A_130 : i32 to index
        %parallel_loop3A_138 = tpu.vector_load %arg12[%parallel_loop3A_137] {strides = array<i32>} : memref<16384xf32, #tpu.memory_space<vmem>>, vector<16xf32>,
        %parallel_loop3A_139 = arith.constant 4096 : i32
        %parallel_loop3A_140 = arith.addi %parallel_loop3A_139, %parallel_loop3A_130 : i32
        %parallel_loop3A_141 = arith.index_cast %parallel_loop3A_140 : i32 to index
        %parallel_loop3A_142 = tpu.vector_load %arg12[%parallel_loop3A_141] {strides = array<i32>} : memref<16384xf32, #tpu.memory_space<vmem>>, vector<16xf32>,
        %parallel_loop3A_143 = arith.constant 8192 : i32
        %parallel_loop3A_144 = arith.addi %parallel_loop3A_143, %parallel_loop3A_130 : i32
        %parallel_loop3A_145 = arith.index_cast %parallel_loop3A_144 : i32 to index
        %parallel_loop3A_146 = tpu.vector_load %arg12[%parallel_loop3A_145] {strides = array<i32>} : memref<16384xf32, #tpu.memory_space<vmem>>, vector<16xf32>,
        %parallel_loop3A_147 = arith.constant 12288 : i32
        %parallel_loop3A_148 = arith.addi %parallel_loop3A_147, %parallel_loop3A_130 : i32
        %parallel_loop3A_149 = arith.index_cast %parallel_loop3A_148 : i32 to index
        %parallel_loop3A_150 = tpu.vector_load %arg12[%parallel_loop3A_149] {strides = array<i32>} : memref<16384xf32, #tpu.memory_space<vmem>>, vector<16xf32>,
        %parallel_loop3A_151 = arith.index_cast %parallel_loop3A_130 : i32 to index
        %parallel_loop3A_152 = tpu.vector_load %arg13[%parallel_loop3A_151] {strides = array<i32>} : memref<8192xf32, #tpu.memory_space<vmem>>, vector<16xf32>,
        %parallel_loop3A_153 = arith.constant 2048 : i32
        %parallel_loop3A_154 = arith.addi %parallel_loop3A_153, %parallel_loop3A_130 : i32
        %parallel_loop3A_155 = arith.index_cast %parallel_loop3A_154 : i32 to index
        %parallel_loop3A_156 = tpu.vector_load %arg13[%parallel_loop3A_155] {strides = array<i32>} : memref<8192xf32, #tpu.memory_space<vmem>>, vector<16xf32>,
        %parallel_loop3A_157 = arith.constant 4096 : i32
        %parallel_loop3A_158 = arith.addi %parallel_loop3A_157, %parallel_loop3A_130 : i32
        %parallel_loop3A_159 = arith.index_cast %parallel_loop3A_158 : i32 to index
        %parallel_loop3A_160 = tpu.vector_load %arg13[%parallel_loop3A_159] {strides = array<i32>} : memref<8192xf32, #tpu.memory_space<vmem>>, vector<16xf32>,
        %parallel_loop3A_161 = arith.constant 6144 : i32
        %parallel_loop3A_162 = arith.addi %parallel_loop3A_161, %parallel_loop3A_130 : i32
        %parallel_loop3A_163 = arith.index_cast %parallel_loop3A_162 : i32 to index
        %parallel_loop3A_164 = tpu.vector_load %arg13[%parallel_loop3A_163] {strides = array<i32>} : memref<8192xf32, #tpu.memory_space<vmem>>, vector<16xf32>,
        %parallel_loop3A_165 = arith.constant 8448 : i32
        %parallel_loop3A_166 = vector.broadcast %parallel_loop3A_165 : i32 to vector<16xi32>
        %parallel_loop3A_167 = arith.addi %parallel_loop3A_132, %parallel_loop3A_166 : vector<16xi32>
        %parallel_loop3A_168 = tpu.vector_load_idx %arg14[%parallel_loop3A_167] : memref<16896xf32, #tpu.memory_space<vmem>>[vector<16xi32>], vector<16xf32>,
        %parallel_loop3A_169 = arith.constant 8448 : i32
        %parallel_loop3A_170 = vector.broadcast %parallel_loop3A_169 : i32 to vector<16xi32>
        %parallel_loop3A_171 = arith.addi %parallel_loop3A_134, %parallel_loop3A_170 : vector<16xi32>
        %parallel_loop3A_172 = tpu.vector_load_idx %arg14[%parallel_loop3A_171] : memref<16896xf32, #tpu.memory_space<vmem>>[vector<16xi32>], vector<16xf32>,
        %parallel_loop3A_173 = arith.constant 10496 : i32
        %parallel_loop3A_174 = vector.broadcast %parallel_loop3A_173 : i32 to vector<16xi32>
        %parallel_loop3A_175 = arith.addi %parallel_loop3A_136, %parallel_loop3A_174 : vector<16xi32>
        %parallel_loop3A_176 = tpu.vector_load_idx %arg14[%parallel_loop3A_175] : memref<16896xf32, #tpu.memory_space<vmem>>[vector<16xi32>], vector<16xf32>,
        %parallel_loop3A_177 = arith.mulf %parallel_loop3A_168, %parallel_loop3A_172 : vector<16xf32>
        %parallel_loop3A_178 = arith.mulf %parallel_loop3A_142, %parallel_loop3A_168 : vector<16xf32>
        %parallel_loop3A_179 = arith.addf %parallel_loop3A_138, %parallel_loop3A_178 : vector<16xf32>
        %parallel_loop3A_180 = arith.mulf %parallel_loop3A_146, %parallel_loop3A_172 : vector<16xf32>
        %parallel_loop3A_181 = arith.addf %parallel_loop3A_179, %parallel_loop3A_180 : vector<16xf32>
        %parallel_loop3A_182 = arith.mulf %parallel_loop3A_150, %parallel_loop3A_177 : vector<16xf32>
        %parallel_loop3A_183 = arith.addf %parallel_loop3A_181, %parallel_loop3A_182 : vector<16xf32>
        %parallel_loop3A_184 = arith.mulf %parallel_loop3A_156, %parallel_loop3A_168 : vector<16xf32>
        %parallel_loop3A_185 = arith.addf %parallel_loop3A_152, %parallel_loop3A_184 : vector<16xf32>
        %parallel_loop3A_186 = arith.mulf %parallel_loop3A_160, %parallel_loop3A_172 : vector<16xf32>
        %parallel_loop3A_187 = arith.addf %parallel_loop3A_185, %parallel_loop3A_186 : vector<16xf32>
        %parallel_loop3A_188 = arith.mulf %parallel_loop3A_164, %parallel_loop3A_177 : vector<16xf32>
        %parallel_loop3A_189 = arith.addf %parallel_loop3A_187, %parallel_loop3A_188 : vector<16xf32>
        %parallel_loop3A_190 = arith.mulf %parallel_loop3A_176, %parallel_loop3A_189 : vector<16xf32>
        %parallel_loop3A_191 = arith.addf %parallel_loop3A_183, %parallel_loop3A_190 : vector<16xf32>
        %parallel_loop3A_192 = arith.constant 4 : i32
        %parallel_loop3A_193 = arith.index_cast %parallel_loop3A_192 : i32 to index
        %parallel_loop3A_194 = arith.index_cast %parallel_loop3A_130 : i32 to index
        %parallel_loop3A_195 = tpu.vector_load %arg16[%parallel_loop3A_193, %parallel_loop3A_194] {strides = array<i32>} : memref<8x2048xf32, #tpu.memory_space<vmem>>, vector<16xf32>,
        tpu.vector_store %arg16[%parallel_loop3A_193, %parallel_loop3A_194], %parallel_loop3A_191 {strides = array<i32>} : memref<8x2048xf32, #tpu.memory_space<vmem>>, vector<16xf32>,
        %parallel_loop3A_196 = arith.constant 10560 : i32
        %parallel_loop3A_197 = vector.broadcast %parallel_loop3A_196 : i32 to vector<16xi32>
        %parallel_loop3A_198 = arith.addi %parallel_loop3A_132, %parallel_loop3A_197 : vector<16xi32>
        %parallel_loop3A_199 = tpu.vector_load_idx %arg14[%parallel_loop3A_198] : memref<16896xf32, #tpu.memory_space<vmem>>[vector<16xi32>], vector<16xf32>,
        %parallel_loop3A_200 = arith.constant 10560 : i32
        %parallel_loop3A_201 = vector.broadcast %parallel_loop3A_200 : i32 to vector<16xi32>
        %parallel_loop3A_202 = arith.addi %parallel_loop3A_134, %parallel_loop3A_201 : vector<16xi32>
        %parallel_loop3A_203 = tpu.vector_load_idx %arg14[%parallel_loop3A_202] : memref<16896xf32, #tpu.memory_space<vmem>>[vector<16xi32>], vector<16xf32>,
        %parallel_loop3A_204 = arith.constant 12608 : i32
        %parallel_loop3A_205 = vector.broadcast %parallel_loop3A_204 : i32 to vector<16xi32>
        %parallel_loop3A_206 = arith.addi %parallel_loop3A_136, %parallel_loop3A_205 : vector<16xi32>
        %parallel_loop3A_207 = tpu.vector_load_idx %arg14[%parallel_loop3A_206] : memref<16896xf32, #tpu.memory_space<vmem>>[vector<16xi32>], vector<16xf32>,
        %parallel_loop3A_208 = arith.mulf %parallel_loop3A_199, %parallel_loop3A_203 : vector<16xf32>
        %parallel_loop3A_209 = arith.mulf %parallel_loop3A_142, %parallel_loop3A_199 : vector<16xf32>
        %parallel_loop3A_210 = arith.addf %parallel_loop3A_138, %parallel_loop3A_209 : vector<16xf32>
        %parallel_loop3A_211 = arith.mulf %parallel_loop3A_146, %parallel_loop3A_203 : vector<16xf32>
        %parallel_loop3A_212 = arith.addf %parallel_loop3A_210, %parallel_loop3A_211 : vector<16xf32>
        %parallel_loop3A_213 = arith.mulf %parallel_loop3A_150, %parallel_loop3A_208 : vector<16xf32>
        %parallel_loop3A_214 = arith.addf %parallel_loop3A_212, %parallel_loop3A_213 : vector<16xf32>
        %parallel_loop3A_215 = arith.mulf %parallel_loop3A_156, %parallel_loop3A_199 : vector<16xf32>
        %parallel_loop3A_216 = arith.addf %parallel_loop3A_152, %parallel_loop3A_215 : vector<16xf32>
        %parallel_loop3A_217 = arith.mulf %parallel_loop3A_160, %parallel_loop3A_203 : vector<16xf32>
        %parallel_loop3A_218 = arith.addf %parallel_loop3A_216, %parallel_loop3A_217 : vector<16xf32>
        %parallel_loop3A_219 = arith.mulf %parallel_loop3A_164, %parallel_loop3A_208 : vector<16xf32>
        %parallel_loop3A_220 = arith.addf %parallel_loop3A_218, %parallel_loop3A_219 : vector<16xf32>
        %parallel_loop3A_221 = arith.mulf %parallel_loop3A_207, %parallel_loop3A_220 : vector<16xf32>
        %parallel_loop3A_222 = arith.addf %parallel_loop3A_214, %parallel_loop3A_221 : vector<16xf32>
        %parallel_loop3A_223 = arith.constant 5 : i32
        %parallel_loop3A_224 = arith.index_cast %parallel_loop3A_223 : i32 to index
        %parallel_loop3A_225 = arith.index_cast %parallel_loop3A_130 : i32 to index
        %parallel_loop3A_226 = tpu.vector_load %arg16[%parallel_loop3A_224, %parallel_loop3A_225] {strides = array<i32>} : memref<8x2048xf32, #tpu.memory_space<vmem>>, vector<16xf32>,
        tpu.vector_store %arg16[%parallel_loop3A_224, %parallel_loop3A_225], %parallel_loop3A_222 {strides = array<i32>} : memref<8x2048xf32, #tpu.memory_space<vmem>>, vector<16xf32>,
        %parallel_loop3A_227 = arith.constant 12672 : i32
        %parallel_loop3A_228 = vector.broadcast %parallel_loop3A_227 : i32 to vector<16xi32>
        %parallel_loop3A_229 = arith.addi %parallel_loop3A_132, %parallel_loop3A_228 : vector<16xi32>
        %parallel_loop3A_230 = tpu.vector_load_idx %arg14[%parallel_loop3A_229] : memref<16896xf32, #tpu.memory_space<vmem>>[vector<16xi32>], vector<16xf32>,
        %parallel_loop3A_231 = arith.constant 12672 : i32
        %parallel_loop3A_232 = vector.broadcast %parallel_loop3A_231 : i32 to vector<16xi32>
        %parallel_loop3A_233 = arith.addi %parallel_loop3A_134, %parallel_loop3A_232 : vector<16xi32>
        %parallel_loop3A_234 = tpu.vector_load_idx %arg14[%parallel_loop3A_233] : memref<16896xf32, #tpu.memory_space<vmem>>[vector<16xi32>], vector<16xf32>,
        %parallel_loop3A_235 = arith.constant 14720 : i32
        %parallel_loop3A_236 = vector.broadcast %parallel_loop3A_235 : i32 to vector<16xi32>
        %parallel_loop3A_237 = arith.addi %parallel_loop3A_136, %parallel_loop3A_236 : vector<16xi32>
        %parallel_loop3A_238 = tpu.vector_load_idx %arg14[%parallel_loop3A_237] : memref<16896xf32, #tpu.memory_space<vmem>>[vector<16xi32>], vector<16xf32>,
        %parallel_loop3A_239 = arith.mulf %parallel_loop3A_230, %parallel_loop3A_234 : vector<16xf32>
        %parallel_loop3A_240 = arith.mulf %parallel_loop3A_142, %parallel_loop3A_230 : vector<16xf32>
        %parallel_loop3A_241 = arith.addf %parallel_loop3A_138, %parallel_loop3A_240 : vector<16xf32>
        %parallel_loop3A_242 = arith.mulf %parallel_loop3A_146, %parallel_loop3A_234 : vector<16xf32>
        %parallel_loop3A_243 = arith.addf %parallel_loop3A_241, %parallel_loop3A_242 : vector<16xf32>
        %parallel_loop3A_244 = arith.mulf %parallel_loop3A_150, %parallel_loop3A_239 : vector<16xf32>
        %parallel_loop3A_245 = arith.addf %parallel_loop3A_243, %parallel_loop3A_244 : vector<16xf32>
        %parallel_loop3A_246 = arith.mulf %parallel_loop3A_156, %parallel_loop3A_230 : vector<16xf32>
        %parallel_loop3A_247 = arith.addf %parallel_loop3A_152, %parallel_loop3A_246 : vector<16xf32>
        %parallel_loop3A_248 = arith.mulf %parallel_loop3A_160, %parallel_loop3A_234 : vector<16xf32>
        %parallel_loop3A_249 = arith.addf %parallel_loop3A_247, %parallel_loop3A_248 : vector<16xf32>
        %parallel_loop3A_250 = arith.mulf %parallel_loop3A_164, %parallel_loop3A_239 : vector<16xf32>
        %parallel_loop3A_251 = arith.addf %parallel_loop3A_249, %parallel_loop3A_250 : vector<16xf32>
        %parallel_loop3A_252 = arith.mulf %parallel_loop3A_238, %parallel_loop3A_251 : vector<16xf32>
        %parallel_loop3A_253 = arith.addf %parallel_loop3A_245, %parallel_loop3A_252 : vector<16xf32>
        %parallel_loop3A_254 = arith.constant 6 : i32
        %parallel_loop3A_255 = arith.index_cast %parallel_loop3A_254 : i32 to index
        %parallel_loop3A_256 = arith.index_cast %parallel_loop3A_130 : i32 to index
        %parallel_loop3A_257 = tpu.vector_load %arg16[%parallel_loop3A_255, %parallel_loop3A_256] {strides = array<i32>} : memref<8x2048xf32, #tpu.memory_space<vmem>>, vector<16xf32>,
        tpu.vector_store %arg16[%parallel_loop3A_255, %parallel_loop3A_256], %parallel_loop3A_253 {strides = array<i32>} : memref<8x2048xf32, #tpu.memory_space<vmem>>, vector<16xf32>,
        %parallel_loop3A_258 = arith.constant 14784 : i32
        %parallel_loop3A_259 = vector.broadcast %parallel_loop3A_258 : i32 to vector<16xi32>
        %parallel_loop3A_260 = arith.addi %parallel_loop3A_132, %parallel_loop3A_259 : vector<16xi32>
        %parallel_loop3A_261 = tpu.vector_load_idx %arg14[%parallel_loop3A_260] : memref<16896xf32, #tpu.memory_space<vmem>>[vector<16xi32>], vector<16xf32>,
        %parallel_loop3A_262 = arith.constant 14784 : i32
        %parallel_loop3A_263 = vector.broadcast %parallel_loop3A_262 : i32 to vector<16xi32>
        %parallel_loop3A_264 = arith.addi %parallel_loop3A_134, %parallel_loop3A_263 : vector<16xi32>
        %parallel_loop3A_265 = tpu.vector_load_idx %arg14[%parallel_loop3A_264] : memref<16896xf32, #tpu.memory_space<vmem>>[vector<16xi32>], vector<16xf32>,
        %parallel_loop3A_266 = arith.constant 16832 : i32
        %parallel_loop3A_267 = vector.broadcast %parallel_loop3A_266 : i32 to vector<16xi32>
        %parallel_loop3A_268 = arith.addi %parallel_loop3A_136, %parallel_loop3A_267 : vector<16xi32>
        %parallel_loop3A_269 = tpu.vector_load_idx %arg14[%parallel_loop3A_268] : memref<16896xf32, #tpu.memory_space<vmem>>[vector<16xi32>], vector<16xf32>,
        %parallel_loop3A_270 = arith.mulf %parallel_loop3A_261, %parallel_loop3A_265 : vector<16xf32>
        %parallel_loop3A_271 = arith.mulf %parallel_loop3A_142, %parallel_loop3A_261 : vector<16xf32>
        %parallel_loop3A_272 = arith.addf %parallel_loop3A_138, %parallel_loop3A_271 : vector<16xf32>
        %parallel_loop3A_273 = arith.mulf %parallel_loop3A_146, %parallel_loop3A_265 : vector<16xf32>
        %parallel_loop3A_274 = arith.addf %parallel_loop3A_272, %parallel_loop3A_273 : vector<16xf32>
        %parallel_loop3A_275 = arith.mulf %parallel_loop3A_150, %parallel_loop3A_270 : vector<16xf32>
        %parallel_loop3A_276 = arith.addf %parallel_loop3A_274, %parallel_loop3A_275 : vector<16xf32>
        %parallel_loop3A_277 = arith.mulf %parallel_loop3A_156, %parallel_loop3A_261 : vector<16xf32>
        %parallel_loop3A_278 = arith.addf %parallel_loop3A_152, %parallel_loop3A_277 : vector<16xf32>
        %parallel_loop3A_279 = arith.mulf %parallel_loop3A_160, %parallel_loop3A_265 : vector<16xf32>
        %parallel_loop3A_280 = arith.addf %parallel_loop3A_278, %parallel_loop3A_279 : vector<16xf32>
        %parallel_loop3A_281 = arith.mulf %parallel_loop3A_164, %parallel_loop3A_270 : vector<16xf32>
        %parallel_loop3A_282 = arith.addf %parallel_loop3A_280, %parallel_loop3A_281 : vector<16xf32>
        %parallel_loop3A_283 = arith.mulf %parallel_loop3A_269, %parallel_loop3A_282 : vector<16xf32>
        %parallel_loop3A_284 = arith.addf %parallel_loop3A_276, %parallel_loop3A_283 : vector<16xf32>
        %parallel_loop3A_285 = arith.constant 7 : i32
        %parallel_loop3A_286 = arith.index_cast %parallel_loop3A_285 : i32 to index
        %parallel_loop3A_287 = arith.index_cast %parallel_loop3A_130 : i32 to index
        %parallel_loop3A_288 = tpu.vector_load %arg16[%parallel_loop3A_286, %parallel_loop3A_287] {strides = array<i32>} : memref<8x2048xf32, #tpu.memory_space<vmem>>, vector<16xf32>,
        tpu.vector_store %arg16[%parallel_loop3A_286, %parallel_loop3A_287], %parallel_loop3A_284 {strides = array<i32>} : memref<8x2048xf32, #tpu.memory_space<vmem>>, vector<16xf32>,
      } {sc.loop_unroll_factor = 1 : i64, sc.parallel_access}
      %mul3A_49 = arith.constant 8 : i32
      %mul3A_50 = arith.muli %add3A_28, %mul3A_49 : i32
      %add3A_51 = arith.addi %mul3A_2, %mul3A_50 : i32
      %dma_start3A_52 = arith.constant 0 : i32
      %dma_start3A_53 = tpu.memref_slice %arg8[%add3A_51, %dma_start3A_52] : memref<4096x4096xf32, #tpu.memory_space<hbm>> -> memref<8x2048xf32, #tpu.memory_space<hbm>>
      %dma_start3A_54 = arith.constant 0 : i32
      %dma_start3A_55 = tpu.memref_slice %arg8[%add3A_51, %dma_start3A_54] : memref<4096x4096xf32, #tpu.memory_space<hbm>> -> memref<8x2048xf32, #tpu.memory_space<hbm>>
      tpu.enqueue_dma source(%arg16 : memref<8x2048xf32, #tpu.memory_space<vmem>>) target(%dma_start3A_55 : memref<8x2048xf32, #tpu.memory_space<hbm>>) target_semaphore(%arg20 : memref<!tpu.dma_semaphore, #tpu.memory_space<semaphore_mem>>)
      %ge3A_56 = arith.constant 1 : i32
      %ge3A_57 = arith.cmpi sge, %add3A_28, %ge3A_56 : i32
      %convert_element_type3A_58 = arith.extui %ge3A_57 : i1 to i32
      %cond3A_59 = arith.constant 0 : i32
      %cond3A_60 = arith.cmpi ne, %convert_element_type3A_58, %cond3A_59 : i32
      scf.if %cond3A_60 {
        %mul3A_128 = arith.constant 8 : i32
        %mul3A_129 = arith.muli %add3A_28, %mul3A_128 : i32
        %add3A_130 = arith.addi %mul3A_2, %mul3A_129 : i32
        %dma_wait3A_131 = arith.constant 2048 : i32
        %dma_wait3A_132 = tpu.memref_slice %arg8[%add3A_130, %dma_wait3A_131] : memref<4096x4096xf32, #tpu.memory_space<hbm>> -> memref<8x2048xf32, #tpu.memory_space<hbm>>
        %dma_wait3A_133 = arith.constant 2048 : i32
        %dma_wait3A_134 = tpu.memref_slice %arg8[%add3A_130, %dma_wait3A_133] : memref<4096x4096xf32, #tpu.memory_space<hbm>> -> memref<8x2048xf32, #tpu.memory_space<hbm>>
        tpu.wait_dma2 semaphore(%arg21 : memref<!tpu.dma_semaphore, #tpu.memory_space<semaphore_mem>>) src(%arg17 : memref<8x2048xf32, #tpu.memory_space<vmem>>) dst(%dma_wait3A_134 : memref<8x2048xf32, #tpu.memory_space<hbm>>)
      } else {
      }
      %parallel_loop3A_61 = arith.constant 128 : i32
      %parallel_loop3A_62 = arith.constant 256 : i32
      %parallel_loop3A_63 = arith.constant 1 : i32
      scf.for %parallel_loop3A_128 = %parallel_loop3A_61 to %parallel_loop3A_62 step %parallel_loop3A_63  : i32 {
        %parallel_loop3A_129 = arith.constant 16 : i32
        %parallel_loop3A_130 = arith.muli %parallel_loop3A_128, %parallel_loop3A_129 : i32
        %parallel_loop3A_131 = arith.index_cast %parallel_loop3A_130 : i32 to index
        %parallel_loop3A_132 = tpu.vector_load %arg9[%parallel_loop3A_131] {strides = array<i32>} : memref<4096xi32, #tpu.memory_space<vmem>>, vector<16xi32>,
        %parallel_loop3A_133 = arith.index_cast %parallel_loop3A_130 : i32 to index
        %parallel_loop3A_134 = tpu.vector_load %arg10[%parallel_loop3A_133] {strides = array<i32>} : memref<4096xi32, #tpu.memory_space<vmem>>, vector<16xi32>,
        %parallel_loop3A_135 = arith.index_cast %parallel_loop3A_130 : i32 to index
        %parallel_loop3A_136 = tpu.vector_load %arg12[%parallel_loop3A_135] {strides = array<i32>} : memref<16384xf32, #tpu.memory_space<vmem>>, vector<16xf32>,
        %parallel_loop3A_137 = arith.constant 4096 : i32
        %parallel_loop3A_138 = arith.addi %parallel_loop3A_137, %parallel_loop3A_130 : i32
        %parallel_loop3A_139 = arith.index_cast %parallel_loop3A_138 : i32 to index
        %parallel_loop3A_140 = tpu.vector_load %arg12[%parallel_loop3A_139] {strides = array<i32>} : memref<16384xf32, #tpu.memory_space<vmem>>, vector<16xf32>,
        %parallel_loop3A_141 = arith.constant 8192 : i32
        %parallel_loop3A_142 = arith.addi %parallel_loop3A_141, %parallel_loop3A_130 : i32
        %parallel_loop3A_143 = arith.index_cast %parallel_loop3A_142 : i32 to index
        %parallel_loop3A_144 = tpu.vector_load %arg12[%parallel_loop3A_143] {strides = array<i32>} : memref<16384xf32, #tpu.memory_space<vmem>>, vector<16xf32>,
        %parallel_loop3A_145 = arith.constant 12288 : i32
        %parallel_loop3A_146 = arith.addi %parallel_loop3A_145, %parallel_loop3A_130 : i32
        %parallel_loop3A_147 = arith.index_cast %parallel_loop3A_146 : i32 to index
        %parallel_loop3A_148 = tpu.vector_load %arg12[%parallel_loop3A_147] {strides = array<i32>} : memref<16384xf32, #tpu.memory_space<vmem>>, vector<16xf32>,
        %parallel_loop3A_149 = arith.constant 0 : i32
        %parallel_loop3A_150 = vector.broadcast %parallel_loop3A_149 : i32 to vector<16xi32>
        %parallel_loop3A_151 = arith.addi %parallel_loop3A_132, %parallel_loop3A_150 : vector<16xi32>
        %parallel_loop3A_152 = tpu.vector_load_idx %arg14[%parallel_loop3A_151] : memref<16896xf32, #tpu.memory_space<vmem>>[vector<16xi32>], vector<16xf32>,
        %parallel_loop3A_153 = arith.constant 0 : i32
        %parallel_loop3A_154 = vector.broadcast %parallel_loop3A_153 : i32 to vector<16xi32>
        %parallel_loop3A_155 = arith.addi %parallel_loop3A_134, %parallel_loop3A_154 : vector<16xi32>
        %parallel_loop3A_156 = tpu.vector_load_idx %arg14[%parallel_loop3A_155] : memref<16896xf32, #tpu.memory_space<vmem>>[vector<16xi32>], vector<16xf32>,
        %parallel_loop3A_157 = arith.mulf %parallel_loop3A_140, %parallel_loop3A_152 : vector<16xf32>
        %parallel_loop3A_158 = arith.addf %parallel_loop3A_136, %parallel_loop3A_157 : vector<16xf32>
        %parallel_loop3A_159 = arith.mulf %parallel_loop3A_144, %parallel_loop3A_156 : vector<16xf32>
        %parallel_loop3A_160 = arith.addf %parallel_loop3A_158, %parallel_loop3A_159 : vector<16xf32>
        %parallel_loop3A_161 = arith.mulf %parallel_loop3A_152, %parallel_loop3A_156 : vector<16xf32>
        %parallel_loop3A_162 = arith.mulf %parallel_loop3A_148, %parallel_loop3A_161 : vector<16xf32>
        %parallel_loop3A_163 = arith.addf %parallel_loop3A_160, %parallel_loop3A_162 : vector<16xf32>
        %parallel_loop3A_164 = arith.constant 2048 : i32
        %parallel_loop3A_165 = arith.subi %parallel_loop3A_130, %parallel_loop3A_164 : i32
        %parallel_loop3A_166 = arith.constant 0 : i32
        %parallel_loop3A_167 = arith.index_cast %parallel_loop3A_166 : i32 to index
        %parallel_loop3A_168 = arith.index_cast %parallel_loop3A_165 : i32 to index
        %parallel_loop3A_169 = tpu.vector_load %arg17[%parallel_loop3A_167, %parallel_loop3A_168] {strides = array<i32>} : memref<8x2048xf32, #tpu.memory_space<vmem>>, vector<16xf32>,
        tpu.vector_store %arg17[%parallel_loop3A_167, %parallel_loop3A_168], %parallel_loop3A_163 {strides = array<i32>} : memref<8x2048xf32, #tpu.memory_space<vmem>>, vector<16xf32>,
        %parallel_loop3A_170 = arith.constant 2112 : i32
        %parallel_loop3A_171 = vector.broadcast %parallel_loop3A_170 : i32 to vector<16xi32>
        %parallel_loop3A_172 = arith.addi %parallel_loop3A_132, %parallel_loop3A_171 : vector<16xi32>
        %parallel_loop3A_173 = tpu.vector_load_idx %arg14[%parallel_loop3A_172] : memref<16896xf32, #tpu.memory_space<vmem>>[vector<16xi32>], vector<16xf32>,
        %parallel_loop3A_174 = arith.constant 2112 : i32
        %parallel_loop3A_175 = vector.broadcast %parallel_loop3A_174 : i32 to vector<16xi32>
        %parallel_loop3A_176 = arith.addi %parallel_loop3A_134, %parallel_loop3A_175 : vector<16xi32>
        %parallel_loop3A_177 = tpu.vector_load_idx %arg14[%parallel_loop3A_176] : memref<16896xf32, #tpu.memory_space<vmem>>[vector<16xi32>], vector<16xf32>,
        %parallel_loop3A_178 = arith.mulf %parallel_loop3A_140, %parallel_loop3A_173 : vector<16xf32>
        %parallel_loop3A_179 = arith.addf %parallel_loop3A_136, %parallel_loop3A_178 : vector<16xf32>
        %parallel_loop3A_180 = arith.mulf %parallel_loop3A_144, %parallel_loop3A_177 : vector<16xf32>
        %parallel_loop3A_181 = arith.addf %parallel_loop3A_179, %parallel_loop3A_180 : vector<16xf32>
        %parallel_loop3A_182 = arith.mulf %parallel_loop3A_173, %parallel_loop3A_177 : vector<16xf32>
        %parallel_loop3A_183 = arith.mulf %parallel_loop3A_148, %parallel_loop3A_182 : vector<16xf32>
        %parallel_loop3A_184 = arith.addf %parallel_loop3A_181, %parallel_loop3A_183 : vector<16xf32>
        %parallel_loop3A_185 = arith.constant 2048 : i32
        %parallel_loop3A_186 = arith.subi %parallel_loop3A_130, %parallel_loop3A_185 : i32
        %parallel_loop3A_187 = arith.constant 1 : i32
        %parallel_loop3A_188 = arith.index_cast %parallel_loop3A_187 : i32 to index
        %parallel_loop3A_189 = arith.index_cast %parallel_loop3A_186 : i32 to index
        %parallel_loop3A_190 = tpu.vector_load %arg17[%parallel_loop3A_188, %parallel_loop3A_189] {strides = array<i32>} : memref<8x2048xf32, #tpu.memory_space<vmem>>, vector<16xf32>,
        tpu.vector_store %arg17[%parallel_loop3A_188, %parallel_loop3A_189], %parallel_loop3A_184 {strides = array<i32>} : memref<8x2048xf32, #tpu.memory_space<vmem>>, vector<16xf32>,
        %parallel_loop3A_191 = arith.constant 4224 : i32
        %parallel_loop3A_192 = vector.broadcast %parallel_loop3A_191 : i32 to vector<16xi32>
        %parallel_loop3A_193 = arith.addi %parallel_loop3A_132, %parallel_loop3A_192 : vector<16xi32>
        %parallel_loop3A_194 = tpu.vector_load_idx %arg14[%parallel_loop3A_193] : memref<16896xf32, #tpu.memory_space<vmem>>[vector<16xi32>], vector<16xf32>,
        %parallel_loop3A_195 = arith.constant 4224 : i32
        %parallel_loop3A_196 = vector.broadcast %parallel_loop3A_195 : i32 to vector<16xi32>
        %parallel_loop3A_197 = arith.addi %parallel_loop3A_134, %parallel_loop3A_196 : vector<16xi32>
        %parallel_loop3A_198 = tpu.vector_load_idx %arg14[%parallel_loop3A_197] : memref<16896xf32, #tpu.memory_space<vmem>>[vector<16xi32>], vector<16xf32>,
        %parallel_loop3A_199 = arith.mulf %parallel_loop3A_140, %parallel_loop3A_194 : vector<16xf32>
        %parallel_loop3A_200 = arith.addf %parallel_loop3A_136, %parallel_loop3A_199 : vector<16xf32>
        %parallel_loop3A_201 = arith.mulf %parallel_loop3A_144, %parallel_loop3A_198 : vector<16xf32>
        %parallel_loop3A_202 = arith.addf %parallel_loop3A_200, %parallel_loop3A_201 : vector<16xf32>
        %parallel_loop3A_203 = arith.mulf %parallel_loop3A_194, %parallel_loop3A_198 : vector<16xf32>
        %parallel_loop3A_204 = arith.mulf %parallel_loop3A_148, %parallel_loop3A_203 : vector<16xf32>
        %parallel_loop3A_205 = arith.addf %parallel_loop3A_202, %parallel_loop3A_204 : vector<16xf32>
        %parallel_loop3A_206 = arith.constant 2048 : i32
        %parallel_loop3A_207 = arith.subi %parallel_loop3A_130, %parallel_loop3A_206 : i32
        %parallel_loop3A_208 = arith.constant 2 : i32
        %parallel_loop3A_209 = arith.index_cast %parallel_loop3A_208 : i32 to index
        %parallel_loop3A_210 = arith.index_cast %parallel_loop3A_207 : i32 to index
        %parallel_loop3A_211 = tpu.vector_load %arg17[%parallel_loop3A_209, %parallel_loop3A_210] {strides = array<i32>} : memref<8x2048xf32, #tpu.memory_space<vmem>>, vector<16xf32>,
        tpu.vector_store %arg17[%parallel_loop3A_209, %parallel_loop3A_210], %parallel_loop3A_205 {strides = array<i32>} : memref<8x2048xf32, #tpu.memory_space<vmem>>, vector<16xf32>,
        %parallel_loop3A_212 = arith.constant 6336 : i32
        %parallel_loop3A_213 = vector.broadcast %parallel_loop3A_212 : i32 to vector<16xi32>
        %parallel_loop3A_214 = arith.addi %parallel_loop3A_132, %parallel_loop3A_213 : vector<16xi32>
        %parallel_loop3A_215 = tpu.vector_load_idx %arg14[%parallel_loop3A_214] : memref<16896xf32, #tpu.memory_space<vmem>>[vector<16xi32>], vector<16xf32>,
        %parallel_loop3A_216 = arith.constant 6336 : i32
        %parallel_loop3A_217 = vector.broadcast %parallel_loop3A_216 : i32 to vector<16xi32>
        %parallel_loop3A_218 = arith.addi %parallel_loop3A_134, %parallel_loop3A_217 : vector<16xi32>
        %parallel_loop3A_219 = tpu.vector_load_idx %arg14[%parallel_loop3A_218] : memref<16896xf32, #tpu.memory_space<vmem>>[vector<16xi32>], vector<16xf32>,
        %parallel_loop3A_220 = arith.mulf %parallel_loop3A_140, %parallel_loop3A_215 : vector<16xf32>
        %parallel_loop3A_221 = arith.addf %parallel_loop3A_136, %parallel_loop3A_220 : vector<16xf32>
        %parallel_loop3A_222 = arith.mulf %parallel_loop3A_144, %parallel_loop3A_219 : vector<16xf32>
        %parallel_loop3A_223 = arith.addf %parallel_loop3A_221, %parallel_loop3A_222 : vector<16xf32>
        %parallel_loop3A_224 = arith.mulf %parallel_loop3A_215, %parallel_loop3A_219 : vector<16xf32>
        %parallel_loop3A_225 = arith.mulf %parallel_loop3A_148, %parallel_loop3A_224 : vector<16xf32>
        %parallel_loop3A_226 = arith.addf %parallel_loop3A_223, %parallel_loop3A_225 : vector<16xf32>
        %parallel_loop3A_227 = arith.constant 2048 : i32
        %parallel_loop3A_228 = arith.subi %parallel_loop3A_130, %parallel_loop3A_227 : i32
        %parallel_loop3A_229 = arith.constant 3 : i32
        %parallel_loop3A_230 = arith.index_cast %parallel_loop3A_229 : i32 to index
        %parallel_loop3A_231 = arith.index_cast %parallel_loop3A_228 : i32 to index
        %parallel_loop3A_232 = tpu.vector_load %arg17[%parallel_loop3A_230, %parallel_loop3A_231] {strides = array<i32>} : memref<8x2048xf32, #tpu.memory_space<vmem>>, vector<16xf32>,
        tpu.vector_store %arg17[%parallel_loop3A_230, %parallel_loop3A_231], %parallel_loop3A_226 {strides = array<i32>} : memref<8x2048xf32, #tpu.memory_space<vmem>>, vector<16xf32>,
      } {sc.loop_unroll_factor = 1 : i64, sc.parallel_access}
      %parallel_loop3A_64 = arith.constant 128 : i32
      %parallel_loop3A_65 = arith.constant 256 : i32
      %parallel_loop3A_66 = arith.constant 1 : i32
      scf.for %parallel_loop3A_128 = %parallel_loop3A_64 to %parallel_loop3A_65 step %parallel_loop3A_66  : i32 {
        %parallel_loop3A_129 = arith.constant 16 : i32
        %parallel_loop3A_130 = arith.muli %parallel_loop3A_128, %parallel_loop3A_129 : i32
        %parallel_loop3A_131 = arith.index_cast %parallel_loop3A_130 : i32 to index
        %parallel_loop3A_132 = tpu.vector_load %arg9[%parallel_loop3A_131] {strides = array<i32>} : memref<4096xi32, #tpu.memory_space<vmem>>, vector<16xi32>,
        %parallel_loop3A_133 = arith.index_cast %parallel_loop3A_130 : i32 to index
        %parallel_loop3A_134 = tpu.vector_load %arg10[%parallel_loop3A_133] {strides = array<i32>} : memref<4096xi32, #tpu.memory_space<vmem>>, vector<16xi32>,
        %parallel_loop3A_135 = arith.index_cast %parallel_loop3A_130 : i32 to index
        %parallel_loop3A_136 = tpu.vector_load %arg12[%parallel_loop3A_135] {strides = array<i32>} : memref<16384xf32, #tpu.memory_space<vmem>>, vector<16xf32>,
        %parallel_loop3A_137 = arith.constant 4096 : i32
        %parallel_loop3A_138 = arith.addi %parallel_loop3A_137, %parallel_loop3A_130 : i32
        %parallel_loop3A_139 = arith.index_cast %parallel_loop3A_138 : i32 to index
        %parallel_loop3A_140 = tpu.vector_load %arg12[%parallel_loop3A_139] {strides = array<i32>} : memref<16384xf32, #tpu.memory_space<vmem>>, vector<16xf32>,
        %parallel_loop3A_141 = arith.constant 8192 : i32
        %parallel_loop3A_142 = arith.addi %parallel_loop3A_141, %parallel_loop3A_130 : i32
        %parallel_loop3A_143 = arith.index_cast %parallel_loop3A_142 : i32 to index
        %parallel_loop3A_144 = tpu.vector_load %arg12[%parallel_loop3A_143] {strides = array<i32>} : memref<16384xf32, #tpu.memory_space<vmem>>, vector<16xf32>,
        %parallel_loop3A_145 = arith.constant 12288 : i32
        %parallel_loop3A_146 = arith.addi %parallel_loop3A_145, %parallel_loop3A_130 : i32
        %parallel_loop3A_147 = arith.index_cast %parallel_loop3A_146 : i32 to index
        %parallel_loop3A_148 = tpu.vector_load %arg12[%parallel_loop3A_147] {strides = array<i32>} : memref<16384xf32, #tpu.memory_space<vmem>>, vector<16xf32>,
        %parallel_loop3A_149 = arith.constant 8448 : i32
        %parallel_loop3A_150 = vector.broadcast %parallel_loop3A_149 : i32 to vector<16xi32>
        %parallel_loop3A_151 = arith.addi %parallel_loop3A_132, %parallel_loop3A_150 : vector<16xi32>
        %parallel_loop3A_152 = tpu.vector_load_idx %arg14[%parallel_loop3A_151] : memref<16896xf32, #tpu.memory_space<vmem>>[vector<16xi32>], vector<16xf32>,
        %parallel_loop3A_153 = arith.constant 8448 : i32
        %parallel_loop3A_154 = vector.broadcast %parallel_loop3A_153 : i32 to vector<16xi32>
        %parallel_loop3A_155 = arith.addi %parallel_loop3A_134, %parallel_loop3A_154 : vector<16xi32>
        %parallel_loop3A_156 = tpu.vector_load_idx %arg14[%parallel_loop3A_155] : memref<16896xf32, #tpu.memory_space<vmem>>[vector<16xi32>], vector<16xf32>,
        %parallel_loop3A_157 = arith.mulf %parallel_loop3A_140, %parallel_loop3A_152 : vector<16xf32>
        %parallel_loop3A_158 = arith.addf %parallel_loop3A_136, %parallel_loop3A_157 : vector<16xf32>
        %parallel_loop3A_159 = arith.mulf %parallel_loop3A_144, %parallel_loop3A_156 : vector<16xf32>
        %parallel_loop3A_160 = arith.addf %parallel_loop3A_158, %parallel_loop3A_159 : vector<16xf32>
        %parallel_loop3A_161 = arith.mulf %parallel_loop3A_152, %parallel_loop3A_156 : vector<16xf32>
        %parallel_loop3A_162 = arith.mulf %parallel_loop3A_148, %parallel_loop3A_161 : vector<16xf32>
        %parallel_loop3A_163 = arith.addf %parallel_loop3A_160, %parallel_loop3A_162 : vector<16xf32>
        %parallel_loop3A_164 = arith.constant 2048 : i32
        %parallel_loop3A_165 = arith.subi %parallel_loop3A_130, %parallel_loop3A_164 : i32
        %parallel_loop3A_166 = arith.constant 4 : i32
        %parallel_loop3A_167 = arith.index_cast %parallel_loop3A_166 : i32 to index
        %parallel_loop3A_168 = arith.index_cast %parallel_loop3A_165 : i32 to index
        %parallel_loop3A_169 = tpu.vector_load %arg17[%parallel_loop3A_167, %parallel_loop3A_168] {strides = array<i32>} : memref<8x2048xf32, #tpu.memory_space<vmem>>, vector<16xf32>,
        tpu.vector_store %arg17[%parallel_loop3A_167, %parallel_loop3A_168], %parallel_loop3A_163 {strides = array<i32>} : memref<8x2048xf32, #tpu.memory_space<vmem>>, vector<16xf32>,
        %parallel_loop3A_170 = arith.constant 10560 : i32
        %parallel_loop3A_171 = vector.broadcast %parallel_loop3A_170 : i32 to vector<16xi32>
        %parallel_loop3A_172 = arith.addi %parallel_loop3A_132, %parallel_loop3A_171 : vector<16xi32>
        %parallel_loop3A_173 = tpu.vector_load_idx %arg14[%parallel_loop3A_172] : memref<16896xf32, #tpu.memory_space<vmem>>[vector<16xi32>], vector<16xf32>,
        %parallel_loop3A_174 = arith.constant 10560 : i32
        %parallel_loop3A_175 = vector.broadcast %parallel_loop3A_174 : i32 to vector<16xi32>
        %parallel_loop3A_176 = arith.addi %parallel_loop3A_134, %parallel_loop3A_175 : vector<16xi32>
        %parallel_loop3A_177 = tpu.vector_load_idx %arg14[%parallel_loop3A_176] : memref<16896xf32, #tpu.memory_space<vmem>>[vector<16xi32>], vector<16xf32>,
        %parallel_loop3A_178 = arith.mulf %parallel_loop3A_140, %parallel_loop3A_173 : vector<16xf32>
        %parallel_loop3A_179 = arith.addf %parallel_loop3A_136, %parallel_loop3A_178 : vector<16xf32>
        %parallel_loop3A_180 = arith.mulf %parallel_loop3A_144, %parallel_loop3A_177 : vector<16xf32>
        %parallel_loop3A_181 = arith.addf %parallel_loop3A_179, %parallel_loop3A_180 : vector<16xf32>
        %parallel_loop3A_182 = arith.mulf %parallel_loop3A_173, %parallel_loop3A_177 : vector<16xf32>
        %parallel_loop3A_183 = arith.mulf %parallel_loop3A_148, %parallel_loop3A_182 : vector<16xf32>
        %parallel_loop3A_184 = arith.addf %parallel_loop3A_181, %parallel_loop3A_183 : vector<16xf32>
        %parallel_loop3A_185 = arith.constant 2048 : i32
        %parallel_loop3A_186 = arith.subi %parallel_loop3A_130, %parallel_loop3A_185 : i32
        %parallel_loop3A_187 = arith.constant 5 : i32
        %parallel_loop3A_188 = arith.index_cast %parallel_loop3A_187 : i32 to index
        %parallel_loop3A_189 = arith.index_cast %parallel_loop3A_186 : i32 to index
        %parallel_loop3A_190 = tpu.vector_load %arg17[%parallel_loop3A_188, %parallel_loop3A_189] {strides = array<i32>} : memref<8x2048xf32, #tpu.memory_space<vmem>>, vector<16xf32>,
        tpu.vector_store %arg17[%parallel_loop3A_188, %parallel_loop3A_189], %parallel_loop3A_184 {strides = array<i32>} : memref<8x2048xf32, #tpu.memory_space<vmem>>, vector<16xf32>,
        %parallel_loop3A_191 = arith.constant 12672 : i32
        %parallel_loop3A_192 = vector.broadcast %parallel_loop3A_191 : i32 to vector<16xi32>
        %parallel_loop3A_193 = arith.addi %parallel_loop3A_132, %parallel_loop3A_192 : vector<16xi32>
        %parallel_loop3A_194 = tpu.vector_load_idx %arg14[%parallel_loop3A_193] : memref<16896xf32, #tpu.memory_space<vmem>>[vector<16xi32>], vector<16xf32>,
        %parallel_loop3A_195 = arith.constant 12672 : i32
        %parallel_loop3A_196 = vector.broadcast %parallel_loop3A_195 : i32 to vector<16xi32>
        %parallel_loop3A_197 = arith.addi %parallel_loop3A_134, %parallel_loop3A_196 : vector<16xi32>
        %parallel_loop3A_198 = tpu.vector_load_idx %arg14[%parallel_loop3A_197] : memref<16896xf32, #tpu.memory_space<vmem>>[vector<16xi32>], vector<16xf32>,
        %parallel_loop3A_199 = arith.mulf %parallel_loop3A_140, %parallel_loop3A_194 : vector<16xf32>
        %parallel_loop3A_200 = arith.addf %parallel_loop3A_136, %parallel_loop3A_199 : vector<16xf32>
        %parallel_loop3A_201 = arith.mulf %parallel_loop3A_144, %parallel_loop3A_198 : vector<16xf32>
        %parallel_loop3A_202 = arith.addf %parallel_loop3A_200, %parallel_loop3A_201 : vector<16xf32>
        %parallel_loop3A_203 = arith.mulf %parallel_loop3A_194, %parallel_loop3A_198 : vector<16xf32>
        %parallel_loop3A_204 = arith.mulf %parallel_loop3A_148, %parallel_loop3A_203 : vector<16xf32>
        %parallel_loop3A_205 = arith.addf %parallel_loop3A_202, %parallel_loop3A_204 : vector<16xf32>
        %parallel_loop3A_206 = arith.constant 2048 : i32
        %parallel_loop3A_207 = arith.subi %parallel_loop3A_130, %parallel_loop3A_206 : i32
        %parallel_loop3A_208 = arith.constant 6 : i32
        %parallel_loop3A_209 = arith.index_cast %parallel_loop3A_208 : i32 to index
        %parallel_loop3A_210 = arith.index_cast %parallel_loop3A_207 : i32 to index
        %parallel_loop3A_211 = tpu.vector_load %arg17[%parallel_loop3A_209, %parallel_loop3A_210] {strides = array<i32>} : memref<8x2048xf32, #tpu.memory_space<vmem>>, vector<16xf32>,
        tpu.vector_store %arg17[%parallel_loop3A_209, %parallel_loop3A_210], %parallel_loop3A_205 {strides = array<i32>} : memref<8x2048xf32, #tpu.memory_space<vmem>>, vector<16xf32>,
        %parallel_loop3A_212 = arith.constant 14784 : i32
        %parallel_loop3A_213 = vector.broadcast %parallel_loop3A_212 : i32 to vector<16xi32>
        %parallel_loop3A_214 = arith.addi %parallel_loop3A_132, %parallel_loop3A_213 : vector<16xi32>
        %parallel_loop3A_215 = tpu.vector_load_idx %arg14[%parallel_loop3A_214] : memref<16896xf32, #tpu.memory_space<vmem>>[vector<16xi32>], vector<16xf32>,
        %parallel_loop3A_216 = arith.constant 14784 : i32
        %parallel_loop3A_217 = vector.broadcast %parallel_loop3A_216 : i32 to vector<16xi32>
        %parallel_loop3A_218 = arith.addi %parallel_loop3A_134, %parallel_loop3A_217 : vector<16xi32>
        %parallel_loop3A_219 = tpu.vector_load_idx %arg14[%parallel_loop3A_218] : memref<16896xf32, #tpu.memory_space<vmem>>[vector<16xi32>], vector<16xf32>,
        %parallel_loop3A_220 = arith.mulf %parallel_loop3A_140, %parallel_loop3A_215 : vector<16xf32>
        %parallel_loop3A_221 = arith.addf %parallel_loop3A_136, %parallel_loop3A_220 : vector<16xf32>
        %parallel_loop3A_222 = arith.mulf %parallel_loop3A_144, %parallel_loop3A_219 : vector<16xf32>
        %parallel_loop3A_223 = arith.addf %parallel_loop3A_221, %parallel_loop3A_222 : vector<16xf32>
        %parallel_loop3A_224 = arith.mulf %parallel_loop3A_215, %parallel_loop3A_219 : vector<16xf32>
        %parallel_loop3A_225 = arith.mulf %parallel_loop3A_148, %parallel_loop3A_224 : vector<16xf32>
        %parallel_loop3A_226 = arith.addf %parallel_loop3A_223, %parallel_loop3A_225 : vector<16xf32>
        %parallel_loop3A_227 = arith.constant 2048 : i32
        %parallel_loop3A_228 = arith.subi %parallel_loop3A_130, %parallel_loop3A_227 : i32
        %parallel_loop3A_229 = arith.constant 7 : i32
        %parallel_loop3A_230 = arith.index_cast %parallel_loop3A_229 : i32 to index
        %parallel_loop3A_231 = arith.index_cast %parallel_loop3A_228 : i32 to index
        %parallel_loop3A_232 = tpu.vector_load %arg17[%parallel_loop3A_230, %parallel_loop3A_231] {strides = array<i32>} : memref<8x2048xf32, #tpu.memory_space<vmem>>, vector<16xf32>,
        tpu.vector_store %arg17[%parallel_loop3A_230, %parallel_loop3A_231], %parallel_loop3A_226 {strides = array<i32>} : memref<8x2048xf32, #tpu.memory_space<vmem>>, vector<16xf32>,
      } {sc.loop_unroll_factor = 1 : i64, sc.parallel_access}
      %mul3A_67 = arith.constant 8 : i32
      %mul3A_68 = arith.muli %add3A_28, %mul3A_67 : i32
      %add3A_69 = arith.addi %mul3A_2, %mul3A_68 : i32
      %dma_start3A_70 = arith.constant 2048 : i32
      %dma_start3A_71 = tpu.memref_slice %arg8[%add3A_69, %dma_start3A_70] : memref<4096x4096xf32, #tpu.memory_space<hbm>> -> memref<8x2048xf32, #tpu.memory_space<hbm>>
      %dma_start3A_72 = arith.constant 2048 : i32
      %dma_start3A_73 = tpu.memref_slice %arg8[%add3A_69, %dma_start3A_72] : memref<4096x4096xf32, #tpu.memory_space<hbm>> -> memref<8x2048xf32, #tpu.memory_space<hbm>>
      tpu.enqueue_dma source(%arg17 : memref<8x2048xf32, #tpu.memory_space<vmem>>) target(%dma_start3A_73 : memref<8x2048xf32, #tpu.memory_space<hbm>>) target_semaphore(%arg21 : memref<!tpu.dma_semaphore, #tpu.memory_space<semaphore_mem>>)
      %mul3A_74 = arith.constant 2 : i32
      %mul3A_75 = arith.muli %mul3A_74, %scan3A_24 : i32
      %add3A_76 = arith.constant 1 : i32
      %add3A_77 = arith.addi %mul3A_75, %add3A_76 : i32
      %add3A_78 = arith.constant 1 : i32
      %add3A_79 = arith.addi %add3A_77, %add3A_78 : i32
      %lt3A_80 = arith.constant 16 : i32
      %lt3A_81 = arith.cmpi slt, %add3A_79, %lt3A_80 : i32
      %convert_element_type3A_82 = arith.extui %lt3A_81 : i1 to i32
      %cond3A_83 = arith.constant 0 : i32
      %cond3A_84 = arith.cmpi ne, %convert_element_type3A_82, %cond3A_83 : i32
      scf.if %cond3A_84 {
        %add3A_128 = arith.constant 1 : i32
        %add3A_129 = arith.addi %add3A_77, %add3A_128 : i32
        %mul3A_130 = arith.constant 8 : i32
        %mul3A_131 = arith.muli %add3A_129, %mul3A_130 : i32
        %add3A_132 = arith.addi %mul3A_2, %mul3A_131 : i32
        %mul3A_133 = arith.constant 2112 : i32
        %mul3A_134 = arith.muli %add3A_132, %mul3A_133 : i32
        %dma_start3A_135 = tpu.memref_slice %arg2[%mul3A_134] : memref<8650752xf32, #tpu.memory_space<hbm>> -> memref<16896xf32, #tpu.memory_space<hbm>>
        %dma_start3A_136 = tpu.memref_slice %arg2[%mul3A_134] : memref<8650752xf32, #tpu.memory_space<hbm>> -> memref<16896xf32, #tpu.memory_space<hbm>>
        tpu.enqueue_dma source(%dma_start3A_136 : memref<16896xf32, #tpu.memory_space<hbm>>) target(%arg14 : memref<16896xf32, #tpu.memory_space<vmem>>) target_semaphore(%arg18 : memref<!tpu.dma_semaphore, #tpu.memory_space<semaphore_mem>>)
      } else {
      }
      %mul3A_85 = arith.constant 8 : i32
      %mul3A_86 = arith.muli %add3A_77, %mul3A_85 : i32
      %add3A_87 = arith.addi %mul3A_2, %mul3A_86 : i32
      %mul3A_88 = arith.constant 2112 : i32
      %mul3A_89 = arith.muli %add3A_87, %mul3A_88 : i32
      %dma_wait3A_90 = tpu.memref_slice %arg2[%mul3A_89] : memref<8650752xf32, #tpu.memory_space<hbm>> -> memref<16896xf32, #tpu.memory_space<hbm>>
      %dma_wait3A_91 = tpu.memref_slice %arg2[%mul3A_89] : memref<8650752xf32, #tpu.memory_space<hbm>> -> memref<16896xf32, #tpu.memory_space<hbm>>
      tpu.wait_dma2 semaphore(%arg19 : memref<!tpu.dma_semaphore, #tpu.memory_space<semaphore_mem>>) src(%dma_wait3A_91 : memref<16896xf32, #tpu.memory_space<hbm>>) dst(%arg15 : memref<16896xf32, #tpu.memory_space<vmem>>)
      %ge3A_92 = arith.constant 1 : i32
      %ge3A_93 = arith.cmpi sge, %add3A_77, %ge3A_92 : i32
      %convert_element_type3A_94 = arith.extui %ge3A_93 : i1 to i32
      %cond3A_95 = arith.constant 0 : i32
      %cond3A_96 = arith.cmpi ne, %convert_element_type3A_94, %cond3A_95 : i32
      scf.if %cond3A_96 {
        %mul3A_128 = arith.constant 8 : i32
        %mul3A_129 = arith.muli %add3A_77, %mul3A_128 : i32
        %add3A_130 = arith.addi %mul3A_2, %mul3A_129 : i32
        %dma_wait3A_131 = arith.constant 0 : i32
        %dma_wait3A_132 = tpu.memref_slice %arg8[%add3A_130, %dma_wait3A_131] : memref<4096x4096xf32, #tpu.memory_space<hbm>> -> memref<8x2048xf32, #tpu.memory_space<hbm>>
        %dma_wait3A_133 = arith.constant 0 : i32
        %dma_wait3A_134 = tpu.memref_slice %arg8[%add3A_130, %dma_wait3A_133] : memref<4096x4096xf32, #tpu.memory_space<hbm>> -> memref<8x2048xf32, #tpu.memory_space<hbm>>
        tpu.wait_dma2 semaphore(%arg20 : memref<!tpu.dma_semaphore, #tpu.memory_space<semaphore_mem>>) src(%arg16 : memref<8x2048xf32, #tpu.memory_space<vmem>>) dst(%dma_wait3A_134 : memref<8x2048xf32, #tpu.memory_space<hbm>>)
      } else {
      }
      %parallel_loop3A_97 = arith.constant 0 : i32
      %parallel_loop3A_98 = arith.constant 128 : i32
      %parallel_loop3A_99 = arith.constant 1 : i32
      scf.for %parallel_loop3A_128 = %parallel_loop3A_97 to %parallel_loop3A_98 step %parallel_loop3A_99  : i32 {
        %parallel_loop3A_129 = arith.constant 16 : i32
        %parallel_loop3A_130 = arith.muli %parallel_loop3A_128, %parallel_loop3A_129 : i32
        %parallel_loop3A_131 = arith.index_cast %parallel_loop3A_130 : i32 to index
        %parallel_loop3A_132 = tpu.vector_load %arg9[%parallel_loop3A_131] {strides = array<i32>} : memref<4096xi32, #tpu.memory_space<vmem>>, vector<16xi32>,
        %parallel_loop3A_133 = arith.index_cast %parallel_loop3A_130 : i32 to index
        %parallel_loop3A_134 = tpu.vector_load %arg10[%parallel_loop3A_133] {strides = array<i32>} : memref<4096xi32, #tpu.memory_space<vmem>>, vector<16xi32>,
        %parallel_loop3A_135 = arith.index_cast %parallel_loop3A_130 : i32 to index
        %parallel_loop3A_136 = tpu.vector_load %arg11[%parallel_loop3A_135] {strides = array<i32>} : memref<2048xi32, #tpu.memory_space<vmem>>, vector<16xi32>,
        %parallel_loop3A_137 = arith.index_cast %parallel_loop3A_130 : i32 to index
        %parallel_loop3A_138 = tpu.vector_load %arg12[%parallel_loop3A_137] {strides = array<i32>} : memref<16384xf32, #tpu.memory_space<vmem>>, vector<16xf32>,
        %parallel_loop3A_139 = arith.constant 4096 : i32
        %parallel_loop3A_140 = arith.addi %parallel_loop3A_139, %parallel_loop3A_130 : i32
        %parallel_loop3A_141 = arith.index_cast %parallel_loop3A_140 : i32 to index
        %parallel_loop3A_142 = tpu.vector_load %arg12[%parallel_loop3A_141] {strides = array<i32>} : memref<16384xf32, #tpu.memory_space<vmem>>, vector<16xf32>,
        %parallel_loop3A_143 = arith.constant 8192 : i32
        %parallel_loop3A_144 = arith.addi %parallel_loop3A_143, %parallel_loop3A_130 : i32
        %parallel_loop3A_145 = arith.index_cast %parallel_loop3A_144 : i32 to index
        %parallel_loop3A_146 = tpu.vector_load %arg12[%parallel_loop3A_145] {strides = array<i32>} : memref<16384xf32, #tpu.memory_space<vmem>>, vector<16xf32>,
        %parallel_loop3A_147 = arith.constant 12288 : i32
        %parallel_loop3A_148 = arith.addi %parallel_loop3A_147, %parallel_loop3A_130 : i32
        %parallel_loop3A_149 = arith.index_cast %parallel_loop3A_148 : i32 to index
        %parallel_loop3A_150 = tpu.vector_load %arg12[%parallel_loop3A_149] {strides = array<i32>} : memref<16384xf32, #tpu.memory_space<vmem>>, vector<16xf32>,
        %parallel_loop3A_151 = arith.index_cast %parallel_loop3A_130 : i32 to index
        %parallel_loop3A_152 = tpu.vector_load %arg13[%parallel_loop3A_151] {strides = array<i32>} : memref<8192xf32, #tpu.memory_space<vmem>>, vector<16xf32>,
        %parallel_loop3A_153 = arith.constant 2048 : i32
        %parallel_loop3A_154 = arith.addi %parallel_loop3A_153, %parallel_loop3A_130 : i32
        %parallel_loop3A_155 = arith.index_cast %parallel_loop3A_154 : i32 to index
        %parallel_loop3A_156 = tpu.vector_load %arg13[%parallel_loop3A_155] {strides = array<i32>} : memref<8192xf32, #tpu.memory_space<vmem>>, vector<16xf32>,
        %parallel_loop3A_157 = arith.constant 4096 : i32
        %parallel_loop3A_158 = arith.addi %parallel_loop3A_157, %parallel_loop3A_130 : i32
        %parallel_loop3A_159 = arith.index_cast %parallel_loop3A_158 : i32 to index
        %parallel_loop3A_160 = tpu.vector_load %arg13[%parallel_loop3A_159] {strides = array<i32>} : memref<8192xf32, #tpu.memory_space<vmem>>, vector<16xf32>,
        %parallel_loop3A_161 = arith.constant 6144 : i32
        %parallel_loop3A_162 = arith.addi %parallel_loop3A_161, %parallel_loop3A_130 : i32
        %parallel_loop3A_163 = arith.index_cast %parallel_loop3A_162 : i32 to index
        %parallel_loop3A_164 = tpu.vector_load %arg13[%parallel_loop3A_163] {strides = array<i32>} : memref<8192xf32, #tpu.memory_space<vmem>>, vector<16xf32>,
        %parallel_loop3A_165 = arith.constant 0 : i32
        %parallel_loop3A_166 = vector.broadcast %parallel_loop3A_165 : i32 to vector<16xi32>
        %parallel_loop3A_167 = arith.addi %parallel_loop3A_132, %parallel_loop3A_166 : vector<16xi32>
        %parallel_loop3A_168 = tpu.vector_load_idx %arg15[%parallel_loop3A_167] : memref<16896xf32, #tpu.memory_space<vmem>>[vector<16xi32>], vector<16xf32>,
        %parallel_loop3A_169 = arith.constant 0 : i32
        %parallel_loop3A_170 = vector.broadcast %parallel_loop3A_169 : i32 to vector<16xi32>
        %parallel_loop3A_171 = arith.addi %parallel_loop3A_134, %parallel_loop3A_170 : vector<16xi32>
        %parallel_loop3A_172 = tpu.vector_load_idx %arg15[%parallel_loop3A_171] : memref<16896xf32, #tpu.memory_space<vmem>>[vector<16xi32>], vector<16xf32>,
        %parallel_loop3A_173 = arith.constant 2048 : i32
        %parallel_loop3A_174 = vector.broadcast %parallel_loop3A_173 : i32 to vector<16xi32>
        %parallel_loop3A_175 = arith.addi %parallel_loop3A_136, %parallel_loop3A_174 : vector<16xi32>
        %parallel_loop3A_176 = tpu.vector_load_idx %arg15[%parallel_loop3A_175] : memref<16896xf32, #tpu.memory_space<vmem>>[vector<16xi32>], vector<16xf32>,
        %parallel_loop3A_177 = arith.mulf %parallel_loop3A_168, %parallel_loop3A_172 : vector<16xf32>
        %parallel_loop3A_178 = arith.mulf %parallel_loop3A_142, %parallel_loop3A_168 : vector<16xf32>
        %parallel_loop3A_179 = arith.addf %parallel_loop3A_138, %parallel_loop3A_178 : vector<16xf32>
        %parallel_loop3A_180 = arith.mulf %parallel_loop3A_146, %parallel_loop3A_172 : vector<16xf32>
        %parallel_loop3A_181 = arith.addf %parallel_loop3A_179, %parallel_loop3A_180 : vector<16xf32>
        %parallel_loop3A_182 = arith.mulf %parallel_loop3A_150, %parallel_loop3A_177 : vector<16xf32>
        %parallel_loop3A_183 = arith.addf %parallel_loop3A_181, %parallel_loop3A_182 : vector<16xf32>
        %parallel_loop3A_184 = arith.mulf %parallel_loop3A_156, %parallel_loop3A_168 : vector<16xf32>
        %parallel_loop3A_185 = arith.addf %parallel_loop3A_152, %parallel_loop3A_184 : vector<16xf32>
        %parallel_loop3A_186 = arith.mulf %parallel_loop3A_160, %parallel_loop3A_172 : vector<16xf32>
        %parallel_loop3A_187 = arith.addf %parallel_loop3A_185, %parallel_loop3A_186 : vector<16xf32>
        %parallel_loop3A_188 = arith.mulf %parallel_loop3A_164, %parallel_loop3A_177 : vector<16xf32>
        %parallel_loop3A_189 = arith.addf %parallel_loop3A_187, %parallel_loop3A_188 : vector<16xf32>
        %parallel_loop3A_190 = arith.mulf %parallel_loop3A_176, %parallel_loop3A_189 : vector<16xf32>
        %parallel_loop3A_191 = arith.addf %parallel_loop3A_183, %parallel_loop3A_190 : vector<16xf32>
        %parallel_loop3A_192 = arith.constant 0 : i32
        %parallel_loop3A_193 = arith.index_cast %parallel_loop3A_192 : i32 to index
        %parallel_loop3A_194 = arith.index_cast %parallel_loop3A_130 : i32 to index
        %parallel_loop3A_195 = tpu.vector_load %arg16[%parallel_loop3A_193, %parallel_loop3A_194] {strides = array<i32>} : memref<8x2048xf32, #tpu.memory_space<vmem>>, vector<16xf32>,
        tpu.vector_store %arg16[%parallel_loop3A_193, %parallel_loop3A_194], %parallel_loop3A_191 {strides = array<i32>} : memref<8x2048xf32, #tpu.memory_space<vmem>>, vector<16xf32>,
        %parallel_loop3A_196 = arith.constant 2112 : i32
        %parallel_loop3A_197 = vector.broadcast %parallel_loop3A_196 : i32 to vector<16xi32>
        %parallel_loop3A_198 = arith.addi %parallel_loop3A_132, %parallel_loop3A_197 : vector<16xi32>
        %parallel_loop3A_199 = tpu.vector_load_idx %arg15[%parallel_loop3A_198] : memref<16896xf32, #tpu.memory_space<vmem>>[vector<16xi32>], vector<16xf32>,
        %parallel_loop3A_200 = arith.constant 2112 : i32
        %parallel_loop3A_201 = vector.broadcast %parallel_loop3A_200 : i32 to vector<16xi32>
        %parallel_loop3A_202 = arith.addi %parallel_loop3A_134, %parallel_loop3A_201 : vector<16xi32>
        %parallel_loop3A_203 = tpu.vector_load_idx %arg15[%parallel_loop3A_202] : memref<16896xf32, #tpu.memory_space<vmem>>[vector<16xi32>], vector<16xf32>,
        %parallel_loop3A_204 = arith.constant 4160 : i32
        %parallel_loop3A_205 = vector.broadcast %parallel_loop3A_204 : i32 to vector<16xi32>
        %parallel_loop3A_206 = arith.addi %parallel_loop3A_136, %parallel_loop3A_205 : vector<16xi32>
        %parallel_loop3A_207 = tpu.vector_load_idx %arg15[%parallel_loop3A_206] : memref<16896xf32, #tpu.memory_space<vmem>>[vector<16xi32>], vector<16xf32>,
        %parallel_loop3A_208 = arith.mulf %parallel_loop3A_199, %parallel_loop3A_203 : vector<16xf32>
        %parallel_loop3A_209 = arith.mulf %parallel_loop3A_142, %parallel_loop3A_199 : vector<16xf32>
        %parallel_loop3A_210 = arith.addf %parallel_loop3A_138, %parallel_loop3A_209 : vector<16xf32>
        %parallel_loop3A_211 = arith.mulf %parallel_loop3A_146, %parallel_loop3A_203 : vector<16xf32>
        %parallel_loop3A_212 = arith.addf %parallel_loop3A_210, %parallel_loop3A_211 : vector<16xf32>
        %parallel_loop3A_213 = arith.mulf %parallel_loop3A_150, %parallel_loop3A_208 : vector<16xf32>
        %parallel_loop3A_214 = arith.addf %parallel_loop3A_212, %parallel_loop3A_213 : vector<16xf32>
        %parallel_loop3A_215 = arith.mulf %parallel_loop3A_156, %parallel_loop3A_199 : vector<16xf32>
        %parallel_loop3A_216 = arith.addf %parallel_loop3A_152, %parallel_loop3A_215 : vector<16xf32>
        %parallel_loop3A_217 = arith.mulf %parallel_loop3A_160, %parallel_loop3A_203 : vector<16xf32>
        %parallel_loop3A_218 = arith.addf %parallel_loop3A_216, %parallel_loop3A_217 : vector<16xf32>
        %parallel_loop3A_219 = arith.mulf %parallel_loop3A_164, %parallel_loop3A_208 : vector<16xf32>
        %parallel_loop3A_220 = arith.addf %parallel_loop3A_218, %parallel_loop3A_219 : vector<16xf32>
        %parallel_loop3A_221 = arith.mulf %parallel_loop3A_207, %parallel_loop3A_220 : vector<16xf32>
        %parallel_loop3A_222 = arith.addf %parallel_loop3A_214, %parallel_loop3A_221 : vector<16xf32>
        %parallel_loop3A_223 = arith.constant 1 : i32
        %parallel_loop3A_224 = arith.index_cast %parallel_loop3A_223 : i32 to index
        %parallel_loop3A_225 = arith.index_cast %parallel_loop3A_130 : i32 to index
        %parallel_loop3A_226 = tpu.vector_load %arg16[%parallel_loop3A_224, %parallel_loop3A_225] {strides = array<i32>} : memref<8x2048xf32, #tpu.memory_space<vmem>>, vector<16xf32>,
        tpu.vector_store %arg16[%parallel_loop3A_224, %parallel_loop3A_225], %parallel_loop3A_222 {strides = array<i32>} : memref<8x2048xf32, #tpu.memory_space<vmem>>, vector<16xf32>,
        %parallel_loop3A_227 = arith.constant 4224 : i32
        %parallel_loop3A_228 = vector.broadcast %parallel_loop3A_227 : i32 to vector<16xi32>
        %parallel_loop3A_229 = arith.addi %parallel_loop3A_132, %parallel_loop3A_228 : vector<16xi32>
        %parallel_loop3A_230 = tpu.vector_load_idx %arg15[%parallel_loop3A_229] : memref<16896xf32, #tpu.memory_space<vmem>>[vector<16xi32>], vector<16xf32>,
        %parallel_loop3A_231 = arith.constant 4224 : i32
        %parallel_loop3A_232 = vector.broadcast %parallel_loop3A_231 : i32 to vector<16xi32>
        %parallel_loop3A_233 = arith.addi %parallel_loop3A_134, %parallel_loop3A_232 : vector<16xi32>
        %parallel_loop3A_234 = tpu.vector_load_idx %arg15[%parallel_loop3A_233] : memref<16896xf32, #tpu.memory_space<vmem>>[vector<16xi32>], vector<16xf32>,
        %parallel_loop3A_235 = arith.constant 6272 : i32
        %parallel_loop3A_236 = vector.broadcast %parallel_loop3A_235 : i32 to vector<16xi32>
        %parallel_loop3A_237 = arith.addi %parallel_loop3A_136, %parallel_loop3A_236 : vector<16xi32>
        %parallel_loop3A_238 = tpu.vector_load_idx %arg15[%parallel_loop3A_237] : memref<16896xf32, #tpu.memory_space<vmem>>[vector<16xi32>], vector<16xf32>,
        %parallel_loop3A_239 = arith.mulf %parallel_loop3A_230, %parallel_loop3A_234 : vector<16xf32>
        %parallel_loop3A_240 = arith.mulf %parallel_loop3A_142, %parallel_loop3A_230 : vector<16xf32>
        %parallel_loop3A_241 = arith.addf %parallel_loop3A_138, %parallel_loop3A_240 : vector<16xf32>
        %parallel_loop3A_242 = arith.mulf %parallel_loop3A_146, %parallel_loop3A_234 : vector<16xf32>
        %parallel_loop3A_243 = arith.addf %parallel_loop3A_241, %parallel_loop3A_242 : vector<16xf32>
        %parallel_loop3A_244 = arith.mulf %parallel_loop3A_150, %parallel_loop3A_239 : vector<16xf32>
        %parallel_loop3A_245 = arith.addf %parallel_loop3A_243, %parallel_loop3A_244 : vector<16xf32>
        %parallel_loop3A_246 = arith.mulf %parallel_loop3A_156, %parallel_loop3A_230 : vector<16xf32>
        %parallel_loop3A_247 = arith.addf %parallel_loop3A_152, %parallel_loop3A_246 : vector<16xf32>
        %parallel_loop3A_248 = arith.mulf %parallel_loop3A_160, %parallel_loop3A_234 : vector<16xf32>
        %parallel_loop3A_249 = arith.addf %parallel_loop3A_247, %parallel_loop3A_248 : vector<16xf32>
        %parallel_loop3A_250 = arith.mulf %parallel_loop3A_164, %parallel_loop3A_239 : vector<16xf32>
        %parallel_loop3A_251 = arith.addf %parallel_loop3A_249, %parallel_loop3A_250 : vector<16xf32>
        %parallel_loop3A_252 = arith.mulf %parallel_loop3A_238, %parallel_loop3A_251 : vector<16xf32>
        %parallel_loop3A_253 = arith.addf %parallel_loop3A_245, %parallel_loop3A_252 : vector<16xf32>
        %parallel_loop3A_254 = arith.constant 2 : i32
        %parallel_loop3A_255 = arith.index_cast %parallel_loop3A_254 : i32 to index
        %parallel_loop3A_256 = arith.index_cast %parallel_loop3A_130 : i32 to index
        %parallel_loop3A_257 = tpu.vector_load %arg16[%parallel_loop3A_255, %parallel_loop3A_256] {strides = array<i32>} : memref<8x2048xf32, #tpu.memory_space<vmem>>, vector<16xf32>,
        tpu.vector_store %arg16[%parallel_loop3A_255, %parallel_loop3A_256], %parallel_loop3A_253 {strides = array<i32>} : memref<8x2048xf32, #tpu.memory_space<vmem>>, vector<16xf32>,
        %parallel_loop3A_258 = arith.constant 6336 : i32
        %parallel_loop3A_259 = vector.broadcast %parallel_loop3A_258 : i32 to vector<16xi32>
        %parallel_loop3A_260 = arith.addi %parallel_loop3A_132, %parallel_loop3A_259 : vector<16xi32>
        %parallel_loop3A_261 = tpu.vector_load_idx %arg15[%parallel_loop3A_260] : memref<16896xf32, #tpu.memory_space<vmem>>[vector<16xi32>], vector<16xf32>,
        %parallel_loop3A_262 = arith.constant 6336 : i32
        %parallel_loop3A_263 = vector.broadcast %parallel_loop3A_262 : i32 to vector<16xi32>
        %parallel_loop3A_264 = arith.addi %parallel_loop3A_134, %parallel_loop3A_263 : vector<16xi32>
        %parallel_loop3A_265 = tpu.vector_load_idx %arg15[%parallel_loop3A_264] : memref<16896xf32, #tpu.memory_space<vmem>>[vector<16xi32>], vector<16xf32>,
        %parallel_loop3A_266 = arith.constant 8384 : i32
        %parallel_loop3A_267 = vector.broadcast %parallel_loop3A_266 : i32 to vector<16xi32>
        %parallel_loop3A_268 = arith.addi %parallel_loop3A_136, %parallel_loop3A_267 : vector<16xi32>
        %parallel_loop3A_269 = tpu.vector_load_idx %arg15[%parallel_loop3A_268] : memref<16896xf32, #tpu.memory_space<vmem>>[vector<16xi32>], vector<16xf32>,
        %parallel_loop3A_270 = arith.mulf %parallel_loop3A_261, %parallel_loop3A_265 : vector<16xf32>
        %parallel_loop3A_271 = arith.mulf %parallel_loop3A_142, %parallel_loop3A_261 : vector<16xf32>
        %parallel_loop3A_272 = arith.addf %parallel_loop3A_138, %parallel_loop3A_271 : vector<16xf32>
        %parallel_loop3A_273 = arith.mulf %parallel_loop3A_146, %parallel_loop3A_265 : vector<16xf32>
        %parallel_loop3A_274 = arith.addf %parallel_loop3A_272, %parallel_loop3A_273 : vector<16xf32>
        %parallel_loop3A_275 = arith.mulf %parallel_loop3A_150, %parallel_loop3A_270 : vector<16xf32>
        %parallel_loop3A_276 = arith.addf %parallel_loop3A_274, %parallel_loop3A_275 : vector<16xf32>
        %parallel_loop3A_277 = arith.mulf %parallel_loop3A_156, %parallel_loop3A_261 : vector<16xf32>
        %parallel_loop3A_278 = arith.addf %parallel_loop3A_152, %parallel_loop3A_277 : vector<16xf32>
        %parallel_loop3A_279 = arith.mulf %parallel_loop3A_160, %parallel_loop3A_265 : vector<16xf32>
        %parallel_loop3A_280 = arith.addf %parallel_loop3A_278, %parallel_loop3A_279 : vector<16xf32>
        %parallel_loop3A_281 = arith.mulf %parallel_loop3A_164, %parallel_loop3A_270 : vector<16xf32>
        %parallel_loop3A_282 = arith.addf %parallel_loop3A_280, %parallel_loop3A_281 : vector<16xf32>
        %parallel_loop3A_283 = arith.mulf %parallel_loop3A_269, %parallel_loop3A_282 : vector<16xf32>
        %parallel_loop3A_284 = arith.addf %parallel_loop3A_276, %parallel_loop3A_283 : vector<16xf32>
        %parallel_loop3A_285 = arith.constant 3 : i32
        %parallel_loop3A_286 = arith.index_cast %parallel_loop3A_285 : i32 to index
        %parallel_loop3A_287 = arith.index_cast %parallel_loop3A_130 : i32 to index
        %parallel_loop3A_288 = tpu.vector_load %arg16[%parallel_loop3A_286, %parallel_loop3A_287] {strides = array<i32>} : memref<8x2048xf32, #tpu.memory_space<vmem>>, vector<16xf32>,
        tpu.vector_store %arg16[%parallel_loop3A_286, %parallel_loop3A_287], %parallel_loop3A_284 {strides = array<i32>} : memref<8x2048xf32, #tpu.memory_space<vmem>>, vector<16xf32>,
      } {sc.loop_unroll_factor = 1 : i64, sc.parallel_access}
      %parallel_loop3A_100 = arith.constant 0 : i32
      %parallel_loop3A_101 = arith.constant 128 : i32
      %parallel_loop3A_102 = arith.constant 1 : i32
      scf.for %parallel_loop3A_128 = %parallel_loop3A_100 to %parallel_loop3A_101 step %parallel_loop3A_102  : i32 {
        %parallel_loop3A_129 = arith.constant 16 : i32
        %parallel_loop3A_130 = arith.muli %parallel_loop3A_128, %parallel_loop3A_129 : i32
        %parallel_loop3A_131 = arith.index_cast %parallel_loop3A_130 : i32 to index
        %parallel_loop3A_132 = tpu.vector_load %arg9[%parallel_loop3A_131] {strides = array<i32>} : memref<4096xi32, #tpu.memory_space<vmem>>, vector<16xi32>,
        %parallel_loop3A_133 = arith.index_cast %parallel_loop3A_130 : i32 to index
        %parallel_loop3A_134 = tpu.vector_load %arg10[%parallel_loop3A_133] {strides = array<i32>} : memref<4096xi32, #tpu.memory_space<vmem>>, vector<16xi32>,
        %parallel_loop3A_135 = arith.index_cast %parallel_loop3A_130 : i32 to index
        %parallel_loop3A_136 = tpu.vector_load %arg11[%parallel_loop3A_135] {strides = array<i32>} : memref<2048xi32, #tpu.memory_space<vmem>>, vector<16xi32>,
        %parallel_loop3A_137 = arith.index_cast %parallel_loop3A_130 : i32 to index
        %parallel_loop3A_138 = tpu.vector_load %arg12[%parallel_loop3A_137] {strides = array<i32>} : memref<16384xf32, #tpu.memory_space<vmem>>, vector<16xf32>,
        %parallel_loop3A_139 = arith.constant 4096 : i32
        %parallel_loop3A_140 = arith.addi %parallel_loop3A_139, %parallel_loop3A_130 : i32
        %parallel_loop3A_141 = arith.index_cast %parallel_loop3A_140 : i32 to index
        %parallel_loop3A_142 = tpu.vector_load %arg12[%parallel_loop3A_141] {strides = array<i32>} : memref<16384xf32, #tpu.memory_space<vmem>>, vector<16xf32>,
        %parallel_loop3A_143 = arith.constant 8192 : i32
        %parallel_loop3A_144 = arith.addi %parallel_loop3A_143, %parallel_loop3A_130 : i32
        %parallel_loop3A_145 = arith.index_cast %parallel_loop3A_144 : i32 to index
        %parallel_loop3A_146 = tpu.vector_load %arg12[%parallel_loop3A_145] {strides = array<i32>} : memref<16384xf32, #tpu.memory_space<vmem>>, vector<16xf32>,
        %parallel_loop3A_147 = arith.constant 12288 : i32
        %parallel_loop3A_148 = arith.addi %parallel_loop3A_147, %parallel_loop3A_130 : i32
        %parallel_loop3A_149 = arith.index_cast %parallel_loop3A_148 : i32 to index
        %parallel_loop3A_150 = tpu.vector_load %arg12[%parallel_loop3A_149] {strides = array<i32>} : memref<16384xf32, #tpu.memory_space<vmem>>, vector<16xf32>,
        %parallel_loop3A_151 = arith.index_cast %parallel_loop3A_130 : i32 to index
        %parallel_loop3A_152 = tpu.vector_load %arg13[%parallel_loop3A_151] {strides = array<i32>} : memref<8192xf32, #tpu.memory_space<vmem>>, vector<16xf32>,
        %parallel_loop3A_153 = arith.constant 2048 : i32
        %parallel_loop3A_154 = arith.addi %parallel_loop3A_153, %parallel_loop3A_130 : i32
        %parallel_loop3A_155 = arith.index_cast %parallel_loop3A_154 : i32 to index
        %parallel_loop3A_156 = tpu.vector_load %arg13[%parallel_loop3A_155] {strides = array<i32>} : memref<8192xf32, #tpu.memory_space<vmem>>, vector<16xf32>,
        %parallel_loop3A_157 = arith.constant 4096 : i32
        %parallel_loop3A_158 = arith.addi %parallel_loop3A_157, %parallel_loop3A_130 : i32
        %parallel_loop3A_159 = arith.index_cast %parallel_loop3A_158 : i32 to index
        %parallel_loop3A_160 = tpu.vector_load %arg13[%parallel_loop3A_159] {strides = array<i32>} : memref<8192xf32, #tpu.memory_space<vmem>>, vector<16xf32>,
        %parallel_loop3A_161 = arith.constant 6144 : i32
        %parallel_loop3A_162 = arith.addi %parallel_loop3A_161, %parallel_loop3A_130 : i32
        %parallel_loop3A_163 = arith.index_cast %parallel_loop3A_162 : i32 to index
        %parallel_loop3A_164 = tpu.vector_load %arg13[%parallel_loop3A_163] {strides = array<i32>} : memref<8192xf32, #tpu.memory_space<vmem>>, vector<16xf32>,
        %parallel_loop3A_165 = arith.constant 8448 : i32
        %parallel_loop3A_166 = vector.broadcast %parallel_loop3A_165 : i32 to vector<16xi32>
        %parallel_loop3A_167 = arith.addi %parallel_loop3A_132, %parallel_loop3A_166 : vector<16xi32>
        %parallel_loop3A_168 = tpu.vector_load_idx %arg15[%parallel_loop3A_167] : memref<16896xf32, #tpu.memory_space<vmem>>[vector<16xi32>], vector<16xf32>,
        %parallel_loop3A_169 = arith.constant 8448 : i32
        %parallel_loop3A_170 = vector.broadcast %parallel_loop3A_169 : i32 to vector<16xi32>
        %parallel_loop3A_171 = arith.addi %parallel_loop3A_134, %parallel_loop3A_170 : vector<16xi32>
        %parallel_loop3A_172 = tpu.vector_load_idx %arg15[%parallel_loop3A_171] : memref<16896xf32, #tpu.memory_space<vmem>>[vector<16xi32>], vector<16xf32>,
        %parallel_loop3A_173 = arith.constant 10496 : i32
        %parallel_loop3A_174 = vector.broadcast %parallel_loop3A_173 : i32 to vector<16xi32>
        %parallel_loop3A_175 = arith.addi %parallel_loop3A_136, %parallel_loop3A_174 : vector<16xi32>
        %parallel_loop3A_176 = tpu.vector_load_idx %arg15[%parallel_loop3A_175] : memref<16896xf32, #tpu.memory_space<vmem>>[vector<16xi32>], vector<16xf32>,
        %parallel_loop3A_177 = arith.mulf %parallel_loop3A_168, %parallel_loop3A_172 : vector<16xf32>
        %parallel_loop3A_178 = arith.mulf %parallel_loop3A_142, %parallel_loop3A_168 : vector<16xf32>
        %parallel_loop3A_179 = arith.addf %parallel_loop3A_138, %parallel_loop3A_178 : vector<16xf32>
        %parallel_loop3A_180 = arith.mulf %parallel_loop3A_146, %parallel_loop3A_172 : vector<16xf32>
        %parallel_loop3A_181 = arith.addf %parallel_loop3A_179, %parallel_loop3A_180 : vector<16xf32>
        %parallel_loop3A_182 = arith.mulf %parallel_loop3A_150, %parallel_loop3A_177 : vector<16xf32>
        %parallel_loop3A_183 = arith.addf %parallel_loop3A_181, %parallel_loop3A_182 : vector<16xf32>
        %parallel_loop3A_184 = arith.mulf %parallel_loop3A_156, %parallel_loop3A_168 : vector<16xf32>
        %parallel_loop3A_185 = arith.addf %parallel_loop3A_152, %parallel_loop3A_184 : vector<16xf32>
        %parallel_loop3A_186 = arith.mulf %parallel_loop3A_160, %parallel_loop3A_172 : vector<16xf32>
        %parallel_loop3A_187 = arith.addf %parallel_loop3A_185, %parallel_loop3A_186 : vector<16xf32>
        %parallel_loop3A_188 = arith.mulf %parallel_loop3A_164, %parallel_loop3A_177 : vector<16xf32>
        %parallel_loop3A_189 = arith.addf %parallel_loop3A_187, %parallel_loop3A_188 : vector<16xf32>
        %parallel_loop3A_190 = arith.mulf %parallel_loop3A_176, %parallel_loop3A_189 : vector<16xf32>
        %parallel_loop3A_191 = arith.addf %parallel_loop3A_183, %parallel_loop3A_190 : vector<16xf32>
        %parallel_loop3A_192 = arith.constant 4 : i32
        %parallel_loop3A_193 = arith.index_cast %parallel_loop3A_192 : i32 to index
        %parallel_loop3A_194 = arith.index_cast %parallel_loop3A_130 : i32 to index
        %parallel_loop3A_195 = tpu.vector_load %arg16[%parallel_loop3A_193, %parallel_loop3A_194] {strides = array<i32>} : memref<8x2048xf32, #tpu.memory_space<vmem>>, vector<16xf32>,
        tpu.vector_store %arg16[%parallel_loop3A_193, %parallel_loop3A_194], %parallel_loop3A_191 {strides = array<i32>} : memref<8x2048xf32, #tpu.memory_space<vmem>>, vector<16xf32>,
        %parallel_loop3A_196 = arith.constant 10560 : i32
        %parallel_loop3A_197 = vector.broadcast %parallel_loop3A_196 : i32 to vector<16xi32>
        %parallel_loop3A_198 = arith.addi %parallel_loop3A_132, %parallel_loop3A_197 : vector<16xi32>
        %parallel_loop3A_199 = tpu.vector_load_idx %arg15[%parallel_loop3A_198] : memref<16896xf32, #tpu.memory_space<vmem>>[vector<16xi32>], vector<16xf32>,
        %parallel_loop3A_200 = arith.constant 10560 : i32
        %parallel_loop3A_201 = vector.broadcast %parallel_loop3A_200 : i32 to vector<16xi32>
        %parallel_loop3A_202 = arith.addi %parallel_loop3A_134, %parallel_loop3A_201 : vector<16xi32>
        %parallel_loop3A_203 = tpu.vector_load_idx %arg15[%parallel_loop3A_202] : memref<16896xf32, #tpu.memory_space<vmem>>[vector<16xi32>], vector<16xf32>,
        %parallel_loop3A_204 = arith.constant 12608 : i32
        %parallel_loop3A_205 = vector.broadcast %parallel_loop3A_204 : i32 to vector<16xi32>
        %parallel_loop3A_206 = arith.addi %parallel_loop3A_136, %parallel_loop3A_205 : vector<16xi32>
        %parallel_loop3A_207 = tpu.vector_load_idx %arg15[%parallel_loop3A_206] : memref<16896xf32, #tpu.memory_space<vmem>>[vector<16xi32>], vector<16xf32>,
        %parallel_loop3A_208 = arith.mulf %parallel_loop3A_199, %parallel_loop3A_203 : vector<16xf32>
        %parallel_loop3A_209 = arith.mulf %parallel_loop3A_142, %parallel_loop3A_199 : vector<16xf32>
        %parallel_loop3A_210 = arith.addf %parallel_loop3A_138, %parallel_loop3A_209 : vector<16xf32>
        %parallel_loop3A_211 = arith.mulf %parallel_loop3A_146, %parallel_loop3A_203 : vector<16xf32>
        %parallel_loop3A_212 = arith.addf %parallel_loop3A_210, %parallel_loop3A_211 : vector<16xf32>
        %parallel_loop3A_213 = arith.mulf %parallel_loop3A_150, %parallel_loop3A_208 : vector<16xf32>
        %parallel_loop3A_214 = arith.addf %parallel_loop3A_212, %parallel_loop3A_213 : vector<16xf32>
        %parallel_loop3A_215 = arith.mulf %parallel_loop3A_156, %parallel_loop3A_199 : vector<16xf32>
        %parallel_loop3A_216 = arith.addf %parallel_loop3A_152, %parallel_loop3A_215 : vector<16xf32>
        %parallel_loop3A_217 = arith.mulf %parallel_loop3A_160, %parallel_loop3A_203 : vector<16xf32>
        %parallel_loop3A_218 = arith.addf %parallel_loop3A_216, %parallel_loop3A_217 : vector<16xf32>
        %parallel_loop3A_219 = arith.mulf %parallel_loop3A_164, %parallel_loop3A_208 : vector<16xf32>
        %parallel_loop3A_220 = arith.addf %parallel_loop3A_218, %parallel_loop3A_219 : vector<16xf32>
        %parallel_loop3A_221 = arith.mulf %parallel_loop3A_207, %parallel_loop3A_220 : vector<16xf32>
        %parallel_loop3A_222 = arith.addf %parallel_loop3A_214, %parallel_loop3A_221 : vector<16xf32>
        %parallel_loop3A_223 = arith.constant 5 : i32
        %parallel_loop3A_224 = arith.index_cast %parallel_loop3A_223 : i32 to index
        %parallel_loop3A_225 = arith.index_cast %parallel_loop3A_130 : i32 to index
        %parallel_loop3A_226 = tpu.vector_load %arg16[%parallel_loop3A_224, %parallel_loop3A_225] {strides = array<i32>} : memref<8x2048xf32, #tpu.memory_space<vmem>>, vector<16xf32>,
        tpu.vector_store %arg16[%parallel_loop3A_224, %parallel_loop3A_225], %parallel_loop3A_222 {strides = array<i32>} : memref<8x2048xf32, #tpu.memory_space<vmem>>, vector<16xf32>,
        %parallel_loop3A_227 = arith.constant 12672 : i32
        %parallel_loop3A_228 = vector.broadcast %parallel_loop3A_227 : i32 to vector<16xi32>
        %parallel_loop3A_229 = arith.addi %parallel_loop3A_132, %parallel_loop3A_228 : vector<16xi32>
        %parallel_loop3A_230 = tpu.vector_load_idx %arg15[%parallel_loop3A_229] : memref<16896xf32, #tpu.memory_space<vmem>>[vector<16xi32>], vector<16xf32>,
        %parallel_loop3A_231 = arith.constant 12672 : i32
        %parallel_loop3A_232 = vector.broadcast %parallel_loop3A_231 : i32 to vector<16xi32>
        %parallel_loop3A_233 = arith.addi %parallel_loop3A_134, %parallel_loop3A_232 : vector<16xi32>
        %parallel_loop3A_234 = tpu.vector_load_idx %arg15[%parallel_loop3A_233] : memref<16896xf32, #tpu.memory_space<vmem>>[vector<16xi32>], vector<16xf32>,
        %parallel_loop3A_235 = arith.constant 14720 : i32
        %parallel_loop3A_236 = vector.broadcast %parallel_loop3A_235 : i32 to vector<16xi32>
        %parallel_loop3A_237 = arith.addi %parallel_loop3A_136, %parallel_loop3A_236 : vector<16xi32>
        %parallel_loop3A_238 = tpu.vector_load_idx %arg15[%parallel_loop3A_237] : memref<16896xf32, #tpu.memory_space<vmem>>[vector<16xi32>], vector<16xf32>,
        %parallel_loop3A_239 = arith.mulf %parallel_loop3A_230, %parallel_loop3A_234 : vector<16xf32>
        %parallel_loop3A_240 = arith.mulf %parallel_loop3A_142, %parallel_loop3A_230 : vector<16xf32>
        %parallel_loop3A_241 = arith.addf %parallel_loop3A_138, %parallel_loop3A_240 : vector<16xf32>
        %parallel_loop3A_242 = arith.mulf %parallel_loop3A_146, %parallel_loop3A_234 : vector<16xf32>
        %parallel_loop3A_243 = arith.addf %parallel_loop3A_241, %parallel_loop3A_242 : vector<16xf32>
        %parallel_loop3A_244 = arith.mulf %parallel_loop3A_150, %parallel_loop3A_239 : vector<16xf32>
        %parallel_loop3A_245 = arith.addf %parallel_loop3A_243, %parallel_loop3A_244 : vector<16xf32>
        %parallel_loop3A_246 = arith.mulf %parallel_loop3A_156, %parallel_loop3A_230 : vector<16xf32>
        %parallel_loop3A_247 = arith.addf %parallel_loop3A_152, %parallel_loop3A_246 : vector<16xf32>
        %parallel_loop3A_248 = arith.mulf %parallel_loop3A_160, %parallel_loop3A_234 : vector<16xf32>
        %parallel_loop3A_249 = arith.addf %parallel_loop3A_247, %parallel_loop3A_248 : vector<16xf32>
        %parallel_loop3A_250 = arith.mulf %parallel_loop3A_164, %parallel_loop3A_239 : vector<16xf32>
        %parallel_loop3A_251 = arith.addf %parallel_loop3A_249, %parallel_loop3A_250 : vector<16xf32>
        %parallel_loop3A_252 = arith.mulf %parallel_loop3A_238, %parallel_loop3A_251 : vector<16xf32>
        %parallel_loop3A_253 = arith.addf %parallel_loop3A_245, %parallel_loop3A_252 : vector<16xf32>
        %parallel_loop3A_254 = arith.constant 6 : i32
        %parallel_loop3A_255 = arith.index_cast %parallel_loop3A_254 : i32 to index
        %parallel_loop3A_256 = arith.index_cast %parallel_loop3A_130 : i32 to index
        %parallel_loop3A_257 = tpu.vector_load %arg16[%parallel_loop3A_255, %parallel_loop3A_256] {strides = array<i32>} : memref<8x2048xf32, #tpu.memory_space<vmem>>, vector<16xf32>,
        tpu.vector_store %arg16[%parallel_loop3A_255, %parallel_loop3A_256], %parallel_loop3A_253 {strides = array<i32>} : memref<8x2048xf32, #tpu.memory_space<vmem>>, vector<16xf32>,
        %parallel_loop3A_258 = arith.constant 14784 : i32
        %parallel_loop3A_259 = vector.broadcast %parallel_loop3A_258 : i32 to vector<16xi32>
        %parallel_loop3A_260 = arith.addi %parallel_loop3A_132, %parallel_loop3A_259 : vector<16xi32>
        %parallel_loop3A_261 = tpu.vector_load_idx %arg15[%parallel_loop3A_260] : memref<16896xf32, #tpu.memory_space<vmem>>[vector<16xi32>], vector<16xf32>,
        %parallel_loop3A_262 = arith.constant 14784 : i32
        %parallel_loop3A_263 = vector.broadcast %parallel_loop3A_262 : i32 to vector<16xi32>
        %parallel_loop3A_264 = arith.addi %parallel_loop3A_134, %parallel_loop3A_263 : vector<16xi32>
        %parallel_loop3A_265 = tpu.vector_load_idx %arg15[%parallel_loop3A_264] : memref<16896xf32, #tpu.memory_space<vmem>>[vector<16xi32>], vector<16xf32>,
        %parallel_loop3A_266 = arith.constant 16832 : i32
        %parallel_loop3A_267 = vector.broadcast %parallel_loop3A_266 : i32 to vector<16xi32>
        %parallel_loop3A_268 = arith.addi %parallel_loop3A_136, %parallel_loop3A_267 : vector<16xi32>
        %parallel_loop3A_269 = tpu.vector_load_idx %arg15[%parallel_loop3A_268] : memref<16896xf32, #tpu.memory_space<vmem>>[vector<16xi32>], vector<16xf32>,
        %parallel_loop3A_270 = arith.mulf %parallel_loop3A_261, %parallel_loop3A_265 : vector<16xf32>
        %parallel_loop3A_271 = arith.mulf %parallel_loop3A_142, %parallel_loop3A_261 : vector<16xf32>
        %parallel_loop3A_272 = arith.addf %parallel_loop3A_138, %parallel_loop3A_271 : vector<16xf32>
        %parallel_loop3A_273 = arith.mulf %parallel_loop3A_146, %parallel_loop3A_265 : vector<16xf32>
        %parallel_loop3A_274 = arith.addf %parallel_loop3A_272, %parallel_loop3A_273 : vector<16xf32>
        %parallel_loop3A_275 = arith.mulf %parallel_loop3A_150, %parallel_loop3A_270 : vector<16xf32>
        %parallel_loop3A_276 = arith.addf %parallel_loop3A_274, %parallel_loop3A_275 : vector<16xf32>
        %parallel_loop3A_277 = arith.mulf %parallel_loop3A_156, %parallel_loop3A_261 : vector<16xf32>
        %parallel_loop3A_278 = arith.addf %parallel_loop3A_152, %parallel_loop3A_277 : vector<16xf32>
        %parallel_loop3A_279 = arith.mulf %parallel_loop3A_160, %parallel_loop3A_265 : vector<16xf32>
        %parallel_loop3A_280 = arith.addf %parallel_loop3A_278, %parallel_loop3A_279 : vector<16xf32>
        %parallel_loop3A_281 = arith.mulf %parallel_loop3A_164, %parallel_loop3A_270 : vector<16xf32>
        %parallel_loop3A_282 = arith.addf %parallel_loop3A_280, %parallel_loop3A_281 : vector<16xf32>
        %parallel_loop3A_283 = arith.mulf %parallel_loop3A_269, %parallel_loop3A_282 : vector<16xf32>
        %parallel_loop3A_284 = arith.addf %parallel_loop3A_276, %parallel_loop3A_283 : vector<16xf32>
        %parallel_loop3A_285 = arith.constant 7 : i32
        %parallel_loop3A_286 = arith.index_cast %parallel_loop3A_285 : i32 to index
        %parallel_loop3A_287 = arith.index_cast %parallel_loop3A_130 : i32 to index
        %parallel_loop3A_288 = tpu.vector_load %arg16[%parallel_loop3A_286, %parallel_loop3A_287] {strides = array<i32>} : memref<8x2048xf32, #tpu.memory_space<vmem>>, vector<16xf32>,
        tpu.vector_store %arg16[%parallel_loop3A_286, %parallel_loop3A_287], %parallel_loop3A_284 {strides = array<i32>} : memref<8x2048xf32, #tpu.memory_space<vmem>>, vector<16xf32>,
      } {sc.loop_unroll_factor = 1 : i64, sc.parallel_access}
      %mul3A_103 = arith.constant 8 : i32
      %mul3A_104 = arith.muli %add3A_77, %mul3A_103 : i32
      %add3A_105 = arith.addi %mul3A_2, %mul3A_104 : i32
      %dma_start3A_106 = arith.constant 0 : i32
      %dma_start3A_107 = tpu.memref_slice %arg8[%add3A_105, %dma_start3A_106] : memref<4096x4096xf32, #tpu.memory_space<hbm>> -> memref<8x2048xf32, #tpu.memory_space<hbm>>
      %dma_start3A_108 = arith.constant 0 : i32
      %dma_start3A_109 = tpu.memref_slice %arg8[%add3A_105, %dma_start3A_108] : memref<4096x4096xf32, #tpu.memory_space<hbm>> -> memref<8x2048xf32, #tpu.memory_space<hbm>>
      tpu.enqueue_dma source(%arg16 : memref<8x2048xf32, #tpu.memory_space<vmem>>) target(%dma_start3A_109 : memref<8x2048xf32, #tpu.memory_space<hbm>>) target_semaphore(%arg20 : memref<!tpu.dma_semaphore, #tpu.memory_space<semaphore_mem>>)
      %ge3A_110 = arith.constant 1 : i32
      %ge3A_111 = arith.cmpi sge, %add3A_77, %ge3A_110 : i32
      %convert_element_type3A_112 = arith.extui %ge3A_111 : i1 to i32
      %cond3A_113 = arith.constant 0 : i32
      %cond3A_114 = arith.cmpi ne, %convert_element_type3A_112, %cond3A_113 : i32
      scf.if %cond3A_114 {
        %mul3A_128 = arith.constant 8 : i32
        %mul3A_129 = arith.muli %add3A_77, %mul3A_128 : i32
        %add3A_130 = arith.addi %mul3A_2, %mul3A_129 : i32
        %dma_wait3A_131 = arith.constant 2048 : i32
        %dma_wait3A_132 = tpu.memref_slice %arg8[%add3A_130, %dma_wait3A_131] : memref<4096x4096xf32, #tpu.memory_space<hbm>> -> memref<8x2048xf32, #tpu.memory_space<hbm>>
        %dma_wait3A_133 = arith.constant 2048 : i32
        %dma_wait3A_134 = tpu.memref_slice %arg8[%add3A_130, %dma_wait3A_133] : memref<4096x4096xf32, #tpu.memory_space<hbm>> -> memref<8x2048xf32, #tpu.memory_space<hbm>>
        tpu.wait_dma2 semaphore(%arg21 : memref<!tpu.dma_semaphore, #tpu.memory_space<semaphore_mem>>) src(%arg17 : memref<8x2048xf32, #tpu.memory_space<vmem>>) dst(%dma_wait3A_134 : memref<8x2048xf32, #tpu.memory_space<hbm>>)
      } else {
      }
      %parallel_loop3A_115 = arith.constant 128 : i32
      %parallel_loop3A_116 = arith.constant 256 : i32
      %parallel_loop3A_117 = arith.constant 1 : i32
      scf.for %parallel_loop3A_128 = %parallel_loop3A_115 to %parallel_loop3A_116 step %parallel_loop3A_117  : i32 {
        %parallel_loop3A_129 = arith.constant 16 : i32
        %parallel_loop3A_130 = arith.muli %parallel_loop3A_128, %parallel_loop3A_129 : i32
        %parallel_loop3A_131 = arith.index_cast %parallel_loop3A_130 : i32 to index
        %parallel_loop3A_132 = tpu.vector_load %arg9[%parallel_loop3A_131] {strides = array<i32>} : memref<4096xi32, #tpu.memory_space<vmem>>, vector<16xi32>,
        %parallel_loop3A_133 = arith.index_cast %parallel_loop3A_130 : i32 to index
        %parallel_loop3A_134 = tpu.vector_load %arg10[%parallel_loop3A_133] {strides = array<i32>} : memref<4096xi32, #tpu.memory_space<vmem>>, vector<16xi32>,
        %parallel_loop3A_135 = arith.index_cast %parallel_loop3A_130 : i32 to index
        %parallel_loop3A_136 = tpu.vector_load %arg12[%parallel_loop3A_135] {strides = array<i32>} : memref<16384xf32, #tpu.memory_space<vmem>>, vector<16xf32>,
        %parallel_loop3A_137 = arith.constant 4096 : i32
        %parallel_loop3A_138 = arith.addi %parallel_loop3A_137, %parallel_loop3A_130 : i32
        %parallel_loop3A_139 = arith.index_cast %parallel_loop3A_138 : i32 to index
        %parallel_loop3A_140 = tpu.vector_load %arg12[%parallel_loop3A_139] {strides = array<i32>} : memref<16384xf32, #tpu.memory_space<vmem>>, vector<16xf32>,
        %parallel_loop3A_141 = arith.constant 8192 : i32
        %parallel_loop3A_142 = arith.addi %parallel_loop3A_141, %parallel_loop3A_130 : i32
        %parallel_loop3A_143 = arith.index_cast %parallel_loop3A_142 : i32 to index
        %parallel_loop3A_144 = tpu.vector_load %arg12[%parallel_loop3A_143] {strides = array<i32>} : memref<16384xf32, #tpu.memory_space<vmem>>, vector<16xf32>,
        %parallel_loop3A_145 = arith.constant 12288 : i32
        %parallel_loop3A_146 = arith.addi %parallel_loop3A_145, %parallel_loop3A_130 : i32
        %parallel_loop3A_147 = arith.index_cast %parallel_loop3A_146 : i32 to index
        %parallel_loop3A_148 = tpu.vector_load %arg12[%parallel_loop3A_147] {strides = array<i32>} : memref<16384xf32, #tpu.memory_space<vmem>>, vector<16xf32>,
        %parallel_loop3A_149 = arith.constant 0 : i32
        %parallel_loop3A_150 = vector.broadcast %parallel_loop3A_149 : i32 to vector<16xi32>
        %parallel_loop3A_151 = arith.addi %parallel_loop3A_132, %parallel_loop3A_150 : vector<16xi32>
        %parallel_loop3A_152 = tpu.vector_load_idx %arg15[%parallel_loop3A_151] : memref<16896xf32, #tpu.memory_space<vmem>>[vector<16xi32>], vector<16xf32>,
        %parallel_loop3A_153 = arith.constant 0 : i32
        %parallel_loop3A_154 = vector.broadcast %parallel_loop3A_153 : i32 to vector<16xi32>
        %parallel_loop3A_155 = arith.addi %parallel_loop3A_134, %parallel_loop3A_154 : vector<16xi32>
        %parallel_loop3A_156 = tpu.vector_load_idx %arg15[%parallel_loop3A_155] : memref<16896xf32, #tpu.memory_space<vmem>>[vector<16xi32>], vector<16xf32>,
        %parallel_loop3A_157 = arith.mulf %parallel_loop3A_140, %parallel_loop3A_152 : vector<16xf32>
        %parallel_loop3A_158 = arith.addf %parallel_loop3A_136, %parallel_loop3A_157 : vector<16xf32>
        %parallel_loop3A_159 = arith.mulf %parallel_loop3A_144, %parallel_loop3A_156 : vector<16xf32>
        %parallel_loop3A_160 = arith.addf %parallel_loop3A_158, %parallel_loop3A_159 : vector<16xf32>
        %parallel_loop3A_161 = arith.mulf %parallel_loop3A_152, %parallel_loop3A_156 : vector<16xf32>
        %parallel_loop3A_162 = arith.mulf %parallel_loop3A_148, %parallel_loop3A_161 : vector<16xf32>
        %parallel_loop3A_163 = arith.addf %parallel_loop3A_160, %parallel_loop3A_162 : vector<16xf32>
        %parallel_loop3A_164 = arith.constant 2048 : i32
        %parallel_loop3A_165 = arith.subi %parallel_loop3A_130, %parallel_loop3A_164 : i32
        %parallel_loop3A_166 = arith.constant 0 : i32
        %parallel_loop3A_167 = arith.index_cast %parallel_loop3A_166 : i32 to index
        %parallel_loop3A_168 = arith.index_cast %parallel_loop3A_165 : i32 to index
        %parallel_loop3A_169 = tpu.vector_load %arg17[%parallel_loop3A_167, %parallel_loop3A_168] {strides = array<i32>} : memref<8x2048xf32, #tpu.memory_space<vmem>>, vector<16xf32>,
        tpu.vector_store %arg17[%parallel_loop3A_167, %parallel_loop3A_168], %parallel_loop3A_163 {strides = array<i32>} : memref<8x2048xf32, #tpu.memory_space<vmem>>, vector<16xf32>,
        %parallel_loop3A_170 = arith.constant 2112 : i32
        %parallel_loop3A_171 = vector.broadcast %parallel_loop3A_170 : i32 to vector<16xi32>
        %parallel_loop3A_172 = arith.addi %parallel_loop3A_132, %parallel_loop3A_171 : vector<16xi32>
        %parallel_loop3A_173 = tpu.vector_load_idx %arg15[%parallel_loop3A_172] : memref<16896xf32, #tpu.memory_space<vmem>>[vector<16xi32>], vector<16xf32>,
        %parallel_loop3A_174 = arith.constant 2112 : i32
        %parallel_loop3A_175 = vector.broadcast %parallel_loop3A_174 : i32 to vector<16xi32>
        %parallel_loop3A_176 = arith.addi %parallel_loop3A_134, %parallel_loop3A_175 : vector<16xi32>
        %parallel_loop3A_177 = tpu.vector_load_idx %arg15[%parallel_loop3A_176] : memref<16896xf32, #tpu.memory_space<vmem>>[vector<16xi32>], vector<16xf32>,
        %parallel_loop3A_178 = arith.mulf %parallel_loop3A_140, %parallel_loop3A_173 : vector<16xf32>
        %parallel_loop3A_179 = arith.addf %parallel_loop3A_136, %parallel_loop3A_178 : vector<16xf32>
        %parallel_loop3A_180 = arith.mulf %parallel_loop3A_144, %parallel_loop3A_177 : vector<16xf32>
        %parallel_loop3A_181 = arith.addf %parallel_loop3A_179, %parallel_loop3A_180 : vector<16xf32>
        %parallel_loop3A_182 = arith.mulf %parallel_loop3A_173, %parallel_loop3A_177 : vector<16xf32>
        %parallel_loop3A_183 = arith.mulf %parallel_loop3A_148, %parallel_loop3A_182 : vector<16xf32>
        %parallel_loop3A_184 = arith.addf %parallel_loop3A_181, %parallel_loop3A_183 : vector<16xf32>
        %parallel_loop3A_185 = arith.constant 2048 : i32
        %parallel_loop3A_186 = arith.subi %parallel_loop3A_130, %parallel_loop3A_185 : i32
        %parallel_loop3A_187 = arith.constant 1 : i32
        %parallel_loop3A_188 = arith.index_cast %parallel_loop3A_187 : i32 to index
        %parallel_loop3A_189 = arith.index_cast %parallel_loop3A_186 : i32 to index
        %parallel_loop3A_190 = tpu.vector_load %arg17[%parallel_loop3A_188, %parallel_loop3A_189] {strides = array<i32>} : memref<8x2048xf32, #tpu.memory_space<vmem>>, vector<16xf32>,
        tpu.vector_store %arg17[%parallel_loop3A_188, %parallel_loop3A_189], %parallel_loop3A_184 {strides = array<i32>} : memref<8x2048xf32, #tpu.memory_space<vmem>>, vector<16xf32>,
        %parallel_loop3A_191 = arith.constant 4224 : i32
        %parallel_loop3A_192 = vector.broadcast %parallel_loop3A_191 : i32 to vector<16xi32>
        %parallel_loop3A_193 = arith.addi %parallel_loop3A_132, %parallel_loop3A_192 : vector<16xi32>
        %parallel_loop3A_194 = tpu.vector_load_idx %arg15[%parallel_loop3A_193] : memref<16896xf32, #tpu.memory_space<vmem>>[vector<16xi32>], vector<16xf32>,
        %parallel_loop3A_195 = arith.constant 4224 : i32
        %parallel_loop3A_196 = vector.broadcast %parallel_loop3A_195 : i32 to vector<16xi32>
        %parallel_loop3A_197 = arith.addi %parallel_loop3A_134, %parallel_loop3A_196 : vector<16xi32>
        %parallel_loop3A_198 = tpu.vector_load_idx %arg15[%parallel_loop3A_197] : memref<16896xf32, #tpu.memory_space<vmem>>[vector<16xi32>], vector<16xf32>,
        %parallel_loop3A_199 = arith.mulf %parallel_loop3A_140, %parallel_loop3A_194 : vector<16xf32>
        %parallel_loop3A_200 = arith.addf %parallel_loop3A_136, %parallel_loop3A_199 : vector<16xf32>
        %parallel_loop3A_201 = arith.mulf %parallel_loop3A_144, %parallel_loop3A_198 : vector<16xf32>
        %parallel_loop3A_202 = arith.addf %parallel_loop3A_200, %parallel_loop3A_201 : vector<16xf32>
        %parallel_loop3A_203 = arith.mulf %parallel_loop3A_194, %parallel_loop3A_198 : vector<16xf32>
        %parallel_loop3A_204 = arith.mulf %parallel_loop3A_148, %parallel_loop3A_203 : vector<16xf32>
        %parallel_loop3A_205 = arith.addf %parallel_loop3A_202, %parallel_loop3A_204 : vector<16xf32>
        %parallel_loop3A_206 = arith.constant 2048 : i32
        %parallel_loop3A_207 = arith.subi %parallel_loop3A_130, %parallel_loop3A_206 : i32
        %parallel_loop3A_208 = arith.constant 2 : i32
        %parallel_loop3A_209 = arith.index_cast %parallel_loop3A_208 : i32 to index
        %parallel_loop3A_210 = arith.index_cast %parallel_loop3A_207 : i32 to index
        %parallel_loop3A_211 = tpu.vector_load %arg17[%parallel_loop3A_209, %parallel_loop3A_210] {strides = array<i32>} : memref<8x2048xf32, #tpu.memory_space<vmem>>, vector<16xf32>,
        tpu.vector_store %arg17[%parallel_loop3A_209, %parallel_loop3A_210], %parallel_loop3A_205 {strides = array<i32>} : memref<8x2048xf32, #tpu.memory_space<vmem>>, vector<16xf32>,
        %parallel_loop3A_212 = arith.constant 6336 : i32
        %parallel_loop3A_213 = vector.broadcast %parallel_loop3A_212 : i32 to vector<16xi32>
        %parallel_loop3A_214 = arith.addi %parallel_loop3A_132, %parallel_loop3A_213 : vector<16xi32>
        %parallel_loop3A_215 = tpu.vector_load_idx %arg15[%parallel_loop3A_214] : memref<16896xf32, #tpu.memory_space<vmem>>[vector<16xi32>], vector<16xf32>,
        %parallel_loop3A_216 = arith.constant 6336 : i32
        %parallel_loop3A_217 = vector.broadcast %parallel_loop3A_216 : i32 to vector<16xi32>
        %parallel_loop3A_218 = arith.addi %parallel_loop3A_134, %parallel_loop3A_217 : vector<16xi32>
        %parallel_loop3A_219 = tpu.vector_load_idx %arg15[%parallel_loop3A_218] : memref<16896xf32, #tpu.memory_space<vmem>>[vector<16xi32>], vector<16xf32>,
        %parallel_loop3A_220 = arith.mulf %parallel_loop3A_140, %parallel_loop3A_215 : vector<16xf32>
        %parallel_loop3A_221 = arith.addf %parallel_loop3A_136, %parallel_loop3A_220 : vector<16xf32>
        %parallel_loop3A_222 = arith.mulf %parallel_loop3A_144, %parallel_loop3A_219 : vector<16xf32>
        %parallel_loop3A_223 = arith.addf %parallel_loop3A_221, %parallel_loop3A_222 : vector<16xf32>
        %parallel_loop3A_224 = arith.mulf %parallel_loop3A_215, %parallel_loop3A_219 : vector<16xf32>
        %parallel_loop3A_225 = arith.mulf %parallel_loop3A_148, %parallel_loop3A_224 : vector<16xf32>
        %parallel_loop3A_226 = arith.addf %parallel_loop3A_223, %parallel_loop3A_225 : vector<16xf32>
        %parallel_loop3A_227 = arith.constant 2048 : i32
        %parallel_loop3A_228 = arith.subi %parallel_loop3A_130, %parallel_loop3A_227 : i32
        %parallel_loop3A_229 = arith.constant 3 : i32
        %parallel_loop3A_230 = arith.index_cast %parallel_loop3A_229 : i32 to index
        %parallel_loop3A_231 = arith.index_cast %parallel_loop3A_228 : i32 to index
        %parallel_loop3A_232 = tpu.vector_load %arg17[%parallel_loop3A_230, %parallel_loop3A_231] {strides = array<i32>} : memref<8x2048xf32, #tpu.memory_space<vmem>>, vector<16xf32>,
        tpu.vector_store %arg17[%parallel_loop3A_230, %parallel_loop3A_231], %parallel_loop3A_226 {strides = array<i32>} : memref<8x2048xf32, #tpu.memory_space<vmem>>, vector<16xf32>,
      } {sc.loop_unroll_factor = 1 : i64, sc.parallel_access}
      %parallel_loop3A_118 = arith.constant 128 : i32
      %parallel_loop3A_119 = arith.constant 256 : i32
      %parallel_loop3A_120 = arith.constant 1 : i32
      scf.for %parallel_loop3A_128 = %parallel_loop3A_118 to %parallel_loop3A_119 step %parallel_loop3A_120  : i32 {
        %parallel_loop3A_129 = arith.constant 16 : i32
        %parallel_loop3A_130 = arith.muli %parallel_loop3A_128, %parallel_loop3A_129 : i32
        %parallel_loop3A_131 = arith.index_cast %parallel_loop3A_130 : i32 to index
        %parallel_loop3A_132 = tpu.vector_load %arg9[%parallel_loop3A_131] {strides = array<i32>} : memref<4096xi32, #tpu.memory_space<vmem>>, vector<16xi32>,
        %parallel_loop3A_133 = arith.index_cast %parallel_loop3A_130 : i32 to index
        %parallel_loop3A_134 = tpu.vector_load %arg10[%parallel_loop3A_133] {strides = array<i32>} : memref<4096xi32, #tpu.memory_space<vmem>>, vector<16xi32>,
        %parallel_loop3A_135 = arith.index_cast %parallel_loop3A_130 : i32 to index
        %parallel_loop3A_136 = tpu.vector_load %arg12[%parallel_loop3A_135] {strides = array<i32>} : memref<16384xf32, #tpu.memory_space<vmem>>, vector<16xf32>,
        %parallel_loop3A_137 = arith.constant 4096 : i32
        %parallel_loop3A_138 = arith.addi %parallel_loop3A_137, %parallel_loop3A_130 : i32
        %parallel_loop3A_139 = arith.index_cast %parallel_loop3A_138 : i32 to index
        %parallel_loop3A_140 = tpu.vector_load %arg12[%parallel_loop3A_139] {strides = array<i32>} : memref<16384xf32, #tpu.memory_space<vmem>>, vector<16xf32>,
        %parallel_loop3A_141 = arith.constant 8192 : i32
        %parallel_loop3A_142 = arith.addi %parallel_loop3A_141, %parallel_loop3A_130 : i32
        %parallel_loop3A_143 = arith.index_cast %parallel_loop3A_142 : i32 to index
        %parallel_loop3A_144 = tpu.vector_load %arg12[%parallel_loop3A_143] {strides = array<i32>} : memref<16384xf32, #tpu.memory_space<vmem>>, vector<16xf32>,
        %parallel_loop3A_145 = arith.constant 12288 : i32
        %parallel_loop3A_146 = arith.addi %parallel_loop3A_145, %parallel_loop3A_130 : i32
        %parallel_loop3A_147 = arith.index_cast %parallel_loop3A_146 : i32 to index
        %parallel_loop3A_148 = tpu.vector_load %arg12[%parallel_loop3A_147] {strides = array<i32>} : memref<16384xf32, #tpu.memory_space<vmem>>, vector<16xf32>,
        %parallel_loop3A_149 = arith.constant 8448 : i32
        %parallel_loop3A_150 = vector.broadcast %parallel_loop3A_149 : i32 to vector<16xi32>
        %parallel_loop3A_151 = arith.addi %parallel_loop3A_132, %parallel_loop3A_150 : vector<16xi32>
        %parallel_loop3A_152 = tpu.vector_load_idx %arg15[%parallel_loop3A_151] : memref<16896xf32, #tpu.memory_space<vmem>>[vector<16xi32>], vector<16xf32>,
        %parallel_loop3A_153 = arith.constant 8448 : i32
        %parallel_loop3A_154 = vector.broadcast %parallel_loop3A_153 : i32 to vector<16xi32>
        %parallel_loop3A_155 = arith.addi %parallel_loop3A_134, %parallel_loop3A_154 : vector<16xi32>
        %parallel_loop3A_156 = tpu.vector_load_idx %arg15[%parallel_loop3A_155] : memref<16896xf32, #tpu.memory_space<vmem>>[vector<16xi32>], vector<16xf32>,
        %parallel_loop3A_157 = arith.mulf %parallel_loop3A_140, %parallel_loop3A_152 : vector<16xf32>
        %parallel_loop3A_158 = arith.addf %parallel_loop3A_136, %parallel_loop3A_157 : vector<16xf32>
        %parallel_loop3A_159 = arith.mulf %parallel_loop3A_144, %parallel_loop3A_156 : vector<16xf32>
        %parallel_loop3A_160 = arith.addf %parallel_loop3A_158, %parallel_loop3A_159 : vector<16xf32>
        %parallel_loop3A_161 = arith.mulf %parallel_loop3A_152, %parallel_loop3A_156 : vector<16xf32>
        %parallel_loop3A_162 = arith.mulf %parallel_loop3A_148, %parallel_loop3A_161 : vector<16xf32>
        %parallel_loop3A_163 = arith.addf %parallel_loop3A_160, %parallel_loop3A_162 : vector<16xf32>
        %parallel_loop3A_164 = arith.constant 2048 : i32
        %parallel_loop3A_165 = arith.subi %parallel_loop3A_130, %parallel_loop3A_164 : i32
        %parallel_loop3A_166 = arith.constant 4 : i32
        %parallel_loop3A_167 = arith.index_cast %parallel_loop3A_166 : i32 to index
        %parallel_loop3A_168 = arith.index_cast %parallel_loop3A_165 : i32 to index
        %parallel_loop3A_169 = tpu.vector_load %arg17[%parallel_loop3A_167, %parallel_loop3A_168] {strides = array<i32>} : memref<8x2048xf32, #tpu.memory_space<vmem>>, vector<16xf32>,
        tpu.vector_store %arg17[%parallel_loop3A_167, %parallel_loop3A_168], %parallel_loop3A_163 {strides = array<i32>} : memref<8x2048xf32, #tpu.memory_space<vmem>>, vector<16xf32>,
        %parallel_loop3A_170 = arith.constant 10560 : i32
        %parallel_loop3A_171 = vector.broadcast %parallel_loop3A_170 : i32 to vector<16xi32>
        %parallel_loop3A_172 = arith.addi %parallel_loop3A_132, %parallel_loop3A_171 : vector<16xi32>
        %parallel_loop3A_173 = tpu.vector_load_idx %arg15[%parallel_loop3A_172] : memref<16896xf32, #tpu.memory_space<vmem>>[vector<16xi32>], vector<16xf32>,
        %parallel_loop3A_174 = arith.constant 10560 : i32
        %parallel_loop3A_175 = vector.broadcast %parallel_loop3A_174 : i32 to vector<16xi32>
        %parallel_loop3A_176 = arith.addi %parallel_loop3A_134, %parallel_loop3A_175 : vector<16xi32>
        %parallel_loop3A_177 = tpu.vector_load_idx %arg15[%parallel_loop3A_176] : memref<16896xf32, #tpu.memory_space<vmem>>[vector<16xi32>], vector<16xf32>,
        %parallel_loop3A_178 = arith.mulf %parallel_loop3A_140, %parallel_loop3A_173 : vector<16xf32>
        %parallel_loop3A_179 = arith.addf %parallel_loop3A_136, %parallel_loop3A_178 : vector<16xf32>
        %parallel_loop3A_180 = arith.mulf %parallel_loop3A_144, %parallel_loop3A_177 : vector<16xf32>
        %parallel_loop3A_181 = arith.addf %parallel_loop3A_179, %parallel_loop3A_180 : vector<16xf32>
        %parallel_loop3A_182 = arith.mulf %parallel_loop3A_173, %parallel_loop3A_177 : vector<16xf32>
        %parallel_loop3A_183 = arith.mulf %parallel_loop3A_148, %parallel_loop3A_182 : vector<16xf32>
        %parallel_loop3A_184 = arith.addf %parallel_loop3A_181, %parallel_loop3A_183 : vector<16xf32>
        %parallel_loop3A_185 = arith.constant 2048 : i32
        %parallel_loop3A_186 = arith.subi %parallel_loop3A_130, %parallel_loop3A_185 : i32
        %parallel_loop3A_187 = arith.constant 5 : i32
        %parallel_loop3A_188 = arith.index_cast %parallel_loop3A_187 : i32 to index
        %parallel_loop3A_189 = arith.index_cast %parallel_loop3A_186 : i32 to index
        %parallel_loop3A_190 = tpu.vector_load %arg17[%parallel_loop3A_188, %parallel_loop3A_189] {strides = array<i32>} : memref<8x2048xf32, #tpu.memory_space<vmem>>, vector<16xf32>,
        tpu.vector_store %arg17[%parallel_loop3A_188, %parallel_loop3A_189], %parallel_loop3A_184 {strides = array<i32>} : memref<8x2048xf32, #tpu.memory_space<vmem>>, vector<16xf32>,
        %parallel_loop3A_191 = arith.constant 12672 : i32
        %parallel_loop3A_192 = vector.broadcast %parallel_loop3A_191 : i32 to vector<16xi32>
        %parallel_loop3A_193 = arith.addi %parallel_loop3A_132, %parallel_loop3A_192 : vector<16xi32>
        %parallel_loop3A_194 = tpu.vector_load_idx %arg15[%parallel_loop3A_193] : memref<16896xf32, #tpu.memory_space<vmem>>[vector<16xi32>], vector<16xf32>,
        %parallel_loop3A_195 = arith.constant 12672 : i32
        %parallel_loop3A_196 = vector.broadcast %parallel_loop3A_195 : i32 to vector<16xi32>
        %parallel_loop3A_197 = arith.addi %parallel_loop3A_134, %parallel_loop3A_196 : vector<16xi32>
        %parallel_loop3A_198 = tpu.vector_load_idx %arg15[%parallel_loop3A_197] : memref<16896xf32, #tpu.memory_space<vmem>>[vector<16xi32>], vector<16xf32>,
        %parallel_loop3A_199 = arith.mulf %parallel_loop3A_140, %parallel_loop3A_194 : vector<16xf32>
        %parallel_loop3A_200 = arith.addf %parallel_loop3A_136, %parallel_loop3A_199 : vector<16xf32>
        %parallel_loop3A_201 = arith.mulf %parallel_loop3A_144, %parallel_loop3A_198 : vector<16xf32>
        %parallel_loop3A_202 = arith.addf %parallel_loop3A_200, %parallel_loop3A_201 : vector<16xf32>
        %parallel_loop3A_203 = arith.mulf %parallel_loop3A_194, %parallel_loop3A_198 : vector<16xf32>
        %parallel_loop3A_204 = arith.mulf %parallel_loop3A_148, %parallel_loop3A_203 : vector<16xf32>
        %parallel_loop3A_205 = arith.addf %parallel_loop3A_202, %parallel_loop3A_204 : vector<16xf32>
        %parallel_loop3A_206 = arith.constant 2048 : i32
        %parallel_loop3A_207 = arith.subi %parallel_loop3A_130, %parallel_loop3A_206 : i32
        %parallel_loop3A_208 = arith.constant 6 : i32
        %parallel_loop3A_209 = arith.index_cast %parallel_loop3A_208 : i32 to index
        %parallel_loop3A_210 = arith.index_cast %parallel_loop3A_207 : i32 to index
        %parallel_loop3A_211 = tpu.vector_load %arg17[%parallel_loop3A_209, %parallel_loop3A_210] {strides = array<i32>} : memref<8x2048xf32, #tpu.memory_space<vmem>>, vector<16xf32>,
        tpu.vector_store %arg17[%parallel_loop3A_209, %parallel_loop3A_210], %parallel_loop3A_205 {strides = array<i32>} : memref<8x2048xf32, #tpu.memory_space<vmem>>, vector<16xf32>,
        %parallel_loop3A_212 = arith.constant 14784 : i32
        %parallel_loop3A_213 = vector.broadcast %parallel_loop3A_212 : i32 to vector<16xi32>
        %parallel_loop3A_214 = arith.addi %parallel_loop3A_132, %parallel_loop3A_213 : vector<16xi32>
        %parallel_loop3A_215 = tpu.vector_load_idx %arg15[%parallel_loop3A_214] : memref<16896xf32, #tpu.memory_space<vmem>>[vector<16xi32>], vector<16xf32>,
        %parallel_loop3A_216 = arith.constant 14784 : i32
        %parallel_loop3A_217 = vector.broadcast %parallel_loop3A_216 : i32 to vector<16xi32>
        %parallel_loop3A_218 = arith.addi %parallel_loop3A_134, %parallel_loop3A_217 : vector<16xi32>
        %parallel_loop3A_219 = tpu.vector_load_idx %arg15[%parallel_loop3A_218] : memref<16896xf32, #tpu.memory_space<vmem>>[vector<16xi32>], vector<16xf32>,
        %parallel_loop3A_220 = arith.mulf %parallel_loop3A_140, %parallel_loop3A_215 : vector<16xf32>
        %parallel_loop3A_221 = arith.addf %parallel_loop3A_136, %parallel_loop3A_220 : vector<16xf32>
        %parallel_loop3A_222 = arith.mulf %parallel_loop3A_144, %parallel_loop3A_219 : vector<16xf32>
        %parallel_loop3A_223 = arith.addf %parallel_loop3A_221, %parallel_loop3A_222 : vector<16xf32>
        %parallel_loop3A_224 = arith.mulf %parallel_loop3A_215, %parallel_loop3A_219 : vector<16xf32>
        %parallel_loop3A_225 = arith.mulf %parallel_loop3A_148, %parallel_loop3A_224 : vector<16xf32>
        %parallel_loop3A_226 = arith.addf %parallel_loop3A_223, %parallel_loop3A_225 : vector<16xf32>
        %parallel_loop3A_227 = arith.constant 2048 : i32
        %parallel_loop3A_228 = arith.subi %parallel_loop3A_130, %parallel_loop3A_227 : i32
        %parallel_loop3A_229 = arith.constant 7 : i32
        %parallel_loop3A_230 = arith.index_cast %parallel_loop3A_229 : i32 to index
        %parallel_loop3A_231 = arith.index_cast %parallel_loop3A_228 : i32 to index
        %parallel_loop3A_232 = tpu.vector_load %arg17[%parallel_loop3A_230, %parallel_loop3A_231] {strides = array<i32>} : memref<8x2048xf32, #tpu.memory_space<vmem>>, vector<16xf32>,
        tpu.vector_store %arg17[%parallel_loop3A_230, %parallel_loop3A_231], %parallel_loop3A_226 {strides = array<i32>} : memref<8x2048xf32, #tpu.memory_space<vmem>>, vector<16xf32>,
      } {sc.loop_unroll_factor = 1 : i64, sc.parallel_access}
      %mul3A_121 = arith.constant 8 : i32
      %mul3A_122 = arith.muli %add3A_77, %mul3A_121 : i32
      %add3A_123 = arith.addi %mul3A_2, %mul3A_122 : i32
      %dma_start3A_124 = arith.constant 2048 : i32
      %dma_start3A_125 = tpu.memref_slice %arg8[%add3A_123, %dma_start3A_124] : memref<4096x4096xf32, #tpu.memory_space<hbm>> -> memref<8x2048xf32, #tpu.memory_space<hbm>>
      %dma_start3A_126 = arith.constant 2048 : i32
      %dma_start3A_127 = tpu.memref_slice %arg8[%add3A_123, %dma_start3A_126] : memref<4096x4096xf32, #tpu.memory_space<hbm>> -> memref<8x2048xf32, #tpu.memory_space<hbm>>
      tpu.enqueue_dma source(%arg17 : memref<8x2048xf32, #tpu.memory_space<vmem>>) target(%dma_start3A_127 : memref<8x2048xf32, #tpu.memory_space<hbm>>) target_semaphore(%arg21 : memref<!tpu.dma_semaphore, #tpu.memory_space<semaphore_mem>>)
    }
    %scan3A_12 = arith.constant 8 : i32
    %add3A_13 = arith.constant 120 : i32
    %add3A_14 = arith.addi %mul3A_2, %add3A_13 : i32
    %dma_wait3A = arith.constant 0 : i32
    %dma_wait3A_15 = tpu.memref_slice %arg8[%add3A_14, %dma_wait3A] : memref<4096x4096xf32, #tpu.memory_space<hbm>> -> memref<8x2048xf32, #tpu.memory_space<hbm>>
    %dma_wait3A_16 = arith.constant 0 : i32
    %dma_wait3A_17 = tpu.memref_slice %arg8[%add3A_14, %dma_wait3A_16] : memref<4096x4096xf32, #tpu.memory_space<hbm>> -> memref<8x2048xf32, #tpu.memory_space<hbm>>
    tpu.wait_dma2 semaphore(%arg20 : memref<!tpu.dma_semaphore, #tpu.memory_space<semaphore_mem>>) src(%arg16 : memref<8x2048xf32, #tpu.memory_space<vmem>>) dst(%dma_wait3A_17 : memref<8x2048xf32, #tpu.memory_space<hbm>>)
    %add3A_18 = arith.constant 120 : i32
    %add3A_19 = arith.addi %mul3A_2, %add3A_18 : i32
    %dma_wait3A_20 = arith.constant 2048 : i32
    %dma_wait3A_21 = tpu.memref_slice %arg8[%add3A_19, %dma_wait3A_20] : memref<4096x4096xf32, #tpu.memory_space<hbm>> -> memref<8x2048xf32, #tpu.memory_space<hbm>>
    %dma_wait3A_22 = arith.constant 2048 : i32
    %dma_wait3A_23 = tpu.memref_slice %arg8[%add3A_19, %dma_wait3A_22] : memref<4096x4096xf32, #tpu.memory_space<hbm>> -> memref<8x2048xf32, #tpu.memory_space<hbm>>
    tpu.wait_dma2 semaphore(%arg21 : memref<!tpu.dma_semaphore, #tpu.memory_space<semaphore_mem>>) src(%arg17 : memref<8x2048xf32, #tpu.memory_space<vmem>>) dst(%dma_wait3A_23 : memref<8x2048xf32, #tpu.memory_space<hbm>>)
    return
  }
}

module attributes {stable_mosaic.version = 14 : i64} {
  func.func @_coef_body(%arg0: memref<4x4096xf32, #tpu.memory_space<vmem>>, %arg1: memref<4x2048xf32, #tpu.memory_space<vmem>>, %arg2: memref<4x4096xf32, #tpu.memory_space<vmem>>, %arg3: memref<4x2048xf32, #tpu.memory_space<vmem>>) attributes {dimension_semantics = [], scalar_prefetch = 0 : i64, scratch_operands = 0 : i64, tpu.core_type = #tpu.core_type<tc>} {
    %get3A = arith.constant 0 : index
    %get3A_0 = arith.constant 0 : index
    %get3A_1 = vector.load %arg0[%get3A, %get3A_0] : memref<4x4096xf32, #tpu.memory_space<vmem>>, vector<4x4096xf32>
    %sin3A = math.sin %get3A_1 : vector<4x4096xf32>
    %mul3A = arith.constant 5.000000e-01 : f32
    %mul3A_2 = vector.broadcast %mul3A : f32 to vector<4x4096xf32>
    %mul3A_3 = arith.mulf %mul3A_2, %sin3A : vector<4x4096xf32>
    %add3A = arith.constant 5.000000e-01 : f32
    %add3A_4 = vector.broadcast %add3A : f32 to vector<4x4096xf32>
    %add3A_5 = arith.addf %add3A_4, %mul3A_3 : vector<4x4096xf32>
    %get3A_6 = arith.constant 0 : index
    %get3A_7 = arith.constant 0 : index
    %get3A_8 = vector.load %arg1[%get3A_6, %get3A_7] : memref<4x2048xf32, #tpu.memory_space<vmem>>, vector<4x2048xf32>
    %sin3A_9 = math.sin %get3A_8 : vector<4x2048xf32>
    %mul3A_10 = arith.constant 5.000000e-01 : f32
    %mul3A_11 = vector.broadcast %mul3A_10 : f32 to vector<4x2048xf32>
    %mul3A_12 = arith.mulf %mul3A_11, %sin3A_9 : vector<4x2048xf32>
    %add3A_13 = arith.constant 5.000000e-01 : f32
    %add3A_14 = vector.broadcast %add3A_13 : f32 to vector<4x2048xf32>
    %add3A_15 = arith.addf %add3A_14, %mul3A_12 : vector<4x2048xf32>
    %slice3A = vector.extract_strided_slice %add3A_5 {offsets = [0, 0], sizes = [1, 4096], strides = [1, 1]} : vector<4x4096xf32> to vector<1x4096xf32>
    %slice3A_16 = vector.extract_strided_slice %add3A_5 {offsets = [1, 0], sizes = [1, 4096], strides = [1, 1]} : vector<4x4096xf32> to vector<1x4096xf32>
    %slice3A_17 = vector.extract_strided_slice %add3A_5 {offsets = [2, 0], sizes = [1, 4096], strides = [1, 1]} : vector<4x4096xf32> to vector<1x4096xf32>
    %slice3A_18 = vector.extract_strided_slice %add3A_5 {offsets = [3, 0], sizes = [1, 4096], strides = [1, 1]} : vector<4x4096xf32> to vector<1x4096xf32>
    %sub3A = arith.subf %slice3A_17, %slice3A : vector<1x4096xf32>
    %sub3A_19 = arith.subf %slice3A_16, %slice3A : vector<1x4096xf32>
    %sub3A_20 = arith.subf %slice3A_18, %slice3A_17 : vector<1x4096xf32>
    %sub3A_21 = arith.subf %sub3A_20, %slice3A_16 : vector<1x4096xf32>
    %add3A_22 = arith.addf %sub3A_21, %slice3A : vector<1x4096xf32>
    %concatenate3A = tpu.concatenate %slice3A, %sub3A, %sub3A_19, %add3A_22 in 0 : vector<1x4096xf32>, vector<1x4096xf32>, vector<1x4096xf32>, vector<1x4096xf32> -> vector<4x4096xf32>
    %slice3A_23 = vector.extract_strided_slice %add3A_15 {offsets = [0, 0], sizes = [1, 2048], strides = [1, 1]} : vector<4x2048xf32> to vector<1x2048xf32>
    %slice3A_24 = vector.extract_strided_slice %add3A_15 {offsets = [1, 0], sizes = [1, 2048], strides = [1, 1]} : vector<4x2048xf32> to vector<1x2048xf32>
    %slice3A_25 = vector.extract_strided_slice %add3A_15 {offsets = [2, 0], sizes = [1, 2048], strides = [1, 1]} : vector<4x2048xf32> to vector<1x2048xf32>
    %slice3A_26 = vector.extract_strided_slice %add3A_15 {offsets = [3, 0], sizes = [1, 2048], strides = [1, 1]} : vector<4x2048xf32> to vector<1x2048xf32>
    %sub3A_27 = arith.subf %slice3A_25, %slice3A_23 : vector<1x2048xf32>
    %sub3A_28 = arith.subf %slice3A_24, %slice3A_23 : vector<1x2048xf32>
    %sub3A_29 = arith.subf %slice3A_26, %slice3A_25 : vector<1x2048xf32>
    %sub3A_30 = arith.subf %sub3A_29, %slice3A_24 : vector<1x2048xf32>
    %add3A_31 = arith.addf %sub3A_30, %slice3A_23 : vector<1x2048xf32>
    %concatenate3A_32 = tpu.concatenate %slice3A_23, %sub3A_27, %sub3A_28, %add3A_31 in 0 : vector<1x2048xf32>, vector<1x2048xf32>, vector<1x2048xf32>, vector<1x2048xf32> -> vector<4x2048xf32>
    %swap3A = arith.constant 0 : index
    %swap3A_33 = arith.constant 0 : index
    %swap3A_34 = vector.load %arg2[%swap3A, %swap3A_33] : memref<4x4096xf32, #tpu.memory_space<vmem>>, vector<4x4096xf32>
    tpu.vector_store %arg2[%swap3A, %swap3A_33], %concatenate3A {strides = array<i32>} : memref<4x4096xf32, #tpu.memory_space<vmem>>, vector<4x4096xf32>,
    %slice3A_35 = vector.extract_strided_slice %concatenate3A {offsets = [0, 0], sizes = [4, 2048], strides = [1, 1]} : vector<4x4096xf32> to vector<4x2048xf32>
    %sub3A_36 = arith.subf %concatenate3A_32, %slice3A_35 : vector<4x2048xf32>
    %swap3A_37 = arith.constant 0 : index
    %swap3A_38 = arith.constant 0 : index
    %swap3A_39 = vector.load %arg3[%swap3A_37, %swap3A_38] : memref<4x2048xf32, #tpu.memory_space<vmem>>, vector<4x2048xf32>
    tpu.vector_store %arg3[%swap3A_37, %swap3A_38], %sub3A_36 {strides = array<i32>} : memref<4x2048xf32, #tpu.memory_space<vmem>>, vector<4x2048xf32>,
    return
  }
}

</mosaic_0001>

<sc_bundles>
// kernel: kernel.4.cloned.1.call-start
scs
__scs_entry_jumppad:
0x0: {  	(pc) =	sbr.rel $0x88, $3  }
0x1: {  	(tag) =	ssettag $0x0;
	lr =	simm.s32 $0x1  }
0x2: {  	[smem:$0x3F9B] =	sst lr;
	_ =	strace $0xD0000000  }
0x3: {  	_ = 	snop  }
0x4: {  	_ = 	snop  }
0x5: {  	_ = 	snop  }
0x6: {  	_ = 	snop  }
0x7: {  	_ = 	snop  }
__scs_overlays_trampoline_lowered:
0x8: {  	[smem:$0x3FAA] =	sst s0  }
0x9: {  	[smem:$0x3FAB] =	sst s1  }
0xa: {  	[smem:$0x3FAC] =	sst s2  }
0xb: {  	[smem:$0x3FAD] =	sst s3  }
0xc: {  	[smem:$0x3FAE] =	sst s4  }
0xd: {  	[smem:$0x3FAF] =	sst s5  }
0xe: {  	[smem:$0x3FB0] =	sst s6  }
0xf: {  	[smem:$0x3FB1] =	sst s7  }
0x10: {  	[smem:$0x3FB2] =	sst s8  }
0x11: {  	[smem:$0x3FB3] =	sst s9;
	s0 =	simm.s32 @!p0 $0x0  }
0x12: {  	s1 =	sld [smem:$0x3F99];
	s0 =	simm.s32 @p0 $0x1  }
0x13: {  	[smem:$0x3FB4] =	sst s0;
	s0 =	simm.s32 @!p1 $0x0  }
0x14: {  	s2 =	sld [smem:$0x3F98];
	s0 =	simm.s32 @p1 $0x1  }
0x15: {  	[smem:$0x3FB5] =	sst s0;
	s0 =	simm.s32 @!p2 $0x0  }
0x16: {  	s3 =	sld [smem:$0x3FDB];
	s0 =	simm.s32 @p2 $0x1  }
0x17: {  	s4 =	simm.s32 $0x1BF5;
	[smem:$0x3FB7] =	sst s0  }
0x18: {  	s0 =	sld [smem:$0x3F9A];
	_ =	swait.ge [sflag:s4], $0x0  }
0x19: {  	s7 =	sld [smem:$0x3F9B]  }
0x1a: {  	s8 =	sadd.s32 $0xFFFFE003, lr  }
0x1b: {  	s9 =	sadd.s32 $0xFFFFFEF7, lr;
	s5 =	simm.s32 $0xFFFFFFFF;
	p2 =	slt.u32 s8, $0xFFFFF086  }
0x1c: {  	p1 =	slt.u32 s9, $0xF7A;
	s5 =	simm.s32 @!p2 $0x0  }
0x1d: {  	s5 =	simm.s32 @p1 $0x1;
	p0 =	seq.s32 s7, s2  }
0x1e: {  	s7 =	smul.u32 @!p0 $0xF7A, s2;
	p2 =	seq.s32 @!p0 s5, $0x0  }
0x1f: {  	s9 =	smul.u32 $0xF7A, s1;
	s8 =	simm.s32 @!p0 $0x1BF5;
	p2 =	por !p2, p0  }
0x20: {  	[sflag:s8] =	ssyncset.s32 @!p0 $0xFFFFF086;
	s6 =	sadd.s32 @!p0 s3, s7;
	s7 =	simm.s32 @!p0 $0x108  }
0x21: {  	s3 =	sadd.s32 s3, s9;
	s6 =	sadd.s32 @!p0 $0x88, s6;
	s7 =	simm.s32 @p2 $0x1082  }
0x22: {  	[simem:s7], [sflag:s8] =	dma.local @!p0 [hbm:s6], $0xF7A  }
0x23: {  	s9 =	sor.u32 $0xD0000000, s2;
	s6 =	simm.s32 $0x108;
	_ =	swait.ge @!p0 [sflag:s8], $0x0  }
0x24: {  	s3 =	sadd.s32 $0x88, s3;
	s6 =	simm.s32 @!p1 $0x1082;
	[sflag:s4] =	ssyncset.s32 $0xFFFFF086  }
0x25: {  	[simem:s6], [sflag:s4] =	dma.local [hbm:s3], $0xF7A  }
0x26: {  	[smem:$0x3F9B] =	sst s1;
	(tag) =	ssettag s2;
	_ =	strace s9  }
0x27: {  	s1 =	sld [smem:$0x3FAB]  }
0x28: {  	s2 =	sld [smem:$0x3FAC]  }
0x29: {  	s4 =	sld [smem:$0x3FAE]  }
0x2a: {  	p0 =	seq.s32 s5, $0x0;
	s5 =	sld [smem:$0x3FAF]  }
0x2b: {  	s6 =	sld [smem:$0x3FB0]  }
0x2c: {  	s7 =	sld [smem:$0x3FB1]  }
0x2d: {  	s3 =	simm.s32 $0x108;
	s8 =	sld [smem:$0x3FB2]  }
0x2e: {  	s3 =	simm.s32 @!p0 $0x1082;
	s9 =	sld [smem:$0x3FB3]  }
0x2f: {  	lr =	sadd.s32 s0, s3;
	s0 =	sld [smem:$0x3FAA]  }
0x30: {  	s3 =	sld [smem:$0x3FAD]  }
0x31: {  	[smem:$0x3FB6] =	sst s10  }
0x32: {  	s10 =	sld [smem:$0x3FB4];
	_ =	sdelay $0x3  }
0x33: {  	p0 =	seq.s32 s10, $0x1;
	s10 =	sld [smem:$0x3FB6];
	_ =	sdelay $0x3  }
0x34: {  	[smem:$0x3FB6] =	sst s10  }
0x35: {  	s10 =	sld [smem:$0x3FB5];
	_ =	sdelay $0x3  }
0x36: {  	p1 =	seq.s32 s10, $0x1;
	s10 =	sld [smem:$0x3FB6];
	_ =	sdelay $0x3  }
0x37: {  	[smem:$0x3FB6] =	sst s10  }
0x38: {  	s10 =	sld [smem:$0x3FB7]  }
0x39: {  	_ = 	snop;
	(pc) =	sbr.ind lr, $3  }
0x3a: {  	_ = 	snop  }
0x3b: {  	_ = 	snop  }
0x3c: {  	p2 =	seq.s32 s10, $0x1;
	s10 =	sld [smem:$0x3FB6]  }
0x3d: {  	_ =	shalt  }
0x3e: {  	_ =	shalt  }
0x3f: {  	_ =	shalt  }
0x40: {  	_ =	shalt  }
0x41: {  	_ =	shalt  }
0x42: {  	_ =	shalt  }
0x43: {  	_ =	shalt  }
0x44: {  	_ =	shalt  }
0x45: {  	_ =	shalt  }
0x46: {  	_ =	shalt  }
0x47: {  	_ =	shalt  }
0x48: {  	_ =	shalt  }
0x49: {  	_ =	shalt  }
0x4a: {  	_ =	shalt  }
0x4b: {  	_ =	shalt  }
0x4c: {  	_ =	shalt  }
0x4d: {  	_ =	shalt  }
0x4e: {  	_ =	shalt  }
0x4f: {  	_ =	shalt  }
0x50: {  	_ =	shalt  }
0x51: {  	_ =	shalt  }
0x52: {  	_ =	shalt  }
0x53: {  	_ =	shalt  }
0x54: {  	_ =	shalt  }
0x55: {  	_ =	shalt  }
0x56: {  	_ =	shalt  }
0x57: {  	_ =	shalt  }
0x58: {  	_ =	shalt  }
0x59: {  	_ =	shalt  }
0x5a: {  	_ =	shalt  }
0x5b: {  	_ =	shalt  }
0x5c: {  	_ =	shalt  }
0x5d: {  	_ =	shalt  }
0x5e: {  	_ =	shalt  }
0x5f: {  	_ =	shalt  }
0x60: {  	_ =	shalt  }
0x61: {  	_ =	shalt  }
0x62: {  	_ =	shalt  }
0x63: {  	_ =	shalt  }
0x64: {  	_ =	shalt  }
0x65: {  	_ =	shalt  }
0x66: {  	_ =	shalt  }
0x67: {  	_ =	shalt  }
0x68: {  	_ =	shalt  }
0x69: {  	_ =	shalt  }
0x6a: {  	_ =	shalt  }
0x6b: {  	_ =	shalt  }
0x6c: {  	_ =	shalt  }
0x6d: {  	_ =	shalt  }
0x6e: {  	_ =	shalt  }
0x6f: {  	_ =	shalt  }
0x70: {  	_ =	shalt  }
0x71: {  	_ =	shalt  }
0x72: {  	_ =	shalt  }
0x73: {  	_ =	shalt  }
0x74: {  	_ =	shalt  }
0x75: {  	_ =	shalt  }
0x76: {  	_ =	shalt  }
0x77: {  	_ =	shalt  }
0x78: {  	_ =	shalt  }
0x79: {  	_ =	shalt  }
0x7a: {  	_ =	shalt  }
0x7b: {  	_ =	shalt  }
0x7c: {  	_ =	shalt  }
0x7d: {  	_ =	shalt  }
0x7e: {  	_ =	shalt  }
0x7f: {  	_ =	shalt  }
0x80: {  	_ =	shalt  }
0x81: {  	_ =	shalt  }
0x82: {  	_ =	shalt  }
0x83: {  	_ =	shalt  }
0x84: {  	_ =	shalt  }
0x85: {  	_ =	shalt  }
0x86: {  	_ =	shalt  }
0x87: {  	_ =	shalt  }
.Lfunc_end0:
.L_simem_size_0:
called_computation_lowered:
.L_overlay_start_0:
0x88: {  	s2 =	sld [smem:$0x3FD9]  }
0x89: {  	s3 =	sld [smem:$0x3FFE];
	_ =	sdelay $0x1  }
0x8a: {  	s1 =	srdreg.scid  }
0x8b: {  	s0 =	sand.u32 $0x1, s1  }
0x8c: {  	s17 =	sshll.u32 s0, $0xA;
	s2 =	sadd.s32 s3, s2  }
0x8d: {  	s2 =	sadd.s32 s2, s17  }
0x8e: {  	[smem:$0x3FC2] =	sst s2  }
0x8f: {  	_ = 	snop  }
0x90: {  	s2 =	sld [smem:$0x3FC6]  }
0x91: {  	s18 =	sld [smem:$0x3FC5]  }
0x92: {  	s4 =	sld [smem:$0x3FC4]  }
0x93: {  	s5 =	sld [smem:$0x3FD0];
	(tm) =	ssettm $0x1  }
0x94: {  	s6 =	sld [smem:$0x3FFB];
	_ =	sdelay $0x3  }
0x95: {  	_ =	strace s6  }
0x96: {  	s6 =	sld [smem:$0x3FFC];
	_ =	sdelay $0x3  }
0x97: {  	_ =	strace s6  }
0x98: {  	s6 =	sld [smem:$0x3FFD];
	_ =	sdelay $0x3  }
0x99: {  	_ =	strace s6  }
0x9a: {  	_ =	strace $0x8FFFFFFF  }
0x9b: {  	s19 =	sld [smem:$0x3FDB];
	_ =	sdelay $0x1  }
0x9c: {  	s7 =	simm.s32 $_scs_section_size  }
0x9d: {  	s8 =	simm.s32 $_size__tile_overlayer_lowered;
	s9 =	simm.s32 $_tile_overlayer_lowered  }
0x9e: {  	s22 =	simm.s32 $0x1BFF;
	s21 =	sshll.u32 s9, $0x1;
	s6 =	sadd.s32 s7, s19  }
0x9f: {  	s10 =	simm.s32 $0x0;
	s20 =	sshll.u32 s8, $0x1;
	s8 =	sadd.s32 s21, s6  }
0xa0: {  	[timem:s10], [sflag:s22] =	dma.local [hbm:s8], s20  }
0xa1: {  	_ =	swait.ge [sflag:s22], s20  }
0xa2: {  	s7 =	ssub.s32 $0x0, s20;
	[sflag:s22] =	ssyncset.done $0x0  }
0xa3: {  	[sflag:s22] =	ssyncadd.s32 s7;
	_ =	sdelay $0x1  }
0xa4: {  	s23 =	simm.s32 $0x1B8B  }
0xa5: {  	_ =	swait.ge [sflag:s23], $0x1  }
0xa6: {  	[sflag:s23] =	ssyncset.done $0x0  }
0xa7: {  	s25 =	simm.s32 $0x1B8E;
	s24 =	sld [smem:$0x3FFE];
	[sflag:s23] =	ssyncadd.s32 $0xFFFFFFFF  }
0xa8: {  	s26 =	simm.s32 $execute0_lowered;
	[smem:$0x3FD2] =	sst s25  }
0xa9: {  	s8 =	sshll.u32 s26, $0x1;
	_ =	strace $0x80000046;
	[dreg:$0x1] =	wrdreg $0xFFFFFFFF  }
0xaa: {  	s28 =	simm.s32 $_size_execute0_lowered;
	s6 =	sadd.s32 s6, s8;
	[dreg:$0x0] =	wrdreg $0x0  }
0xab: {  	s8 =	sshll.u32 s28, $0x1;
	[dreg:$0x2] =	wrdreg s6  }
0xac: {  	[dreg:$0x3] =	wrdreg s8  }
0xad: {  	[dreg:$0x4] =	wrdreg $0xC0  }
0xae: {  	_ =	task [dreg:s10], $0x5FFFF  }
0xaf: {  	[dreg:$0x1] =	wrdreg $0xFFFFFFFF  }
0xb0: {  	[dreg:$0x0] =	wrdreg $0x60  }
0xb1: {  	[dreg:$0x2] =	wrdreg s24  }
0xb2: {  	[dreg:$0x3] =	wrdreg s2  }
0xb3: {  	[dreg:$0x4] =	wrdreg s18  }
0xb4: {  	[dreg:$0x5] =	wrdreg s4  }
0xb5: {  	[dreg:$0x6] =	wrdreg s5  }
0xb6: {  	[dreg:$0x7] =	wrdreg $0x9  }
0xb7: {  	_ =	task.clear_ibuf [dreg:s10], $0x8FFFF;
	_ =	strace $0x90000046  }
0xb8: {  	s29 =	simm.s32 $0x9;
	_ =	strace $0x80000048  }
0xb9: {  	_ =	swait.ge [sflag:s29], $0x1  }
0xba: {  	[sflag:s29] =	ssyncadd.s32 $0xFFFFFFFF  }
0xbb: {  	_ =	strace $0x90000048  }
0xbc: {  	_ =	sfence  }
0xbd: {  	s30 =	sld [smem:$0x0];
	_ =	sdelay $0x2  }
0xbe: {  	s31 =	sshll.u32 s1, $0xD;
	s1 =	sshrl.u32 s1, $0x2  }
0xbf: {  	s3 =	sand.u32 $0x4000, s31;
	s1 =	sadd.s32 s1, s30  }
0xc0: {  	s0 =	sor.u32 s3, s0;
	s1 =	sshll.u32 s1, $0x11  }
0xc1: {  	s0 =	sor.u32 s1, s0  }
0xc2: {  	s0 =	sadd.s32 $0x8F2B, s0  }
0xc3: {  	[sflag:s0] =	ssyncadd.remote.s32 $0x1  }
0xc4: {  	_ =	sfence.sel $0xFFFF  }
0xc5: {  	[dreg:$0x0] =	wrdreg $0xFFFFFFFF;
	(pc) =	sbr.abs _section_cstart, $3  }
0xc6: {  	[dreg:$0x1] =	wrdreg $0xFFFFFFFF  }
0xc7: {  	_ =	task.clear_ibuf [dreg:s10], $0x2FFFF;
	_ =	strace $0x9FFFFFFF  }
0xc8: {  	(tm) =	ssettm $0x7FFFFFFF  }
0xc9: {  	_ =	shalt  }
tec
execute0_lowered:
.L_overlay_start_1:
0x0: {  	(tag) =	ssettag $0x1  }
0x1: {  	s0 =	rddreg [dreg:$0x0]  }
0x2: {  	s4 =	rddreg [dreg:$0x4];
	s5 =	simm.s32 $0x0;
	s1 =	srdreg.scid  }
0x3: {  	[smem:$0x7FF] =	sst s5;
	s6 =	sadd.s32 $0x1600, s0;
	s7 =	sadd.s32 $0xA00, s0  }
0x4: {  	s0 =	sadd.s32 $0x1200, s0;
	_ =	strace $0x80000047;
	[dreg:$0x7] =	wrdreg s7  }
0x5: {  	s2 =	stileid.u32;
	s1 =	sand.u32 $0x1, s1;
	[dreg:$0x8] =	wrdreg s0  }
0x6: {  	s2 =	sshll.u32 s2, $0x1;
	s31 =	sadd.s32 $0x800, s4;
	[dreg:$0x6] =	wrdreg s6  }
0x7: {  	s2 =	sor.u32 s1, s2;
	s1 =	ssub.s32 $0x2, s1;
	[dreg:$0xc] =	wrdreg s31  }
0x8: {  	s3 =	smul.u32 $0x8400, s2;
	s30 =	sshll.u32 s2, $0x7;
	s2 =	sshll.u32 s2, $0x13  }
0x9: {  	s29 =	sshrl.u32 s1, $0x1;
	[dreg:$0xb] =	wrdreg s2  }
0xa: {  	s0 =	ssub.s32 s1, s29;
	[dreg:$0x9] =	wrdreg s30;
	s1 =	sor.u32 $0x10, s30  }
0xb: {  	s3 =	sadd.s32 s6, s3;
	[dreg:$0xd] =	wrdreg s1  }
0xc: {  	s21 =	simm.s32 $0x8800;
	s0 =	smax.u32 s0, $0x1;
	[dreg:$0xa] =	wrdreg s3  }
0xd: {  	s22 =	simm.s32 $0xCA00;
	s2 =	simm.s32 $0x0;
	[dreg:$0xe] =	wrdreg s0  }
.LBB2_1:
0xe: {  	[dreg:$0xf] =	wrdreg s2  }
0xf: {  	s0 =	rddreg [dreg:$0x1];
	s1 =	simm.s32 $0x5  }
0x10: {  	[tilespmem:s5], [sflag:$0x5] =	stream.linear.gather [hbm4b:s0+s5], $0x1000, $0x38;
	[tilespmem:$0x18C00] =	vst v63  }
0x11: {  	_ =	swait.ge [sflag:s1], $0x1000  }
0x12: {  	[sflag:s1] =	ssyncset.done $0x0  }
0x13: {  	[sflag:s1] =	ssyncadd.s32 $0xFFFFF000  }
0x14: {  	s23 =	simm.s32 $0x1000;
	s20 =	rddreg [dreg:$0x2]  }
0x15: {  	[tilespmem:s23], [sflag:$0x5] =	stream.linear.gather [hbm4b:s20+s5], $0x1000, $0x38;
	[tilespmem:$0x18C00] =	vst v63  }
0x16: {  	_ =	swait.ge [sflag:s1], $0x1000  }
0x17: {  	[sflag:s1] =	ssyncset.done $0x0  }
0x18: {  	[sflag:s1] =	ssyncadd.s32 $0xFFFFF000  }
0x19: {  	s25 =	simm.s32 $0x2000;
	s24 =	rddreg [dreg:$0x3]  }
0x1a: {  	[tilespmem:s25], [sflag:$0x5] =	stream.linear.gather [hbm4b:s24+s5], $0x800, $0x38;
	[tilespmem:$0x18C00] =	vst v63  }
0x1b: {  	_ =	swait.ge [sflag:s1], $0x800  }
0x1c: {  	[sflag:s1] =	ssyncset.done $0x0  }
0x1d: {  	s28 =	simm.s32 $0x2800;
	s26 =	rddreg [dreg:$0x7];
	[sflag:s1] =	ssyncadd.s32 $0xFFFFF800  }
0x1e: {  	[tilespmem:s28], [sflag:$0x5] =	stream.linear.gather [hbm4b:s26+s5], $0x4000, $0x38;
	[tilespmem:$0x18C00] =	vst v63  }
0x1f: {  	_ =	swait.ge [sflag:s1], $0x4000  }
0x20: {  	[sflag:s1] =	ssyncset.done $0x0  }
0x21: {  	s30 =	simm.s32 $0x6800;
	s29 =	rddreg [dreg:$0x8];
	[sflag:s1] =	ssyncadd.s32 $0xFFFFC000  }
0x22: {  	[tilespmem:s30], [sflag:$0x5] =	stream.linear.gather [hbm4b:s29+s5], $0x2000, $0x38;
	[tilespmem:$0x18C00] =	vst v63  }
0x23: {  	_ =	swait.ge [sflag:s1], $0x2000  }
0x24: {  	[sflag:s1] =	ssyncset.done $0x0  }
0x25: {  	s2 =	simm.s32 $0x0;
	s31 =	rddreg [dreg:$0xa];
	[sflag:s1] =	ssyncadd.s32 $0xFFFFE000  }
0x26: {  	[tilespmem:s21], [sflag:$0x1] =	stream.linear.gather [hbm4b:s31+s5], $0x4200, $0x38;
	[tilespmem:$0x18C00] =	vst v63  }
.LBB2_2:
0x27: {  	s0 =	sshllo.u32 s2, $0x1;
	s1 =	rddreg [dreg:$0x9]  }
0x28: {  	[dreg:$0x11] =	wrdreg s0;
	s0 =	sshll.u32 s0, $0x3  }
0x29: {  	s0 =	sadd.s32 s1, s0  }
0x2a: {  	s0 =	smul.u32 $0x108, s0  }
0x2b: {  	s12 =	rddreg [dreg:$0x6]  }
0x2c: {  	s13 =	simm.s32 $0x1;
	s0 =	sadd.s32 s12, s0  }
0x2d: {  	[tilespmem:s22], [sflag:$0x2] =	stream.linear.gather [hbm4b:s0+s5], $0x4200, $0x38;
	[tilespmem:$0x18C00] =	vst v63  }
0x2e: {  	_ =	swait.ge [sflag:s13], $0x4200  }
0x2f: {  	p0 =	seq.s32 s2, $0x0;
	[sflag:s13] =	ssyncset.done $0x0  }
0x30: {  	s0 =	simm.s32 @!p0 $0x3;
	[dreg:$0x10] =	wrdreg s2;
	[sflag:s13] =	ssyncadd.s32 $0xFFFFBE00  }
0x31: {  	_ =	swait.ge @!p0 [sflag:s0], $0x4000  }
0x32: {  	[sflag:s0] =	ssyncset.done @!p0 $0x0  }
0x33: {  	s4 =	simm.s32 $0x0;
	[sflag:s0] =	ssyncadd.s32 @!p0 $0xFFFFC000  }
0x34: {  	v13 =	vld [tilespmem:s4+$0x0]  }
0x35: {  	s14 =	simm.s32 $0x1000  }
0x36: {  	s17 =	sand.u32 $0x7F0, s4;
	v12 =	vld [tilespmem:s14+$0x0]  }
0x37: {  	s19 =	simm.s32 $0x7800;
	v22 =	vld [tilespmem:s17+$0x4800]  }
0x38: {  	v23 =	vld [tilespmem:s19+$0x0]  }
0x39: {  	s15 =	simm.s32 $0x2000;
	v25 =	vld [tilespmem:s19+$0xFFFFF000]  }
0x3a: {  	v15 =	vld [tilespmem:s15+$0x0]  }
0x3b: {  	v24 =	vld [tilespmem:s17+$0x7000]  }
0x3c: {  	s9 =	simm.s32 $0x3800;
	v0 =	vld.idx.msk [tilespmem:v13+s21+$0x0], $0xffff  }
0x3d: {  	v29 =	vld [tilespmem:s9+$0x0]  }
0x3e: {  	v1 =	vld.idx.msk [tilespmem:v12+s21+$0x0], $0xffff  }
0x3f: {  	v28 =	vld [tilespmem:s9+$0xFFFFF000];
	v2 =	vadd.s32 $0x800, v15  }
0x40: {  	v26 =	vld [tilespmem:s17+$0x8000]  }
0x41: {  	s11 =	simm.s32 $0x10;
	v27 =	vld [tilespmem:s17+$0x5800];
	v3 =	vmul.f32 v0, v24  }
0x42: {  	s16 =	simm.s32 $0x1010;
	v11 =	vld [tilespmem:s11+$0x0];
	v4 =	vmul.f32 v0, v29  }
0x43: {  	v30 =	vld [tilespmem:s16+$0x0];
	v0 =	vmul.f32 v1, v0;
	v5 =	vmul.f32 v1, v23;
	v3 =	vadd.f32 v3, v25  }
0x44: {  	v2 =	vld.idx.msk [tilespmem:v2+s21+$0x0], $0xffff;
	v1 =	vmul.f32 v1, v22  }
0x45: {  	v4 =	vadd.f32 v4, v28;
	v3 =	vadd.f32 v5, v3;
	v5 =	vmul.f32 v0, v26;
	_ =	sdelay $0x1  }
0x46: {  	v1 =	vadd.f32 v1, v4;
	v0 =	vmul.f32 v0, v27;
	v3 =	vadd.f32 v5, v3;
	_ =	sdelay $0x1  }
0x47: {  	s24 =	simm.s32 $0x2010;
	v4 =	vadd.s32 $0x840, v13;
	v1 =	vadd.f32 v0, v1;
	v2 =	vmul.f32 v3, v2  }
0x48: {  	v20 =	vld [tilespmem:s24+$0x0];
	v3 =	vadd.s32 $0x840, v12  }
0x49: {  	s18 =	sand.u32 $0x70, s4;
	s23 =	sand.u32 $0x3C00, s4;
	v9 =	vld.idx.msk [tilespmem:v11+s21+$0x0], $0xffff;
	v1 =	vadd.f32 v2, v1  }
0x4a: {  	s3 =	sand.u32 $0x7F0, s11;
	s0 =	sor.u32 s18, s23;
	v10 =	vld.idx.msk [tilespmem:v30+s21+$0x0], $0xffff  }
0x4b: {  	v0 =	vld [tilespmem:s3+$0x4800];
	[tilespmem:s0+$0x10C00] =	vst v1  }
0x4c: {  	v6 =	vld.idx.msk [tilespmem:v4+s21+$0x0], $0xffff  }
0x4d: {  	s30 =	simm.s32 $0x3810;
	v7 =	vld.idx.msk [tilespmem:v3+s21+$0x0], $0xffff;
	v3 =	vadd.s32 $0x1040, v15  }
0x4e: {  	s20 =	simm.s32 $0x7810;
	v5 =	vld [tilespmem:s30+$0x0]  }
0x4f: {  	v2 =	vld [tilespmem:s20+$0x0]  }
0x50: {  	v1 =	vld [tilespmem:s20+$0xFFFFF000]  }
0x51: {  	v4 =	vld [tilespmem:s3+$0x7000];
	v8 =	vmul.f32 v6, v24  }
0x52: {  	v17 =	vadd.s32 $0x800, v20;
	v14 =	vmul.f32 v6, v29;
	v18 =	vld.idx.msk [tilespmem:v3+s21+$0x0], $0xffff  }
0x53: {  	v6 =	vmul.f32 v7, v6;
	v16 =	vmul.f32 v7, v23;
	v3 =	vld [tilespmem:s30+$0xFFFFF000];
	v8 =	vadd.f32 v8, v25  }
0x54: {  	v31 =	vmul.f32 v10, v9;
	v7 =	vmul.f32 v7, v22;
	v14 =	vadd.f32 v14, v28  }
0x55: {  	v19 =	vmul.f32 v6, v27;
	v8 =	vadd.f32 v16, v8;
	v16 =	vmul.f32 v6, v26;
	v6 =	vld [tilespmem:s3+$0x8000]  }
0x56: {  	v21 =	vmul.f32 v9, v4;
	v9 =	vmul.f32 v9, v5  }
0x57: {  	v32 =	vmul.f32 v10, v2;
	v7 =	vadd.f32 v7, v14;
	v14 =	vadd.f32 v16, v8;
	v8 =	vld [tilespmem:s3+$0x5800]  }
0x58: {  	v10 =	vmul.f32 v10, v0;
	v21 =	vadd.f32 v21, v1;
	v9 =	vadd.f32 v9, v3  }
0x59: {  	v17 =	vld.idx.msk [tilespmem:v17+s21+$0x0], $0xffff;
	v16 =	vadd.s32 $0x1080, v13;
	v7 =	vadd.f32 v19, v7;
	v14 =	vmul.f32 v14, v18  }
0x5a: {  	s15 =	simm.s32 $0x20;
	v19 =	vadd.f32 v32, v21;
	v18 =	vadd.s32 $0x1080, v12;
	v21 =	vmul.f32 v31, v6  }
0x5b: {  	s2 =	sand.u32 $0x7F0, s15;
	v38 =	vadd.s32 $0x18C0, v13;
	v14 =	vadd.f32 v14, v7  }
0x5c: {  	s23 =	simm.s32 $0x2020;
	s1 =	sadd.s32 $0x10C00, s0;
	v13 =	vld [tilespmem:s2+$0x7000];
	v9 =	vadd.f32 v10, v9;
	v10 =	vmul.f32 v31, v8;
	v19 =	vadd.f32 v21, v19  }
0x5d: {  	v35 =	vadd.s32 $0x18C0, v12;
	v12 =	vld [tilespmem:s23+$0x0];
	[tilespmem:s1+$0x80] =	vst v14  }
0x5e: {  	v31 =	vadd.s32 $0x840, v11;
	v21 =	vld.idx.msk [tilespmem:v16+s21+$0x0], $0xffff;
	v9 =	vadd.f32 v10, v9;
	v10 =	vmul.f32 v19, v17  }
0x5f: {  	s25 =	simm.s32 $0x80;
	v17 =	vld.idx.msk [tilespmem:v18+s21+$0x0], $0xffff  }
0x60: {  	s26 =	sand.u32 $0x70, s11;
	s0 =	sand.u32 $0x3C00, s25;
	v18 =	vadd.s32 $0x840, v30;
	v16 =	vld [tilespmem:s15+$0x0];
	v59 =	vadd.f32 v10, v9  }
0x61: {  	s24 =	simm.s32 $0x1020;
	s10 =	sor.u32 s26, s0;
	v7 =	vld [tilespmem:s2+$0x4800];
	v19 =	vadd.s32 $0x1880, v15  }
0x62: {  	v14 =	vld [tilespmem:s24+$0x0];
	[tilespmem:s10+$0x10C00] =	vst v59  }
0x63: {  	s18 =	simm.s32 $0x7820;
	v60 =	vmul.f32 v21, v24;
	v31 =	vld.idx.msk [tilespmem:v31+s21+$0x0], $0xffff  }
0x64: {  	v36 =	vadd.s32 $0x1040, v20;
	v10 =	vld [tilespmem:s18+$0x0];
	v33 =	vmul.f32 v21, v29  }
0x65: {  	v34 =	vld.idx.msk [tilespmem:v18+s21+$0x0], $0xffff;
	v18 =	vmul.f32 v17, v21;
	v61 =	vmul.f32 v17, v23;
	v21 =	vadd.f32 v60, v25  }
0x66: {  	v19 =	vld.idx.msk [tilespmem:v19+s21+$0x0], $0xffff;
	v17 =	vmul.f32 v17, v22;
	v33 =	vadd.f32 v33, v28  }
0x67: {  	v9 =	vld [tilespmem:s18+$0xFFFFF000];
	v37 =	vmul.f32 v18, v27;
	v18 =	vmul.f32 v18, v26;
	v21 =	vadd.f32 v61, v21  }
0x68: {  	v39 =	vadd.s32 $0x20C0, v15;
	v63 =	vadd.s32 $0x800, v12;
	v62 =	vld.idx.msk [tilespmem:v16+s21+$0x0], $0xffff;
	v15 =	vmul.f32 v31, v4  }
0x69: {  	v36 =	vld.idx.msk [tilespmem:v36+s21+$0x0], $0xffff;
	v33 =	vadd.f32 v17, v33;
	v41 =	vmul.f32 v31, v5;
	v18 =	vadd.f32 v18, v21  }
0x6a: {  	s29 =	simm.s32 $0x3820;
	v40 =	vld.idx.msk [tilespmem:v14+s21+$0x0], $0xffff;
	v21 =	vmul.f32 v34, v31;
	v31 =	vmul.f32 v34, v2;
	v15 =	vadd.f32 v15, v1  }
0x6b: {  	v17 =	vld [tilespmem:s29+$0x0];
	v33 =	vadd.f32 v37, v33;
	v34 =	vmul.f32 v34, v0;
	v19 =	vmul.f32 v18, v19  }
0x6c: {  	v41 =	vadd.f32 v41, v3;
	v18 =	vld [tilespmem:s29+$0xFFFFF000];
	v42 =	vmul.f32 v21, v6;
	v31 =	vadd.f32 v31, v15  }
0x6d: {  	v47 =	vadd.s32 $0x1080, v11;
	v43 =	vmul.f32 v62, v13;
	v15 =	vld [tilespmem:s2+$0x8000];
	v33 =	vadd.f32 v19, v33  }
0x6e: {  	v21 =	vmul.f32 v21, v8;
	v34 =	vadd.f32 v34, v41;
	v31 =	vadd.f32 v42, v31  }
0x6f: {  	v49 =	vmul.f32 v40, v10;
	v44 =	vmul.f32 v40, v62;
	v19 =	vld [tilespmem:s2+$0x5800];
	v48 =	vadd.f32 v43, v9;
	[tilespmem:s1+$0x100] =	vst v33  }
0x70: {  	v32 =	vmul.f32 v62, v17;
	v21 =	vadd.f32 v21, v34;
	v50 =	vld.idx.msk [tilespmem:v38+s21+$0x0], $0xffff;
	v31 =	vmul.f32 v31, v36  }
0x71: {  	v53 =	vadd.s32 $0x1080, v30;
	v51 =	vld.idx.msk [tilespmem:v63+s21+$0x0], $0xffff;
	v52 =	vmul.f32 v40, v7;
	v33 =	vadd.f32 v49, v48  }
0x72: {  	s12 =	simm.s32 $0x30;
	v32 =	vadd.f32 v32, v18;
	v35 =	vld.idx.msk [tilespmem:v35+s21+$0x0], $0xffff;
	v54 =	vmul.f32 v44, v15;
	v31 =	vadd.f32 v31, v21  }
0x73: {  	s0 =	sand.u32 $0x7F0, s12;
	s28 =	sadd.s32 $0x10C00, s10;
	v59 =	vadd.s32 $0x840, v14;
	v39 =	vld.idx.msk [tilespmem:v39+s21+$0x0], $0xffff  }
0x74: {  	v32 =	vadd.f32 v52, v32;
	v55 =	vmul.f32 v44, v19;
	v21 =	vld [tilespmem:s0+$0x4800];
	v33 =	vadd.f32 v54, v33;
	[tilespmem:s28+$0x80] =	vst v31  }
0x75: {  	v56 =	vadd.s32 $0x840, v16;
	v61 =	vadd.s32 $0x1880, v20;
	v57 =	vld.idx.msk [tilespmem:v47+s21+$0x0], $0xffff;
	v58 =	vmul.f32 v50, v24  }
0x76: {  	s6 =	simm.s32 $0x1030;
	v31 =	vadd.f32 v55, v32;
	v29 =	vmul.f32 v50, v29;
	v33 =	vmul.f32 v33, v51;
	v60 =	vld.idx.msk [tilespmem:v53+s21+$0x0], $0xffff  }
0x77: {  	s7 =	simm.s32 $0x100;
	v24 =	vld [tilespmem:s6+$0x0];
	v34 =	vmul.f32 v35, v50;
	v23 =	vmul.f32 v35, v23;
	v37 =	vadd.f32 v58, v25  }
0x78: {  	s8 =	simm.s32 $0x7830;
	s31 =	sand.u32 $0x3C00, s7;
	s25 =	sand.u32 $0x70, s15;
	v25 =	vld [tilespmem:s12+$0x0];
	v31 =	vadd.f32 v33, v31;
	v28 =	vadd.f32 v29, v28;
	v29 =	vmul.f32 v35, v22  }
0x79: {  	s13 =	sor.u32 s25, s31;
	v22 =	vld [tilespmem:s8+$0x0];
	v26 =	vmul.f32 v34, v26;
	v62 =	vadd.f32 v23, v37  }
0x7a: {  	v34 =	vmul.f32 v34, v27;
	v27 =	vadd.s32 $0x18C0, v30;
	v23 =	vld [tilespmem:s8+$0xFFFFF000];
	[tilespmem:s13+$0x10C00] =	vst v31;
	v28 =	vadd.f32 v29, v28  }
0x7b: {  	v37 =	vld.idx.msk [tilespmem:v56+s21+$0x0], $0xffff;
	v29 =	vmul.f32 v57, v5;
	v30 =	vmul.f32 v57, v4;
	v26 =	vadd.f32 v26, v62  }
0x7c: {  	v38 =	vadd.s32 $0x1040, v12;
	v36 =	vld.idx.msk [tilespmem:v59+s21+$0x0], $0xffff;
	v31 =	vmul.f32 v60, v57;
	v63 =	vmul.f32 v60, v2  }
0x7d: {  	s5 =	simm.s32 $0x2030;
	v28 =	vadd.f32 v34, v28;
	v34 =	vld.idx.msk [tilespmem:v61+s21+$0x0], $0xffff;
	v30 =	vadd.f32 v30, v1;
	v33 =	vmul.f32 v26, v39  }
0x7e: {  	v42 =	vmul.f32 v60, v0;
	v41 =	vadd.f32 v29, v3;
	v35 =	vmul.f32 v31, v8;
	v26 =	vld [tilespmem:s5+$0x0]  }
0x7f: {  	s14 =	simm.s32 $0x40;
	s16 =	simm.s32 $0x30;
	s26 =	smov.u32 s1;
	v40 =	vmul.f32 v31, v6;
	v43 =	vld.idx.msk [tilespmem:v24+s21+$0x0], $0xffff;
	v39 =	vadd.f32 v63, v30;
	v28 =	vadd.f32 v33, v28  }
.LBB2_3:
0x80: {  	p1 =	sne.s32 s14, $0x7F0;
	v29 =	vld.idx.msk [tilespmem:v25+s21+$0x0], $0xffff;
	v30 =	vadd.f32 v42, v41;
	v31 =	vadd.s32 $0x18C0, v11;
	v20 =	vadd.s32 $0x20C0, v20;
	v32 =	vmovc v0;
	v0 =	vmovc v7;
	s31 =	smov.u32 s14;
	s14 =	sadd.s32 $0x10, s14  }
0x81: {  	v11 =	vmul.f32 v37, v17;
	v41 =	vmul.f32 v37, v13;
	s29 =	sadd.s32 $0x10, s29;
	v33 =	vld [tilespmem:s0+$0x7000];
	v42 =	vadd.f32 v40, v39;
	[tilespmem:s26+$0x180] =	vst v28;
	s26 =	smov.u32 s28  }
0x82: {  	v7 =	vmovc v21;
	v37 =	vmul.f32 v36, v37;
	v40 =	vmul.f32 v36, v10;
	v28 =	vld [tilespmem:s29+$0x0];
	v30 =	vadd.f32 v35, v30  }
0x83: {  	v39 =	vmovc v14;
	v21 =	vadd.s32 $0x800, v26;
	v35 =	vld.idx.msk [tilespmem:v38+s21+$0x0], $0xffff;
	v38 =	vadd.f32 v41, v9;
	v34 =	vmul.f32 v42, v34  }
0x84: {  	v36 =	vmul.f32 v36, v0;
	v14 =	vmovc v24;
	v42 =	vadd.f32 v11, v18;
	v44 =	vmul.f32 v37, v19;
	v41 =	vld [tilespmem:s29+$0xFFFFF000]  }
0x85: {  	v37 =	vmul.f32 v37, v15;
	v11 =	vmovc v16;
	v45 =	vld [tilespmem:s0+$0x8000];
	v24 =	vadd.f32 v40, v38;
	v46 =	vadd.f32 v34, v30  }
0x86: {  	v16 =	vmovc v25;
	v34 =	vmul.f32 v43, v29;
	v36 =	vadd.f32 v36, v42;
	v38 =	vmul.f32 v29, v33  }
0x87: {  	v30 =	vmovc v2;
	v40 =	vld [tilespmem:s0+$0x5800];
	v25 =	vmul.f32 v29, v28;
	v24 =	vadd.f32 v37, v24;
	v29 =	vadd.s32 $0x1080, v11;
	[tilespmem:s26+$0x100] =	vst v46  }
0x88: {  	v37 =	vmul.f32 v43, v22;
	v36 =	vadd.f32 v44, v36;
	v46 =	vadd.f32 v38, v23;
	v31 =	vld.idx.msk [tilespmem:v31+s21+$0x0], $0xffff  }
0x89: {  	v38 =	vld.idx.msk [tilespmem:v21+s21+$0x0], $0xffff;
	v21 =	vadd.f32 v25, v41;
	v25 =	vmul.f32 v43, v7;
	v24 =	vmul.f32 v24, v35  }
0x8a: {  	v42 =	vadd.s32 $0x1080, v39;
	v2 =	vmovc v10;
	v35 =	vadd.f32 v37, v46;
	v37 =	vmul.f32 v34, v45;
	v27 =	vld.idx.msk [tilespmem:v27+s21+$0x0], $0xffff  }
0x8b: {  	v10 =	vmovc v22;
	v22 =	vmov v1;
	v25 =	vadd.f32 v25, v21;
	v24 =	vadd.f32 v24, v36;
	v43 =	vld.idx.msk [tilespmem:v20+s21+$0x0], $0xffff  }
0x8c: {  	s28 =	sadd.s32 $0x10C00, s13;
	s0 =	sand.u32 $0x7F0, s31;
	v1 =	vmovc v9;
	v9 =	vmovc v23;
	v20 =	vmov v12;
	v34 =	vmul.f32 v34, v40;
	v35 =	vadd.f32 v37, v35  }
0x8d: {  	v36 =	vadd.s32 $0x840, v16;
	v12 =	vmov v26;
	v21 =	vld [tilespmem:s0+$0x4800];
	[tilespmem:s28+$0x80] =	vst v24  }
0x8e: {  	v23 =	vadd.f32 v34, v25;
	v26 =	vld.idx.msk [tilespmem:v29+s21+$0x0], $0xffff;
	v29 =	vmul.f32 v31, v5;
	v25 =	vmul.f32 v31, v4  }
0x8f: {  	s6 =	sadd.s32 $0x10, s6;
	s7 =	sadd.s32 $0x80, s7;
	v44 =	vadd.s32 $0x1880, v20;
	v34 =	vmul.f32 v35, v38;
	v35 =	vadd.s32 $0x840, v14;
	v4 =	vmovc v13;
	v13 =	vmovc v33;
	v42 =	vld.idx.msk [tilespmem:v42+s21+$0x0], $0xffff  }
0x90: {  	s12 =	sadd.s32 $0x10, s12;
	v5 =	vmovc v17;
	v31 =	vmul.f32 v27, v31;
	v30 =	vmul.f32 v27, v30;
	v24 =	vld [tilespmem:s6+$0x0];
	v33 =	vadd.f32 v25, v22  }
0x91: {  	s8 =	sadd.s32 $0x10, s8;
	s13 =	sand.u32 $0x70, s16;
	s16 =	sand.u32 $0x3C00, s7;
	v17 =	vmovc v28;
	v32 =	vmul.f32 v27, v32;
	v34 =	vadd.f32 v34, v23;
	v29 =	vadd.f32 v29, v3;
	v25 =	vld [tilespmem:s12+$0x0]  }
0x92: {  	s13 =	sor.u32 s13, s16;
	s16 =	smov.u32 s31;
	v3 =	vmovc v18;
	v46 =	vmul.f32 v31, v8;
	v22 =	vld [tilespmem:s8+$0x0];
	v28 =	vadd.f32 v30, v33;
	v30 =	vmul.f32 v31, v6  }
0x93: {  	v27 =	vadd.s32 $0x18C0, v39;
	v18 =	vmovc v41;
	v29 =	vadd.f32 v32, v29;
	v6 =	vmovc v15;
	v15 =	vmov v45;
	v23 =	vld [tilespmem:s8+$0xFFFFF000];
	[tilespmem:s13+$0x10C00] =	vst v34  }
.Ltmp0:
0x94: {  	v31 =	vmul.f32 v26, v5;
	v32 =	vmul.f32 v26, v4;
	v37 =	vld.idx.msk [tilespmem:v36+s21+$0x0], $0xffff;
	v28 =	vadd.f32 v30, v28;
	(pc) =	sbr.rel @p1 .LBB2_3-.Ltmp0, $4  }
0x95: {  	v38 =	vadd.s32 $0x1040, v12;
	v8 =	vmovc v19;
	v30 =	vmul.f32 v42, v26;
	v29 =	vadd.f32 v46, v29;
	v36 =	vld.idx.msk [tilespmem:v35+s21+$0x0], $0xffff  }
0x96: {  	s5 =	sadd.s32 $0x10, s5;
	v33 =	vmul.f32 v42, v2;
	v32 =	vadd.f32 v32, v1;
	v34 =	vld.idx.msk [tilespmem:v44+s21+$0x0], $0xffff;
	v28 =	vmul.f32 v28, v43  }
0x97: {  	v19 =	vmovc v40;
	v42 =	vmul.f32 v42, v0;
	v41 =	vadd.f32 v31, v3;
	v35 =	vmul.f32 v30, v8;
	v26 =	vld [tilespmem:s5+$0x0]  }
0x98: {  	v40 =	vmul.f32 v30, v6;
	v39 =	vadd.f32 v33, v32;
	v43 =	vld.idx.msk [tilespmem:v24+s21+$0x0], $0xffff;
	v28 =	vadd.f32 v28, v29  }
0x99: {  	_ =	sdelay $0x3  }
0x9a: {  	v44 =	vld.idx.msk [tilespmem:v25+s21+$0x0], $0xffff  }
0x9b: {  	v33 =	vld [tilespmem:s0+$0x7000]  }
0x9c: {  	s5 =	sadd.s32 $0x10, s29  }
0x9d: {  	v32 =	vld [tilespmem:s5+$0x0]  }
0x9e: {  	v30 =	vld [tilespmem:s0+$0x8000];
	v45 =	vadd.s32 $0x800, v26  }
0x9f: {  	v31 =	vld [tilespmem:s5+$0xFFFFF000]  }
0xa0: {  	v46 =	vmul.f32 v44, v33  }
0xa1: {  	v29 =	vld [tilespmem:s0+$0x5800];
	v48 =	vmul.f32 v43, v22  }
0xa2: {  	v47 =	vmul.f32 v44, v32;
	v44 =	vmul.f32 v43, v44;
	v46 =	vadd.f32 v46, v23  }
0xa3: {  	v54 =	vmul.f32 v43, v21;
	v45 =	vld.idx.msk [tilespmem:v45+s21+$0x0], $0xffff  }
0xa4: {  	v47 =	vadd.f32 v47, v31;
	v55 =	vmul.f32 v44, v30;
	v46 =	vadd.f32 v48, v46;
	_ =	sdelay $0x1  }
0xa5: {  	v44 =	vmul.f32 v44, v29;
	v43 =	vadd.f32 v54, v47;
	v46 =	vadd.f32 v55, v46;
	_ =	sdelay $0x1  }
0xa6: {  	v56 =	vadd.s32 $0x840, v25;
	v43 =	vadd.f32 v44, v43;
	v57 =	vmul.f32 v46, v45  }
0xa7: {  	s8 =	sadd.s32 $0x80, s7  }
0xa8: {  	v58 =	vadd.s32 $0x840, v24;
	s12 =	sand.u32 $0x70, s16;
	s0 =	sand.u32 $0x3C00, s8;
	v43 =	vadd.f32 v57, v43  }
0xa9: {  	s5 =	sor.u32 s12, s0  }
0xaa: {  	[tilespmem:s5+$0x10C00] =	vst v43  }
0xab: {  	v61 =	vld.idx.msk [tilespmem:v56+s21+$0x0], $0xffff  }
0xac: {  	v59 =	vmul.f32 v37, v13  }
0xad: {  	v60 =	vmul.f32 v37, v17;
	v63 =	vmul.f32 v36, v37;
	v45 =	vld.idx.msk [tilespmem:v58+s21+$0x0], $0xffff  }
0xae: {  	v62 =	vmul.f32 v36, v10;
	v52 =	vmul.f32 v36, v7;
	v53 =	vadd.s32 $0x1040, v26  }
0xaf: {  	v37 =	vmul.f32 v63, v15;
	v44 =	vadd.f32 v59, v9;
	v43 =	vadd.f32 v60, v18  }
0xb0: {  	v38 =	vld.idx.msk [tilespmem:v38+s21+$0x0], $0xffff;
	v54 =	vmul.f32 v63, v19;
	v55 =	vmul.f32 v61, v33  }
0xb1: {  	v44 =	vadd.f32 v62, v44;
	v36 =	vadd.f32 v52, v43;
	v56 =	vmul.f32 v61, v32  }
0xb2: {  	v46 =	vmul.f32 v45, v61;
	v57 =	vmul.f32 v45, v22;
	v43 =	vadd.f32 v55, v23  }
0xb3: {  	v59 =	vadd.s32 $0x1080, v16;
	v37 =	vadd.f32 v37, v44;
	v58 =	vld.idx.msk [tilespmem:v53+s21+$0x0], $0xffff;
	v45 =	vmul.f32 v45, v21  }
0xb4: {  	v44 =	vadd.f32 v56, v31;
	v60 =	vmul.f32 v46, v30;
	v43 =	vadd.f32 v57, v43  }
0xb5: {  	v62 =	vadd.s32 $0x1080, v14;
	v37 =	vmul.f32 v37, v38;
	v36 =	vadd.f32 v54, v36  }
0xb6: {  	v63 =	vmul.f32 v46, v29;
	v61 =	vadd.f32 v45, v44;
	v43 =	vadd.f32 v60, v43  }
0xb7: {  	v36 =	vadd.f32 v37, v36  }
0xb8: {  	s13 =	sadd.s32 $0x10C00, s13;
	v48 =	vadd.s32 $0x1080, v25;
	v45 =	vadd.f32 v63, v61;
	v46 =	vmul.f32 v43, v58  }
0xb9: {  	[tilespmem:s13+$0x80] =	vst v36  }
0xba: {  	v50 =	vadd.s32 $0x1080, v24;
	v49 =	vld.idx.msk [tilespmem:v59+s21+$0x0], $0xffff;
	v36 =	vadd.f32 v46, v45  }
0xbb: {  	v41 =	vadd.f32 v42, v41;
	v39 =	vadd.f32 v40, v39;
	s5 =	sadd.s32 $0x10C00, s5;
	v51 =	vld.idx.msk [tilespmem:v62+s21+$0x0], $0xffff  }
0xbc: {  	[tilespmem:s5+$0x80] =	vst v36  }
0xbd: {  	v35 =	vadd.f32 v35, v41;
	v34 =	vmul.f32 v39, v34;
	v52 =	vadd.s32 $0x1880, v12;
	v38 =	vld.idx.msk [tilespmem:v48+s21+$0x0], $0xffff  }
0xbe: {  	v11 =	vadd.s32 $0x18C0, v11  }
0xbf: {  	v20 =	vadd.s32 $0x20C0, v20;
	v34 =	vadd.f32 v34, v35;
	v53 =	vmul.f32 v49, v13;
	v37 =	vld.idx.msk [tilespmem:v50+s21+$0x0], $0xffff  }
0xc0: {  	v56 =	vadd.s32 $0x1880, v26;
	v54 =	vmul.f32 v49, v17;
	v43 =	vmul.f32 v51, v49  }
0xc1: {  	v55 =	vmul.f32 v51, v10;
	v40 =	vmul.f32 v51, v7;
	v39 =	vadd.f32 v53, v9  }
0xc2: {  	v35 =	vadd.f32 v54, v18;
	v58 =	vmul.f32 v43, v15;
	v36 =	vld.idx.msk [tilespmem:v52+s21+$0x0], $0xffff;
	v57 =	vmul.f32 v38, v33  }
0xc3: {  	[tilespmem:s28+$0x100] =	vst v34;
	v43 =	vmul.f32 v43, v19;
	v39 =	vadd.f32 v55, v39;
	v59 =	vmul.f32 v38, v32  }
0xc4: {  	v11 =	vld.idx.msk [tilespmem:v11+s21+$0x0], $0xffff;
	v38 =	vmul.f32 v37, v38;
	v60 =	vmul.f32 v37, v22;
	v41 =	vadd.f32 v57, v23  }
0xc5: {  	v35 =	vadd.f32 v40, v35;
	v61 =	vld.idx.msk [tilespmem:v56+s21+$0x0], $0xffff;
	v34 =	vadd.f32 v58, v39;
	v37 =	vmul.f32 v37, v21  }
0xc6: {  	v27 =	vld.idx.msk [tilespmem:v27+s21+$0x0], $0xffff;
	v40 =	vadd.f32 v59, v31;
	v62 =	vmul.f32 v38, v30;
	v41 =	vadd.f32 v60, v41  }
0xc7: {  	v16 =	vadd.s32 $0x18C0, v16;
	v35 =	vadd.f32 v43, v35;
	v34 =	vmul.f32 v34, v36  }
0xc8: {  	v63 =	vmul.f32 v38, v29;
	v37 =	vadd.f32 v37, v40;
	v42 =	vadd.f32 v62, v41  }
0xc9: {  	v25 =	vadd.s32 $0x18C0, v25;
	v4 =	vmul.f32 v11, v4;
	v14 =	vadd.s32 $0x18C0, v14  }
0xca: {  	v34 =	vadd.f32 v34, v35;
	v43 =	vadd.f32 v63, v37;
	v44 =	vmul.f32 v42, v61  }
0xcb: {  	v2 =	vmul.f32 v27, v2;
	v1 =	vadd.f32 v4, v1  }
0xcc: {  	v4 =	vld.idx.msk [tilespmem:v20+s21+$0x0], $0xffff;
	v20 =	vadd.s32 $0x18C0, v24;
	v45 =	vmul.f32 v27, v11;
	[tilespmem:s13+$0x100] =	vst v34;
	v24 =	vadd.f32 v44, v43  }
0xcd: {  	v5 =	vmul.f32 v11, v5;
	v11 =	vld.idx.msk [tilespmem:v16+s21+$0x0], $0xffff  }
0xce: {  	v1 =	vadd.f32 v2, v1;
	v2 =	vmul.f32 v45, v6;
	v6 =	vld.idx.msk [tilespmem:v14+s21+$0x0], $0xffff;
	[tilespmem:s5+$0x100] =	vst v24  }
0xcf: {  	v0 =	vmul.f32 v27, v0;
	v3 =	vadd.f32 v5, v3;
	v5 =	vld.idx.msk [tilespmem:v25+s21+$0x0], $0xffff  }
0xd0: {  	v1 =	vadd.f32 v2, v1  }
0xd1: {  	v0 =	vadd.f32 v0, v3;
	v3 =	vadd.s32 $0x20C0, v12;
	v2 =	vmul.f32 v45, v8;
	v8 =	vld.idx.msk [tilespmem:v20+s21+$0x0], $0xffff  }
0xd2: {  	v12 =	vadd.s32 $0x20C0, v26;
	v1 =	vmul.f32 v1, v4;
	v4 =	vmul.f32 v11, v13  }
0xd3: {  	v0 =	vadd.f32 v2, v0;
	v2 =	vmul.f32 v11, v17;
	v11 =	vmul.f32 v6, v11  }
0xd4: {  	v4 =	vadd.f32 v4, v9;
	v9 =	vmul.f32 v6, v10;
	v10 =	vmul.f32 v5, v33  }
0xd5: {  	v2 =	vadd.f32 v2, v18;
	v6 =	vmul.f32 v6, v7;
	v7 =	vmul.f32 v5, v32  }
0xd6: {  	v3 =	vld.idx.msk [tilespmem:v3+s21+$0x0], $0xffff;
	v5 =	vmul.f32 v8, v5;
	v13 =	vmul.f32 v8, v22;
	v10 =	vadd.f32 v10, v23  }
0xd7: {  	v4 =	vadd.f32 v9, v4;
	v9 =	vmul.f32 v11, v15;
	v12 =	vld.idx.msk [tilespmem:v12+s21+$0x0], $0xffff;
	v8 =	vmul.f32 v8, v21  }
0xd8: {  	v7 =	vadd.f32 v7, v31;
	v10 =	vadd.f32 v13, v10;
	v13 =	vmul.f32 v5, v30  }
0xd9: {  	v11 =	vmul.f32 v11, v19;
	v2 =	vadd.f32 v6, v2;
	v4 =	vadd.f32 v9, v4  }
0xda: {  	v5 =	vmul.f32 v5, v29;
	v6 =	vadd.f32 v8, v7;
	v7 =	vadd.f32 v13, v10  }
0xdb: {  	v2 =	vadd.f32 v11, v2;
	v3 =	vmul.f32 v4, v3  }
0xdc: {  	v0 =	vadd.f32 v1, v0;
	v1 =	vadd.f32 v5, v6;
	v4 =	vmul.f32 v7, v12  }
0xdd: {  	[tilespmem:s26+$0x180] =	vst v28;
	v2 =	vadd.f32 v3, v2  }
0xde: {  	[tilespmem:s28+$0x180] =	vst v0;
	v0 =	vadd.f32 v4, v1  }
0xdf: {  	[tilespmem:s13+$0x180] =	vst v2  }
0xe0: {  	[tilespmem:s5+$0x180] =	vst v0  }
0xe1: {  	v12 =	vld [tilespmem:s4+$0x0]  }
0xe2: {  	s14 =	simm.s32 $0x1000  }
0xe3: {  	v13 =	vld [tilespmem:s14+$0x0];
	_ =	sdelay $0x1  }
0xe4: {  	s16 =	simm.s32 $0x2000  }
0xe5: {  	v14 =	vld [tilespmem:s16+$0x0];
	v0 =	vadd.s32 $0x2100, v12  }
0xe6: {  	v20 =	vld [tilespmem:s19+$0x0]  }
0xe7: {  	v21 =	vld [tilespmem:s19+$0xFFFFF000];
	v1 =	vadd.s32 $0x2100, v13  }
0xe8: {  	v31 =	vld [tilespmem:s17+$0x7000]  }
0xe9: {  	v28 =	vld [tilespmem:s9+$0x0]  }
0xea: {  	v0 =	vld.idx.msk [tilespmem:v0+s21+$0x0], $0xffff  }
0xeb: {  	v25 =	vld [tilespmem:s9+$0xFFFFF000]  }
0xec: {  	v1 =	vld.idx.msk [tilespmem:v1+s21+$0x0], $0xffff  }
0xed: {  	v26 =	vld [tilespmem:s17+$0x4800];
	v2 =	vadd.s32 $0x2900, v14  }
0xee: {  	v27 =	vld [tilespmem:s17+$0x8000]  }
0xef: {  	v3 =	vmul.f32 v0, v31  }
0xf0: {  	v24 =	vld [tilespmem:s17+$0x5800];
	v4 =	vmul.f32 v0, v28  }
0xf1: {  	v0 =	vmul.f32 v1, v0;
	v5 =	vmul.f32 v1, v20;
	v3 =	vadd.f32 v3, v21  }
0xf2: {  	s17 =	simm.s32 $0x1010;
	v2 =	vld.idx.msk [tilespmem:v2+s21+$0x0], $0xffff;
	v1 =	vmul.f32 v1, v26  }
0xf3: {  	v30 =	vld [tilespmem:s17+$0x0];
	v4 =	vadd.f32 v4, v25;
	v3 =	vadd.f32 v5, v3;
	v5 =	vmul.f32 v0, v27;
	_ =	sdelay $0x1  }
0xf4: {  	v1 =	vadd.f32 v1, v4;
	v0 =	vmul.f32 v0, v24;
	v3 =	vadd.f32 v5, v3;
	_ =	sdelay $0x1  }
0xf5: {  	v29 =	vld [tilespmem:s11+$0x0];
	v4 =	vadd.s32 $0x2940, v12;
	v0 =	vadd.f32 v0, v1;
	v1 =	vmul.f32 v3, v2  }
0xf6: {  	s19 =	simm.s32 $0x2010;
	v5 =	vadd.s32 $0x2100, v30  }
0xf7: {  	v19 =	vld [tilespmem:s19+$0x0];
	v2 =	vadd.s32 $0x2940, v13;
	v3 =	vadd.f32 v1, v0  }
0xf8: {  	v0 =	vld [tilespmem:s3+$0x4800]  }
0xf9: {  	v1 =	vld [tilespmem:s20+$0x0];
	[tilespmem:s1+$0x200] =	vst v3  }
0xfa: {  	v3 =	vld.idx.msk [tilespmem:v4+s21+$0x0], $0xffff;
	v4 =	vadd.s32 $0x2100, v29  }
0xfb: {  	v9 =	vld.idx.msk [tilespmem:v5+s21+$0x0], $0xffff  }
0xfc: {  	v7 =	vadd.s32 $0x3140, v14;
	v6 =	vld.idx.msk [tilespmem:v2+s21+$0x0], $0xffff  }
0xfd: {  	v5 =	vld [tilespmem:s3+$0x7000]  }
0xfe: {  	v2 =	vld [tilespmem:s20+$0xFFFFF000]  }
0xff: {  	v10 =	vld.idx.msk [tilespmem:v4+s21+$0x0], $0xffff;
	v8 =	vmul.f32 v3, v31  }
0x100: {  	v4 =	vld [tilespmem:s30+$0x0];
	v11 =	vmul.f32 v3, v28  }
0x101: {  	v17 =	vld.idx.msk [tilespmem:v7+s21+$0x0], $0xffff;
	v15 =	vmul.f32 v6, v3;
	v7 =	vmul.f32 v6, v20;
	v16 =	vadd.f32 v8, v21  }
0x102: {  	v18 =	vadd.s32 $0x2900, v19;
	v3 =	vld [tilespmem:s30+$0xFFFFF000];
	v6 =	vmul.f32 v6, v26;
	v11 =	vadd.f32 v11, v25  }
0x103: {  	v47 =	vmul.f32 v9, v1;
	v22 =	vmul.f32 v15, v27;
	v8 =	vld [tilespmem:s3+$0x8000];
	v16 =	vadd.f32 v7, v16  }
0x104: {  	v15 =	vmul.f32 v15, v24;
	v7 =	vld [tilespmem:s3+$0x5800];
	v6 =	vadd.f32 v6, v11;
	v46 =	vmul.f32 v10, v5  }
0x105: {  	v23 =	vmul.f32 v9, v10;
	v10 =	vmul.f32 v10, v4;
	v11 =	vadd.f32 v22, v16  }
0x106: {  	v9 =	vmul.f32 v9, v0;
	v16 =	vadd.s32 $0x3180, v12;
	v22 =	vadd.f32 v46, v2  }
0x107: {  	v18 =	vld.idx.msk [tilespmem:v18+s21+$0x0], $0xffff;
	v6 =	vadd.f32 v15, v6;
	v10 =	vadd.f32 v10, v3;
	v11 =	vmul.f32 v11, v17  }
0x108: {  	v17 =	vmul.f32 v23, v8;
	v15 =	vadd.f32 v47, v22;
	v22 =	vadd.s32 $0x3180, v13  }
0x109: {  	v9 =	vadd.f32 v9, v10;
	v10 =	vmul.f32 v23, v7;
	v6 =	vadd.f32 v11, v6;
	v11 =	vld [tilespmem:s24+$0x0]  }
0x10a: {  	v17 =	vadd.f32 v17, v15;
	v15 =	vld [tilespmem:s15+$0x0]  }
0x10b: {  	[tilespmem:s1+$0x280] =	vst v6;
	v6 =	vadd.f32 v10, v9;
	v10 =	vld [tilespmem:s2+$0x4800]  }
0x10c: {  	v23 =	vadd.s32 $0x2940, v29;
	v9 =	vmul.f32 v17, v18;
	v16 =	vld.idx.msk [tilespmem:v16+s21+$0x0], $0xffff  }
0x10d: {  	v17 =	vadd.s32 $0x2940, v30;
	v18 =	vld.idx.msk [tilespmem:v22+s21+$0x0], $0xffff  }
0x10e: {  	v57 =	vadd.s32 $0x41C0, v14;
	v22 =	vadd.s32 $0x3980, v14;
	v14 =	vld [tilespmem:s2+$0x7000];
	v9 =	vadd.f32 v9, v6  }
0x10f: {  	v52 =	vadd.s32 $0x3140, v19;
	s3 =	sadd.s32 $0x10C00, s10;
	v6 =	vld [tilespmem:s18+$0x0]  }
0x110: {  	v48 =	vadd.s32 $0x2100, v11;
	[tilespmem:s3+$0x200] =	vst v9;
	v9 =	vld [tilespmem:s23+$0x0]  }
0x111: {  	v34 =	vadd.s32 $0x39C0, v13;
	v49 =	vadd.s32 $0x2100, v15;
	v23 =	vld.idx.msk [tilespmem:v23+s21+$0x0], $0xffff  }
0x112: {  	v51 =	vadd.s32 $0x39C0, v12;
	v13 =	vmul.f32 v16, v31;
	v50 =	vld.idx.msk [tilespmem:v17+s21+$0x0], $0xffff;
	v12 =	vmul.f32 v16, v28  }
0x113: {  	v17 =	vmul.f32 v18, v16;
	v16 =	vld.idx.msk [tilespmem:v22+s21+$0x0], $0xffff;
	v22 =	vmul.f32 v18, v20  }
0x114: {  	v37 =	vld.idx.msk [tilespmem:v52+s21+$0x0], $0xffff;
	v18 =	vmul.f32 v18, v26;
	v13 =	vadd.f32 v13, v21;
	v53 =	vadd.f32 v12, v25  }
0x115: {  	v32 =	vld.idx.msk [tilespmem:v48+s21+$0x0], $0xffff;
	v48 =	vadd.s32 $0x3180, v29;
	v54 =	vmul.f32 v17, v27;
	v58 =	vmul.f32 v17, v24  }
0x116: {  	s5 =	simm.s32 $0x3820;
	v13 =	vadd.f32 v22, v13;
	v22 =	vld.idx.msk [tilespmem:v49+s21+$0x0], $0xffff;
	v55 =	vadd.s32 $0x2900, v9;
	v56 =	vmul.f32 v23, v5  }
0x117: {  	v17 =	vld [tilespmem:s5+$0x0];
	v18 =	vadd.f32 v18, v53;
	v59 =	vmul.f32 v50, v23;
	v23 =	vmul.f32 v23, v4  }
0x118: {  	v12 =	vld [tilespmem:s18+$0xFFFFF000];
	v60 =	vmul.f32 v50, v1;
	v35 =	vmul.f32 v50, v0;
	v13 =	vadd.f32 v54, v13  }
0x119: {  	v38 =	vadd.f32 v58, v18;
	v18 =	vld [tilespmem:s5+$0xFFFFF000];
	v40 =	vadd.f32 v56, v2;
	v61 =	vmul.f32 v59, v8  }
0x11a: {  	v23 =	vadd.f32 v23, v3;
	v39 =	vmul.f32 v59, v7;
	v16 =	vmul.f32 v13, v16;
	v13 =	vld [tilespmem:s2+$0x8000]  }
0x11b: {  	v40 =	vadd.f32 v60, v40;
	v62 =	vmul.f32 v32, v22;
	v63 =	vmul.f32 v22, v14  }
0x11c: {  	v23 =	vadd.f32 v35, v23;
	v22 =	vmul.f32 v22, v17;
	v38 =	vadd.f32 v16, v38;
	v16 =	vld [tilespmem:s2+$0x5800]  }
0x11d: {  	v50 =	vmul.f32 v32, v6;
	v33 =	vld.idx.msk [tilespmem:v55+s21+$0x0], $0xffff;
	v47 =	vadd.f32 v61, v40;
	v49 =	vadd.f32 v63, v12  }
0x11e: {  	v32 =	vmul.f32 v32, v10;
	v23 =	vadd.f32 v39, v23;
	v22 =	vadd.f32 v22, v18;
	[tilespmem:s1+$0x300] =	vst v38  }
0x11f: {  	v36 =	vld.idx.msk [tilespmem:v51+s21+$0x0], $0xffff;
	v35 =	vmul.f32 v47, v37;
	v51 =	vadd.f32 v50, v49;
	v52 =	vmul.f32 v62, v13  }
0x120: {  	v53 =	vadd.s32 $0x3180, v30;
	v34 =	vld.idx.msk [tilespmem:v34+s21+$0x0], $0xffff;
	v32 =	vadd.f32 v32, v22  }
0x121: {  	s10 =	simm.s32 $0x1030;
	v41 =	vld.idx.msk [tilespmem:v57+s21+$0x0], $0xffff;
	v35 =	vadd.f32 v35, v23;
	v42 =	vmul.f32 v62, v16;
	v37 =	vadd.f32 v52, v51  }
0x122: {  	s11 =	simm.s32 $0x30;
	v23 =	vld [tilespmem:s10+$0x0]  }
0x123: {  	v54 =	vadd.s32 $0x2940, v15;
	v22 =	vld [tilespmem:s11+$0x0];
	[tilespmem:s3+$0x280] =	vst v35;
	v32 =	vadd.f32 v42, v32;
	v33 =	vmul.f32 v37, v33  }
0x124: {  	s9 =	simm.s32 $0x100;
	v56 =	vadd.s32 $0x2940, v11;
	v31 =	vmul.f32 v36, v31;
	v40 =	vld.idx.msk [tilespmem:v48+s21+$0x0], $0xffff;
	v28 =	vmul.f32 v36, v28  }
0x125: {  	s26 =	sand.u32 $0x3C00, s9;
	v55 =	vadd.s32 $0x3980, v19;
	v57 =	vmul.f32 v34, v36;
	v58 =	vld.idx.msk [tilespmem:v53+s21+$0x0], $0xffff;
	v32 =	vadd.f32 v33, v32  }
0x126: {  	s14 =	sand.u32 $0x7F0, s11;
	s0 =	sor.u32 s25, s26;
	v59 =	vmul.f32 v34, v20;
	v31 =	vadd.f32 v31, v21;
	v25 =	vadd.f32 v28, v25  }
0x127: {  	s7 =	simm.s32 $0x7830;
	s8 =	sadd.s32 $0x10C00, s0;
	v20 =	vld [tilespmem:s14+$0x4800];
	v28 =	vmul.f32 v34, v26;
	v60 =	vmul.f32 v57, v27;
	v61 =	vadd.s32 $0x2100, v23  }
0x128: {  	v21 =	vld [tilespmem:s7+$0x0];
	v26 =	vadd.s32 $0x39C0, v30;
	v27 =	vadd.s32 $0x39C0, v29;
	[tilespmem:s8+$0x200] =	vst v32;
	v30 =	vadd.f32 v59, v31  }
0x129: {  	s6 =	simm.s32 $0x2030;
	v29 =	vadd.s32 $0x2100, v22;
	v36 =	vld.idx.msk [tilespmem:v54+s21+$0x0], $0xffff;
	v25 =	vadd.f32 v28, v25;
	v28 =	vmul.f32 v57, v24  }
0x12a: {  	s29 =	simm.s32 $0x1;
	s12 =	simm.s32 $0x30;
	v24 =	vld [tilespmem:s6+$0x0];
	v31 =	vmul.f32 v40, v5;
	v35 =	vmul.f32 v58, v40;
	v30 =	vadd.f32 v60, v30  }
0x12b: {  	s28 =	sand.u32 $0x7, s4;
	s13 =	simm.s32 $0x40;
	s1 =	simm.s32 $0x2;
	v34 =	vld.idx.msk [tilespmem:v55+s21+$0x0], $0xffff;
	v62 =	vmul.f32 v40, v4;
	v63 =	vmul.f32 v58, v1  }
0x12c: {  	s0 =	sshll.u32 s28, $0x4;
	s30 =	sand.u32 $0x7, s29;
	s31 =	sand.u32 $0x7, s1;
	v37 =	vld.idx.msk [tilespmem:v56+s21+$0x0], $0xffff;
	v28 =	vadd.f32 v28, v25;
	v31 =	vadd.f32 v31, v2;
	v30 =	vmul.f32 v30, v41  }
0x12d: {  	s0 =	sadd.s32 $0x0, s0;
	v43 =	vadd.s32 $0x3140, v9;
	s2 =	sshll.u32 s30, $0x4;
	s4 =	sshll.u32 s31, $0x4;
	v42 =	vmul.f32 v58, v0;
	v25 =	vld [tilespmem:s7+$0xFFFFF000];
	v39 =	vadd.f32 v62, v3  }
0x12e: {  	s0 =	sor.u32 $0x380, s0;
	s2 =	sadd.s32 $0x80, s2;
	s4 =	sadd.s32 $0x100, s4;
	v38 =	vmul.f32 v35, v8;
	v41 =	vld.idx.msk [tilespmem:v61+s21+$0x0], $0xffff;
	v40 =	vadd.f32 v63, v31;
	v28 =	vadd.f32 v30, v28  }
.LBB2_5:
0x12f: {  	p1 =	sne.s32 s13, $0x7F0;
	v29 =	vld.idx.msk [tilespmem:v29+s21+$0x0], $0xffff;
	v30 =	vadd.s32 $0x2900, v24;
	v31 =	vmul.f32 v36, v14;
	v19 =	vadd.s32 $0x41C0, v19;
	v32 =	vmovc v11;
	v11 =	vmovc v23;
	s15 =	smov.u32 s13;
	s13 =	sadd.s32 $0x10, s13  }
0x130: {  	s5 =	sadd.s32 $0x10, s5;
	v35 =	vmul.f32 v35, v7;
	v33 =	vld [tilespmem:s14+$0x7000];
	v23 =	vadd.f32 v42, v39;
	v38 =	vadd.f32 v38, v40;
	[tilespmem:s0+$0x10C00] =	vst v28  }
0x131: {  	v39 =	vmul.f32 v37, v36;
	v36 =	vmul.f32 v36, v17;
	v40 =	vmovc v15;
	v28 =	vld [tilespmem:s5+$0x0];
	v31 =	vadd.f32 v31, v12  }
0x132: {  	v42 =	vld.idx.msk [tilespmem:v43+s21+$0x0], $0xffff;
	v43 =	vmul.f32 v37, v6;
	v23 =	vadd.f32 v35, v23;
	v45 =	vmul.f32 v38, v34  }
0x133: {  	v15 =	vmovc v22;
	v36 =	vadd.f32 v36, v18;
	v37 =	vmul.f32 v37, v10;
	v38 =	vmul.f32 v39, v13;
	v35 =	vld [tilespmem:s5+$0xFFFFF000]  }
0x134: {  	v22 =	vmul.f32 v39, v16;
	v34 =	vmovc v0;
	v44 =	vld [tilespmem:s14+$0x8000];
	v31 =	vadd.f32 v43, v31;
	v23 =	vadd.f32 v45, v23  }
0x135: {  	v0 =	vmovc v10;
	v39 =	vmul.f32 v41, v29;
	v36 =	vadd.f32 v37, v36;
	v45 =	vld [tilespmem:s14+$0x5800];
	v43 =	vmul.f32 v29, v33  }
0x136: {  	v30 =	vld.idx.msk [tilespmem:v30+s21+$0x0], $0xffff;
	v46 =	vmul.f32 v29, v28;
	v29 =	vadd.f32 v38, v31;
	v31 =	vadd.s32 $0x3180, v40;
	[tilespmem:s3+$0x300] =	vst v23;
	s3 =	smov.u32 s8  }
0x137: {  	v37 =	vmul.f32 v41, v21;
	v22 =	vadd.f32 v22, v36;
	v23 =	vadd.f32 v43, v25;
	v27 =	vld.idx.msk [tilespmem:v27+s21+$0x0], $0xffff  }
0x138: {  	v38 =	vmul.f32 v41, v20;
	v46 =	vadd.f32 v46, v35;
	v29 =	vmul.f32 v29, v42;
	v26 =	vld.idx.msk [tilespmem:v26+s21+$0x0], $0xffff  }
0x139: {  	v10 =	vmovc v20;
	v42 =	vadd.s32 $0x3180, v32;
	v37 =	vadd.f32 v37, v23;
	v41 =	vmul.f32 v39, v44;
	v43 =	vld.idx.msk [tilespmem:v19+s21+$0x0], $0xffff  }
0x13a: {  	s10 =	sadd.s32 $0x10, s10;
	v36 =	vmovc v1;
	v1 =	vmovc v6;
	v6 =	vmov v21;
	v20 =	vadd.f32 v38, v46;
	v29 =	vadd.f32 v29, v22  }
0x13b: {  	s11 =	sadd.s32 $0x10, s11;
	s1 =	sadd.s32 $0x1, s1;
	v19 =	vmovc v9;
	v9 =	vmovc v24;
	v24 =	vmov v2;
	v21 =	vmul.f32 v39, v45;
	v23 =	vld [tilespmem:s10+$0x0];
	v37 =	vadd.f32 v41, v37  }
0x13c: {  	s0 =	sand.u32 $0x7, s1;
	v2 =	vmovc v12;
	v12 =	vmov v25;
	v38 =	vadd.s32 $0x2940, v15;
	v39 =	vadd.s32 $0x3980, v19;
	v22 =	vld [tilespmem:s11+$0x0];
	[tilespmem:s3+$0x280] =	vst v29  }
0x13d: {  	s9 =	sadd.s32 $0x80, s9;
	s0 =	sshll.u32 s0, $0x4;
	v20 =	vadd.f32 v21, v20;
	v29 =	vmul.f32 v27, v5;
	v21 =	vmul.f32 v37, v30;
	v25 =	vld.idx.msk [tilespmem:v31+s21+$0x0], $0xffff  }
0x13e: {  	s16 =	sadd.s32 s0, s9;
	s0 =	sand.u32 $0x70, s12;
	s8 =	sand.u32 $0x3C00, s9;
	v41 =	vmul.f32 v27, v4;
	v5 =	vmovc v14;
	v30 =	vadd.s32 $0x2940, v11;
	v37 =	vmul.f32 v26, v27;
	v31 =	vld.idx.msk [tilespmem:v42+s21+$0x0], $0xffff  }
0x13f: {  	s12 =	smov.u32 s15;
	s14 =	sand.u32 $0x7F0, s15;
	s0 =	sor.u32 s0, s8;
	v14 =	vmovc v33;
	v24 =	vadd.f32 v29, v24;
	v29 =	vmul.f32 v26, v36;
	v27 =	vadd.f32 v21, v20  }
0x140: {  	s7 =	sadd.s32 $0x10, s7;
	s8 =	sadd.s32 $0x10C00, s0;
	v4 =	vmovc v17;
	v34 =	vmul.f32 v26, v34;
	v33 =	vadd.f32 v41, v3;
	v42 =	vmul.f32 v37, v8;
	v20 =	vld [tilespmem:s14+$0x4800]  }
0x141: {  	v17 =	vmovc v28;
	v26 =	vadd.s32 $0x39C0, v32;
	v3 =	vmovc v18;
	v41 =	vadd.s32 $0x2100, v23;
	v32 =	vadd.f32 v29, v24;
	v21 =	vld [tilespmem:s7+$0x0];
	[tilespmem:s8+$0x200] =	vst v27  }
0x142: {  	s6 =	sadd.s32 $0x10, s6;
	v18 =	vmovc v35;
	v7 =	vmul.f32 v37, v7;
	v28 =	vadd.f32 v34, v33;
	v27 =	vadd.s32 $0x39C0, v40;
	v36 =	vld.idx.msk [tilespmem:v38+s21+$0x0], $0xffff  }
.Ltmp1:
0x143: {  	v8 =	vmovc v13;
	v13 =	vmovc v44;
	v29 =	vadd.s32 $0x2100, v22;
	v33 =	vmul.f32 v25, v5;
	v32 =	vadd.f32 v42, v32;
	v24 =	vld [tilespmem:s6+$0x0];
	(pc) =	sbr.rel @p1 .LBB2_5-.Ltmp1, $4  }
0x144: {  	v28 =	vadd.f32 v7, v28;
	v35 =	vmul.f32 v31, v25;
	v25 =	vmul.f32 v25, v4;
	v37 =	vld.idx.msk [tilespmem:v30+s21+$0x0], $0xffff  }
0x145: {  	v30 =	vadd.f32 v33, v2;
	v33 =	vmul.f32 v31, v1;
	v32 =	vmul.f32 v32, v43;
	v34 =	vld.idx.msk [tilespmem:v39+s21+$0x0], $0xffff  }
0x146: {  	v7 =	vmovc v16;
	v43 =	vadd.s32 $0x3140, v9;
	v39 =	vadd.f32 v25, v3;
	v38 =	vmul.f32 v35, v8;
	v41 =	vld.idx.msk [tilespmem:v41+s21+$0x0], $0xffff  }
0x147: {  	s0 =	sor.u32 $0x380, s2;
	s2 =	smov.u32 s4;
	s4 =	smov.u32 s16;
	v42 =	vmul.f32 v31, v0;
	v16 =	vmovc v45;
	v40 =	vadd.f32 v33, v30;
	v28 =	vadd.f32 v32, v28;
	v25 =	vld [tilespmem:s7+$0xFFFFF000]  }
0x148: {  	_ =	sdelay $0x3  }
0x149: {  	v44 =	vld.idx.msk [tilespmem:v29+s21+$0x0], $0xffff  }
0x14a: {  	v33 =	vld [tilespmem:s14+$0x7000]  }
0x14b: {  	s5 =	sadd.s32 $0x10, s5  }
0x14c: {  	v32 =	vld [tilespmem:s5+$0x0]  }
0x14d: {  	v45 =	vadd.s32 $0x2900, v24;
	v30 =	vld [tilespmem:s14+$0x8000]  }
0x14e: {  	v31 =	vld [tilespmem:s5+$0xFFFFF000]  }
0x14f: {  	v46 =	vmul.f32 v44, v33  }
0x150: {  	v29 =	vld [tilespmem:s14+$0x5800];
	v48 =	vmul.f32 v41, v21  }
0x151: {  	v47 =	vmul.f32 v44, v32;
	v44 =	vmul.f32 v41, v44;
	v46 =	vadd.f32 v46, v25  }
0x152: {  	v53 =	vmul.f32 v41, v20;
	v45 =	vld.idx.msk [tilespmem:v45+s21+$0x0], $0xffff  }
0x153: {  	v47 =	vadd.f32 v47, v31;
	v54 =	vmul.f32 v44, v30;
	v46 =	vadd.f32 v48, v46;
	_ =	sdelay $0x1  }
0x154: {  	v44 =	vmul.f32 v44, v29;
	v41 =	vadd.f32 v53, v47;
	v46 =	vadd.f32 v54, v46;
	_ =	sdelay $0x1  }
0x155: {  	v55 =	vadd.s32 $0x2940, v22;
	s17 =	sadd.s32 $0x80, s9;
	v41 =	vadd.f32 v44, v41;
	v56 =	vmul.f32 v46, v45  }
0x156: {  	s6 =	sand.u32 $0x70, s12;
	s7 =	sand.u32 $0x3C00, s17  }
0x157: {  	v57 =	vadd.s32 $0x2940, v23;
	s6 =	sor.u32 s6, s7;
	v41 =	vadd.f32 v56, v41  }
0x158: {  	s6 =	sadd.s32 $0x10C00, s6  }
0x159: {  	[tilespmem:s6+$0x200] =	vst v41  }
0x15a: {  	v58 =	vmul.f32 v36, v14;
	v60 =	vld.idx.msk [tilespmem:v55+s21+$0x0], $0xffff  }
0x15b: {  	v59 =	vmul.f32 v36, v17  }
0x15c: {  	v61 =	vmul.f32 v37, v6;
	v62 =	vmul.f32 v37, v36;
	v44 =	vadd.f32 v58, v12;
	v45 =	vld.idx.msk [tilespmem:v57+s21+$0x0], $0xffff  }
0x15d: {  	v43 =	vld.idx.msk [tilespmem:v43+s21+$0x0], $0xffff;
	v52 =	vadd.s32 $0x3140, v24;
	v63 =	vmul.f32 v37, v10  }
0x15e: {  	v53 =	vmul.f32 v62, v13;
	v44 =	vadd.f32 v61, v44;
	v41 =	vadd.f32 v59, v18  }
0x15f: {  	v36 =	vmul.f32 v62, v16;
	v58 =	vadd.s32 $0x3180, v15;
	v54 =	vmul.f32 v60, v33  }
0x160: {  	v44 =	vadd.f32 v53, v44;
	v37 =	vadd.f32 v63, v41;
	v55 =	vmul.f32 v60, v32  }
0x161: {  	v46 =	vmul.f32 v45, v60;
	v56 =	vmul.f32 v45, v21;
	v41 =	vadd.f32 v54, v25  }
0x162: {  	v43 =	vmul.f32 v44, v43;
	v57 =	vld.idx.msk [tilespmem:v52+s21+$0x0], $0xffff;
	v36 =	vadd.f32 v36, v37;
	v45 =	vmul.f32 v45, v20  }
0x163: {  	v37 =	vadd.f32 v55, v31;
	v59 =	vmul.f32 v46, v30;
	v41 =	vadd.f32 v56, v41  }
0x164: {  	v36 =	vadd.f32 v43, v36;
	v60 =	vadd.s32 $0x3180, v11  }
0x165: {  	v61 =	vmul.f32 v46, v29;
	v37 =	vadd.f32 v45, v37;
	v41 =	vadd.f32 v59, v41;
	_ =	sdelay $0x1  }
0x166: {  	v63 =	vadd.s32 $0x3180, v22;
	[tilespmem:s8+$0x280] =	vst v36;
	v62 =	vadd.f32 v61, v37;
	v41 =	vmul.f32 v41, v57  }
0x167: {  	v49 =	vadd.s32 $0x3180, v23;
	v39 =	vadd.f32 v42, v39;
	v48 =	vld.idx.msk [tilespmem:v58+s21+$0x0], $0xffff  }
0x168: {  	v35 =	vmul.f32 v35, v7;
	v38 =	vadd.f32 v38, v40;
	v36 =	vadd.f32 v41, v62  }
0x169: {  	v50 =	vld.idx.msk [tilespmem:v60+s21+$0x0], $0xffff  }
0x16a: {  	v35 =	vadd.f32 v35, v39;
	v34 =	vmul.f32 v38, v34;
	[tilespmem:s6+$0x280] =	vst v36  }
0x16b: {  	v51 =	vadd.s32 $0x3980, v9;
	v37 =	vld.idx.msk [tilespmem:v63+s21+$0x0], $0xffff  }
0x16c: {  	v34 =	vadd.f32 v34, v35;
	v52 =	vmul.f32 v48, v14  }
0x16d: {  	v19 =	vadd.s32 $0x41C0, v19;
	v53 =	vmul.f32 v48, v17;
	v54 =	vld.idx.msk [tilespmem:v49+s21+$0x0], $0xffff  }
0x16e: {  	[tilespmem:s3+$0x300] =	vst v34;
	v56 =	vadd.s32 $0x3980, v24;
	v55 =	vmul.f32 v50, v48;
	v38 =	vadd.f32 v52, v12  }
0x16f: {  	v27 =	vld.idx.msk [tilespmem:v27+s21+$0x0], $0xffff;
	v43 =	vmul.f32 v50, v6;
	v35 =	vadd.f32 v53, v18;
	v40 =	vmul.f32 v50, v10  }
0x170: {  	v15 =	vadd.s32 $0x39C0, v15;
	v36 =	vld.idx.msk [tilespmem:v51+s21+$0x0], $0xffff;
	v44 =	vmul.f32 v55, v13;
	v57 =	vmul.f32 v37, v33  }
0x171: {  	v58 =	vadd.f32 v43, v38;
	v35 =	vadd.f32 v40, v35;
	v59 =	vmul.f32 v37, v32  }
0x172: {  	v26 =	vld.idx.msk [tilespmem:v26+s21+$0x0], $0xffff;
	v37 =	vmul.f32 v54, v37;
	v61 =	vmul.f32 v54, v21;
	v60 =	vadd.f32 v57, v25  }
0x173: {  	v41 =	vmul.f32 v55, v16;
	v42 =	vld.idx.msk [tilespmem:v56+s21+$0x0], $0xffff;
	v34 =	vadd.f32 v44, v58;
	v39 =	vmul.f32 v54, v20  }
0x174: {  	v38 =	vadd.f32 v59, v31;
	v62 =	vmul.f32 v37, v30;
	v40 =	vadd.f32 v61, v60  }
0x175: {  	v5 =	vmul.f32 v27, v5;
	v35 =	vadd.f32 v41, v35;
	v34 =	vmul.f32 v34, v36  }
0x176: {  	v37 =	vmul.f32 v37, v29;
	v63 =	vadd.f32 v39, v38;
	v41 =	vadd.f32 v62, v40  }
0x177: {  	v1 =	vmul.f32 v26, v1;
	v22 =	vadd.s32 $0x39C0, v22;
	v11 =	vadd.s32 $0x39C0, v11  }
0x178: {  	v34 =	vadd.f32 v34, v35;
	v43 =	vadd.f32 v37, v63;
	v44 =	vmul.f32 v41, v42  }
0x179: {  	v4 =	vmul.f32 v27, v4;
	v2 =	vadd.f32 v5, v2;
	v45 =	vmul.f32 v26, v27  }
0x17a: {  	v0 =	vmul.f32 v26, v0;
	v5 =	vld.idx.msk [tilespmem:v19+s21+$0x0], $0xffff;
	v19 =	vadd.s32 $0x39C0, v23;
	[tilespmem:s8+$0x300] =	vst v34;
	v23 =	vadd.f32 v44, v43  }
0x17b: {  	v3 =	vadd.f32 v4, v3;
	v1 =	vadd.f32 v1, v2;
	v8 =	vmul.f32 v45, v8;
	v15 =	vld.idx.msk [tilespmem:v15+s21+$0x0], $0xffff  }
0x17c: {  	v2 =	vld.idx.msk [tilespmem:v11+s21+$0x0], $0xffff;
	[tilespmem:s6+$0x300] =	vst v23  }
0x17d: {  	v0 =	vadd.f32 v0, v3;
	v3 =	vmul.f32 v45, v7;
	v1 =	vadd.f32 v8, v1;
	v4 =	vld.idx.msk [tilespmem:v22+s21+$0x0], $0xffff;
	_ =	sdelay $0x1  }
0x17e: {  	v7 =	vadd.s32 $0x41C0, v9;
	v0 =	vadd.f32 v3, v0;
	v1 =	vmul.f32 v1, v5;
	v8 =	vld.idx.msk [tilespmem:v19+s21+$0x0], $0xffff  }
0x17f: {  	v9 =	vadd.s32 $0x41C0, v24;
	v5 =	vmul.f32 v15, v14  }
0x180: {  	v0 =	vadd.f32 v1, v0;
	v3 =	vmul.f32 v2, v15;
	v11 =	vmul.f32 v15, v17  }
0x181: {  	v6 =	vmul.f32 v2, v6;
	v5 =	vadd.f32 v5, v12;
	v12 =	vmul.f32 v4, v33  }
0x182: {  	v2 =	vmul.f32 v2, v10;
	v11 =	vadd.f32 v11, v18;
	v10 =	vmul.f32 v4, v32  }
0x183: {  	v7 =	vld.idx.msk [tilespmem:v7+s21+$0x0], $0xffff;
	v4 =	vmul.f32 v8, v4;
	v14 =	vmul.f32 v8, v21;
	v12 =	vadd.f32 v12, v25  }
0x184: {  	v13 =	vmul.f32 v3, v13;
	v5 =	vadd.f32 v6, v5;
	v6 =	vld.idx.msk [tilespmem:v9+s21+$0x0], $0xffff;
	v8 =	vmul.f32 v8, v20  }
0x185: {  	v9 =	vadd.f32 v10, v31;
	v10 =	vmul.f32 v4, v30;
	v12 =	vadd.f32 v14, v12  }
0x186: {  	v3 =	vmul.f32 v3, v16;
	v2 =	vadd.f32 v2, v11;
	v5 =	vadd.f32 v13, v5  }
0x187: {  	v4 =	vmul.f32 v4, v29;
	v8 =	vadd.f32 v8, v9;
	v9 =	vadd.f32 v10, v12  }
0x188: {  	s1 =	sadd.s32 $0x1, s1;
	s19 =	sor.u32 $0x380, s2;
	[tilespmem:s0+$0x10C00] =	vst v28;
	v2 =	vadd.f32 v3, v2;
	v3 =	vmul.f32 v5, v7  }
0x189: {  	s1 =	sand.u32 $0x7, s1;
	s20 =	rddreg [dreg:$0x10];
	[tilespmem:s19+$0x10C00] =	vst v0;
	v1 =	vadd.f32 v4, v8;
	v4 =	vmul.f32 v9, v6  }
0x18a: {  	s18 =	sshll.u32 s1, $0x4;
	s2 =	sshll.u32 s20, $0x10;
	s3 =	rddreg [dreg:$0xb];
	v2 =	vadd.f32 v3, v2  }
0x18b: {  	s23 =	sor.u32 $0x380, s4;
	s0 =	sadd.s32 s18, s17;
	s2 =	sadd.s32 s3, s2;
	v0 =	vadd.f32 v4, v1  }
0x18c: {  	s24 =	rddreg [dreg:$0x4];
	s0 =	sor.u32 $0x380, s0;
	s4 =	sshrl.u32 s2, $0x3;
	[tilespmem:s23+$0x10C00] =	vst v2  }
0x18d: {  	s25 =	simm.s32 $0x0;
	s26 =	simm.s32 $0x10C00;
	[tilespmem:s0+$0x10C00] =	vst v0;
	s0 =	sadd.s32 s24, s4  }
0x18e: {  	[hbm4b:s0+s25] =	stream.linear.scatter [tilespmem:s26], [sflag:$0x3], $0x4000, $0x38;
	[tilespmem:$0x18C00] =	vst v63  }
0x18f: {  	s0 =	simm.s32 @!p0 $0x4  }
0x190: {  	_ =	swait.ge @!p0 [sflag:s0], $0x4000  }
0x191: {  	[sflag:s0] =	ssyncset.done @!p0 $0x0  }
0x192: {  	s19 =	simm.s32 $0x800;
	[sflag:s0] =	ssyncadd.s32 @!p0 $0xFFFFC000  }
0x193: {  	v17 =	vld [tilespmem:s19+$0x0]  }
0x194: {  	s3 =	simm.s32 $0x1800  }
0x195: {  	v18 =	vld [tilespmem:s3+$0x0];
	_ =	sdelay $0x1  }
0x196: {  	s5 =	simm.s32 $0x3000  }
0x197: {  	s14 =	sand.u32 $0xFF0, s19;
	v27 =	vld [tilespmem:s5+$0x0]  }
0x198: {  	s6 =	simm.s32 $0x1810;
	v29 =	vld [tilespmem:s14+$0x3800]  }
0x199: {  	v6 =	vld [tilespmem:s6+$0x0]  }
0x19a: {  	v1 =	vld.idx.msk [tilespmem:v17+s21+$0x0], $0xffff  }
0x19b: {  	v28 =	vld [tilespmem:s14+$0x4800]  }
0x19c: {  	s24 =	simm.s32 $0x810;
	v0 =	vld.idx.msk [tilespmem:v18+s21+$0x0], $0xffff  }
0x19d: {  	v19 =	vld [tilespmem:s24+$0x0]  }
0x19e: {  	v4 =	vld [tilespmem:s14+$0x5800]  }
0x19f: {  	s10 =	simm.s32 $0x1820;
	v2 =	vmul.f32 v1, v29  }
0x1a0: {  	s28 =	simm.s32 $0x820;
	v9 =	vld [tilespmem:s10+$0x0]  }
0x1a1: {  	v30 =	vld [tilespmem:s28+$0x0];
	v3 =	vmul.f32 v0, v28;
	v1 =	vmul.f32 v0, v1;
	v2 =	vadd.f32 v2, v27  }
0x1a2: {  	s7 =	simm.s32 $0x3010;
	v7 =	vld.idx.msk [tilespmem:v6+s21+$0x0], $0xffff  }
0x1a3: {  	s11 =	sand.u32 $0xFF0, s24;
	v8 =	vadd.s32 $0x840, v17;
	v0 =	vld [tilespmem:s7+$0x0];
	v5 =	vmul.f32 v1, v4;
	v2 =	vadd.f32 v3, v2  }
0x1a4: {  	s8 =	simm.s32 $0x4000;
	v10 =	vadd.s32 $0x840, v18;
	v3 =	vld [tilespmem:s11+$0x3800]  }
0x1a5: {  	s9 =	sand.u32 $0x70, s19;
	s0 =	sand.u32 $0x7C00, s8;
	v2 =	vadd.f32 v5, v2;
	v5 =	vld.idx.msk [tilespmem:v19+s21+$0x0], $0xffff  }
0x1a6: {  	s1 =	sor.u32 s9, s0;
	v1 =	vld [tilespmem:s11+$0x4800]  }
0x1a7: {  	[tilespmem:s1+$0x10C00] =	vst v2;
	v2 =	vld [tilespmem:s11+$0x5800]  }
0x1a8: {  	v8 =	vld.idx.msk [tilespmem:v8+s21+$0x0], $0xffff  }
0x1a9: {  	v10 =	vld.idx.msk [tilespmem:v10+s21+$0x0], $0xffff  }
0x1aa: {  	v11 =	vmul.f32 v5, v3  }
0x1ab: {  	s26 =	simm.s32 $0x3020;
	v12 =	vmul.f32 v7, v1;
	v7 =	vmul.f32 v7, v5  }
0x1ac: {  	s17 =	sand.u32 $0xFF0, s28;
	v5 =	vld [tilespmem:s26+$0x0];
	v11 =	vadd.f32 v11, v0  }
0x1ad: {  	v15 =	vadd.s32 $0x840, v19;
	v14 =	vmul.f32 v7, v2;
	v7 =	vld [tilespmem:s17+$0x4800];
	v13 =	vmul.f32 v8, v29  }
0x1ae: {  	v16 =	vmul.f32 v10, v28;
	v10 =	vmul.f32 v10, v8;
	v8 =	vld [tilespmem:s17+$0x3800];
	v11 =	vadd.f32 v12, v11  }
0x1af: {  	s12 =	simm.s32 $0x4080;
	v12 =	vld.idx.msk [tilespmem:v9+s21+$0x0], $0xffff;
	v13 =	vadd.f32 v13, v27  }
0x1b0: {  	s13 =	sand.u32 $0x70, s24;
	s25 =	simm.s32 $0x1830;
	s0 =	sand.u32 $0x7C00, s12;
	v20 =	vadd.s32 $0x840, v6;
	v11 =	vadd.f32 v14, v11;
	v14 =	vld.idx.msk [tilespmem:v30+s21+$0x0], $0xffff  }
0x1b1: {  	s2 =	sor.u32 s13, s0;
	v16 =	vadd.f32 v16, v13;
	v13 =	vld [tilespmem:s25+$0x0]  }
0x1b2: {  	v21 =	vadd.s32 $0x1080, v17;
	v10 =	vmul.f32 v10, v4;
	[tilespmem:s2+$0x10C00] =	vst v11;
	v11 =	vld [tilespmem:s17+$0x5800]  }
0x1b3: {  	s5 =	simm.s32 $0x830;
	v22 =	vadd.s32 $0x1080, v18;
	v15 =	vld.idx.msk [tilespmem:v15+s21+$0x0], $0xffff  }
0x1b4: {  	v10 =	vadd.f32 v10, v16;
	v16 =	vld [tilespmem:s5+$0x0]  }
0x1b5: {  	s10 =	simm.s32 $0x1840;
	v20 =	vld.idx.msk [tilespmem:v20+s21+$0x0], $0xffff  }
0x1b6: {  	v49 =	vadd.s32 $0x18C0, v17;
	v17 =	vld [tilespmem:s10+$0x0];
	[tilespmem:s1+$0x10C80] =	vst v10;
	v10 =	vmul.f32 v14, v8  }
0x1b7: {  	v21 =	vld.idx.msk [tilespmem:v21+s21+$0x0], $0xffff  }
0x1b8: {  	s9 =	simm.s32 $0x3030;
	v23 =	vmul.f32 v12, v7;
	v12 =	vmul.f32 v12, v14;
	v22 =	vld.idx.msk [tilespmem:v22+s21+$0x0], $0xffff;
	v14 =	vadd.f32 v10, v5  }
0x1b9: {  	s30 =	sand.u32 $0xFF0, s5;
	v26 =	vadd.s32 $0x840, v30;
	v10 =	vld [tilespmem:s9+$0x0];
	v24 =	vmul.f32 v15, v3  }
0x1ba: {  	v25 =	vmul.f32 v12, v11;
	v12 =	vld [tilespmem:s30+$0x4800];
	v15 =	vmul.f32 v20, v15;
	v14 =	vadd.f32 v23, v14  }
0x1bb: {  	s8 =	simm.s32 $0x4100;
	v31 =	vmul.f32 v20, v1;
	v23 =	vld.idx.msk [tilespmem:v13+s21+$0x0], $0xffff;
	v24 =	vadd.f32 v24, v0  }
0x1bc: {  	s15 =	sand.u32 $0x70, s28;
	s16 =	sand.u32 $0x7C00, s8;
	v47 =	vmul.f32 v15, v2;
	v15 =	vld [tilespmem:s30+$0x3800];
	v14 =	vadd.f32 v25, v14;
	v25 =	vadd.s32 $0x840, v9  }
0x1bd: {  	s3 =	sor.u32 s15, s16;
	v20 =	vld.idx.msk [tilespmem:v16+s21+$0x0], $0xffff;
	v46 =	vmul.f32 v21, v29  }
0x1be: {  	v48 =	vadd.s32 $0x1080, v6;
	v50 =	vadd.s32 $0x1080, v19;
	v24 =	vadd.f32 v31, v24;
	[tilespmem:s3+$0x10C00] =	vst v14;
	v14 =	vld [tilespmem:s30+$0x5800]  }
0x1bf: {  	s0 =	simm.s32 $0x840;
	v21 =	vmul.f32 v22, v21;
	v31 =	vmul.f32 v22, v28;
	v22 =	vadd.f32 v46, v27;
	v26 =	vld.idx.msk [tilespmem:v26+s21+$0x0], $0xffff  }
0x1c0: {  	v33 =	vadd.f32 v47, v24;
	v24 =	vld [tilespmem:s0+$0x0]  }
0x1c1: {  	v21 =	vmul.f32 v21, v4;
	v22 =	vadd.f32 v31, v22;
	v25 =	vld.idx.msk [tilespmem:v25+s21+$0x0], $0xffff  }
0x1c2: {  	[tilespmem:s2+$0x10C80] =	vst v33;
	v33 =	vld.idx.msk [tilespmem:v17+s21+$0x0], $0xffff  }
0x1c3: {  	v31 =	vadd.s32 $0x18C0, v18;
	v18 =	vmul.f32 v20, v15;
	v22 =	vadd.f32 v21, v22;
	v34 =	vld.idx.msk [tilespmem:v48+s21+$0x0], $0xffff  }
0x1c4: {  	v32 =	vadd.s32 $0x1080, v9;
	v21 =	vadd.s32 $0x18C0, v19;
	v35 =	vld.idx.msk [tilespmem:v50+s21+$0x0], $0xffff  }
0x1c5: {  	v19 =	vmul.f32 v23, v20;
	v51 =	vadd.f32 v18, v10;
	[tilespmem:s1+$0x10D00] =	vst v22;
	v22 =	vmul.f32 v23, v12  }
0x1c6: {  	s6 =	simm.s32 $0x3040;
	v36 =	vadd.s32 $0x840, v13;
	v58 =	vadd.s32 $0x840, v16;
	v52 =	vmul.f32 v26, v8;
	v53 =	vld.idx.msk [tilespmem:v49+s21+$0x0], $0xffff  }
0x1c7: {  	v20 =	vadd.s32 $0x18C0, v30;
	v23 =	vld [tilespmem:s6+$0x0];
	v19 =	vmul.f32 v19, v14;
	v54 =	vadd.f32 v22, v51  }
0x1c8: {  	s18 =	sand.u32 $0xFF0, s0;
	v57 =	vld.idx.msk [tilespmem:v31+s21+$0x0], $0xffff;
	v55 =	vadd.f32 v52, v5;
	v56 =	vmul.f32 v25, v7;
	v59 =	vmul.f32 v25, v26  }
0x1c9: {  	s31 =	simm.s32 $0x4180;
	v18 =	vadd.s32 $0x18C0, v16;
	v26 =	vld [tilespmem:s18+$0x4800];
	v31 =	vmul.f32 v34, v1;
	v63 =	vmul.f32 v35, v3  }
0x1ca: {  	s23 =	sand.u32 $0x7C00, s31;
	s20 =	sand.u32 $0x70, s5;
	v25 =	vld [tilespmem:s18+$0x3800];
	v60 =	vadd.f32 v19, v54;
	v61 =	vadd.f32 v56, v55;
	v62 =	vmul.f32 v59, v11  }
0x1cb: {  	s12 =	sor.u32 s20, s23;
	v22 =	vadd.s32 $0x18C0, v24;
	v35 =	vmul.f32 v34, v35;
	v37 =	vld.idx.msk [tilespmem:v24+s21+$0x0], $0xffff;
	v29 =	vmul.f32 v53, v29  }
0x1cc: {  	s15 =	simm.s32 $0x850;
	s16 =	simm.s32 $0x1850;
	s29 =	smov.u32 s1;
	v34 =	vadd.s32 $0x1080, v30;
	v19 =	vld [tilespmem:s18+$0x5800];
	v39 =	vadd.f32 v63, v0;
	[tilespmem:s12+$0x10C00] =	vst v60;
	v38 =	vadd.f32 v62, v61  }
0x1cd: {  	s13 =	smov.u32 s3;
	s7 =	smov.u32 s2;
	s18 =	simm.s32 $0x840;
	v28 =	vmul.f32 v57, v28;
	v30 =	vld.idx.msk [tilespmem:v58+s21+$0x0], $0xffff;
	v27 =	vadd.f32 v29, v27;
	v29 =	vmul.f32 v57, v53  }
.LBB2_7:
0x1ce: {  	v31 =	vadd.f32 v31, v39;
	v35 =	vmul.f32 v35, v2;
	v41 =	vmovc v0;
	v0 =	vmovc v5;
	v5 =	vmov v10  }
0x1cf: {  	v40 =	vld [tilespmem:s16+$0x0];
	p0 =	sne.s32 s15, $0xFF0;
	v10 =	vmovc v23;
	v42 =	vmovc v1;
	v1 =	vmov v7;
	v7 =	vmov v12;
	v12 =	vmov v26;
	s20 =	smov.u32 s15;
	s15 =	sadd.s32 $0x10, s15  }
0x1d0: {  	s0 =	sadd.s32 $0x10, s0;
	v26 =	vld.idx.msk [tilespmem:v36+s21+$0x0], $0xffff;
	v23 =	vadd.f32 v28, v27;
	v39 =	vmul.f32 v29, v4;
	v27 =	vmovc v8;
	v8 =	vmov v15  }
0x1d1: {  	v29 =	vmul.f32 v33, v12;
	v28 =	vld [tilespmem:s0+$0x0];
	[tilespmem:s13+$0x10C80] =	vst v38;
	v36 =	vadd.f32 v35, v31;
	v31 =	vadd.s32 $0x18C0, v6;
	v6 =	vmovc v9  }
0x1d2: {  	v35 =	vmul.f32 v37, v25;
	v9 =	vmovc v13;
	v13 =	vmov v17;
	v38 =	vld.idx.msk [tilespmem:v32+s21+$0x0], $0xffff;
	v23 =	vadd.f32 v39, v23  }
0x1d3: {  	v4 =	vmovc v2;
	v2 =	vmov v11;
	v15 =	vmov v25;
	v32 =	vmul.f32 v33, v37;
	v34 =	vld.idx.msk [tilespmem:v34+s21+$0x0], $0xffff;
	[tilespmem:s7+$0x10D00] =	vst v36  }
0x1d4: {  	s6 =	sadd.s32 $0x10, s6;
	v25 =	vadd.f32 v35, v10;
	v33 =	vmul.f32 v30, v8;
	v43 =	vld.idx.msk [tilespmem:v21+s21+$0x0], $0xffff;
	[tilespmem:s29+$0x10D80] =	vst v23;
	v17 =	vmov v40;
	s29 =	smov.u32 s7;
	s7 =	smov.u32 s13  }
0x1d5: {  	v11 =	vmovc v14;
	v32 =	vmul.f32 v32, v19;
	v21 =	vmovc v20;
	v20 =	vmov v18;
	v18 =	vmov v22;
	s13 =	smov.u32 s12;
	v23 =	vld [tilespmem:s6+$0x0]  }
0x1d6: {  	s23 =	sand.u32 $0xFF0, s20;
	v25 =	vadd.f32 v29, v25;
	v29 =	vadd.f32 v33, v5;
	v35 =	vmul.f32 v26, v7;
	v44 =	vld.idx.msk [tilespmem:v31+s21+$0x0], $0xffff  }
0x1d7: {  	s31 =	sadd.s32 $0x80, s31;
	v14 =	vmovc v19;
	v30 =	vmul.f32 v26, v30;
	v22 =	vadd.s32 $0x18C0, v28;
	v33 =	vld.idx.msk [tilespmem:v40+s21+$0x0], $0xffff;
	v40 =	vadd.s32 $0x840, v24  }
.Ltmp2:
0x1d8: {  	s12 =	sand.u32 $0x70, s18;
	s18 =	sand.u32 $0x7C00, s31;
	v19 =	vadd.f32 v32, v25;
	v29 =	vadd.f32 v35, v29;
	v31 =	vmul.f32 v38, v1;
	v26 =	vld [tilespmem:s23+$0x4800];
	(pc) =	sbr.rel @p0 .LBB2_7-.Ltmp2, $4  }
0x1d9: {  	v36 =	vadd.s32 $0x840, v13;
	s12 =	sor.u32 s12, s18;
	s18 =	smov.u32 s20;
	v30 =	vmul.f32 v30, v11;
	v39 =	vmul.f32 v34, v27;
	v37 =	vld.idx.msk [tilespmem:v28+s21+$0x0], $0xffff  }
0x1da: {  	v32 =	vadd.s32 $0x1080, v9;
	v35 =	vmul.f32 v38, v34;
	v45 =	vmul.f32 v43, v3;
	v3 =	vmovc v27;
	v25 =	vld [tilespmem:s23+$0x3800];
	[tilespmem:s12+$0x10C00] =	vst v19  }
0x1db: {  	v34 =	vadd.s32 $0x1080, v16;
	v16 =	vmovc v24;
	v24 =	vmovc v28;
	v38 =	vadd.f32 v30, v29;
	v39 =	vadd.f32 v39, v0;
	v19 =	vld [tilespmem:s23+$0x5800]  }
0x1dc: {  	s16 =	sadd.s32 $0x10, s16;
	v27 =	vadd.f32 v45, v41;
	v28 =	vmul.f32 v44, v42;
	v29 =	vmul.f32 v44, v43;
	v30 =	vld.idx.msk [tilespmem:v40+s21+$0x0], $0xffff  }
0x1dd: {  	_ =	sdelay $0x1  }
0x1de: {  	v40 =	vmul.f32 v37, v25;
	_ =	sdelay $0x1  }
0x1df: {  	v41 =	vmul.f32 v33, v26;
	v56 =	vmul.f32 v33, v37;
	v57 =	vadd.f32 v40, v23;
	_ =	sdelay $0x1  }
0x1e0: {  	v58 =	vadd.s32 $0x840, v24;
	v33 =	vmul.f32 v56, v19;
	v37 =	vadd.f32 v41, v57  }
0x1e1: {  	s0 =	sadd.s32 $0x80, s31  }
0x1e2: {  	s6 =	sand.u32 $0x70, s18;
	v59 =	vadd.s32 $0x840, v17;
	s0 =	sand.u32 $0x7C00, s0;
	v33 =	vadd.f32 v33, v37  }
0x1e3: {  	s0 =	sor.u32 s6, s0  }
0x1e4: {  	[tilespmem:s0+$0x10C00] =	vst v33  }
0x1e5: {  	v33 =	vld.idx.msk [tilespmem:v58+s21+$0x0], $0xffff  }
0x1e6: {  	v36 =	vld.idx.msk [tilespmem:v36+s21+$0x0], $0xffff  }
0x1e7: {  	v37 =	vld.idx.msk [tilespmem:v59+s21+$0x0], $0xffff;
	_ =	sdelay $0x1  }
0x1e8: {  	v60 =	vmul.f32 v30, v15  }
0x1e9: {  	v61 =	vmul.f32 v33, v25  }
0x1ea: {  	v62 =	vmul.f32 v36, v30;
	v36 =	vmul.f32 v36, v12;
	v40 =	vadd.f32 v60, v10  }
0x1eb: {  	[tilespmem:s13+$0x10C80] =	vst v38;
	v33 =	vmul.f32 v37, v33;
	v37 =	vmul.f32 v37, v26;
	v63 =	vadd.f32 v61, v23  }
0x1ec: {  	v16 =	vadd.s32 $0x1080, v16;
	v34 =	vld.idx.msk [tilespmem:v34+s21+$0x0], $0xffff;
	v30 =	vmul.f32 v62, v14;
	v36 =	vadd.f32 v36, v40  }
0x1ed: {  	v24 =	vadd.s32 $0x1080, v24;
	v33 =	vmul.f32 v33, v19;
	v37 =	vadd.f32 v37, v63  }
0x1ee: {  	v32 =	vld.idx.msk [tilespmem:v32+s21+$0x0], $0xffff;
	v41 =	vadd.s32 $0x1080, v13;
	v30 =	vadd.f32 v30, v36  }
0x1ef: {  	v42 =	vadd.s32 $0x1080, v17;
	v33 =	vadd.f32 v33, v37  }
0x1f0: {  	[tilespmem:s12+$0x10C80] =	vst v30  }
0x1f1: {  	v43 =	vmul.f32 v34, v8;
	v16 =	vld.idx.msk [tilespmem:v16+s21+$0x0], $0xffff;
	[tilespmem:s0+$0x10C80] =	vst v33  }
0x1f2: {  	v24 =	vld.idx.msk [tilespmem:v24+s21+$0x0], $0xffff  }
0x1f3: {  	v44 =	vmul.f32 v32, v7;
	v32 =	vmul.f32 v32, v34;
	v30 =	vadd.f32 v43, v5;
	v45 =	vld.idx.msk [tilespmem:v41+s21+$0x0], $0xffff  }
0x1f4: {  	v31 =	vadd.f32 v31, v39;
	v36 =	vld.idx.msk [tilespmem:v42+s21+$0x0], $0xffff  }
0x1f5: {  	v35 =	vmul.f32 v35, v2;
	v32 =	vmul.f32 v32, v11;
	v30 =	vadd.f32 v44, v30  }
0x1f6: {  	v6 =	vadd.s32 $0x18C0, v6;
	v9 =	vadd.s32 $0x18C0, v9;
	v46 =	vmul.f32 v16, v15  }
0x1f7: {  	v31 =	vadd.f32 v35, v31;
	v30 =	vadd.f32 v32, v30;
	v47 =	vmul.f32 v24, v25  }
0x1f8: {  	v48 =	vmul.f32 v45, v12;
	v16 =	vmul.f32 v45, v16;
	v33 =	vadd.f32 v46, v10  }
0x1f9: {  	[tilespmem:s7+$0x10D00] =	vst v31;
	v49 =	vmul.f32 v36, v26;
	v24 =	vmul.f32 v36, v24;
	v32 =	vadd.f32 v47, v23  }
0x1fa: {  	v21 =	vld.idx.msk [tilespmem:v21+s21+$0x0], $0xffff;
	[tilespmem:s13+$0x10D00] =	vst v30;
	v16 =	vmul.f32 v16, v14;
	v50 =	vadd.f32 v48, v33  }
0x1fb: {  	v20 =	vld.idx.msk [tilespmem:v20+s21+$0x0], $0xffff;
	v24 =	vmul.f32 v24, v19;
	v51 =	vadd.f32 v49, v32  }
0x1fc: {  	v6 =	vld.idx.msk [tilespmem:v6+s21+$0x0], $0xffff;
	v13 =	vadd.s32 $0x18C0, v13;
	v16 =	vadd.f32 v16, v50  }
0x1fd: {  	v17 =	vadd.s32 $0x18C0, v17;
	v9 =	vld.idx.msk [tilespmem:v9+s21+$0x0], $0xffff;
	v24 =	vadd.f32 v24, v51  }
0x1fe: {  	[tilespmem:s12+$0x10D00] =	vst v16  }
0x1ff: {  	v3 =	vmul.f32 v21, v3;
	v18 =	vld.idx.msk [tilespmem:v18+s21+$0x0], $0xffff;
	[tilespmem:s0+$0x10D00] =	vst v24  }
0x200: {  	v8 =	vmul.f32 v20, v8;
	v22 =	vld.idx.msk [tilespmem:v22+s21+$0x0], $0xffff  }
0x201: {  	v4 =	vmul.f32 v29, v4;
	v1 =	vmul.f32 v6, v1;
	v0 =	vadd.f32 v3, v0;
	v13 =	vld.idx.msk [tilespmem:v13+s21+$0x0], $0xffff  }
0x202: {  	v3 =	vmul.f32 v6, v21;
	v7 =	vmul.f32 v9, v7;
	v5 =	vadd.f32 v8, v5;
	v6 =	vld.idx.msk [tilespmem:v17+s21+$0x0], $0xffff  }
0x203: {  	v0 =	vadd.f32 v1, v0;
	v8 =	vmul.f32 v9, v20;
	v16 =	vadd.f32 v28, v27  }
0x204: {  	v1 =	vmul.f32 v3, v2;
	v3 =	vadd.f32 v7, v5;
	v2 =	vmul.f32 v18, v15  }
0x205: {  	v5 =	vmul.f32 v8, v11;
	v4 =	vadd.f32 v4, v16;
	v7 =	vmul.f32 v22, v25  }
0x206: {  	v8 =	vmul.f32 v13, v12;
	v9 =	vmul.f32 v13, v18;
	v2 =	vadd.f32 v2, v10  }
0x207: {  	v10 =	vmul.f32 v6, v26;
	v6 =	vmul.f32 v6, v22;
	v7 =	vadd.f32 v7, v23  }
0x208: {  	v0 =	vadd.f32 v1, v0;
	v1 =	vadd.f32 v8, v2;
	v2 =	vmul.f32 v9, v14  }
0x209: {  	v3 =	vadd.f32 v5, v3;
	[tilespmem:s29+$0x10D80] =	vst v4;
	v5 =	vmul.f32 v6, v19;
	v4 =	vadd.f32 v10, v7  }
0x20a: {  	[tilespmem:s7+$0x10D80] =	vst v0;
	v0 =	vadd.f32 v2, v1  }
0x20b: {  	[tilespmem:s13+$0x10D80] =	vst v3;
	v1 =	vadd.f32 v5, v4  }
0x20c: {  	[tilespmem:s12+$0x10D80] =	vst v0  }
0x20d: {  	[tilespmem:s0+$0x10D80] =	vst v1  }
0x20e: {  	s20 =	simm.s32 $0x1800;
	v21 =	vld [tilespmem:s19+$0x0]  }
0x20f: {  	v23 =	vld [tilespmem:s20+$0x0];
	_ =	sdelay $0x3  }
0x210: {  	s23 =	simm.s32 $0x3000;
	v0 =	vadd.s32 $0x2100, v21  }
0x211: {  	v8 =	vld [tilespmem:s23+$0x0];
	v1 =	vadd.s32 $0x2100, v23  }
0x212: {  	v11 =	vld [tilespmem:s14+$0x3800]  }
0x213: {  	v28 =	vld [tilespmem:s24+$0x0]  }
0x214: {  	v12 =	vld [tilespmem:s14+$0x4800]  }
0x215: {  	v0 =	vld.idx.msk [tilespmem:v0+s21+$0x0], $0xffff  }
0x216: {  	s24 =	simm.s32 $0x1810;
	v2 =	vld.idx.msk [tilespmem:v1+s21+$0x0], $0xffff  }
0x217: {  	v7 =	vld [tilespmem:s24+$0x0];
	_ =	sdelay $0x1  }
0x218: {  	v1 =	vld [tilespmem:s14+$0x5800]  }
0x219: {  	v3 =	vmul.f32 v0, v11  }
0x21a: {  	s29 =	simm.s32 $0x3010;
	v4 =	vmul.f32 v2, v12;
	v0 =	vmul.f32 v2, v0;
	v2 =	vadd.s32 $0x2100, v28  }
0x21b: {  	v5 =	vld [tilespmem:s29+$0x0];
	v6 =	vadd.s32 $0x2100, v7;
	v3 =	vadd.f32 v3, v8  }
0x21c: {  	v13 =	vld [tilespmem:s28+$0x0]  }
0x21d: {  	s31 =	simm.s32 $0x1820;
	v18 =	vld [tilespmem:s11+$0x3800];
	v9 =	vadd.s32 $0x2940, v21;
	v3 =	vadd.f32 v4, v3;
	v4 =	vmul.f32 v0, v1  }
0x21e: {  	v14 =	vld [tilespmem:s31+$0x0]  }
0x21f: {  	v10 =	vld.idx.msk [tilespmem:v2+s21+$0x0], $0xffff;
	v3 =	vadd.f32 v4, v3;
	v4 =	vadd.s32 $0x2940, v23  }
0x220: {  	v6 =	vld.idx.msk [tilespmem:v6+s21+$0x0], $0xffff  }
0x221: {  	v0 =	vld [tilespmem:s11+$0x4800];
	[tilespmem:s1+$0x10E00] =	vst v3  }
0x222: {  	v17 =	vadd.s32 $0x2100, v13;
	v9 =	vld.idx.msk [tilespmem:v9+s21+$0x0], $0xffff  }
0x223: {  	v20 =	vadd.s32 $0x2100, v14;
	v2 =	vld [tilespmem:s11+$0x5800]  }
0x224: {  	v3 =	vmul.f32 v10, v18;
	v15 =	vld.idx.msk [tilespmem:v4+s21+$0x0], $0xffff;
	_ =	sdelay $0x1  }
0x225: {  	v16 =	vmul.f32 v6, v0;
	v6 =	vmul.f32 v6, v10;
	v19 =	vadd.f32 v3, v5  }
0x226: {  	v26 =	vld.idx.msk [tilespmem:v17+s21+$0x0], $0xffff;
	v10 =	vmul.f32 v9, v11  }
0x227: {  	v24 =	vadd.s32 $0x2940, v28;
	v20 =	vld.idx.msk [tilespmem:v20+s21+$0x0], $0xffff;
	v16 =	vadd.f32 v16, v19;
	v19 =	vmul.f32 v6, v2  }
0x228: {  	v17 =	vld [tilespmem:s25+$0x0];
	v10 =	vadd.f32 v10, v8;
	v22 =	vmul.f32 v15, v12;
	v15 =	vmul.f32 v15, v9  }
0x229: {  	v25 =	vadd.s32 $0x3180, v21;
	v4 =	vld [tilespmem:s26+$0x0]  }
0x22a: {  	v6 =	vld [tilespmem:s17+$0x3800];
	v16 =	vadd.f32 v19, v16;
	v10 =	vadd.f32 v22, v10;
	v15 =	vmul.f32 v15, v1  }
0x22b: {  	v9 =	vld [tilespmem:s17+$0x4800];
	v22 =	vadd.s32 $0x2940, v7  }
0x22c: {  	v19 =	vld [tilespmem:s5+$0x0];
	[tilespmem:s2+$0x10E00] =	vst v16;
	v16 =	vadd.s32 $0x3180, v23;
	v10 =	vadd.f32 v15, v10  }
0x22d: {  	v54 =	vadd.s32 $0x2100, v17;
	v24 =	vld.idx.msk [tilespmem:v24+s21+$0x0], $0xffff  }
0x22e: {  	v3 =	vld [tilespmem:s17+$0x5800];
	[tilespmem:s1+$0x10E80] =	vst v10  }
0x22f: {  	v10 =	vmul.f32 v26, v6;
	v25 =	vld.idx.msk [tilespmem:v25+s21+$0x0], $0xffff  }
0x230: {  	v27 =	vmul.f32 v20, v9;
	v22 =	vld.idx.msk [tilespmem:v22+s21+$0x0], $0xffff  }
0x231: {  	v20 =	vmul.f32 v20, v26;
	v29 =	vadd.s32 $0x2100, v19;
	v26 =	vld.idx.msk [tilespmem:v16+s21+$0x0], $0xffff;
	v15 =	vadd.f32 v10, v4  }
0x232: {  	v61 =	vld.idx.msk [tilespmem:v54+s21+$0x0], $0xffff;
	v53 =	vmul.f32 v24, v18  }
0x233: {  	v52 =	vadd.s32 $0x2940, v14;
	v20 =	vmul.f32 v20, v3;
	v16 =	vld [tilespmem:s9+$0x0];
	v27 =	vadd.f32 v27, v15  }
0x234: {  	v55 =	vadd.s32 $0x2940, v13;
	v10 =	vld [tilespmem:s30+$0x5800];
	v31 =	vadd.f32 v53, v5;
	v56 =	vmul.f32 v25, v11  }
0x235: {  	v15 =	vld [tilespmem:s30+$0x4800];
	v57 =	vmul.f32 v22, v0;
	v22 =	vmul.f32 v22, v24;
	v24 =	vadd.f32 v20, v27  }
0x236: {  	v29 =	vld.idx.msk [tilespmem:v29+s21+$0x0], $0xffff;
	v58 =	vmul.f32 v26, v12;
	v25 =	vmul.f32 v26, v25;
	v26 =	vadd.s32 $0x3180, v28  }
0x237: {  	v20 =	vld [tilespmem:s30+$0x3800];
	v27 =	vadd.f32 v56, v8;
	v31 =	vadd.f32 v57, v31;
	v59 =	vmul.f32 v22, v2  }
0x238: {  	s0 =	simm.s32 $0x840;
	v60 =	vadd.s32 $0x39C0, v21;
	v62 =	vadd.s32 $0x3180, v7;
	v22 =	vld [tilespmem:s10+$0x0]  }
0x239: {  	[tilespmem:s3+$0x10E00] =	vst v24;
	v25 =	vmul.f32 v25, v1;
	v24 =	vld [tilespmem:s0+$0x0];
	v21 =	vadd.f32 v58, v27;
	v27 =	vadd.f32 v59, v31  }
0x23a: {  	v32 =	vld.idx.msk [tilespmem:v55+s21+$0x0], $0xffff  }
0x23b: {  	v34 =	vld.idx.msk [tilespmem:v52+s21+$0x0], $0xffff;
	v21 =	vadd.f32 v25, v21;
	[tilespmem:s2+$0x10E80] =	vst v27;
	v27 =	vadd.s32 $0x39C0, v23  }
0x23c: {  	v63 =	vmul.f32 v29, v20;
	v26 =	vld.idx.msk [tilespmem:v26+s21+$0x0], $0xffff  }
0x23d: {  	v36 =	vmul.f32 v61, v15;
	v37 =	vmul.f32 v61, v29;
	v33 =	vld.idx.msk [tilespmem:v62+s21+$0x0], $0xffff;
	[tilespmem:s1+$0x10F00] =	vst v21  }
0x23e: {  	s6 =	simm.s32 $0x850;
	s7 =	simm.s32 $0x840;
	v25 =	vadd.s32 $0x3180, v13;
	v35 =	vadd.f32 v63, v16;
	v21 =	vadd.s32 $0x39C0, v28;
	v23 =	vld.idx.msk [tilespmem:v60+s21+$0x0], $0xffff  }
.LBB2_9:
0x23f: {  	v28 =	vadd.s32 $0x2100, v24;
	v29 =	vadd.s32 $0x2940, v17;
	v30 =	vmul.f32 v32, v6;
	v31 =	vmovc v6;
	v6 =	vmovc v20  }
0x240: {  	p0 =	sne.s32 s6, $0xFF0;
	s11 =	sand.u32 $0xFF0, s0;
	v27 =	vld.idx.msk [tilespmem:v27+s21+$0x0], $0xffff;
	v38 =	vmovc v7;
	v7 =	vmovc v14;
	v14 =	vmov v17;
	v17 =	vmov v22;
	v39 =	vmov v13  }
0x241: {  	s9 =	sadd.s32 $0x10, s9;
	v13 =	vmovc v19;
	v19 =	vmovc v24;
	v40 =	vld [tilespmem:s11+$0x5800];
	v41 =	vadd.s32 $0x2100, v17;
	v20 =	vadd.f32 v36, v35;
	v22 =	vmul.f32 v37, v10  }
0x242: {  	v32 =	vmul.f32 v34, v32;
	v35 =	vld [tilespmem:s9+$0x0];
	v24 =	vadd.f32 v30, v4;
	v30 =	vmul.f32 v34, v9  }
0x243: {  	v37 =	vadd.s32 $0x2940, v13;
	v36 =	vld [tilespmem:s11+$0x4800];
	v34 =	vadd.f32 v22, v20;
	v22 =	vmul.f32 v26, v18  }
0x244: {  	s8 =	sadd.s32 $0x80, s8;
	v20 =	vld [tilespmem:s11+$0x3800];
	v24 =	vadd.f32 v30, v24;
	v30 =	vmul.f32 v32, v3;
	v32 =	vmul.f32 v23, v11;
	v11 =	vmovc v18  }
0x245: {  	s10 =	sadd.s32 $0x10, s10;
	s5 =	sand.u32 $0x70, s5;
	s11 =	sand.u32 $0x7C00, s8;
	v42 =	vmul.f32 v33, v0;
	v26 =	vmul.f32 v33, v26;
	v28 =	vld.idx.msk [tilespmem:v28+s21+$0x0], $0xffff;
	v18 =	vadd.f32 v22, v5  }
0x246: {  	s11 =	sor.u32 s5, s11;
	v12 =	vmul.f32 v27, v12;
	v23 =	vmul.f32 v27, v23;
	s5 =	smov.u32 s0;
	s0 =	smov.u32 s6;
	v22 =	vld [tilespmem:s10+$0x0];
	v33 =	vadd.f32 v32, v8;
	v8 =	vmovc v5  }
0x247: {  	v43 =	vadd.s32 $0x3180, v7;
	v41 =	vld.idx.msk [tilespmem:v41+s21+$0x0], $0xffff;
	[tilespmem:s11+$0x10E00] =	vst v34;
	v42 =	vadd.f32 v42, v18;
	v18 =	vmul.f32 v26, v2  }
0x248: {  	s7 =	sadd.s32 $0x10, s7;
	v26 =	vadd.f32 v30, v24;
	v23 =	vmul.f32 v23, v1;
	v32 =	vld.idx.msk [tilespmem:v37+s21+$0x0], $0xffff;
	v33 =	vadd.f32 v12, v33  }
.Ltmp3:
0x249: {  	v27 =	vadd.s32 $0x39C0, v38;
	v1 =	vmovc v2;
	v2 =	vmovc v3;
	v3 =	vmov v10;
	v24 =	vld [tilespmem:s7+$0x0];
	v37 =	vadd.f32 v18, v42;
	(pc) =	sbr.rel @p0 .LBB2_9-.Ltmp3, $4  }
0x24a: {  	v5 =	vmovc v4;
	v4 =	vmov v16;
	v10 =	vmov v40;
	v34 =	vld.idx.msk [tilespmem:v29+s21+$0x0], $0xffff;
	[tilespmem:s3+$0x10E80] =	vst v26;
	v29 =	vadd.f32 v23, v33  }
0x24b: {  	v16 =	vmovc v35;
	v12 =	vmov v0;
	v0 =	vmov v9;
	v30 =	vmul.f32 v28, v20;
	v26 =	vld.idx.msk [tilespmem:v25+s21+$0x0], $0xffff;
	[tilespmem:s2+$0x10F00] =	vst v37  }
0x24c: {  	v9 =	vmovc v15;
	v15 =	vmovc v36;
	v25 =	vadd.s32 $0x3180, v13;
	v18 =	vmov v31;
	v23 =	vld.idx.msk [tilespmem:v21+s21+$0x0], $0xffff;
	v21 =	vadd.s32 $0x39C0, v39;
	[tilespmem:s1+$0x10F80] =	vst v29;
	s1 =	smov.u32 s2;
	s2 =	smov.u32 s3;
	s3 =	smov.u32 s11  }
0x24d: {  	s6 =	sadd.s32 $0x10, s6;
	v35 =	vadd.f32 v30, v16;
	v36 =	vmul.f32 v41, v15;
	v37 =	vmul.f32 v41, v28;
	v33 =	vld.idx.msk [tilespmem:v43+s21+$0x0], $0xffff  }
0x24e: {  	v28 =	vadd.s32 $0x2100, v24;
	_ =	sdelay $0x1  }
0x24f: {  	v38 =	vadd.s32 $0x2100, v22;
	s6 =	sadd.s32 $0x10, s9  }
0x250: {  	s7 =	sand.u32 $0xFF0, s0;
	v29 =	vld [tilespmem:s6+$0x0]  }
0x251: {  	v31 =	vld [tilespmem:s7+$0x3800]  }
0x252: {  	v39 =	vld.idx.msk [tilespmem:v28+s21+$0x0], $0xffff  }
0x253: {  	v30 =	vld [tilespmem:s7+$0x4800]  }
0x254: {  	v38 =	vld.idx.msk [tilespmem:v38+s21+$0x0], $0xffff;
	_ =	sdelay $0x1  }
0x255: {  	v28 =	vld [tilespmem:s7+$0x5800]  }
0x256: {  	v40 =	vmul.f32 v39, v31;
	_ =	sdelay $0x1  }
0x257: {  	v41 =	vmul.f32 v38, v30;
	v38 =	vmul.f32 v38, v39;
	v40 =	vadd.f32 v40, v29  }
0x258: {  	v59 =	vadd.s32 $0x2940, v19;
	v35 =	vadd.f32 v36, v35;
	v58 =	vmul.f32 v37, v10  }
0x259: {  	s26 =	sadd.s32 $0x80, s8;
	v61 =	vadd.s32 $0x2940, v24;
	v38 =	vmul.f32 v38, v28;
	v60 =	vadd.f32 v41, v40  }
0x25a: {  	v62 =	vadd.s32 $0x2940, v17;
	s5 =	sand.u32 $0x70, s5;
	s31 =	sand.u32 $0x7C00, s26;
	s6 =	sadd.s32 $0x80, s26;
	v35 =	vadd.f32 v58, v35  }
0x25b: {  	v63 =	vadd.s32 $0x2940, v22;
	s8 =	sand.u32 $0x70, s0;
	s5 =	sor.u32 s5, s31;
	s6 =	sand.u32 $0x7C00, s6;
	v38 =	vadd.f32 v38, v60  }
0x25c: {  	s0 =	sor.u32 s8, s6;
	[tilespmem:s5+$0x10E00] =	vst v35  }
0x25d: {  	v42 =	vmul.f32 v32, v6;
	v37 =	vld.idx.msk [tilespmem:v59+s21+$0x0], $0xffff;
	[tilespmem:s0+$0x10E00] =	vst v38  }
0x25e: {  	v38 =	vld.idx.msk [tilespmem:v61+s21+$0x0], $0xffff  }
0x25f: {  	v43 =	vmul.f32 v34, v9;
	v44 =	vmul.f32 v34, v32;
	v35 =	vadd.f32 v42, v4;
	v45 =	vld.idx.msk [tilespmem:v62+s21+$0x0], $0xffff  }
0x260: {  	v36 =	vld.idx.msk [tilespmem:v63+s21+$0x0], $0xffff  }
0x261: {  	v32 =	vmul.f32 v44, v3;
	v35 =	vadd.f32 v43, v35  }
0x262: {  	v46 =	vmul.f32 v37, v20  }
0x263: {  	v47 =	vadd.s32 $0x3180, v14;
	v32 =	vadd.f32 v32, v35;
	v48 =	vmul.f32 v38, v31  }
0x264: {  	v34 =	vmul.f32 v45, v37;
	v39 =	vadd.f32 v46, v16;
	v41 =	vmul.f32 v45, v15  }
0x265: {  	[tilespmem:s3+$0x10E80] =	vst v32;
	v50 =	vmul.f32 v36, v30;
	v36 =	vmul.f32 v36, v38;
	v49 =	vadd.f32 v48, v29  }
0x266: {  	v51 =	vadd.s32 $0x3180, v19;
	v25 =	vld.idx.msk [tilespmem:v25+s21+$0x0], $0xffff;
	v34 =	vmul.f32 v34, v10;
	v52 =	vadd.f32 v41, v39  }
0x267: {  	v53 =	vadd.s32 $0x3180, v24;
	v54 =	vmul.f32 v36, v28;
	v32 =	vadd.f32 v50, v49  }
0x268: {  	v56 =	vadd.s32 $0x3180, v17;
	v40 =	vld.idx.msk [tilespmem:v47+s21+$0x0], $0xffff;
	v34 =	vadd.f32 v34, v52  }
0x269: {  	v57 =	vadd.s32 $0x3180, v22;
	v32 =	vadd.f32 v54, v32  }
0x26a: {  	v55 =	vmul.f32 v26, v18;
	[tilespmem:s5+$0x10E80] =	vst v34  }
0x26b: {  	v11 =	vmul.f32 v23, v11;
	v60 =	vmul.f32 v25, v6;
	v34 =	vld.idx.msk [tilespmem:v51+s21+$0x0], $0xffff;
	[tilespmem:s0+$0x10E80] =	vst v32  }
0x26c: {  	v58 =	vadd.f32 v55, v5;
	v26 =	vmul.f32 v33, v26;
	v59 =	vmul.f32 v33, v0;
	v62 =	vld.idx.msk [tilespmem:v53+s21+$0x0], $0xffff  }
0x26d: {  	v33 =	vadd.f32 v60, v4;
	v63 =	vmul.f32 v40, v9;
	v25 =	vmul.f32 v40, v25;
	v42 =	vld.idx.msk [tilespmem:v56+s21+$0x0], $0xffff  }
0x26e: {  	v7 =	vadd.s32 $0x39C0, v7;
	v8 =	vadd.f32 v11, v8;
	v26 =	vmul.f32 v26, v2;
	v11 =	vld.idx.msk [tilespmem:v57+s21+$0x0], $0xffff  }
0x26f: {  	v61 =	vadd.f32 v59, v58;
	v43 =	vadd.f32 v63, v33;
	v25 =	vmul.f32 v25, v3  }
0x270: {  	v13 =	vadd.s32 $0x39C0, v13;
	v14 =	vadd.s32 $0x39C0, v14;
	v44 =	vmul.f32 v34, v20  }
0x271: {  	v26 =	vadd.f32 v26, v61;
	v25 =	vadd.f32 v25, v43;
	v45 =	vmul.f32 v62, v31  }
0x272: {  	v27 =	vld.idx.msk [tilespmem:v27+s21+$0x0], $0xffff;
	v46 =	vmul.f32 v42, v15;
	v34 =	vmul.f32 v42, v34;
	v33 =	vadd.f32 v44, v16  }
0x273: {  	v47 =	vmul.f32 v11, v30;
	v11 =	vmul.f32 v11, v62;
	v32 =	vadd.f32 v45, v29  }
0x274: {  	v19 =	vadd.s32 $0x39C0, v19;
	[tilespmem:s2+$0x10F00] =	vst v26;
	v48 =	vmul.f32 v34, v10;
	v26 =	vadd.f32 v46, v33  }
0x275: {  	v24 =	vadd.s32 $0x39C0, v24;
	v21 =	vld.idx.msk [tilespmem:v21+s21+$0x0], $0xffff;
	[tilespmem:s3+$0x10F00] =	vst v25;
	v11 =	vmul.f32 v11, v28;
	v25 =	vadd.f32 v47, v32  }
0x276: {  	v17 =	vadd.s32 $0x39C0, v17;
	v22 =	vadd.s32 $0x39C0, v22;
	v13 =	vld.idx.msk [tilespmem:v13+s21+$0x0], $0xffff;
	v26 =	vadd.f32 v48, v26  }
0x277: {  	v12 =	vmul.f32 v27, v12;
	v23 =	vmul.f32 v27, v23;
	v7 =	vld.idx.msk [tilespmem:v7+s21+$0x0], $0xffff;
	v11 =	vadd.f32 v11, v25  }
0x278: {  	v14 =	vld.idx.msk [tilespmem:v14+s21+$0x0], $0xffff;
	[tilespmem:s5+$0x10F00] =	vst v26  }
0x279: {  	v8 =	vadd.f32 v12, v8;
	v1 =	vmul.f32 v23, v1;
	v12 =	vld.idx.msk [tilespmem:v19+s21+$0x0], $0xffff;
	[tilespmem:s0+$0x10F00] =	vst v11  }
0x27a: {  	v11 =	vmul.f32 v21, v18;
	v18 =	vld.idx.msk [tilespmem:v24+s21+$0x0], $0xffff  }
0x27b: {  	v1 =	vadd.f32 v1, v8;
	v6 =	vmul.f32 v13, v6;
	v8 =	vld.idx.msk [tilespmem:v17+s21+$0x0], $0xffff  }
0x27c: {  	v0 =	vmul.f32 v7, v0;
	v7 =	vmul.f32 v7, v21;
	v5 =	vadd.f32 v11, v5;
	v11 =	vld.idx.msk [tilespmem:v22+s21+$0x0], $0xffff  }
0x27d: {  	v4 =	vadd.f32 v6, v4;
	v6 =	vmul.f32 v14, v9;
	v9 =	vmul.f32 v14, v13  }
0x27e: {  	v2 =	vmul.f32 v7, v2;
	v0 =	vadd.f32 v0, v5;
	v5 =	vmul.f32 v12, v20  }
0x27f: {  	v4 =	vadd.f32 v6, v4;
	v3 =	vmul.f32 v9, v3;
	v6 =	vmul.f32 v18, v31  }
0x280: {  	v7 =	vmul.f32 v8, v15;
	v8 =	vmul.f32 v8, v12;
	v5 =	vadd.f32 v5, v16  }
0x281: {  	v9 =	vmul.f32 v11, v30;
	v11 =	vmul.f32 v11, v18;
	v6 =	vadd.f32 v6, v29  }
0x282: {  	v0 =	vadd.f32 v2, v0;
	v2 =	vadd.f32 v7, v5;
	v5 =	vmul.f32 v8, v10  }
0x283: {  	[tilespmem:s1+$0x10F80] =	vst v1;
	v1 =	vadd.f32 v3, v4;
	v4 =	vmul.f32 v11, v28;
	v3 =	vadd.f32 v9, v6  }
0x284: {  	[tilespmem:s2+$0x10F80] =	vst v0;
	v0 =	vadd.f32 v5, v2  }
0x285: {  	s1 =	rddreg [dreg:$0x10];
	[tilespmem:s3+$0x10F80] =	vst v1;
	v1 =	vadd.f32 v4, v3  }
0x286: {  	p0 =	seq.s32 s1, $0x7;
	[tilespmem:s5+$0x10F80] =	vst v0  }
0x287: {  	s1 =	sshll.u32 @!p0 s1, $0x4;
	s2 =	rddreg [dreg:$0xd];
	[tilespmem:s0+$0x10F80] =	vst v1  }
0x288: {  	s9 =	simm.s32 $0x0;
	s1 =	sadd.s32 @!p0 s1, s2;
	s0 =	rddreg [dreg:$0xc]  }
0x289: {  	s10 =	simm.s32 $0x14C00;
	s1 =	smul.u32 @!p0 $0x108, s1;
	s0 =	sadd.s32 s4, s0  }
0x28a: {  	[hbm4b:s0+s9] =	stream.linear.scatter [tilespmem:s10], [sflag:$0x4], $0x4000, $0x38;
	[tilespmem:$0x18C00] =	vst v63  }
0x28b: {  	s11 =	simm.s32 $0x2;
	s0 =	rddreg [dreg:$0x6]  }
0x28c: {  	s2 =	simm.s32 @!p0 $0x8800;
	s0 =	sadd.s32 @!p0 s0, s1;
	s1 =	simm.s32 @!p0 $0x0  }
0x28d: {  	[tilespmem:s2], [sflag:$0x1] =	stream.linear.gather @!p0 [hbm4b:s0+s1], $0x4200, $0x38;
	[tilespmem:$0x18C00] =	vst v63  }
0x28e: {  	_ =	swait.ge [sflag:s11], $0x4200  }
0x28f: {  	[sflag:s11] =	ssyncset.done $0x0  }
0x290: {  	s12 =	simm.s32 $0x3;
	[sflag:s11] =	ssyncadd.s32 $0xFFFFBE00  }
0x291: {  	_ =	swait.ge [sflag:s12], $0x4000  }
0x292: {  	[sflag:s12] =	ssyncset.done $0x0  }
0x293: {  	s4 =	simm.s32 $0x0;
	[sflag:s12] =	ssyncadd.s32 $0xFFFFC000  }
0x294: {  	v13 =	vld [tilespmem:s4+$0x0]  }
0x295: {  	s13 =	simm.s32 $0x1000  }
0x296: {  	s17 =	sand.u32 $0x7F0, s4;
	v12 =	vld [tilespmem:s13+$0x0]  }
0x297: {  	s19 =	simm.s32 $0x7800;
	v22 =	vld [tilespmem:s17+$0x4800]  }
0x298: {  	v23 =	vld [tilespmem:s19+$0x0]  }
0x299: {  	s14 =	simm.s32 $0x2000;
	v25 =	vld [tilespmem:s19+$0xFFFFF000]  }
0x29a: {  	v15 =	vld [tilespmem:s14+$0x0]  }
0x29b: {  	v24 =	vld [tilespmem:s17+$0x7000]  }
0x29c: {  	s9 =	simm.s32 $0x3800;
	v0 =	vld.idx.msk [tilespmem:v13+s22+$0x0], $0xffff  }
0x29d: {  	v29 =	vld [tilespmem:s9+$0x0]  }
0x29e: {  	v1 =	vld.idx.msk [tilespmem:v12+s22+$0x0], $0xffff  }
0x29f: {  	v28 =	vld [tilespmem:s9+$0xFFFFF000];
	v2 =	vadd.s32 $0x800, v15  }
0x2a0: {  	v26 =	vld [tilespmem:s17+$0x8000]  }
0x2a1: {  	s11 =	simm.s32 $0x10;
	v27 =	vld [tilespmem:s17+$0x5800];
	v3 =	vmul.f32 v0, v24  }
0x2a2: {  	s15 =	simm.s32 $0x1010;
	v11 =	vld [tilespmem:s11+$0x0];
	v4 =	vmul.f32 v0, v29  }
0x2a3: {  	v30 =	vld [tilespmem:s15+$0x0];
	v0 =	vmul.f32 v1, v0;
	v5 =	vmul.f32 v1, v23;
	v3 =	vadd.f32 v3, v25  }
0x2a4: {  	v2 =	vld.idx.msk [tilespmem:v2+s22+$0x0], $0xffff;
	v1 =	vmul.f32 v1, v22  }
0x2a5: {  	v4 =	vadd.f32 v4, v28;
	v3 =	vadd.f32 v5, v3;
	v5 =	vmul.f32 v0, v26;
	_ =	sdelay $0x1  }
0x2a6: {  	v1 =	vadd.f32 v1, v4;
	v0 =	vmul.f32 v0, v27;
	v3 =	vadd.f32 v5, v3;
	_ =	sdelay $0x1  }
0x2a7: {  	s23 =	simm.s32 $0x2010;
	v4 =	vadd.s32 $0x840, v13;
	v1 =	vadd.f32 v0, v1;
	v2 =	vmul.f32 v3, v2  }
0x2a8: {  	v20 =	vld [tilespmem:s23+$0x0];
	v3 =	vadd.s32 $0x840, v12  }
0x2a9: {  	s16 =	sand.u32 $0x70, s4;
	s18 =	sand.u32 $0x3C00, s4;
	v9 =	vld.idx.msk [tilespmem:v11+s22+$0x0], $0xffff;
	v1 =	vadd.f32 v2, v1  }
0x2aa: {  	s0 =	sor.u32 s16, s18;
	s3 =	sand.u32 $0x7F0, s11;
	v10 =	vld.idx.msk [tilespmem:v30+s22+$0x0], $0xffff  }
0x2ab: {  	v0 =	vld [tilespmem:s3+$0x4800];
	[tilespmem:s0+$0x10C00] =	vst v1  }
0x2ac: {  	v6 =	vld.idx.msk [tilespmem:v4+s22+$0x0], $0xffff  }
0x2ad: {  	s30 =	simm.s32 $0x3810;
	v7 =	vld.idx.msk [tilespmem:v3+s22+$0x0], $0xffff;
	v3 =	vadd.s32 $0x1040, v15  }
0x2ae: {  	s20 =	simm.s32 $0x7810;
	v5 =	vld [tilespmem:s30+$0x0]  }
0x2af: {  	v2 =	vld [tilespmem:s20+$0x0]  }
0x2b0: {  	v1 =	vld [tilespmem:s20+$0xFFFFF000]  }
0x2b1: {  	v4 =	vld [tilespmem:s3+$0x7000];
	v8 =	vmul.f32 v6, v24  }
0x2b2: {  	v17 =	vadd.s32 $0x800, v20;
	v14 =	vmul.f32 v6, v29;
	v18 =	vld.idx.msk [tilespmem:v3+s22+$0x0], $0xffff  }
0x2b3: {  	v6 =	vmul.f32 v7, v6;
	v16 =	vmul.f32 v7, v23;
	v3 =	vld [tilespmem:s30+$0xFFFFF000];
	v8 =	vadd.f32 v8, v25  }
0x2b4: {  	v31 =	vmul.f32 v10, v9;
	v7 =	vmul.f32 v7, v22;
	v14 =	vadd.f32 v14, v28  }
0x2b5: {  	v19 =	vmul.f32 v6, v27;
	v8 =	vadd.f32 v16, v8;
	v16 =	vmul.f32 v6, v26;
	v6 =	vld [tilespmem:s3+$0x8000]  }
0x2b6: {  	v21 =	vmul.f32 v9, v4;
	v9 =	vmul.f32 v9, v5  }
0x2b7: {  	v49 =	vmul.f32 v10, v2;
	v7 =	vadd.f32 v7, v14;
	v14 =	vadd.f32 v16, v8;
	v8 =	vld [tilespmem:s3+$0x5800]  }
0x2b8: {  	v10 =	vmul.f32 v10, v0;
	v21 =	vadd.f32 v21, v1;
	v9 =	vadd.f32 v9, v3  }
0x2b9: {  	v17 =	vld.idx.msk [tilespmem:v17+s22+$0x0], $0xffff;
	v16 =	vadd.s32 $0x1080, v13;
	v7 =	vadd.f32 v19, v7;
	v14 =	vmul.f32 v14, v18  }
0x2ba: {  	s15 =	simm.s32 $0x20;
	v19 =	vadd.f32 v49, v21;
	v18 =	vadd.s32 $0x1080, v12;
	v21 =	vmul.f32 v31, v6  }
0x2bb: {  	s2 =	sand.u32 $0x7F0, s15;
	v59 =	vadd.s32 $0x18C0, v13;
	v14 =	vadd.f32 v14, v7  }
0x2bc: {  	s1 =	sadd.s32 $0x10C00, s0;
	s23 =	simm.s32 $0x2020;
	v13 =	vld [tilespmem:s2+$0x7000];
	v9 =	vadd.f32 v10, v9;
	v10 =	vmul.f32 v31, v8;
	v19 =	vadd.f32 v21, v19  }
0x2bd: {  	v55 =	vadd.s32 $0x18C0, v12;
	v12 =	vld [tilespmem:s23+$0x0];
	[tilespmem:s1+$0x80] =	vst v14  }
0x2be: {  	v31 =	vadd.s32 $0x840, v11;
	v21 =	vld.idx.msk [tilespmem:v16+s22+$0x0], $0xffff;
	v9 =	vadd.f32 v10, v9;
	v10 =	vmul.f32 v19, v17  }
0x2bf: {  	s24 =	simm.s32 $0x80;
	v17 =	vld.idx.msk [tilespmem:v18+s22+$0x0], $0xffff  }
0x2c0: {  	s26 =	sand.u32 $0x70, s11;
	s0 =	sand.u32 $0x3C00, s24;
	v18 =	vadd.s32 $0x840, v30;
	v16 =	vld [tilespmem:s15+$0x0];
	v50 =	vadd.f32 v10, v9  }
0x2c1: {  	s25 =	simm.s32 $0x1020;
	s10 =	sor.u32 s26, s0;
	v7 =	vld [tilespmem:s2+$0x4800];
	v19 =	vadd.s32 $0x1880, v15  }
0x2c2: {  	v14 =	vld [tilespmem:s25+$0x0];
	[tilespmem:s10+$0x10C00] =	vst v50  }
0x2c3: {  	s18 =	simm.s32 $0x7820;
	v51 =	vmul.f32 v21, v24;
	v31 =	vld.idx.msk [tilespmem:v31+s22+$0x0], $0xffff  }
0x2c4: {  	v56 =	vadd.s32 $0x1040, v20;
	v10 =	vld [tilespmem:s18+$0x0];
	v52 =	vmul.f32 v21, v29  }
0x2c5: {  	v53 =	vld.idx.msk [tilespmem:v18+s22+$0x0], $0xffff;
	v18 =	vmul.f32 v17, v21;
	v54 =	vmul.f32 v17, v23;
	v21 =	vadd.f32 v51, v25  }
0x2c6: {  	v19 =	vld.idx.msk [tilespmem:v19+s22+$0x0], $0xffff;
	v17 =	vmul.f32 v17, v22;
	v33 =	vadd.f32 v52, v28  }
0x2c7: {  	v9 =	vld [tilespmem:s18+$0xFFFFF000];
	v57 =	vmul.f32 v18, v27;
	v18 =	vmul.f32 v18, v26;
	v21 =	vadd.f32 v54, v21  }
0x2c8: {  	v60 =	vadd.s32 $0x20C0, v15;
	v63 =	vadd.s32 $0x800, v12;
	v58 =	vld.idx.msk [tilespmem:v16+s22+$0x0], $0xffff;
	v15 =	vmul.f32 v31, v4  }
0x2c9: {  	v36 =	vld.idx.msk [tilespmem:v56+s22+$0x0], $0xffff;
	v33 =	vadd.f32 v17, v33;
	v62 =	vmul.f32 v31, v5;
	v18 =	vadd.f32 v18, v21  }
0x2ca: {  	s29 =	simm.s32 $0x3820;
	v61 =	vld.idx.msk [tilespmem:v14+s22+$0x0], $0xffff;
	v21 =	vmul.f32 v53, v31;
	v31 =	vmul.f32 v53, v2;
	v15 =	vadd.f32 v15, v1  }
0x2cb: {  	v17 =	vld [tilespmem:s29+$0x0];
	v34 =	vmul.f32 v53, v0;
	v33 =	vadd.f32 v57, v33;
	v19 =	vmul.f32 v18, v19  }
0x2cc: {  	v41 =	vadd.f32 v62, v3;
	v18 =	vld [tilespmem:s29+$0xFFFFF000];
	v42 =	vmul.f32 v21, v6;
	v31 =	vadd.f32 v31, v15  }
0x2cd: {  	v47 =	vadd.s32 $0x1080, v11;
	v43 =	vmul.f32 v58, v13;
	v15 =	vld [tilespmem:s2+$0x8000];
	v33 =	vadd.f32 v19, v33  }
0x2ce: {  	v21 =	vmul.f32 v21, v8;
	v34 =	vadd.f32 v34, v41;
	v31 =	vadd.f32 v42, v31  }
0x2cf: {  	v49 =	vmul.f32 v61, v10;
	v44 =	vmul.f32 v61, v58;
	v19 =	vld [tilespmem:s2+$0x5800];
	v48 =	vadd.f32 v43, v9;
	[tilespmem:s1+$0x100] =	vst v33  }
0x2d0: {  	v32 =	vmul.f32 v58, v17;
	v21 =	vadd.f32 v21, v34;
	v50 =	vld.idx.msk [tilespmem:v59+s22+$0x0], $0xffff;
	v31 =	vmul.f32 v31, v36  }
0x2d1: {  	v51 =	vld.idx.msk [tilespmem:v63+s22+$0x0], $0xffff;
	v53 =	vadd.s32 $0x1080, v30;
	v52 =	vmul.f32 v61, v7;
	v33 =	vadd.f32 v49, v48  }
0x2d2: {  	s12 =	simm.s32 $0x30;
	v32 =	vadd.f32 v32, v18;
	v35 =	vld.idx.msk [tilespmem:v55+s22+$0x0], $0xffff;
	v54 =	vmul.f32 v44, v15;
	v31 =	vadd.f32 v31, v21  }
0x2d3: {  	s0 =	sand.u32 $0x7F0, s12;
	s28 =	sadd.s32 $0x10C00, s10;
	v56 =	vadd.s32 $0x840, v16;
	v39 =	vld.idx.msk [tilespmem:v60+s22+$0x0], $0xffff  }
0x2d4: {  	v32 =	vadd.f32 v52, v32;
	v55 =	vmul.f32 v44, v19;
	v21 =	vld [tilespmem:s0+$0x4800];
	v33 =	vadd.f32 v54, v33;
	[tilespmem:s28+$0x80] =	vst v31  }
0x2d5: {  	v61 =	vadd.s32 $0x1880, v20;
	v59 =	vadd.s32 $0x840, v14;
	v57 =	vld.idx.msk [tilespmem:v47+s22+$0x0], $0xffff;
	v58 =	vmul.f32 v50, v24  }
0x2d6: {  	s6 =	simm.s32 $0x1030;
	v31 =	vadd.f32 v55, v32;
	v29 =	vmul.f32 v50, v29;
	v33 =	vmul.f32 v33, v51;
	v60 =	vld.idx.msk [tilespmem:v53+s22+$0x0], $0xffff  }
0x2d7: {  	s7 =	simm.s32 $0x100;
	v24 =	vld [tilespmem:s6+$0x0];
	v34 =	vmul.f32 v35, v50;
	v23 =	vmul.f32 v35, v23;
	v37 =	vadd.f32 v58, v25  }
0x2d8: {  	s8 =	simm.s32 $0x7830;
	s31 =	sand.u32 $0x3C00, s7;
	s24 =	sand.u32 $0x70, s15;
	v25 =	vld [tilespmem:s12+$0x0];
	v31 =	vadd.f32 v33, v31;
	v28 =	vadd.f32 v29, v28;
	v29 =	vmul.f32 v35, v22  }
0x2d9: {  	s13 =	sor.u32 s24, s31;
	v22 =	vld [tilespmem:s8+$0x0];
	v26 =	vmul.f32 v34, v26;
	v62 =	vadd.f32 v23, v37  }
0x2da: {  	v34 =	vmul.f32 v34, v27;
	v27 =	vadd.s32 $0x18C0, v30;
	v23 =	vld [tilespmem:s8+$0xFFFFF000];
	[tilespmem:s13+$0x10C00] =	vst v31;
	v28 =	vadd.f32 v29, v28  }
0x2db: {  	v37 =	vld.idx.msk [tilespmem:v56+s22+$0x0], $0xffff;
	v29 =	vmul.f32 v57, v5;
	v30 =	vmul.f32 v57, v4;
	v26 =	vadd.f32 v26, v62  }
0x2dc: {  	v38 =	vadd.s32 $0x1040, v12;
	v36 =	vld.idx.msk [tilespmem:v59+s22+$0x0], $0xffff;
	v31 =	vmul.f32 v60, v57;
	v63 =	vmul.f32 v60, v2  }
0x2dd: {  	s5 =	simm.s32 $0x2030;
	v28 =	vadd.f32 v34, v28;
	v34 =	vld.idx.msk [tilespmem:v61+s22+$0x0], $0xffff;
	v30 =	vadd.f32 v30, v1;
	v33 =	vmul.f32 v26, v39  }
0x2de: {  	v42 =	vmul.f32 v60, v0;
	v41 =	vadd.f32 v29, v3;
	v35 =	vmul.f32 v31, v8;
	v26 =	vld [tilespmem:s5+$0x0]  }
0x2df: {  	s16 =	simm.s32 $0x30;
	s14 =	simm.s32 $0x40;
	s26 =	smov.u32 s1;
	v40 =	vmul.f32 v31, v6;
	v43 =	vld.idx.msk [tilespmem:v24+s22+$0x0], $0xffff;
	v39 =	vadd.f32 v63, v30;
	v28 =	vadd.f32 v33, v28  }
.LBB2_11:
0x2e0: {  	p0 =	sne.s32 s14, $0x7F0;
	v29 =	vld.idx.msk [tilespmem:v25+s22+$0x0], $0xffff;
	v30 =	vadd.f32 v42, v41;
	v31 =	vadd.s32 $0x18C0, v11;
	v20 =	vadd.s32 $0x20C0, v20;
	v32 =	vmovc v0;
	v0 =	vmovc v7;
	s31 =	smov.u32 s14;
	s14 =	sadd.s32 $0x10, s14  }
0x2e1: {  	v11 =	vmul.f32 v37, v17;
	v41 =	vmul.f32 v37, v13;
	s29 =	sadd.s32 $0x10, s29;
	v33 =	vld [tilespmem:s0+$0x7000];
	v42 =	vadd.f32 v40, v39;
	[tilespmem:s26+$0x180] =	vst v28;
	s26 =	smov.u32 s28  }
0x2e2: {  	v7 =	vmovc v21;
	v37 =	vmul.f32 v36, v37;
	v40 =	vmul.f32 v36, v10;
	v28 =	vld [tilespmem:s29+$0x0];
	v30 =	vadd.f32 v35, v30  }
0x2e3: {  	v39 =	vmovc v14;
	v21 =	vadd.s32 $0x800, v26;
	v35 =	vld.idx.msk [tilespmem:v38+s22+$0x0], $0xffff;
	v38 =	vadd.f32 v41, v9;
	v34 =	vmul.f32 v42, v34  }
0x2e4: {  	v36 =	vmul.f32 v36, v0;
	v14 =	vmovc v24;
	v42 =	vadd.f32 v11, v18;
	v44 =	vmul.f32 v37, v19;
	v41 =	vld [tilespmem:s29+$0xFFFFF000]  }
0x2e5: {  	v37 =	vmul.f32 v37, v15;
	v11 =	vmovc v16;
	v45 =	vld [tilespmem:s0+$0x8000];
	v24 =	vadd.f32 v40, v38;
	v46 =	vadd.f32 v34, v30  }
0x2e6: {  	v16 =	vmovc v25;
	v34 =	vmul.f32 v43, v29;
	v36 =	vadd.f32 v36, v42;
	v38 =	vmul.f32 v29, v33  }
0x2e7: {  	v30 =	vmovc v2;
	v40 =	vld [tilespmem:s0+$0x5800];
	v25 =	vmul.f32 v29, v28;
	v24 =	vadd.f32 v37, v24;
	v29 =	vadd.s32 $0x1080, v11;
	[tilespmem:s26+$0x100] =	vst v46  }
0x2e8: {  	v37 =	vmul.f32 v43, v22;
	v36 =	vadd.f32 v44, v36;
	v46 =	vadd.f32 v38, v23;
	v31 =	vld.idx.msk [tilespmem:v31+s22+$0x0], $0xffff  }
0x2e9: {  	v38 =	vld.idx.msk [tilespmem:v21+s22+$0x0], $0xffff;
	v21 =	vadd.f32 v25, v41;
	v25 =	vmul.f32 v43, v7;
	v24 =	vmul.f32 v24, v35  }
0x2ea: {  	v42 =	vadd.s32 $0x1080, v39;
	v2 =	vmovc v10;
	v35 =	vadd.f32 v37, v46;
	v37 =	vmul.f32 v34, v45;
	v27 =	vld.idx.msk [tilespmem:v27+s22+$0x0], $0xffff  }
0x2eb: {  	v10 =	vmovc v22;
	v22 =	vmov v1;
	v25 =	vadd.f32 v25, v21;
	v24 =	vadd.f32 v24, v36;
	v43 =	vld.idx.msk [tilespmem:v20+s22+$0x0], $0xffff  }
0x2ec: {  	s28 =	sadd.s32 $0x10C00, s13;
	s0 =	sand.u32 $0x7F0, s31;
	v1 =	vmovc v9;
	v9 =	vmovc v23;
	v20 =	vmov v12;
	v34 =	vmul.f32 v34, v40;
	v35 =	vadd.f32 v37, v35  }
0x2ed: {  	v36 =	vadd.s32 $0x840, v16;
	v12 =	vmov v26;
	v21 =	vld [tilespmem:s0+$0x4800];
	[tilespmem:s28+$0x80] =	vst v24  }
0x2ee: {  	v23 =	vadd.f32 v34, v25;
	v26 =	vld.idx.msk [tilespmem:v29+s22+$0x0], $0xffff;
	v29 =	vmul.f32 v31, v5;
	v25 =	vmul.f32 v31, v4  }
0x2ef: {  	s6 =	sadd.s32 $0x10, s6;
	s7 =	sadd.s32 $0x80, s7;
	v44 =	vadd.s32 $0x1880, v20;
	v34 =	vmul.f32 v35, v38;
	v35 =	vadd.s32 $0x840, v14;
	v4 =	vmovc v13;
	v13 =	vmovc v33;
	v42 =	vld.idx.msk [tilespmem:v42+s22+$0x0], $0xffff  }
0x2f0: {  	s12 =	sadd.s32 $0x10, s12;
	v5 =	vmovc v17;
	v31 =	vmul.f32 v27, v31;
	v30 =	vmul.f32 v27, v30;
	v24 =	vld [tilespmem:s6+$0x0];
	v33 =	vadd.f32 v25, v22  }
0x2f1: {  	s8 =	sadd.s32 $0x10, s8;
	s13 =	sand.u32 $0x70, s16;
	s16 =	sand.u32 $0x3C00, s7;
	v17 =	vmovc v28;
	v32 =	vmul.f32 v27, v32;
	v34 =	vadd.f32 v34, v23;
	v29 =	vadd.f32 v29, v3;
	v25 =	vld [tilespmem:s12+$0x0]  }
0x2f2: {  	s13 =	sor.u32 s13, s16;
	s16 =	smov.u32 s31;
	v3 =	vmovc v18;
	v46 =	vmul.f32 v31, v8;
	v22 =	vld [tilespmem:s8+$0x0];
	v28 =	vadd.f32 v30, v33;
	v30 =	vmul.f32 v31, v6  }
0x2f3: {  	v27 =	vadd.s32 $0x18C0, v39;
	v18 =	vmovc v41;
	v29 =	vadd.f32 v32, v29;
	v6 =	vmovc v15;
	v15 =	vmov v45;
	v23 =	vld [tilespmem:s8+$0xFFFFF000];
	[tilespmem:s13+$0x10C00] =	vst v34  }
.Ltmp4:
0x2f4: {  	v31 =	vmul.f32 v26, v5;
	v32 =	vmul.f32 v26, v4;
	v37 =	vld.idx.msk [tilespmem:v36+s22+$0x0], $0xffff;
	v28 =	vadd.f32 v30, v28;
	(pc) =	sbr.rel @p0 .LBB2_11-.Ltmp4, $4  }
0x2f5: {  	v38 =	vadd.s32 $0x1040, v12;
	v8 =	vmovc v19;
	v30 =	vmul.f32 v42, v26;
	v29 =	vadd.f32 v46, v29;
	v36 =	vld.idx.msk [tilespmem:v35+s22+$0x0], $0xffff  }
0x2f6: {  	s5 =	sadd.s32 $0x10, s5;
	v33 =	vmul.f32 v42, v2;
	v32 =	vadd.f32 v32, v1;
	v34 =	vld.idx.msk [tilespmem:v44+s22+$0x0], $0xffff;
	v28 =	vmul.f32 v28, v43  }
0x2f7: {  	v19 =	vmovc v40;
	v42 =	vmul.f32 v42, v0;
	v41 =	vadd.f32 v31, v3;
	v35 =	vmul.f32 v30, v8;
	v26 =	vld [tilespmem:s5+$0x0]  }
0x2f8: {  	v40 =	vmul.f32 v30, v6;
	v39 =	vadd.f32 v33, v32;
	v43 =	vld.idx.msk [tilespmem:v24+s22+$0x0], $0xffff;
	v28 =	vadd.f32 v28, v29  }
0x2f9: {  	_ =	sdelay $0x3  }
0x2fa: {  	v44 =	vld.idx.msk [tilespmem:v25+s22+$0x0], $0xffff  }
0x2fb: {  	v33 =	vld [tilespmem:s0+$0x7000]  }
0x2fc: {  	s5 =	sadd.s32 $0x10, s29  }
0x2fd: {  	v32 =	vld [tilespmem:s5+$0x0]  }
0x2fe: {  	v30 =	vld [tilespmem:s0+$0x8000];
	v45 =	vadd.s32 $0x800, v26  }
0x2ff: {  	v31 =	vld [tilespmem:s5+$0xFFFFF000]  }
0x300: {  	v46 =	vmul.f32 v44, v33  }
0x301: {  	v29 =	vld [tilespmem:s0+$0x5800];
	v48 =	vmul.f32 v43, v22  }
0x302: {  	v47 =	vmul.f32 v44, v32;
	v44 =	vmul.f32 v43, v44;
	v46 =	vadd.f32 v46, v23  }
0x303: {  	v54 =	vmul.f32 v43, v21;
	v45 =	vld.idx.msk [tilespmem:v45+s22+$0x0], $0xffff  }
0x304: {  	v47 =	vadd.f32 v47, v31;
	v55 =	vmul.f32 v44, v30;
	v46 =	vadd.f32 v48, v46;
	_ =	sdelay $0x1  }
0x305: {  	v44 =	vmul.f32 v44, v29;
	v43 =	vadd.f32 v54, v47;
	v46 =	vadd.f32 v55, v46;
	_ =	sdelay $0x1  }
0x306: {  	v56 =	vadd.s32 $0x840, v25;
	v43 =	vadd.f32 v44, v43;
	v57 =	vmul.f32 v46, v45  }
0x307: {  	s8 =	sadd.s32 $0x80, s7  }
0x308: {  	v58 =	vadd.s32 $0x840, v24;
	s12 =	sand.u32 $0x70, s16;
	s0 =	sand.u32 $0x3C00, s8;
	v43 =	vadd.f32 v57, v43  }
0x309: {  	s5 =	sor.u32 s12, s0  }
0x30a: {  	[tilespmem:s5+$0x10C00] =	vst v43  }
0x30b: {  	v61 =	vld.idx.msk [tilespmem:v56+s22+$0x0], $0xffff  }
0x30c: {  	v59 =	vmul.f32 v37, v13  }
0x30d: {  	v60 =	vmul.f32 v37, v17;
	v63 =	vmul.f32 v36, v37;
	v45 =	vld.idx.msk [tilespmem:v58+s22+$0x0], $0xffff  }
0x30e: {  	v62 =	vmul.f32 v36, v10;
	v52 =	vmul.f32 v36, v7;
	v53 =	vadd.s32 $0x1040, v26  }
0x30f: {  	v37 =	vmul.f32 v63, v15;
	v44 =	vadd.f32 v59, v9;
	v43 =	vadd.f32 v60, v18  }
0x310: {  	v38 =	vld.idx.msk [tilespmem:v38+s22+$0x0], $0xffff;
	v54 =	vmul.f32 v63, v19;
	v55 =	vmul.f32 v61, v33  }
0x311: {  	v44 =	vadd.f32 v62, v44;
	v36 =	vadd.f32 v52, v43;
	v56 =	vmul.f32 v61, v32  }
0x312: {  	v46 =	vmul.f32 v45, v61;
	v57 =	vmul.f32 v45, v22;
	v43 =	vadd.f32 v55, v23  }
0x313: {  	v59 =	vadd.s32 $0x1080, v16;
	v37 =	vadd.f32 v37, v44;
	v58 =	vld.idx.msk [tilespmem:v53+s22+$0x0], $0xffff;
	v45 =	vmul.f32 v45, v21  }
0x314: {  	v44 =	vadd.f32 v56, v31;
	v60 =	vmul.f32 v46, v30;
	v43 =	vadd.f32 v57, v43  }
0x315: {  	v62 =	vadd.s32 $0x1080, v14;
	v37 =	vmul.f32 v37, v38;
	v36 =	vadd.f32 v54, v36  }
0x316: {  	v63 =	vmul.f32 v46, v29;
	v61 =	vadd.f32 v45, v44;
	v43 =	vadd.f32 v60, v43  }
0x317: {  	v36 =	vadd.f32 v37, v36  }
0x318: {  	s13 =	sadd.s32 $0x10C00, s13;
	v48 =	vadd.s32 $0x1080, v25;
	v45 =	vadd.f32 v63, v61;
	v46 =	vmul.f32 v43, v58  }
0x319: {  	[tilespmem:s13+$0x80] =	vst v36  }
0x31a: {  	v50 =	vadd.s32 $0x1080, v24;
	v49 =	vld.idx.msk [tilespmem:v59+s22+$0x0], $0xffff;
	v36 =	vadd.f32 v46, v45  }
0x31b: {  	v41 =	vadd.f32 v42, v41;
	v39 =	vadd.f32 v40, v39;
	s5 =	sadd.s32 $0x10C00, s5;
	v51 =	vld.idx.msk [tilespmem:v62+s22+$0x0], $0xffff  }
0x31c: {  	[tilespmem:s5+$0x80] =	vst v36  }
0x31d: {  	v35 =	vadd.f32 v35, v41;
	v34 =	vmul.f32 v39, v34;
	v52 =	vadd.s32 $0x1880, v12;
	v38 =	vld.idx.msk [tilespmem:v48+s22+$0x0], $0xffff  }
0x31e: {  	v11 =	vadd.s32 $0x18C0, v11  }
0x31f: {  	v20 =	vadd.s32 $0x20C0, v20;
	v34 =	vadd.f32 v34, v35;
	v53 =	vmul.f32 v49, v13;
	v37 =	vld.idx.msk [tilespmem:v50+s22+$0x0], $0xffff  }
0x320: {  	v56 =	vadd.s32 $0x1880, v26;
	v54 =	vmul.f32 v49, v17;
	v43 =	vmul.f32 v51, v49  }
0x321: {  	v55 =	vmul.f32 v51, v10;
	v40 =	vmul.f32 v51, v7;
	v39 =	vadd.f32 v53, v9  }
0x322: {  	v35 =	vadd.f32 v54, v18;
	v58 =	vmul.f32 v43, v15;
	v36 =	vld.idx.msk [tilespmem:v52+s22+$0x0], $0xffff;
	v57 =	vmul.f32 v38, v33  }
0x323: {  	[tilespmem:s28+$0x100] =	vst v34;
	v43 =	vmul.f32 v43, v19;
	v39 =	vadd.f32 v55, v39;
	v59 =	vmul.f32 v38, v32  }
0x324: {  	v11 =	vld.idx.msk [tilespmem:v11+s22+$0x0], $0xffff;
	v38 =	vmul.f32 v37, v38;
	v60 =	vmul.f32 v37, v22;
	v41 =	vadd.f32 v57, v23  }
0x325: {  	v35 =	vadd.f32 v40, v35;
	v61 =	vld.idx.msk [tilespmem:v56+s22+$0x0], $0xffff;
	v34 =	vadd.f32 v58, v39;
	v37 =	vmul.f32 v37, v21  }
0x326: {  	v27 =	vld.idx.msk [tilespmem:v27+s22+$0x0], $0xffff;
	v40 =	vadd.f32 v59, v31;
	v62 =	vmul.f32 v38, v30;
	v41 =	vadd.f32 v60, v41  }
0x327: {  	v16 =	vadd.s32 $0x18C0, v16;
	v35 =	vadd.f32 v43, v35;
	v34 =	vmul.f32 v34, v36  }
0x328: {  	v63 =	vmul.f32 v38, v29;
	v37 =	vadd.f32 v37, v40;
	v42 =	vadd.f32 v62, v41  }
0x329: {  	v25 =	vadd.s32 $0x18C0, v25;
	v4 =	vmul.f32 v11, v4;
	v14 =	vadd.s32 $0x18C0, v14  }
0x32a: {  	v34 =	vadd.f32 v34, v35;
	v43 =	vadd.f32 v63, v37;
	v44 =	vmul.f32 v42, v61  }
0x32b: {  	v2 =	vmul.f32 v27, v2;
	v1 =	vadd.f32 v4, v1  }
0x32c: {  	v4 =	vld.idx.msk [tilespmem:v20+s22+$0x0], $0xffff;
	v20 =	vadd.s32 $0x18C0, v24;
	v45 =	vmul.f32 v27, v11;
	[tilespmem:s13+$0x100] =	vst v34;
	v24 =	vadd.f32 v44, v43  }
0x32d: {  	v5 =	vmul.f32 v11, v5;
	v11 =	vld.idx.msk [tilespmem:v16+s22+$0x0], $0xffff  }
0x32e: {  	v1 =	vadd.f32 v2, v1;
	v2 =	vmul.f32 v45, v6;
	v6 =	vld.idx.msk [tilespmem:v14+s22+$0x0], $0xffff;
	[tilespmem:s5+$0x100] =	vst v24  }
0x32f: {  	v0 =	vmul.f32 v27, v0;
	v3 =	vadd.f32 v5, v3;
	v5 =	vld.idx.msk [tilespmem:v25+s22+$0x0], $0xffff  }
0x330: {  	v1 =	vadd.f32 v2, v1  }
0x331: {  	v0 =	vadd.f32 v0, v3;
	v3 =	vadd.s32 $0x20C0, v12;
	v2 =	vmul.f32 v45, v8;
	v8 =	vld.idx.msk [tilespmem:v20+s22+$0x0], $0xffff  }
0x332: {  	v12 =	vadd.s32 $0x20C0, v26;
	v1 =	vmul.f32 v1, v4;
	v4 =	vmul.f32 v11, v13  }
0x333: {  	v0 =	vadd.f32 v2, v0;
	v2 =	vmul.f32 v11, v17;
	v11 =	vmul.f32 v6, v11  }
0x334: {  	v4 =	vadd.f32 v4, v9;
	v9 =	vmul.f32 v6, v10;
	v10 =	vmul.f32 v5, v33  }
0x335: {  	v2 =	vadd.f32 v2, v18;
	v6 =	vmul.f32 v6, v7;
	v7 =	vmul.f32 v5, v32  }
0x336: {  	v3 =	vld.idx.msk [tilespmem:v3+s22+$0x0], $0xffff;
	v5 =	vmul.f32 v8, v5;
	v13 =	vmul.f32 v8, v22;
	v10 =	vadd.f32 v10, v23  }
0x337: {  	v4 =	vadd.f32 v9, v4;
	v9 =	vmul.f32 v11, v15;
	v12 =	vld.idx.msk [tilespmem:v12+s22+$0x0], $0xffff;
	v8 =	vmul.f32 v8, v21  }
0x338: {  	v7 =	vadd.f32 v7, v31;
	v10 =	vadd.f32 v13, v10;
	v13 =	vmul.f32 v5, v30  }
0x339: {  	v11 =	vmul.f32 v11, v19;
	v2 =	vadd.f32 v6, v2;
	v4 =	vadd.f32 v9, v4  }
0x33a: {  	v5 =	vmul.f32 v5, v29;
	v6 =	vadd.f32 v8, v7;
	v7 =	vadd.f32 v13, v10  }
0x33b: {  	v2 =	vadd.f32 v11, v2;
	v3 =	vmul.f32 v4, v3  }
0x33c: {  	v0 =	vadd.f32 v1, v0;
	v1 =	vadd.f32 v5, v6;
	v4 =	vmul.f32 v7, v12  }
0x33d: {  	[tilespmem:s26+$0x180] =	vst v28;
	v2 =	vadd.f32 v3, v2  }
0x33e: {  	[tilespmem:s28+$0x180] =	vst v0;
	v0 =	vadd.f32 v4, v1  }
0x33f: {  	[tilespmem:s13+$0x180] =	vst v2  }
0x340: {  	[tilespmem:s5+$0x180] =	vst v0  }
0x341: {  	v12 =	vld [tilespmem:s4+$0x0]  }
0x342: {  	s14 =	simm.s32 $0x1000  }
0x343: {  	v13 =	vld [tilespmem:s14+$0x0];
	_ =	sdelay $0x1  }
0x344: {  	s16 =	simm.s32 $0x2000  }
0x345: {  	v14 =	vld [tilespmem:s16+$0x0];
	v0 =	vadd.s32 $0x2100, v12  }
0x346: {  	v20 =	vld [tilespmem:s19+$0x0]  }
0x347: {  	v21 =	vld [tilespmem:s19+$0xFFFFF000];
	v1 =	vadd.s32 $0x2100, v13  }
0x348: {  	v31 =	vld [tilespmem:s17+$0x7000]  }
0x349: {  	v28 =	vld [tilespmem:s9+$0x0]  }
0x34a: {  	v0 =	vld.idx.msk [tilespmem:v0+s22+$0x0], $0xffff  }
0x34b: {  	v25 =	vld [tilespmem:s9+$0xFFFFF000]  }
0x34c: {  	v1 =	vld.idx.msk [tilespmem:v1+s22+$0x0], $0xffff  }
0x34d: {  	v26 =	vld [tilespmem:s17+$0x4800];
	v2 =	vadd.s32 $0x2900, v14  }
0x34e: {  	v27 =	vld [tilespmem:s17+$0x8000]  }
0x34f: {  	v3 =	vmul.f32 v0, v31  }
0x350: {  	v24 =	vld [tilespmem:s17+$0x5800];
	v4 =	vmul.f32 v0, v28  }
0x351: {  	v0 =	vmul.f32 v1, v0;
	v5 =	vmul.f32 v1, v20;
	v3 =	vadd.f32 v3, v21  }
0x352: {  	s17 =	simm.s32 $0x1010;
	v2 =	vld.idx.msk [tilespmem:v2+s22+$0x0], $0xffff;
	v1 =	vmul.f32 v1, v26  }
0x353: {  	v30 =	vld [tilespmem:s17+$0x0];
	v4 =	vadd.f32 v4, v25;
	v3 =	vadd.f32 v5, v3;
	v5 =	vmul.f32 v0, v27;
	_ =	sdelay $0x1  }
0x354: {  	v1 =	vadd.f32 v1, v4;
	v0 =	vmul.f32 v0, v24;
	v3 =	vadd.f32 v5, v3;
	_ =	sdelay $0x1  }
0x355: {  	v29 =	vld [tilespmem:s11+$0x0];
	v4 =	vadd.s32 $0x2940, v12;
	v0 =	vadd.f32 v0, v1;
	v1 =	vmul.f32 v3, v2  }
0x356: {  	s19 =	simm.s32 $0x2010;
	v5 =	vadd.s32 $0x2100, v30  }
0x357: {  	v19 =	vld [tilespmem:s19+$0x0];
	v2 =	vadd.s32 $0x2940, v13;
	v3 =	vadd.f32 v1, v0  }
0x358: {  	v0 =	vld [tilespmem:s3+$0x4800]  }
0x359: {  	v1 =	vld [tilespmem:s20+$0x0];
	[tilespmem:s1+$0x200] =	vst v3  }
0x35a: {  	v3 =	vld.idx.msk [tilespmem:v4+s22+$0x0], $0xffff;
	v4 =	vadd.s32 $0x2100, v29  }
0x35b: {  	v9 =	vld.idx.msk [tilespmem:v5+s22+$0x0], $0xffff  }
0x35c: {  	v7 =	vadd.s32 $0x3140, v14;
	v6 =	vld.idx.msk [tilespmem:v2+s22+$0x0], $0xffff  }
0x35d: {  	v5 =	vld [tilespmem:s3+$0x7000]  }
0x35e: {  	v2 =	vld [tilespmem:s20+$0xFFFFF000]  }
0x35f: {  	v10 =	vld.idx.msk [tilespmem:v4+s22+$0x0], $0xffff;
	v8 =	vmul.f32 v3, v31  }
0x360: {  	v4 =	vld [tilespmem:s30+$0x0];
	v11 =	vmul.f32 v3, v28  }
0x361: {  	v17 =	vld.idx.msk [tilespmem:v7+s22+$0x0], $0xffff;
	v15 =	vmul.f32 v6, v3;
	v7 =	vmul.f32 v6, v20;
	v16 =	vadd.f32 v8, v21  }
0x362: {  	v18 =	vadd.s32 $0x2900, v19;
	v3 =	vld [tilespmem:s30+$0xFFFFF000];
	v6 =	vmul.f32 v6, v26;
	v11 =	vadd.f32 v11, v25  }
0x363: {  	v47 =	vmul.f32 v9, v1;
	v22 =	vmul.f32 v15, v27;
	v8 =	vld [tilespmem:s3+$0x8000];
	v16 =	vadd.f32 v7, v16  }
0x364: {  	v15 =	vmul.f32 v15, v24;
	v7 =	vld [tilespmem:s3+$0x5800];
	v6 =	vadd.f32 v6, v11;
	v46 =	vmul.f32 v10, v5  }
0x365: {  	v23 =	vmul.f32 v9, v10;
	v10 =	vmul.f32 v10, v4;
	v11 =	vadd.f32 v22, v16  }
0x366: {  	v9 =	vmul.f32 v9, v0;
	v16 =	vadd.s32 $0x3180, v12;
	v22 =	vadd.f32 v46, v2  }
0x367: {  	v18 =	vld.idx.msk [tilespmem:v18+s22+$0x0], $0xffff;
	v6 =	vadd.f32 v15, v6;
	v10 =	vadd.f32 v10, v3;
	v11 =	vmul.f32 v11, v17  }
0x368: {  	v17 =	vmul.f32 v23, v8;
	v15 =	vadd.f32 v47, v22;
	v22 =	vadd.s32 $0x3180, v13  }
0x369: {  	v9 =	vadd.f32 v9, v10;
	v10 =	vmul.f32 v23, v7;
	v6 =	vadd.f32 v11, v6;
	v11 =	vld [tilespmem:s25+$0x0]  }
0x36a: {  	v17 =	vadd.f32 v17, v15;
	v15 =	vld [tilespmem:s15+$0x0]  }
0x36b: {  	[tilespmem:s1+$0x280] =	vst v6;
	v6 =	vadd.f32 v10, v9;
	v10 =	vld [tilespmem:s2+$0x4800]  }
0x36c: {  	v23 =	vadd.s32 $0x2940, v29;
	v9 =	vmul.f32 v17, v18;
	v16 =	vld.idx.msk [tilespmem:v16+s22+$0x0], $0xffff  }
0x36d: {  	v17 =	vadd.s32 $0x2940, v30;
	v18 =	vld.idx.msk [tilespmem:v22+s22+$0x0], $0xffff  }
0x36e: {  	v57 =	vadd.s32 $0x41C0, v14;
	v22 =	vadd.s32 $0x3980, v14;
	v14 =	vld [tilespmem:s2+$0x7000];
	v9 =	vadd.f32 v9, v6  }
0x36f: {  	v52 =	vadd.s32 $0x3140, v19;
	s3 =	sadd.s32 $0x10C00, s10;
	v6 =	vld [tilespmem:s18+$0x0]  }
0x370: {  	v48 =	vadd.s32 $0x2100, v11;
	[tilespmem:s3+$0x200] =	vst v9;
	v9 =	vld [tilespmem:s23+$0x0]  }
0x371: {  	v34 =	vadd.s32 $0x39C0, v13;
	v49 =	vadd.s32 $0x2100, v15;
	v23 =	vld.idx.msk [tilespmem:v23+s22+$0x0], $0xffff  }
0x372: {  	v51 =	vadd.s32 $0x39C0, v12;
	v13 =	vmul.f32 v16, v31;
	v50 =	vld.idx.msk [tilespmem:v17+s22+$0x0], $0xffff;
	v12 =	vmul.f32 v16, v28  }
0x373: {  	v17 =	vmul.f32 v18, v16;
	v16 =	vld.idx.msk [tilespmem:v22+s22+$0x0], $0xffff;
	v22 =	vmul.f32 v18, v20  }
0x374: {  	v37 =	vld.idx.msk [tilespmem:v52+s22+$0x0], $0xffff;
	v18 =	vmul.f32 v18, v26;
	v13 =	vadd.f32 v13, v21;
	v53 =	vadd.f32 v12, v25  }
0x375: {  	v32 =	vld.idx.msk [tilespmem:v48+s22+$0x0], $0xffff;
	v48 =	vadd.s32 $0x3180, v29;
	v54 =	vmul.f32 v17, v27;
	v58 =	vmul.f32 v17, v24  }
0x376: {  	s5 =	simm.s32 $0x3820;
	v13 =	vadd.f32 v22, v13;
	v22 =	vld.idx.msk [tilespmem:v49+s22+$0x0], $0xffff;
	v55 =	vadd.s32 $0x2900, v9;
	v56 =	vmul.f32 v23, v5  }
0x377: {  	v17 =	vld [tilespmem:s5+$0x0];
	v18 =	vadd.f32 v18, v53;
	v59 =	vmul.f32 v50, v23;
	v23 =	vmul.f32 v23, v4  }
0x378: {  	v12 =	vld [tilespmem:s18+$0xFFFFF000];
	v60 =	vmul.f32 v50, v1;
	v35 =	vmul.f32 v50, v0;
	v13 =	vadd.f32 v54, v13  }
0x379: {  	v38 =	vadd.f32 v58, v18;
	v18 =	vld [tilespmem:s5+$0xFFFFF000];
	v40 =	vadd.f32 v56, v2;
	v61 =	vmul.f32 v59, v8  }
0x37a: {  	v23 =	vadd.f32 v23, v3;
	v39 =	vmul.f32 v59, v7;
	v16 =	vmul.f32 v13, v16;
	v13 =	vld [tilespmem:s2+$0x8000]  }
0x37b: {  	v40 =	vadd.f32 v60, v40;
	v62 =	vmul.f32 v32, v22;
	v63 =	vmul.f32 v22, v14  }
0x37c: {  	v23 =	vadd.f32 v35, v23;
	v22 =	vmul.f32 v22, v17;
	v38 =	vadd.f32 v16, v38;
	v16 =	vld [tilespmem:s2+$0x5800]  }
0x37d: {  	v50 =	vmul.f32 v32, v6;
	v33 =	vld.idx.msk [tilespmem:v55+s22+$0x0], $0xffff;
	v47 =	vadd.f32 v61, v40;
	v49 =	vadd.f32 v63, v12  }
0x37e: {  	v32 =	vmul.f32 v32, v10;
	v23 =	vadd.f32 v39, v23;
	v22 =	vadd.f32 v22, v18;
	[tilespmem:s1+$0x300] =	vst v38  }
0x37f: {  	v36 =	vld.idx.msk [tilespmem:v51+s22+$0x0], $0xffff;
	v35 =	vmul.f32 v47, v37;
	v51 =	vadd.f32 v50, v49;
	v52 =	vmul.f32 v62, v13  }
0x380: {  	v53 =	vadd.s32 $0x3180, v30;
	v34 =	vld.idx.msk [tilespmem:v34+s22+$0x0], $0xffff;
	v32 =	vadd.f32 v32, v22  }
0x381: {  	s10 =	simm.s32 $0x1030;
	v41 =	vld.idx.msk [tilespmem:v57+s22+$0x0], $0xffff;
	v35 =	vadd.f32 v35, v23;
	v42 =	vmul.f32 v62, v16;
	v37 =	vadd.f32 v52, v51  }
0x382: {  	s11 =	simm.s32 $0x30;
	v23 =	vld [tilespmem:s10+$0x0]  }
0x383: {  	v54 =	vadd.s32 $0x2940, v15;
	v22 =	vld [tilespmem:s11+$0x0];
	[tilespmem:s3+$0x280] =	vst v35;
	v32 =	vadd.f32 v42, v32;
	v33 =	vmul.f32 v37, v33  }
0x384: {  	s9 =	simm.s32 $0x100;
	v56 =	vadd.s32 $0x2940, v11;
	v31 =	vmul.f32 v36, v31;
	v40 =	vld.idx.msk [tilespmem:v48+s22+$0x0], $0xffff;
	v28 =	vmul.f32 v36, v28  }
0x385: {  	s26 =	sand.u32 $0x3C00, s9;
	v55 =	vadd.s32 $0x3980, v19;
	v57 =	vmul.f32 v34, v36;
	v58 =	vld.idx.msk [tilespmem:v53+s22+$0x0], $0xffff;
	v32 =	vadd.f32 v33, v32  }
0x386: {  	s14 =	sand.u32 $0x7F0, s11;
	s0 =	sor.u32 s24, s26;
	v59 =	vmul.f32 v34, v20;
	v31 =	vadd.f32 v31, v21;
	v25 =	vadd.f32 v28, v25  }
0x387: {  	s7 =	simm.s32 $0x7830;
	s8 =	sadd.s32 $0x10C00, s0;
	v20 =	vld [tilespmem:s14+$0x4800];
	v28 =	vmul.f32 v34, v26;
	v60 =	vmul.f32 v57, v27;
	v61 =	vadd.s32 $0x2100, v23  }
0x388: {  	v21 =	vld [tilespmem:s7+$0x0];
	v26 =	vadd.s32 $0x39C0, v30;
	v27 =	vadd.s32 $0x39C0, v29;
	[tilespmem:s8+$0x200] =	vst v32;
	v30 =	vadd.f32 v59, v31  }
0x389: {  	s6 =	simm.s32 $0x2030;
	v29 =	vadd.s32 $0x2100, v22;
	v36 =	vld.idx.msk [tilespmem:v54+s22+$0x0], $0xffff;
	v25 =	vadd.f32 v28, v25;
	v28 =	vmul.f32 v57, v24  }
0x38a: {  	s29 =	simm.s32 $0x1;
	s12 =	simm.s32 $0x30;
	v24 =	vld [tilespmem:s6+$0x0];
	v31 =	vmul.f32 v40, v5;
	v35 =	vmul.f32 v58, v40;
	v30 =	vadd.f32 v60, v30  }
0x38b: {  	s28 =	sand.u32 $0x7, s4;
	s13 =	simm.s32 $0x40;
	s1 =	simm.s32 $0x2;
	v34 =	vld.idx.msk [tilespmem:v55+s22+$0x0], $0xffff;
	v62 =	vmul.f32 v40, v4;
	v63 =	vmul.f32 v58, v1  }
0x38c: {  	s0 =	sshll.u32 s28, $0x4;
	s30 =	sand.u32 $0x7, s29;
	s31 =	sand.u32 $0x7, s1;
	v37 =	vld.idx.msk [tilespmem:v56+s22+$0x0], $0xffff;
	v28 =	vadd.f32 v28, v25;
	v31 =	vadd.f32 v31, v2;
	v30 =	vmul.f32 v30, v41  }
0x38d: {  	s0 =	sadd.s32 $0x0, s0;
	v43 =	vadd.s32 $0x3140, v9;
	s2 =	sshll.u32 s30, $0x4;
	s4 =	sshll.u32 s31, $0x4;
	v42 =	vmul.f32 v58, v0;
	v25 =	vld [tilespmem:s7+$0xFFFFF000];
	v39 =	vadd.f32 v62, v3  }
0x38e: {  	s0 =	sor.u32 $0x380, s0;
	s2 =	sadd.s32 $0x80, s2;
	s4 =	sadd.s32 $0x100, s4;
	v38 =	vmul.f32 v35, v8;
	v41 =	vld.idx.msk [tilespmem:v61+s22+$0x0], $0xffff;
	v40 =	vadd.f32 v63, v31;
	v28 =	vadd.f32 v30, v28  }
.LBB2_13:
0x38f: {  	p0 =	sne.s32 s13, $0x7F0;
	v29 =	vld.idx.msk [tilespmem:v29+s22+$0x0], $0xffff;
	v30 =	vadd.s32 $0x2900, v24;
	v31 =	vmul.f32 v36, v14;
	v19 =	vadd.s32 $0x41C0, v19;
	v32 =	vmovc v11;
	v11 =	vmovc v23;
	s15 =	smov.u32 s13;
	s13 =	sadd.s32 $0x10, s13  }
0x390: {  	s5 =	sadd.s32 $0x10, s5;
	v35 =	vmul.f32 v35, v7;
	v33 =	vld [tilespmem:s14+$0x7000];
	v23 =	vadd.f32 v42, v39;
	v38 =	vadd.f32 v38, v40;
	[tilespmem:s0+$0x10C00] =	vst v28  }
0x391: {  	v39 =	vmul.f32 v37, v36;
	v36 =	vmul.f32 v36, v17;
	v40 =	vmovc v15;
	v28 =	vld [tilespmem:s5+$0x0];
	v31 =	vadd.f32 v31, v12  }
0x392: {  	v42 =	vld.idx.msk [tilespmem:v43+s22+$0x0], $0xffff;
	v43 =	vmul.f32 v37, v6;
	v23 =	vadd.f32 v35, v23;
	v45 =	vmul.f32 v38, v34  }
0x393: {  	v15 =	vmovc v22;
	v36 =	vadd.f32 v36, v18;
	v37 =	vmul.f32 v37, v10;
	v38 =	vmul.f32 v39, v13;
	v35 =	vld [tilespmem:s5+$0xFFFFF000]  }
0x394: {  	v22 =	vmul.f32 v39, v16;
	v34 =	vmovc v0;
	v44 =	vld [tilespmem:s14+$0x8000];
	v31 =	vadd.f32 v43, v31;
	v23 =	vadd.f32 v45, v23  }
0x395: {  	v0 =	vmovc v10;
	v39 =	vmul.f32 v41, v29;
	v36 =	vadd.f32 v37, v36;
	v45 =	vld [tilespmem:s14+$0x5800];
	v43 =	vmul.f32 v29, v33  }
0x396: {  	v30 =	vld.idx.msk [tilespmem:v30+s22+$0x0], $0xffff;
	v46 =	vmul.f32 v29, v28;
	v29 =	vadd.f32 v38, v31;
	v31 =	vadd.s32 $0x3180, v40;
	[tilespmem:s3+$0x300] =	vst v23;
	s3 =	smov.u32 s8  }
0x397: {  	v37 =	vmul.f32 v41, v21;
	v22 =	vadd.f32 v22, v36;
	v23 =	vadd.f32 v43, v25;
	v27 =	vld.idx.msk [tilespmem:v27+s22+$0x0], $0xffff  }
0x398: {  	v38 =	vmul.f32 v41, v20;
	v46 =	vadd.f32 v46, v35;
	v29 =	vmul.f32 v29, v42;
	v26 =	vld.idx.msk [tilespmem:v26+s22+$0x0], $0xffff  }
0x399: {  	v10 =	vmovc v20;
	v42 =	vadd.s32 $0x3180, v32;
	v37 =	vadd.f32 v37, v23;
	v41 =	vmul.f32 v39, v44;
	v43 =	vld.idx.msk [tilespmem:v19+s22+$0x0], $0xffff  }
0x39a: {  	s10 =	sadd.s32 $0x10, s10;
	v36 =	vmovc v1;
	v1 =	vmovc v6;
	v6 =	vmov v21;
	v20 =	vadd.f32 v38, v46;
	v29 =	vadd.f32 v29, v22  }
0x39b: {  	s11 =	sadd.s32 $0x10, s11;
	s1 =	sadd.s32 $0x1, s1;
	v19 =	vmovc v9;
	v9 =	vmovc v24;
	v24 =	vmov v2;
	v21 =	vmul.f32 v39, v45;
	v23 =	vld [tilespmem:s10+$0x0];
	v37 =	vadd.f32 v41, v37  }
0x39c: {  	s0 =	sand.u32 $0x7, s1;
	v2 =	vmovc v12;
	v12 =	vmov v25;
	v38 =	vadd.s32 $0x2940, v15;
	v39 =	vadd.s32 $0x3980, v19;
	v22 =	vld [tilespmem:s11+$0x0];
	[tilespmem:s3+$0x280] =	vst v29  }
0x39d: {  	s9 =	sadd.s32 $0x80, s9;
	s0 =	sshll.u32 s0, $0x4;
	v20 =	vadd.f32 v21, v20;
	v29 =	vmul.f32 v27, v5;
	v21 =	vmul.f32 v37, v30;
	v25 =	vld.idx.msk [tilespmem:v31+s22+$0x0], $0xffff  }
0x39e: {  	s16 =	sadd.s32 s0, s9;
	s0 =	sand.u32 $0x70, s12;
	s8 =	sand.u32 $0x3C00, s9;
	v41 =	vmul.f32 v27, v4;
	v5 =	vmovc v14;
	v30 =	vadd.s32 $0x2940, v11;
	v37 =	vmul.f32 v26, v27;
	v31 =	vld.idx.msk [tilespmem:v42+s22+$0x0], $0xffff  }
0x39f: {  	s12 =	smov.u32 s15;
	s14 =	sand.u32 $0x7F0, s15;
	s0 =	sor.u32 s0, s8;
	v14 =	vmovc v33;
	v24 =	vadd.f32 v29, v24;
	v29 =	vmul.f32 v26, v36;
	v27 =	vadd.f32 v21, v20  }
0x3a0: {  	s7 =	sadd.s32 $0x10, s7;
	s8 =	sadd.s32 $0x10C00, s0;
	v4 =	vmovc v17;
	v34 =	vmul.f32 v26, v34;
	v33 =	vadd.f32 v41, v3;
	v42 =	vmul.f32 v37, v8;
	v20 =	vld [tilespmem:s14+$0x4800]  }
0x3a1: {  	v17 =	vmovc v28;
	v26 =	vadd.s32 $0x39C0, v32;
	v3 =	vmovc v18;
	v41 =	vadd.s32 $0x2100, v23;
	v32 =	vadd.f32 v29, v24;
	v21 =	vld [tilespmem:s7+$0x0];
	[tilespmem:s8+$0x200] =	vst v27  }
0x3a2: {  	s6 =	sadd.s32 $0x10, s6;
	v18 =	vmovc v35;
	v7 =	vmul.f32 v37, v7;
	v28 =	vadd.f32 v34, v33;
	v27 =	vadd.s32 $0x39C0, v40;
	v36 =	vld.idx.msk [tilespmem:v38+s22+$0x0], $0xffff  }
.Ltmp5:
0x3a3: {  	v8 =	vmovc v13;
	v13 =	vmovc v44;
	v29 =	vadd.s32 $0x2100, v22;
	v33 =	vmul.f32 v25, v5;
	v32 =	vadd.f32 v42, v32;
	v24 =	vld [tilespmem:s6+$0x0];
	(pc) =	sbr.rel @p0 .LBB2_13-.Ltmp5, $4  }
0x3a4: {  	v28 =	vadd.f32 v7, v28;
	v35 =	vmul.f32 v31, v25;
	v25 =	vmul.f32 v25, v4;
	v37 =	vld.idx.msk [tilespmem:v30+s22+$0x0], $0xffff  }
0x3a5: {  	v30 =	vadd.f32 v33, v2;
	v33 =	vmul.f32 v31, v1;
	v32 =	vmul.f32 v32, v43;
	v34 =	vld.idx.msk [tilespmem:v39+s22+$0x0], $0xffff  }
0x3a6: {  	v7 =	vmovc v16;
	v43 =	vadd.s32 $0x3140, v9;
	v39 =	vadd.f32 v25, v3;
	v38 =	vmul.f32 v35, v8;
	v41 =	vld.idx.msk [tilespmem:v41+s22+$0x0], $0xffff  }
0x3a7: {  	s0 =	sor.u32 $0x380, s2;
	s2 =	smov.u32 s4;
	s4 =	smov.u32 s16;
	v42 =	vmul.f32 v31, v0;
	v16 =	vmovc v45;
	v40 =	vadd.f32 v33, v30;
	v28 =	vadd.f32 v32, v28;
	v25 =	vld [tilespmem:s7+$0xFFFFF000]  }
0x3a8: {  	_ =	sdelay $0x3  }
0x3a9: {  	v44 =	vld.idx.msk [tilespmem:v29+s22+$0x0], $0xffff  }
0x3aa: {  	v33 =	vld [tilespmem:s14+$0x7000]  }
0x3ab: {  	s5 =	sadd.s32 $0x10, s5  }
0x3ac: {  	v32 =	vld [tilespmem:s5+$0x0]  }
0x3ad: {  	v45 =	vadd.s32 $0x2900, v24;
	v30 =	vld [tilespmem:s14+$0x8000]  }
0x3ae: {  	v31 =	vld [tilespmem:s5+$0xFFFFF000]  }
0x3af: {  	v46 =	vmul.f32 v44, v33  }
0x3b0: {  	v29 =	vld [tilespmem:s14+$0x5800];
	v48 =	vmul.f32 v41, v21  }
0x3b1: {  	v47 =	vmul.f32 v44, v32;
	v44 =	vmul.f32 v41, v44;
	v46 =	vadd.f32 v46, v25  }
0x3b2: {  	v53 =	vmul.f32 v41, v20;
	v45 =	vld.idx.msk [tilespmem:v45+s22+$0x0], $0xffff  }
0x3b3: {  	v47 =	vadd.f32 v47, v31;
	v54 =	vmul.f32 v44, v30;
	v46 =	vadd.f32 v48, v46;
	_ =	sdelay $0x1  }
0x3b4: {  	v44 =	vmul.f32 v44, v29;
	v41 =	vadd.f32 v53, v47;
	v46 =	vadd.f32 v54, v46;
	_ =	sdelay $0x1  }
0x3b5: {  	v55 =	vadd.s32 $0x2940, v22;
	s16 =	sadd.s32 $0x80, s9;
	v41 =	vadd.f32 v44, v41;
	v56 =	vmul.f32 v46, v45  }
0x3b6: {  	s6 =	sand.u32 $0x70, s12;
	s7 =	sand.u32 $0x3C00, s16  }
0x3b7: {  	v57 =	vadd.s32 $0x2940, v23;
	s6 =	sor.u32 s6, s7;
	v41 =	vadd.f32 v56, v41  }
0x3b8: {  	s6 =	sadd.s32 $0x10C00, s6  }
0x3b9: {  	[tilespmem:s6+$0x200] =	vst v41  }
0x3ba: {  	v58 =	vmul.f32 v36, v14;
	v60 =	vld.idx.msk [tilespmem:v55+s22+$0x0], $0xffff  }
0x3bb: {  	v59 =	vmul.f32 v36, v17  }
0x3bc: {  	v61 =	vmul.f32 v37, v6;
	v62 =	vmul.f32 v37, v36;
	v44 =	vadd.f32 v58, v12;
	v45 =	vld.idx.msk [tilespmem:v57+s22+$0x0], $0xffff  }
0x3bd: {  	v43 =	vld.idx.msk [tilespmem:v43+s22+$0x0], $0xffff;
	v52 =	vadd.s32 $0x3140, v24;
	v63 =	vmul.f32 v37, v10  }
0x3be: {  	v53 =	vmul.f32 v62, v13;
	v44 =	vadd.f32 v61, v44;
	v41 =	vadd.f32 v59, v18  }
0x3bf: {  	v36 =	vmul.f32 v62, v16;
	v58 =	vadd.s32 $0x3180, v15;
	v54 =	vmul.f32 v60, v33  }
0x3c0: {  	v44 =	vadd.f32 v53, v44;
	v37 =	vadd.f32 v63, v41;
	v55 =	vmul.f32 v60, v32  }
0x3c1: {  	v46 =	vmul.f32 v45, v60;
	v56 =	vmul.f32 v45, v21;
	v41 =	vadd.f32 v54, v25  }
0x3c2: {  	v43 =	vmul.f32 v44, v43;
	v57 =	vld.idx.msk [tilespmem:v52+s22+$0x0], $0xffff;
	v36 =	vadd.f32 v36, v37;
	v45 =	vmul.f32 v45, v20  }
0x3c3: {  	v37 =	vadd.f32 v55, v31;
	v59 =	vmul.f32 v46, v30;
	v41 =	vadd.f32 v56, v41  }
0x3c4: {  	v36 =	vadd.f32 v43, v36;
	v60 =	vadd.s32 $0x3180, v11  }
0x3c5: {  	v61 =	vmul.f32 v46, v29;
	v37 =	vadd.f32 v45, v37;
	v41 =	vadd.f32 v59, v41;
	_ =	sdelay $0x1  }
0x3c6: {  	v63 =	vadd.s32 $0x3180, v22;
	[tilespmem:s8+$0x280] =	vst v36;
	v62 =	vadd.f32 v61, v37;
	v41 =	vmul.f32 v41, v57  }
0x3c7: {  	v49 =	vadd.s32 $0x3180, v23;
	v39 =	vadd.f32 v42, v39;
	v48 =	vld.idx.msk [tilespmem:v58+s22+$0x0], $0xffff  }
0x3c8: {  	v35 =	vmul.f32 v35, v7;
	v38 =	vadd.f32 v38, v40;
	v36 =	vadd.f32 v41, v62  }
0x3c9: {  	v50 =	vld.idx.msk [tilespmem:v60+s22+$0x0], $0xffff  }
0x3ca: {  	v35 =	vadd.f32 v35, v39;
	v34 =	vmul.f32 v38, v34;
	[tilespmem:s6+$0x280] =	vst v36  }
0x3cb: {  	v51 =	vadd.s32 $0x3980, v9;
	v37 =	vld.idx.msk [tilespmem:v63+s22+$0x0], $0xffff  }
0x3cc: {  	v34 =	vadd.f32 v34, v35;
	v52 =	vmul.f32 v48, v14  }
0x3cd: {  	v19 =	vadd.s32 $0x41C0, v19;
	v53 =	vmul.f32 v48, v17;
	v54 =	vld.idx.msk [tilespmem:v49+s22+$0x0], $0xffff  }
0x3ce: {  	[tilespmem:s3+$0x300] =	vst v34;
	v56 =	vadd.s32 $0x3980, v24;
	v55 =	vmul.f32 v50, v48;
	v38 =	vadd.f32 v52, v12  }
0x3cf: {  	v27 =	vld.idx.msk [tilespmem:v27+s22+$0x0], $0xffff;
	v43 =	vmul.f32 v50, v6;
	v35 =	vadd.f32 v53, v18;
	v40 =	vmul.f32 v50, v10  }
0x3d0: {  	v15 =	vadd.s32 $0x39C0, v15;
	v36 =	vld.idx.msk [tilespmem:v51+s22+$0x0], $0xffff;
	v44 =	vmul.f32 v55, v13;
	v57 =	vmul.f32 v37, v33  }
0x3d1: {  	v58 =	vadd.f32 v43, v38;
	v35 =	vadd.f32 v40, v35;
	v59 =	vmul.f32 v37, v32  }
0x3d2: {  	v26 =	vld.idx.msk [tilespmem:v26+s22+$0x0], $0xffff;
	v37 =	vmul.f32 v54, v37;
	v61 =	vmul.f32 v54, v21;
	v60 =	vadd.f32 v57, v25  }
0x3d3: {  	v41 =	vmul.f32 v55, v16;
	v42 =	vld.idx.msk [tilespmem:v56+s22+$0x0], $0xffff;
	v34 =	vadd.f32 v44, v58;
	v39 =	vmul.f32 v54, v20  }
0x3d4: {  	v38 =	vadd.f32 v59, v31;
	v62 =	vmul.f32 v37, v30;
	v40 =	vadd.f32 v61, v60  }
0x3d5: {  	v5 =	vmul.f32 v27, v5;
	v35 =	vadd.f32 v41, v35;
	v34 =	vmul.f32 v34, v36  }
0x3d6: {  	v37 =	vmul.f32 v37, v29;
	v63 =	vadd.f32 v39, v38;
	v41 =	vadd.f32 v62, v40  }
0x3d7: {  	v1 =	vmul.f32 v26, v1;
	v22 =	vadd.s32 $0x39C0, v22;
	v11 =	vadd.s32 $0x39C0, v11  }
0x3d8: {  	v34 =	vadd.f32 v34, v35;
	v43 =	vadd.f32 v37, v63;
	v44 =	vmul.f32 v41, v42  }
0x3d9: {  	v4 =	vmul.f32 v27, v4;
	v2 =	vadd.f32 v5, v2;
	v45 =	vmul.f32 v26, v27  }
0x3da: {  	v0 =	vmul.f32 v26, v0;
	v5 =	vld.idx.msk [tilespmem:v19+s22+$0x0], $0xffff;
	v19 =	vadd.s32 $0x39C0, v23;
	[tilespmem:s8+$0x300] =	vst v34;
	v23 =	vadd.f32 v44, v43  }
0x3db: {  	v3 =	vadd.f32 v4, v3;
	v1 =	vadd.f32 v1, v2;
	v8 =	vmul.f32 v45, v8;
	v15 =	vld.idx.msk [tilespmem:v15+s22+$0x0], $0xffff  }
0x3dc: {  	v2 =	vld.idx.msk [tilespmem:v11+s22+$0x0], $0xffff;
	[tilespmem:s6+$0x300] =	vst v23  }
0x3dd: {  	v0 =	vadd.f32 v0, v3;
	v3 =	vmul.f32 v45, v7;
	v1 =	vadd.f32 v8, v1;
	v4 =	vld.idx.msk [tilespmem:v22+s22+$0x0], $0xffff;
	_ =	sdelay $0x1  }
0x3de: {  	v7 =	vadd.s32 $0x41C0, v9;
	v0 =	vadd.f32 v3, v0;
	v1 =	vmul.f32 v1, v5;
	v8 =	vld.idx.msk [tilespmem:v19+s22+$0x0], $0xffff  }
0x3df: {  	v9 =	vadd.s32 $0x41C0, v24;
	v5 =	vmul.f32 v15, v14  }
0x3e0: {  	v0 =	vadd.f32 v1, v0;
	v3 =	vmul.f32 v2, v15;
	v11 =	vmul.f32 v15, v17  }
0x3e1: {  	v6 =	vmul.f32 v2, v6;
	v5 =	vadd.f32 v5, v12;
	v12 =	vmul.f32 v4, v33  }
0x3e2: {  	v2 =	vmul.f32 v2, v10;
	v11 =	vadd.f32 v11, v18;
	v10 =	vmul.f32 v4, v32  }
0x3e3: {  	v7 =	vld.idx.msk [tilespmem:v7+s22+$0x0], $0xffff;
	v4 =	vmul.f32 v8, v4;
	v14 =	vmul.f32 v8, v21;
	v12 =	vadd.f32 v12, v25  }
0x3e4: {  	v13 =	vmul.f32 v3, v13;
	v5 =	vadd.f32 v6, v5;
	v6 =	vld.idx.msk [tilespmem:v9+s22+$0x0], $0xffff;
	v8 =	vmul.f32 v8, v20  }
0x3e5: {  	v9 =	vadd.f32 v10, v31;
	v10 =	vmul.f32 v4, v30;
	v12 =	vadd.f32 v14, v12  }
0x3e6: {  	v3 =	vmul.f32 v3, v16;
	v2 =	vadd.f32 v2, v11;
	v5 =	vadd.f32 v13, v5  }
0x3e7: {  	v4 =	vmul.f32 v4, v29;
	v8 =	vadd.f32 v8, v9;
	v9 =	vadd.f32 v10, v12  }
0x3e8: {  	s1 =	sadd.s32 $0x1, s1;
	s18 =	sor.u32 $0x380, s2;
	[tilespmem:s0+$0x10C00] =	vst v28;
	v2 =	vadd.f32 v3, v2;
	v3 =	vmul.f32 v5, v7  }
0x3e9: {  	s20 =	sor.u32 $0x380, s4;
	s1 =	sand.u32 $0x7, s1;
	s19 =	rddreg [dreg:$0x11];
	[tilespmem:s18+$0x10C00] =	vst v0;
	v1 =	vadd.f32 v4, v8;
	v4 =	vmul.f32 v9, v6  }
0x3ea: {  	s17 =	sshll.u32 s1, $0x4;
	s2 =	sshll.u32 s19, $0xF;
	s3 =	rddreg [dreg:$0xb];
	v2 =	vadd.f32 v3, v2  }
0x3eb: {  	s24 =	rddreg [dreg:$0x4];
	s0 =	sadd.s32 s17, s16;
	s2 =	sadd.s32 s3, s2;
	v0 =	vadd.f32 v4, v1  }
0x3ec: {  	s25 =	simm.s32 $0x0;
	s23 =	sor.u32 $0x380, s0;
	s0 =	sshrl.u32 s2, $0x3;
	[tilespmem:s20+$0x10C00] =	vst v2  }
0x3ed: {  	s26 =	simm.s32 $0x10C00;
	s2 =	simm.s32 $0x4;
	s1 =	sadd.s32 s24, s0;
	[tilespmem:s23+$0x10C00] =	vst v0  }
0x3ee: {  	[hbm4b:s1+s25] =	stream.linear.scatter [tilespmem:s26], [sflag:$0x3], $0x4000, $0x38;
	[tilespmem:$0x18C00] =	vst v63  }
0x3ef: {  	_ =	swait.ge [sflag:s2], $0x4000  }
0x3f0: {  	[sflag:s2] =	ssyncset.done $0x0  }
0x3f1: {  	s18 =	simm.s32 $0x800;
	[sflag:s2] =	ssyncadd.s32 $0xFFFFC000  }
0x3f2: {  	v17 =	vld [tilespmem:s18+$0x0]  }
0x3f3: {  	s3 =	simm.s32 $0x1800  }
0x3f4: {  	v18 =	vld [tilespmem:s3+$0x0];
	_ =	sdelay $0x1  }
0x3f5: {  	s4 =	simm.s32 $0x3000  }
0x3f6: {  	s11 =	sand.u32 $0xFF0, s18;
	v27 =	vld [tilespmem:s4+$0x0]  }
0x3f7: {  	s5 =	simm.s32 $0x1810;
	v29 =	vld [tilespmem:s11+$0x3800]  }
0x3f8: {  	v6 =	vld [tilespmem:s5+$0x0]  }
0x3f9: {  	v1 =	vld.idx.msk [tilespmem:v17+s22+$0x0], $0xffff  }
0x3fa: {  	v28 =	vld [tilespmem:s11+$0x4800]  }
0x3fb: {  	s23 =	simm.s32 $0x810;
	v0 =	vld.idx.msk [tilespmem:v18+s22+$0x0], $0xffff  }
0x3fc: {  	v19 =	vld [tilespmem:s23+$0x0]  }
0x3fd: {  	v4 =	vld [tilespmem:s11+$0x5800]  }
0x3fe: {  	s9 =	simm.s32 $0x1820;
	v2 =	vmul.f32 v1, v29  }
0x3ff: {  	s28 =	simm.s32 $0x820;
	v9 =	vld [tilespmem:s9+$0x0]  }
0x400: {  	v30 =	vld [tilespmem:s28+$0x0];
	v3 =	vmul.f32 v0, v28;
	v1 =	vmul.f32 v0, v1;
	v2 =	vadd.f32 v2, v27  }
0x401: {  	s6 =	simm.s32 $0x3010;
	v7 =	vld.idx.msk [tilespmem:v6+s22+$0x0], $0xffff  }
0x402: {  	s10 =	sand.u32 $0xFF0, s23;
	v8 =	vadd.s32 $0x840, v17;
	v0 =	vld [tilespmem:s6+$0x0];
	v5 =	vmul.f32 v1, v4;
	v2 =	vadd.f32 v3, v2  }
0x403: {  	s7 =	simm.s32 $0x4000;
	v10 =	vadd.s32 $0x840, v18;
	v3 =	vld [tilespmem:s10+$0x3800]  }
0x404: {  	s8 =	sand.u32 $0x70, s18;
	s1 =	sand.u32 $0x7C00, s7;
	v2 =	vadd.f32 v5, v2;
	v5 =	vld.idx.msk [tilespmem:v19+s22+$0x0], $0xffff  }
0x405: {  	s1 =	sor.u32 s8, s1;
	v1 =	vld [tilespmem:s10+$0x4800]  }
0x406: {  	[tilespmem:s1+$0x10C00] =	vst v2;
	v2 =	vld [tilespmem:s10+$0x5800]  }
0x407: {  	v8 =	vld.idx.msk [tilespmem:v8+s22+$0x0], $0xffff  }
0x408: {  	v10 =	vld.idx.msk [tilespmem:v10+s22+$0x0], $0xffff  }
0x409: {  	v11 =	vmul.f32 v5, v3  }
0x40a: {  	s26 =	simm.s32 $0x3020;
	v12 =	vmul.f32 v7, v1;
	v7 =	vmul.f32 v7, v5  }
0x40b: {  	s16 =	sand.u32 $0xFF0, s28;
	v5 =	vld [tilespmem:s26+$0x0];
	v11 =	vadd.f32 v11, v0  }
0x40c: {  	v15 =	vadd.s32 $0x840, v19;
	v14 =	vmul.f32 v7, v2;
	v7 =	vld [tilespmem:s16+$0x4800];
	v13 =	vmul.f32 v8, v29  }
0x40d: {  	v16 =	vmul.f32 v10, v28;
	v10 =	vmul.f32 v10, v8;
	v8 =	vld [tilespmem:s16+$0x3800];
	v11 =	vadd.f32 v12, v11  }
0x40e: {  	s12 =	simm.s32 $0x4080;
	v12 =	vld.idx.msk [tilespmem:v9+s22+$0x0], $0xffff;
	v13 =	vadd.f32 v13, v27  }
0x40f: {  	s24 =	simm.s32 $0x1830;
	s13 =	sand.u32 $0x70, s23;
	s2 =	sand.u32 $0x7C00, s12;
	v20 =	vadd.s32 $0x840, v6;
	v11 =	vadd.f32 v14, v11;
	v14 =	vld.idx.msk [tilespmem:v30+s22+$0x0], $0xffff  }
0x410: {  	s2 =	sor.u32 s13, s2;
	v16 =	vadd.f32 v16, v13;
	v13 =	vld [tilespmem:s24+$0x0]  }
0x411: {  	v21 =	vadd.s32 $0x1080, v17;
	v10 =	vmul.f32 v10, v4;
	[tilespmem:s2+$0x10C00] =	vst v11;
	v11 =	vld [tilespmem:s16+$0x5800]  }
0x412: {  	s4 =	simm.s32 $0x830;
	v22 =	vadd.s32 $0x1080, v18;
	v15 =	vld.idx.msk [tilespmem:v15+s22+$0x0], $0xffff  }
0x413: {  	v10 =	vadd.f32 v10, v16;
	v16 =	vld [tilespmem:s4+$0x0]  }
0x414: {  	s9 =	simm.s32 $0x1840;
	v20 =	vld.idx.msk [tilespmem:v20+s22+$0x0], $0xffff  }
0x415: {  	v49 =	vadd.s32 $0x18C0, v17;
	v17 =	vld [tilespmem:s9+$0x0];
	[tilespmem:s1+$0x10C80] =	vst v10;
	v10 =	vmul.f32 v14, v8  }
0x416: {  	v21 =	vld.idx.msk [tilespmem:v21+s22+$0x0], $0xffff  }
0x417: {  	s8 =	simm.s32 $0x3030;
	v23 =	vmul.f32 v12, v7;
	v12 =	vmul.f32 v12, v14;
	v22 =	vld.idx.msk [tilespmem:v22+s22+$0x0], $0xffff;
	v14 =	vadd.f32 v10, v5  }
0x418: {  	s25 =	sand.u32 $0xFF0, s4;
	v26 =	vadd.s32 $0x840, v30;
	v10 =	vld [tilespmem:s8+$0x0];
	v24 =	vmul.f32 v15, v3  }
0x419: {  	v25 =	vmul.f32 v12, v11;
	v12 =	vld [tilespmem:s25+$0x4800];
	v15 =	vmul.f32 v20, v15;
	v14 =	vadd.f32 v23, v14  }
0x41a: {  	s5 =	simm.s32 $0x4100;
	v31 =	vmul.f32 v20, v1;
	v23 =	vld.idx.msk [tilespmem:v13+s22+$0x0], $0xffff;
	v24 =	vadd.f32 v24, v0  }
0x41b: {  	s14 =	sand.u32 $0x70, s28;
	s15 =	sand.u32 $0x7C00, s5;
	v47 =	vmul.f32 v15, v2;
	v15 =	vld [tilespmem:s25+$0x3800];
	v14 =	vadd.f32 v25, v14;
	v25 =	vadd.s32 $0x840, v9  }
0x41c: {  	s3 =	sor.u32 s14, s15;
	v20 =	vld.idx.msk [tilespmem:v16+s22+$0x0], $0xffff;
	v46 =	vmul.f32 v21, v29  }
0x41d: {  	v48 =	vadd.s32 $0x1080, v6;
	v50 =	vadd.s32 $0x1080, v19;
	v24 =	vadd.f32 v31, v24;
	[tilespmem:s3+$0x10C00] =	vst v14;
	v14 =	vld [tilespmem:s25+$0x5800]  }
0x41e: {  	s6 =	simm.s32 $0x840;
	v21 =	vmul.f32 v22, v21;
	v31 =	vmul.f32 v22, v28;
	v22 =	vadd.f32 v46, v27;
	v26 =	vld.idx.msk [tilespmem:v26+s22+$0x0], $0xffff  }
0x41f: {  	v33 =	vadd.f32 v47, v24;
	v24 =	vld [tilespmem:s6+$0x0]  }
0x420: {  	v21 =	vmul.f32 v21, v4;
	v22 =	vadd.f32 v31, v22;
	v25 =	vld.idx.msk [tilespmem:v25+s22+$0x0], $0xffff  }
0x421: {  	[tilespmem:s2+$0x10C80] =	vst v33;
	v33 =	vld.idx.msk [tilespmem:v17+s22+$0x0], $0xffff  }
0x422: {  	v31 =	vadd.s32 $0x18C0, v18;
	v18 =	vmul.f32 v20, v15;
	v22 =	vadd.f32 v21, v22;
	v34 =	vld.idx.msk [tilespmem:v48+s22+$0x0], $0xffff  }
0x423: {  	v32 =	vadd.s32 $0x1080, v9;
	v21 =	vadd.s32 $0x18C0, v19;
	v35 =	vld.idx.msk [tilespmem:v50+s22+$0x0], $0xffff  }
0x424: {  	v19 =	vmul.f32 v23, v20;
	v51 =	vadd.f32 v18, v10;
	[tilespmem:s1+$0x10D00] =	vst v22;
	v22 =	vmul.f32 v23, v12  }
0x425: {  	s30 =	simm.s32 $0x3040;
	v36 =	vadd.s32 $0x840, v13;
	v58 =	vadd.s32 $0x840, v16;
	v52 =	vmul.f32 v26, v8;
	v53 =	vld.idx.msk [tilespmem:v49+s22+$0x0], $0xffff  }
0x426: {  	v20 =	vadd.s32 $0x18C0, v30;
	v23 =	vld [tilespmem:s30+$0x0];
	v19 =	vmul.f32 v19, v14;
	v54 =	vadd.f32 v22, v51  }
0x427: {  	s17 =	sand.u32 $0xFF0, s6;
	v57 =	vld.idx.msk [tilespmem:v31+s22+$0x0], $0xffff;
	v55 =	vadd.f32 v52, v5;
	v56 =	vmul.f32 v25, v7;
	v59 =	vmul.f32 v25, v26  }
0x428: {  	s31 =	simm.s32 $0x4180;
	v18 =	vadd.s32 $0x18C0, v16;
	v26 =	vld [tilespmem:s17+$0x4800];
	v31 =	vmul.f32 v34, v1;
	v63 =	vmul.f32 v35, v3  }
0x429: {  	s20 =	sand.u32 $0x7C00, s31;
	s19 =	sand.u32 $0x70, s4;
	v25 =	vld [tilespmem:s17+$0x3800];
	v60 =	vadd.f32 v19, v54;
	v61 =	vadd.f32 v56, v55;
	v62 =	vmul.f32 v59, v11  }
0x42a: {  	s12 =	sor.u32 s19, s20;
	v22 =	vadd.s32 $0x18C0, v24;
	v35 =	vmul.f32 v34, v35;
	v37 =	vld.idx.msk [tilespmem:v24+s22+$0x0], $0xffff;
	v29 =	vmul.f32 v53, v29  }
0x42b: {  	s29 =	smov.u32 s1;
	s7 =	smov.u32 s2;
	s14 =	simm.s32 $0x850;
	v34 =	vadd.s32 $0x1080, v30;
	v19 =	vld [tilespmem:s17+$0x5800];
	v39 =	vadd.f32 v63, v0;
	[tilespmem:s12+$0x10C00] =	vst v60;
	v38 =	vadd.f32 v62, v61  }
0x42c: {  	s15 =	simm.s32 $0x1850;
	s13 =	smov.u32 s3;
	s17 =	simm.s32 $0x840;
	v28 =	vmul.f32 v57, v28;
	v30 =	vld.idx.msk [tilespmem:v58+s22+$0x0], $0xffff;
	v27 =	vadd.f32 v29, v27;
	v29 =	vmul.f32 v57, v53  }
.LBB2_15:
0x42d: {  	v31 =	vadd.f32 v31, v39;
	v35 =	vmul.f32 v35, v2;
	v41 =	vmovc v0;
	v0 =	vmovc v5;
	v5 =	vmov v10  }
0x42e: {  	v40 =	vld [tilespmem:s15+$0x0];
	p0 =	sne.s32 s14, $0xFF0;
	v10 =	vmovc v23;
	v42 =	vmovc v1;
	v1 =	vmov v7;
	v7 =	vmov v12;
	v12 =	vmov v26;
	s19 =	smov.u32 s14;
	s14 =	sadd.s32 $0x10, s14  }
0x42f: {  	s6 =	sadd.s32 $0x10, s6;
	v26 =	vld.idx.msk [tilespmem:v36+s22+$0x0], $0xffff;
	v23 =	vadd.f32 v28, v27;
	v39 =	vmul.f32 v29, v4;
	v27 =	vmovc v8;
	v8 =	vmov v15  }
0x430: {  	v29 =	vmul.f32 v33, v12;
	v28 =	vld [tilespmem:s6+$0x0];
	[tilespmem:s13+$0x10C80] =	vst v38;
	v36 =	vadd.f32 v35, v31;
	v31 =	vadd.s32 $0x18C0, v6;
	v6 =	vmovc v9  }
0x431: {  	v35 =	vmul.f32 v37, v25;
	v9 =	vmovc v13;
	v13 =	vmov v17;
	v38 =	vld.idx.msk [tilespmem:v32+s22+$0x0], $0xffff;
	v23 =	vadd.f32 v39, v23  }
0x432: {  	v4 =	vmovc v2;
	v2 =	vmov v11;
	v15 =	vmov v25;
	v32 =	vmul.f32 v33, v37;
	v34 =	vld.idx.msk [tilespmem:v34+s22+$0x0], $0xffff;
	[tilespmem:s7+$0x10D00] =	vst v36  }
0x433: {  	s30 =	sadd.s32 $0x10, s30;
	v25 =	vadd.f32 v35, v10;
	v33 =	vmul.f32 v30, v8;
	v43 =	vld.idx.msk [tilespmem:v21+s22+$0x0], $0xffff;
	[tilespmem:s29+$0x10D80] =	vst v23;
	v17 =	vmov v40;
	s29 =	smov.u32 s7;
	s7 =	smov.u32 s13  }
0x434: {  	v11 =	vmovc v14;
	v32 =	vmul.f32 v32, v19;
	v21 =	vmovc v20;
	v20 =	vmov v18;
	v18 =	vmov v22;
	s13 =	smov.u32 s12;
	v23 =	vld [tilespmem:s30+$0x0]  }
0x435: {  	s20 =	sand.u32 $0xFF0, s19;
	v25 =	vadd.f32 v29, v25;
	v29 =	vadd.f32 v33, v5;
	v35 =	vmul.f32 v26, v7;
	v44 =	vld.idx.msk [tilespmem:v31+s22+$0x0], $0xffff  }
0x436: {  	s31 =	sadd.s32 $0x80, s31;
	v14 =	vmovc v19;
	v30 =	vmul.f32 v26, v30;
	v22 =	vadd.s32 $0x18C0, v28;
	v33 =	vld.idx.msk [tilespmem:v40+s22+$0x0], $0xffff;
	v40 =	vadd.s32 $0x840, v24  }
.Ltmp6:
0x437: {  	s12 =	sand.u32 $0x70, s17;
	s17 =	sand.u32 $0x7C00, s31;
	v19 =	vadd.f32 v32, v25;
	v29 =	vadd.f32 v35, v29;
	v31 =	vmul.f32 v38, v1;
	v26 =	vld [tilespmem:s20+$0x4800];
	(pc) =	sbr.rel @p0 .LBB2_15-.Ltmp6, $4  }
0x438: {  	v36 =	vadd.s32 $0x840, v13;
	s12 =	sor.u32 s12, s17;
	s17 =	smov.u32 s19;
	v30 =	vmul.f32 v30, v11;
	v39 =	vmul.f32 v34, v27;
	v37 =	vld.idx.msk [tilespmem:v28+s22+$0x0], $0xffff  }
0x439: {  	v32 =	vadd.s32 $0x1080, v9;
	v35 =	vmul.f32 v38, v34;
	v45 =	vmul.f32 v43, v3;
	v3 =	vmovc v27;
	v25 =	vld [tilespmem:s20+$0x3800];
	[tilespmem:s12+$0x10C00] =	vst v19  }
0x43a: {  	v34 =	vadd.s32 $0x1080, v16;
	v16 =	vmovc v24;
	v24 =	vmovc v28;
	v38 =	vadd.f32 v30, v29;
	v39 =	vadd.f32 v39, v0;
	v19 =	vld [tilespmem:s20+$0x5800]  }
0x43b: {  	s15 =	sadd.s32 $0x10, s15;
	v27 =	vadd.f32 v45, v41;
	v28 =	vmul.f32 v44, v42;
	v29 =	vmul.f32 v44, v43;
	v30 =	vld.idx.msk [tilespmem:v40+s22+$0x0], $0xffff  }
0x43c: {  	_ =	sdelay $0x1  }
0x43d: {  	v40 =	vmul.f32 v37, v25;
	_ =	sdelay $0x1  }
0x43e: {  	v41 =	vmul.f32 v33, v26;
	v56 =	vmul.f32 v33, v37;
	v57 =	vadd.f32 v40, v23;
	_ =	sdelay $0x1  }
0x43f: {  	v58 =	vadd.s32 $0x840, v24;
	v33 =	vmul.f32 v56, v19;
	v37 =	vadd.f32 v41, v57  }
0x440: {  	s6 =	sadd.s32 $0x80, s31  }
0x441: {  	s14 =	sand.u32 $0x70, s17;
	v59 =	vadd.s32 $0x840, v17;
	s6 =	sand.u32 $0x7C00, s6;
	v33 =	vadd.f32 v33, v37  }
0x442: {  	s6 =	sor.u32 s14, s6  }
0x443: {  	[tilespmem:s6+$0x10C00] =	vst v33  }
0x444: {  	v33 =	vld.idx.msk [tilespmem:v58+s22+$0x0], $0xffff  }
0x445: {  	v36 =	vld.idx.msk [tilespmem:v36+s22+$0x0], $0xffff  }
0x446: {  	v37 =	vld.idx.msk [tilespmem:v59+s22+$0x0], $0xffff;
	_ =	sdelay $0x1  }
0x447: {  	v60 =	vmul.f32 v30, v15  }
0x448: {  	v61 =	vmul.f32 v33, v25  }
0x449: {  	v62 =	vmul.f32 v36, v30;
	v36 =	vmul.f32 v36, v12;
	v40 =	vadd.f32 v60, v10  }
0x44a: {  	[tilespmem:s13+$0x10C80] =	vst v38;
	v33 =	vmul.f32 v37, v33;
	v37 =	vmul.f32 v37, v26;
	v63 =	vadd.f32 v61, v23  }
0x44b: {  	v16 =	vadd.s32 $0x1080, v16;
	v34 =	vld.idx.msk [tilespmem:v34+s22+$0x0], $0xffff;
	v30 =	vmul.f32 v62, v14;
	v36 =	vadd.f32 v36, v40  }
0x44c: {  	v24 =	vadd.s32 $0x1080, v24;
	v33 =	vmul.f32 v33, v19;
	v37 =	vadd.f32 v37, v63  }
0x44d: {  	v32 =	vld.idx.msk [tilespmem:v32+s22+$0x0], $0xffff;
	v41 =	vadd.s32 $0x1080, v13;
	v30 =	vadd.f32 v30, v36  }
0x44e: {  	v42 =	vadd.s32 $0x1080, v17;
	v33 =	vadd.f32 v33, v37  }
0x44f: {  	[tilespmem:s12+$0x10C80] =	vst v30  }
0x450: {  	v43 =	vmul.f32 v34, v8;
	v16 =	vld.idx.msk [tilespmem:v16+s22+$0x0], $0xffff;
	[tilespmem:s6+$0x10C80] =	vst v33  }
0x451: {  	v24 =	vld.idx.msk [tilespmem:v24+s22+$0x0], $0xffff  }
0x452: {  	v44 =	vmul.f32 v32, v7;
	v32 =	vmul.f32 v32, v34;
	v30 =	vadd.f32 v43, v5;
	v45 =	vld.idx.msk [tilespmem:v41+s22+$0x0], $0xffff  }
0x453: {  	v31 =	vadd.f32 v31, v39;
	v36 =	vld.idx.msk [tilespmem:v42+s22+$0x0], $0xffff  }
0x454: {  	v35 =	vmul.f32 v35, v2;
	v32 =	vmul.f32 v32, v11;
	v30 =	vadd.f32 v44, v30  }
0x455: {  	v6 =	vadd.s32 $0x18C0, v6;
	v9 =	vadd.s32 $0x18C0, v9;
	v46 =	vmul.f32 v16, v15  }
0x456: {  	v31 =	vadd.f32 v35, v31;
	v30 =	vadd.f32 v32, v30;
	v47 =	vmul.f32 v24, v25  }
0x457: {  	v48 =	vmul.f32 v45, v12;
	v16 =	vmul.f32 v45, v16;
	v33 =	vadd.f32 v46, v10  }
0x458: {  	[tilespmem:s7+$0x10D00] =	vst v31;
	v49 =	vmul.f32 v36, v26;
	v24 =	vmul.f32 v36, v24;
	v32 =	vadd.f32 v47, v23  }
0x459: {  	v21 =	vld.idx.msk [tilespmem:v21+s22+$0x0], $0xffff;
	[tilespmem:s13+$0x10D00] =	vst v30;
	v16 =	vmul.f32 v16, v14;
	v50 =	vadd.f32 v48, v33  }
0x45a: {  	v20 =	vld.idx.msk [tilespmem:v20+s22+$0x0], $0xffff;
	v24 =	vmul.f32 v24, v19;
	v51 =	vadd.f32 v49, v32  }
0x45b: {  	v6 =	vld.idx.msk [tilespmem:v6+s22+$0x0], $0xffff;
	v13 =	vadd.s32 $0x18C0, v13;
	v16 =	vadd.f32 v16, v50  }
0x45c: {  	v17 =	vadd.s32 $0x18C0, v17;
	v9 =	vld.idx.msk [tilespmem:v9+s22+$0x0], $0xffff;
	v24 =	vadd.f32 v24, v51  }
0x45d: {  	[tilespmem:s12+$0x10D00] =	vst v16  }
0x45e: {  	v3 =	vmul.f32 v21, v3;
	v18 =	vld.idx.msk [tilespmem:v18+s22+$0x0], $0xffff;
	[tilespmem:s6+$0x10D00] =	vst v24  }
0x45f: {  	v8 =	vmul.f32 v20, v8;
	v22 =	vld.idx.msk [tilespmem:v22+s22+$0x0], $0xffff  }
0x460: {  	v4 =	vmul.f32 v29, v4;
	v1 =	vmul.f32 v6, v1;
	v0 =	vadd.f32 v3, v0;
	v13 =	vld.idx.msk [tilespmem:v13+s22+$0x0], $0xffff  }
0x461: {  	v3 =	vmul.f32 v6, v21;
	v7 =	vmul.f32 v9, v7;
	v5 =	vadd.f32 v8, v5;
	v6 =	vld.idx.msk [tilespmem:v17+s22+$0x0], $0xffff  }
0x462: {  	v0 =	vadd.f32 v1, v0;
	v8 =	vmul.f32 v9, v20;
	v16 =	vadd.f32 v28, v27  }
0x463: {  	v1 =	vmul.f32 v3, v2;
	v3 =	vadd.f32 v7, v5;
	v2 =	vmul.f32 v18, v15  }
0x464: {  	v5 =	vmul.f32 v8, v11;
	v4 =	vadd.f32 v4, v16;
	v7 =	vmul.f32 v22, v25  }
0x465: {  	v8 =	vmul.f32 v13, v12;
	v9 =	vmul.f32 v13, v18;
	v2 =	vadd.f32 v2, v10  }
0x466: {  	v10 =	vmul.f32 v6, v26;
	v6 =	vmul.f32 v6, v22;
	v7 =	vadd.f32 v7, v23  }
0x467: {  	v0 =	vadd.f32 v1, v0;
	v1 =	vadd.f32 v8, v2;
	v2 =	vmul.f32 v9, v14  }
0x468: {  	v3 =	vadd.f32 v5, v3;
	[tilespmem:s29+$0x10D80] =	vst v4;
	v5 =	vmul.f32 v6, v19;
	v4 =	vadd.f32 v10, v7  }
0x469: {  	[tilespmem:s7+$0x10D80] =	vst v0;
	v0 =	vadd.f32 v2, v1  }
0x46a: {  	[tilespmem:s13+$0x10D80] =	vst v3;
	v1 =	vadd.f32 v5, v4  }
0x46b: {  	[tilespmem:s12+$0x10D80] =	vst v0  }
0x46c: {  	[tilespmem:s6+$0x10D80] =	vst v1  }
0x46d: {  	s19 =	simm.s32 $0x1800;
	v21 =	vld [tilespmem:s18+$0x0]  }
0x46e: {  	v23 =	vld [tilespmem:s19+$0x0];
	_ =	sdelay $0x3  }
0x46f: {  	s20 =	simm.s32 $0x3000;
	v0 =	vadd.s32 $0x2100, v21  }
0x470: {  	v8 =	vld [tilespmem:s20+$0x0];
	v1 =	vadd.s32 $0x2100, v23  }
0x471: {  	v11 =	vld [tilespmem:s11+$0x3800]  }
0x472: {  	v28 =	vld [tilespmem:s23+$0x0]  }
0x473: {  	v12 =	vld [tilespmem:s11+$0x4800]  }
0x474: {  	v0 =	vld.idx.msk [tilespmem:v0+s22+$0x0], $0xffff  }
0x475: {  	s29 =	simm.s32 $0x1810;
	v2 =	vld.idx.msk [tilespmem:v1+s22+$0x0], $0xffff  }
0x476: {  	v7 =	vld [tilespmem:s29+$0x0];
	_ =	sdelay $0x1  }
0x477: {  	v1 =	vld [tilespmem:s11+$0x5800]  }
0x478: {  	v3 =	vmul.f32 v0, v11  }
0x479: {  	s30 =	simm.s32 $0x3010;
	v4 =	vmul.f32 v2, v12;
	v0 =	vmul.f32 v2, v0;
	v2 =	vadd.s32 $0x2100, v28  }
0x47a: {  	v5 =	vld [tilespmem:s30+$0x0];
	v6 =	vadd.s32 $0x2100, v7;
	v3 =	vadd.f32 v3, v8  }
0x47b: {  	v13 =	vld [tilespmem:s28+$0x0]  }
0x47c: {  	s31 =	simm.s32 $0x1820;
	v18 =	vld [tilespmem:s10+$0x3800];
	v9 =	vadd.s32 $0x2940, v21;
	v3 =	vadd.f32 v4, v3;
	v4 =	vmul.f32 v0, v1  }
0x47d: {  	v14 =	vld [tilespmem:s31+$0x0]  }
0x47e: {  	v10 =	vld.idx.msk [tilespmem:v2+s22+$0x0], $0xffff;
	v3 =	vadd.f32 v4, v3;
	v4 =	vadd.s32 $0x2940, v23  }
0x47f: {  	v6 =	vld.idx.msk [tilespmem:v6+s22+$0x0], $0xffff  }
0x480: {  	v0 =	vld [tilespmem:s10+$0x4800];
	[tilespmem:s1+$0x10E00] =	vst v3  }
0x481: {  	v17 =	vadd.s32 $0x2100, v13;
	v9 =	vld.idx.msk [tilespmem:v9+s22+$0x0], $0xffff  }
0x482: {  	v20 =	vadd.s32 $0x2100, v14;
	v2 =	vld [tilespmem:s10+$0x5800]  }
0x483: {  	v3 =	vmul.f32 v10, v18;
	v15 =	vld.idx.msk [tilespmem:v4+s22+$0x0], $0xffff;
	_ =	sdelay $0x1  }
0x484: {  	v16 =	vmul.f32 v6, v0;
	v6 =	vmul.f32 v6, v10;
	v19 =	vadd.f32 v3, v5  }
0x485: {  	v26 =	vld.idx.msk [tilespmem:v17+s22+$0x0], $0xffff;
	v10 =	vmul.f32 v9, v11  }
0x486: {  	v24 =	vadd.s32 $0x2940, v28;
	v20 =	vld.idx.msk [tilespmem:v20+s22+$0x0], $0xffff;
	v16 =	vadd.f32 v16, v19;
	v19 =	vmul.f32 v6, v2  }
0x487: {  	v17 =	vld [tilespmem:s24+$0x0];
	v10 =	vadd.f32 v10, v8;
	v22 =	vmul.f32 v15, v12;
	v15 =	vmul.f32 v15, v9  }
0x488: {  	v25 =	vadd.s32 $0x3180, v21;
	v4 =	vld [tilespmem:s26+$0x0]  }
0x489: {  	v6 =	vld [tilespmem:s16+$0x3800];
	v16 =	vadd.f32 v19, v16;
	v10 =	vadd.f32 v22, v10;
	v15 =	vmul.f32 v15, v1  }
0x48a: {  	v9 =	vld [tilespmem:s16+$0x4800];
	v22 =	vadd.s32 $0x2940, v7  }
0x48b: {  	v19 =	vld [tilespmem:s4+$0x0];
	[tilespmem:s2+$0x10E00] =	vst v16;
	v16 =	vadd.s32 $0x3180, v23;
	v10 =	vadd.f32 v15, v10  }
0x48c: {  	v54 =	vadd.s32 $0x2100, v17;
	v24 =	vld.idx.msk [tilespmem:v24+s22+$0x0], $0xffff  }
0x48d: {  	v3 =	vld [tilespmem:s16+$0x5800];
	[tilespmem:s1+$0x10E80] =	vst v10  }
0x48e: {  	v10 =	vmul.f32 v26, v6;
	v25 =	vld.idx.msk [tilespmem:v25+s22+$0x0], $0xffff  }
0x48f: {  	v27 =	vmul.f32 v20, v9;
	v22 =	vld.idx.msk [tilespmem:v22+s22+$0x0], $0xffff  }
0x490: {  	v20 =	vmul.f32 v20, v26;
	v29 =	vadd.s32 $0x2100, v19;
	v26 =	vld.idx.msk [tilespmem:v16+s22+$0x0], $0xffff;
	v15 =	vadd.f32 v10, v4  }
0x491: {  	v61 =	vld.idx.msk [tilespmem:v54+s22+$0x0], $0xffff;
	v53 =	vmul.f32 v24, v18  }
0x492: {  	v52 =	vadd.s32 $0x2940, v14;
	v20 =	vmul.f32 v20, v3;
	v16 =	vld [tilespmem:s8+$0x0];
	v27 =	vadd.f32 v27, v15  }
0x493: {  	v55 =	vadd.s32 $0x2940, v13;
	v10 =	vld [tilespmem:s25+$0x5800];
	v31 =	vadd.f32 v53, v5;
	v56 =	vmul.f32 v25, v11  }
0x494: {  	v15 =	vld [tilespmem:s25+$0x4800];
	v57 =	vmul.f32 v22, v0;
	v22 =	vmul.f32 v22, v24;
	v24 =	vadd.f32 v20, v27  }
0x495: {  	v29 =	vld.idx.msk [tilespmem:v29+s22+$0x0], $0xffff;
	v58 =	vmul.f32 v26, v12;
	v25 =	vmul.f32 v26, v25;
	v26 =	vadd.s32 $0x3180, v28  }
0x496: {  	v20 =	vld [tilespmem:s25+$0x3800];
	v27 =	vadd.f32 v56, v8;
	v31 =	vadd.f32 v57, v31;
	v59 =	vmul.f32 v22, v2  }
0x497: {  	s6 =	simm.s32 $0x840;
	v60 =	vadd.s32 $0x39C0, v21;
	v62 =	vadd.s32 $0x3180, v7;
	v22 =	vld [tilespmem:s9+$0x0]  }
0x498: {  	[tilespmem:s3+$0x10E00] =	vst v24;
	v25 =	vmul.f32 v25, v1;
	v24 =	vld [tilespmem:s6+$0x0];
	v21 =	vadd.f32 v58, v27;
	v27 =	vadd.f32 v59, v31  }
0x499: {  	v32 =	vld.idx.msk [tilespmem:v55+s22+$0x0], $0xffff  }
0x49a: {  	v34 =	vld.idx.msk [tilespmem:v52+s22+$0x0], $0xffff;
	v21 =	vadd.f32 v25, v21;
	[tilespmem:s2+$0x10E80] =	vst v27;
	v27 =	vadd.s32 $0x39C0, v23  }
0x49b: {  	v63 =	vmul.f32 v29, v20;
	v26 =	vld.idx.msk [tilespmem:v26+s22+$0x0], $0xffff  }
0x49c: {  	v36 =	vmul.f32 v61, v15;
	v37 =	vmul.f32 v61, v29;
	v33 =	vld.idx.msk [tilespmem:v62+s22+$0x0], $0xffff;
	[tilespmem:s1+$0x10F00] =	vst v21  }
0x49d: {  	s7 =	simm.s32 $0x850;
	s10 =	simm.s32 $0x840;
	v25 =	vadd.s32 $0x3180, v13;
	v35 =	vadd.f32 v63, v16;
	v21 =	vadd.s32 $0x39C0, v28;
	v23 =	vld.idx.msk [tilespmem:v60+s22+$0x0], $0xffff  }
.LBB2_17:
0x49e: {  	v28 =	vadd.s32 $0x2100, v24;
	v29 =	vadd.s32 $0x2940, v17;
	v30 =	vmul.f32 v32, v6;
	v31 =	vmovc v6;
	v6 =	vmovc v20  }
0x49f: {  	p0 =	sne.s32 s7, $0xFF0;
	s11 =	sand.u32 $0xFF0, s6;
	v27 =	vld.idx.msk [tilespmem:v27+s22+$0x0], $0xffff;
	v38 =	vmovc v7;
	v7 =	vmovc v14;
	v14 =	vmov v17;
	v17 =	vmov v22;
	v39 =	vmov v13  }
0x4a0: {  	s8 =	sadd.s32 $0x10, s8;
	v13 =	vmovc v19;
	v19 =	vmovc v24;
	v40 =	vld [tilespmem:s11+$0x5800];
	v41 =	vadd.s32 $0x2100, v17;
	v20 =	vadd.f32 v36, v35;
	v22 =	vmul.f32 v37, v10  }
0x4a1: {  	v32 =	vmul.f32 v34, v32;
	v35 =	vld [tilespmem:s8+$0x0];
	v24 =	vadd.f32 v30, v4;
	v30 =	vmul.f32 v34, v9  }
0x4a2: {  	v37 =	vadd.s32 $0x2940, v13;
	v36 =	vld [tilespmem:s11+$0x4800];
	v34 =	vadd.f32 v22, v20;
	v22 =	vmul.f32 v26, v18  }
0x4a3: {  	s5 =	sadd.s32 $0x80, s5;
	v20 =	vld [tilespmem:s11+$0x3800];
	v24 =	vadd.f32 v30, v24;
	v30 =	vmul.f32 v32, v3;
	v32 =	vmul.f32 v23, v11;
	v11 =	vmovc v18  }
0x4a4: {  	s9 =	sadd.s32 $0x10, s9;
	s4 =	sand.u32 $0x70, s4;
	s11 =	sand.u32 $0x7C00, s5;
	v42 =	vmul.f32 v33, v0;
	v26 =	vmul.f32 v33, v26;
	v28 =	vld.idx.msk [tilespmem:v28+s22+$0x0], $0xffff;
	v18 =	vadd.f32 v22, v5  }
0x4a5: {  	s11 =	sor.u32 s4, s11;
	v12 =	vmul.f32 v27, v12;
	v23 =	vmul.f32 v27, v23;
	s4 =	smov.u32 s6;
	s6 =	smov.u32 s7;
	v22 =	vld [tilespmem:s9+$0x0];
	v33 =	vadd.f32 v32, v8;
	v8 =	vmovc v5  }
0x4a6: {  	v43 =	vadd.s32 $0x3180, v7;
	v41 =	vld.idx.msk [tilespmem:v41+s22+$0x0], $0xffff;
	[tilespmem:s11+$0x10E00] =	vst v34;
	v42 =	vadd.f32 v42, v18;
	v18 =	vmul.f32 v26, v2  }
0x4a7: {  	s10 =	sadd.s32 $0x10, s10;
	v26 =	vadd.f32 v30, v24;
	v23 =	vmul.f32 v23, v1;
	v32 =	vld.idx.msk [tilespmem:v37+s22+$0x0], $0xffff;
	v33 =	vadd.f32 v12, v33  }
.Ltmp7:
0x4a8: {  	v27 =	vadd.s32 $0x39C0, v38;
	v1 =	vmovc v2;
	v2 =	vmovc v3;
	v3 =	vmov v10;
	v24 =	vld [tilespmem:s10+$0x0];
	v37 =	vadd.f32 v18, v42;
	(pc) =	sbr.rel @p0 .LBB2_17-.Ltmp7, $4  }
0x4a9: {  	v5 =	vmovc v4;
	v4 =	vmov v16;
	v10 =	vmov v40;
	v34 =	vld.idx.msk [tilespmem:v29+s22+$0x0], $0xffff;
	[tilespmem:s3+$0x10E80] =	vst v26;
	v29 =	vadd.f32 v23, v33  }
0x4aa: {  	v16 =	vmovc v35;
	v12 =	vmov v0;
	v0 =	vmov v9;
	v30 =	vmul.f32 v28, v20;
	v26 =	vld.idx.msk [tilespmem:v25+s22+$0x0], $0xffff;
	[tilespmem:s2+$0x10F00] =	vst v37  }
0x4ab: {  	v9 =	vmovc v15;
	v15 =	vmovc v36;
	v25 =	vadd.s32 $0x3180, v13;
	v18 =	vmov v31;
	v23 =	vld.idx.msk [tilespmem:v21+s22+$0x0], $0xffff;
	v21 =	vadd.s32 $0x39C0, v39;
	[tilespmem:s1+$0x10F80] =	vst v29;
	s1 =	smov.u32 s2;
	s2 =	smov.u32 s3;
	s3 =	smov.u32 s11  }
0x4ac: {  	s7 =	sadd.s32 $0x10, s7;
	v35 =	vadd.f32 v30, v16;
	v36 =	vmul.f32 v41, v15;
	v37 =	vmul.f32 v41, v28;
	v33 =	vld.idx.msk [tilespmem:v43+s22+$0x0], $0xffff  }
0x4ad: {  	v28 =	vadd.s32 $0x2100, v24;
	_ =	sdelay $0x1  }
0x4ae: {  	v38 =	vadd.s32 $0x2100, v22;
	s7 =	sadd.s32 $0x10, s8  }
0x4af: {  	s28 =	sand.u32 $0xFF0, s6;
	v29 =	vld [tilespmem:s7+$0x0]  }
0x4b0: {  	v31 =	vld [tilespmem:s28+$0x3800]  }
0x4b1: {  	v39 =	vld.idx.msk [tilespmem:v28+s22+$0x0], $0xffff  }
0x4b2: {  	v30 =	vld [tilespmem:s28+$0x4800]  }
0x4b3: {  	v38 =	vld.idx.msk [tilespmem:v38+s22+$0x0], $0xffff;
	_ =	sdelay $0x1  }
0x4b4: {  	v28 =	vld [tilespmem:s28+$0x5800]  }
0x4b5: {  	v40 =	vmul.f32 v39, v31  }
0x4b6: {  	v45 =	vadd.s32 $0x2940, v19;
	v35 =	vadd.f32 v36, v35;
	v44 =	vmul.f32 v37, v10  }
0x4b7: {  	s5 =	sadd.s32 $0x80, s5;
	v41 =	vmul.f32 v38, v30;
	v38 =	vmul.f32 v38, v39;
	v40 =	vadd.f32 v40, v29  }
0x4b8: {  	v48 =	vadd.s32 $0x2940, v17;
	s4 =	sand.u32 $0x70, s4;
	s29 =	sand.u32 $0x7C00, s5;
	v35 =	vadd.f32 v44, v35  }
0x4b9: {  	v47 =	vadd.s32 $0x2940, v24;
	s4 =	sor.u32 s4, s29;
	v38 =	vmul.f32 v38, v28;
	v46 =	vadd.f32 v41, v40  }
0x4ba: {  	s5 =	sadd.s32 $0x80, s5;
	[tilespmem:s4+$0x10E00] =	vst v35  }
0x4bb: {  	v49 =	vadd.s32 $0x2940, v22;
	s30 =	sand.u32 $0x70, s6;
	s5 =	sand.u32 $0x7C00, s5;
	v37 =	vld.idx.msk [tilespmem:v45+s22+$0x0], $0xffff;
	v38 =	vadd.f32 v38, v46  }
0x4bc: {  	s5 =	sor.u32 s30, s5  }
0x4bd: {  	v50 =	vmul.f32 v32, v6;
	v53 =	vld.idx.msk [tilespmem:v48+s22+$0x0], $0xffff;
	[tilespmem:s5+$0x10E00] =	vst v38  }
0x4be: {  	v38 =	vld.idx.msk [tilespmem:v47+s22+$0x0], $0xffff  }
0x4bf: {  	v51 =	vmul.f32 v34, v9;
	v52 =	vmul.f32 v34, v32;
	v35 =	vadd.f32 v50, v4  }
0x4c0: {  	v54 =	vmul.f32 v37, v20;
	v36 =	vld.idx.msk [tilespmem:v49+s22+$0x0], $0xffff  }
0x4c1: {  	v32 =	vmul.f32 v52, v3;
	v35 =	vadd.f32 v51, v35  }
0x4c2: {  	v34 =	vmul.f32 v53, v37;
	v39 =	vadd.f32 v54, v16;
	v41 =	vmul.f32 v53, v15  }
0x4c3: {  	v55 =	vadd.s32 $0x3180, v14;
	v32 =	vadd.f32 v32, v35;
	v56 =	vmul.f32 v38, v31  }
0x4c4: {  	v59 =	vadd.s32 $0x3180, v19;
	v34 =	vmul.f32 v34, v10;
	v60 =	vadd.f32 v41, v39  }
0x4c5: {  	[tilespmem:s3+$0x10E80] =	vst v32;
	v58 =	vmul.f32 v36, v30;
	v36 =	vmul.f32 v36, v38;
	v57 =	vadd.f32 v56, v29  }
0x4c6: {  	v61 =	vadd.s32 $0x3180, v24;
	v44 =	vadd.s32 $0x3180, v17;
	v25 =	vld.idx.msk [tilespmem:v25+s22+$0x0], $0xffff  }
0x4c7: {  	v34 =	vadd.f32 v34, v60;
	v62 =	vmul.f32 v36, v28;
	v32 =	vadd.f32 v58, v57  }
0x4c8: {  	v40 =	vld.idx.msk [tilespmem:v55+s22+$0x0], $0xffff  }
0x4c9: {  	v45 =	vadd.s32 $0x3180, v22;
	[tilespmem:s4+$0x10E80] =	vst v34;
	v32 =	vadd.f32 v62, v32  }
0x4ca: {  	v63 =	vmul.f32 v26, v18;
	v34 =	vld.idx.msk [tilespmem:v59+s22+$0x0], $0xffff  }
0x4cb: {  	v7 =	vadd.s32 $0x39C0, v7;
	v49 =	vmul.f32 v25, v6;
	v53 =	vld.idx.msk [tilespmem:v44+s22+$0x0], $0xffff;
	[tilespmem:s5+$0x10E80] =	vst v32  }
0x4cc: {  	v48 =	vmul.f32 v33, v26;
	v46 =	vadd.f32 v63, v5;
	v47 =	vmul.f32 v33, v0;
	v51 =	vld.idx.msk [tilespmem:v61+s22+$0x0], $0xffff  }
0x4cd: {  	v52 =	vmul.f32 v40, v9;
	v25 =	vmul.f32 v40, v25;
	v33 =	vadd.f32 v49, v4  }
0x4ce: {  	v11 =	vmul.f32 v23, v11;
	v26 =	vmul.f32 v48, v2;
	v50 =	vadd.f32 v47, v46;
	v54 =	vld.idx.msk [tilespmem:v45+s22+$0x0], $0xffff  }
0x4cf: {  	v13 =	vadd.s32 $0x39C0, v13;
	v25 =	vmul.f32 v25, v3;
	v55 =	vadd.f32 v52, v33  }
0x4d0: {  	v8 =	vadd.f32 v11, v8;
	v26 =	vadd.f32 v26, v50;
	v56 =	vmul.f32 v34, v20  }
0x4d1: {  	v27 =	vld.idx.msk [tilespmem:v27+s22+$0x0], $0xffff;
	v25 =	vadd.f32 v25, v55;
	v59 =	vmul.f32 v53, v15;
	v58 =	vmul.f32 v51, v31  }
0x4d2: {  	v34 =	vmul.f32 v53, v34;
	v57 =	vadd.s32 $0x39C0, v14;
	v33 =	vadd.f32 v56, v16  }
0x4d3: {  	v60 =	vmul.f32 v54, v30;
	v11 =	vmul.f32 v54, v51;
	v32 =	vadd.f32 v58, v29  }
0x4d4: {  	[tilespmem:s2+$0x10F00] =	vst v26;
	v63 =	vmul.f32 v34, v10;
	v62 =	vadd.f32 v59, v33;
	v61 =	vadd.s32 $0x39C0, v19  }
0x4d5: {  	v35 =	vadd.s32 $0x39C0, v24;
	v21 =	vld.idx.msk [tilespmem:v21+s22+$0x0], $0xffff;
	[tilespmem:s3+$0x10F00] =	vst v25;
	v11 =	vmul.f32 v11, v28;
	v36 =	vadd.f32 v60, v32  }
0x4d6: {  	v12 =	vmul.f32 v27, v12;
	v37 =	vadd.s32 $0x39C0, v17;
	v13 =	vld.idx.msk [tilespmem:v13+s22+$0x0], $0xffff;
	v26 =	vadd.f32 v63, v62  }
0x4d7: {  	v39 =	vadd.s32 $0x39C0, v22;
	v38 =	vmul.f32 v27, v23;
	v7 =	vld.idx.msk [tilespmem:v7+s22+$0x0], $0xffff;
	v11 =	vadd.f32 v11, v36  }
0x4d8: {  	v14 =	vld.idx.msk [tilespmem:v57+s22+$0x0], $0xffff;
	[tilespmem:s4+$0x10F00] =	vst v26  }
0x4d9: {  	v8 =	vadd.f32 v12, v8;
	v1 =	vmul.f32 v38, v1;
	v40 =	vld.idx.msk [tilespmem:v61+s22+$0x0], $0xffff;
	[tilespmem:s5+$0x10F00] =	vst v11  }
0x4da: {  	v41 =	vmul.f32 v21, v18;
	v42 =	vld.idx.msk [tilespmem:v35+s22+$0x0], $0xffff  }
0x4db: {  	v1 =	vadd.f32 v1, v8;
	v43 =	vmul.f32 v13, v6;
	v44 =	vld.idx.msk [tilespmem:v37+s22+$0x0], $0xffff  }
0x4dc: {  	v46 =	vmul.f32 v7, v0;
	v7 =	vmul.f32 v7, v21;
	v45 =	vadd.f32 v41, v5;
	v47 =	vld.idx.msk [tilespmem:v39+s22+$0x0], $0xffff  }
0x4dd: {  	v48 =	vadd.f32 v43, v4;
	v49 =	vmul.f32 v14, v9;
	v50 =	vmul.f32 v14, v13  }
0x4de: {  	v0 =	vadd.f32 v46, v45;
	v51 =	vmul.f32 v7, v2;
	v52 =	vmul.f32 v40, v20  }
0x4df: {  	v4 =	vadd.f32 v49, v48;
	v53 =	vmul.f32 v50, v3;
	v54 =	vmul.f32 v42, v31  }
0x4e0: {  	v55 =	vmul.f32 v44, v15;
	v8 =	vmul.f32 v44, v40;
	v5 =	vadd.f32 v52, v16  }
0x4e1: {  	v56 =	vmul.f32 v47, v30;
	v11 =	vmul.f32 v47, v42;
	v6 =	vadd.f32 v54, v29  }
0x4e2: {  	v0 =	vadd.f32 v51, v0;
	v58 =	vmul.f32 v8, v10;
	v57 =	vadd.f32 v55, v5  }
0x4e3: {  	[tilespmem:s1+$0x10F80] =	vst v1;
	v59 =	vadd.f32 v53, v4;
	v61 =	vmul.f32 v11, v28;
	v60 =	vadd.f32 v56, v6  }
0x4e4: {  	[tilespmem:s2+$0x10F80] =	vst v0;
	v62 =	vadd.f32 v58, v57  }
0x4e5: {  	[tilespmem:s3+$0x10F80] =	vst v59;
	v63 =	vadd.f32 v61, v60  }
0x4e6: {  	[tilespmem:s4+$0x10F80] =	vst v62  }
0x4e7: {  	[tilespmem:s5+$0x10F80] =	vst v63  }
0x4e8: {  	s2 =	rddreg [dreg:$0x10]  }
0x4e9: {  	s2 =	sadd.s32 $0x1, s2  }
0x4ea: {  	p0 =	sne.s32 s2, $0x8  }
.Ltmp8:
0x4eb: {  	_ = 	snop;
	(pc) =	sbr.rel @p0 .LBB2_2-.Ltmp8, $4  }
0x4ec: {  	_ = 	snop  }
0x4ed: {  	s1 =	rddreg [dreg:$0xc]  }
0x4ee: {  	s31 =	simm.s32 $0x14C00;
	s5 =	simm.s32 $0x0;
	s0 =	sadd.s32 s0, s1  }
0x4ef: {  	[hbm4b:s0+s5] =	stream.linear.scatter [tilespmem:s31], [sflag:$0x4], $0x4000, $0x38;
	[tilespmem:$0x18C00] =	vst v63  }
0x4f0: {  	s0 =	simm.s32 $0x3  }
0x4f1: {  	_ =	swait.ge [sflag:s0], $0x4000  }
0x4f2: {  	[sflag:s0] =	ssyncset.done $0x0  }
0x4f3: {  	s1 =	simm.s32 $0x4;
	[sflag:s0] =	ssyncadd.s32 $0xFFFFC000  }
0x4f4: {  	_ =	swait.ge [sflag:s1], $0x4000  }
0x4f5: {  	s2 =	rddreg [dreg:$0xf]  }
0x4f6: {  	s31 =	rddreg [dreg:$0xe];
	s2 =	sadd.s32 $0x1, s2  }
0x4f7: {  	p0 =	sne.s32 s2, s31  }
.Ltmp9:
0x4f8: {  	_ = 	snop;
	(pc) =	sbr.rel @p0 .LBB2_1-.Ltmp9, $3  }
0x4f9: {  	_ =	sdelay $0x1  }
0x4fa: {  	[sflag:s1] =	ssyncset.done $0x0  }
0x4fb: {  	[sflag:s1] =	ssyncadd.s32 $0xFFFFC000  }
0x4fc: {  	_ =	sfence.sel $0x180000  }
0x4fd: {  	[bflag:$0x0] =	sbarrier.arrive $0xFFFF  }
0x4fe: {  	_ =	strace $0x90000047  }
0x4ff: {  	s0 =	stileid.u32;
	[bflag:$0x2] =	sbarrier.arrive $0xFFFF  }
0x500: {  	p0 =	sne.s32 s0, $0x0;
	s0 =	rddreg [dreg:$0x5]  }
0x501: {  	s0 =	sadd.s32 @!p0 $0x100000, s0  }
0x502: {  	[sflag:s0] =	ssyncadd.tile.s32 @!p0 $0x1;
	_ =	shalt  }
.Lfunc_end2:
_tile_overlayer_lowered:
.L_overlay_start_2:
0x503: {  	(tag) =	ssettag $0x2  }
0x504: {  	s0 =	rddreg [dreg:$0x0];
	s2 =	stileid.u32  }
0x505: {  	s1 =	rddreg [dreg:$0x1];
	p0 =	sne.s32 s2, $0x0  }
0x506: {  	s3 =	rddreg [dreg:$0x2];
	[bflag:$0x3] =	sbarrier.arrive $0xFFFF;
	s2 =	simm.s32 @!p0 $0x1C05  }
0x507: {  	[timem:s3], [sflag:s2] =	dma.local @!p0 [hbm:s0], s1  }
0x508: {  	s0 =	simm.s32 @!p0 $0x5  }
0x509: {  	_ =	swait.ge @!p0 [sflag:s0], s1  }
0x50a: {  	s1 =	ssub.s32 @!p0 $0x0, s1;
	[sflag:s0] =	ssyncset.done @!p0 $0x0  }
0x50b: {  	[sflag:s0] =	ssyncadd.s32 @!p0 s1  }
0x50c: {  	[bflag:$0x3] =	sbarrier.arrive $0xFFFF  }
0x50d: {  	_ =	shalt  }

</sc_bundles>
